<compile_context>
chip_gen: v7x
topology: tpu7x:2x2x1
jax: 0.10.2.dev20260603
libtpu: 0.0.44.dev20260713+nightly
codegen_flags: <defaults>
</compile_context>

<pallas_src>
import functools

import jax
import jax.numpy as jnp
from jax import lax
from jax.experimental import pallas as pl
from jax.experimental.pallas import tpu as pltpu
from jax.experimental.pallas import tpu_sc as plsc

N = 10000
E = 320000
D = 128
HD = D // 2

NC = 2
NS = 16
NW = NC * NS
CHW = 80

EPW = E // NW
CH1 = EPW // CHW

TRASH = N
ACC_ROWS = N + 8
RPT = 632
RPT_LAST = N - RPT * (NS - 1)

DEG_RPT = 640
DEG_N = NS * DEG_RPT

_mesh = plsc.VectorSubcoreMesh(core_axis_name="c", subcore_axis_name="s")



@functools.partial(
    pl.kernel,
    out_type=jax.ShapeDtypeStruct((NC * DEG_N,), jnp.float32),
    mesh=_mesh,
    scratch_types=[
        pltpu.VMEM((CH1, CHW), jnp.int32),
        pltpu.VMEM((CHW,), jnp.float32),
        pltpu.VMEM((DEG_RPT,), jnp.float32),
        pltpu.VMEM_SHARED((DEG_N,), jnp.float32),
    ],
)
def _deg_kernel(col_hbm, deg_out, col_v, ones_v, zero_v, deg_acc):
    c = lax.axis_index("c")
    s = lax.axis_index("s")
    w = s * NC + c

    pltpu.sync_copy(col_hbm.at[w], col_v)
    for i in range(CHW // 16):
        ones_v[pl.ds(i * 16, 16)] = jnp.ones((16,), jnp.float32)
    for i in range(DEG_RPT // 16):
        zero_v[pl.ds(i * 16, 16)] = jnp.zeros((16,), jnp.float32)
    pltpu.sync_copy(zero_v, deg_acc.at[pl.ds(s * DEG_RPT, DEG_RPT)])
    plsc.subcore_barrier()

    def body(j, _):
        pltpu.sync_copy(ones_v, deg_acc.at[col_v.at[j]], add=True)
        return 0

    lax.fori_loop(0, CH1, body, 0)
    plsc.subcore_barrier()
    pltpu.sync_copy(deg_acc.at[pl.ds(s * DEG_RPT, DEG_RPT)],
                    deg_out.at[pl.ds(c * DEG_N + s * DEG_RPT, DEG_RPT)])



CHS = 128
NCH = 160
NST = 4
NCH2 = NCH // NST
EPTP = NCH * CHS


@functools.partial(
    pl.kernel,
    out_type=jax.ShapeDtypeStruct((NC, N, HD), jnp.float32),
    mesh=_mesh,
    compiler_params=pltpu.CompilerParams(needs_layout_passes=False,
                                         use_tc_tiling_on_sc=False),
    scratch_types=[
        pltpu.VMEM((NCH2, CHS), jnp.int32),
        pltpu.VMEM((NCH2, CHS), jnp.int32),
        pltpu.VMEM((CHS, HD), jnp.float32),
        pltpu.VMEM((CHS, HD), jnp.float32),
        pltpu.VMEM((CHS, HD), jnp.float32),
        pltpu.VMEM((CHS, HD), jnp.float32),
        pltpu.VMEM_SHARED((N, HD), jnp.float32),
        pltpu.VMEM_SHARED((ACC_ROWS, HD), jnp.float32),
        pltpu.SemaphoreType.DMA,
        pltpu.SemaphoreType.DMA,
        pltpu.SemaphoreType.DMA,
        pltpu.SemaphoreType.DMA,
        pltpu.SemaphoreType.DMA,
        pltpu.SemaphoreType.DMA,
        pltpu.SemaphoreType.DMA,
        pltpu.SemaphoreType.DMA,
    ],
)
def _prop_kernel(row_hbm, col_hbm, yh_hbm, acc_out,
                 row_v, col_v, buf0, buf1, buf2, buf3, ysp, acc,
                 gs0, gs1, gs2, gs3, ss0, ss1, ss2, ss3):
    c = lax.axis_index("c")
    s = lax.axis_index("s")
    base = s * RPT

    @pl.when(s < NS - 1)
    def _():
        pltpu.sync_copy(yh_hbm.at[c].at[pl.ds(base, RPT)],
                        ysp.at[pl.ds(base, RPT)])
        pltpu.sync_copy(yh_hbm.at[c].at[pl.ds(base, RPT)],
                        acc.at[pl.ds(base, RPT)])

    @pl.when(s == NS - 1)
    def _():
        pltpu.sync_copy(yh_hbm.at[c].at[pl.ds(base, RPT_LAST)],
                        ysp.at[pl.ds(base, RPT_LAST)])
        pltpu.sync_copy(yh_hbm.at[c].at[pl.ds(base, RPT_LAST)],
                        acc.at[pl.ds(base, RPT_LAST)])

    plsc.subcore_barrier()

    bufs = [buf0, buf1, buf2, buf3]
    gsem = [gs0, gs1, gs2, gs3]
    ssem = [ss0, ss1, ss2, ss3]

    def gather(j, p):
        return pltpu.make_async_copy(ysp.at[row_v.at[j]], bufs[p], gsem[p])

    def scatter(j, p):
        return pltpu.make_async_copy(bufs[p], acc.at[col_v.at[j]], ssem[p])

    def step(j, p, wait_scatter):
        gather(j, p).wait()
        if wait_scatter:
            scatter(j - 2, (p + 2) % 4).wait()
        gather(j + 2, (p + 2) % 4).start()
        pltpu.async_copy(bufs[p], acc.at[col_v.at[j]], ssem[p], add=True)

    for h in range(NST):
        pltpu.sync_copy(row_hbm.at[s].at[pl.ds(h * NCH2, NCH2)], row_v)
        pltpu.sync_copy(col_hbm.at[s].at[pl.ds(h * NCH2, NCH2)], col_v)

        gather(0, 0).start()
        gather(1, 1).start()
        step(0, 0, False)
        step(1, 1, False)
        step(2, 2, True)
        step(3, 3, True)

        def body(i, _):
            j = 4 * i
            for p in range(4):
                step(j + p, p, True)
            return 0

        lax.fori_loop(1, NCH2 // 4 - 1, body, 0)
        jl = NCH2 - 4
        step(jl, 0, True)
        step(jl + 1, 1, True)
        gather(jl + 2, 2).wait()
        scatter(jl, 0).wait()
        pltpu.async_copy(bufs[2], acc.at[col_v.at[jl + 2]], ssem[2], add=True)
        gather(jl + 3, 3).wait()
        scatter(jl + 1, 1).wait()
        pltpu.async_copy(bufs[3], acc.at[col_v.at[jl + 3]], ssem[3], add=True)
        scatter(jl + 2, 2).wait()
        scatter(jl + 3, 3).wait()

    plsc.subcore_barrier()

    @pl.when(s < NS - 1)
    def _():
        pltpu.sync_copy(acc.at[pl.ds(base, RPT)],
                        acc_out.at[c].at[pl.ds(base, RPT)])

    @pl.when(s == NS - 1)
    def _():
        pltpu.sync_copy(acc.at[pl.ds(base, RPT_LAST)],
                        acc_out.at[c].at[pl.ds(base, RPT_LAST)])



def _gru_body(x0_ref, wih_ref, whh_ref, bih_ref, bhh_ref, w_ref):
    x0 = x0_ref[...]
    dn = (((1,), (1,)), ((), ()))
    gi = lax.dot_general(x0, wih_ref[...], dn,
                         preferred_element_type=jnp.float32) + bih_ref[...]
    gh = lax.dot_general(x0, whh_ref[...], dn,
                         preferred_element_type=jnp.float32) + bhh_ref[...]
    r = jax.nn.sigmoid(gi[:, 0:D] + gh[:, 0:D])
    z = jax.nn.sigmoid(gi[:, D:2 * D] + gh[:, D:2 * D])
    n = jnp.tanh(gi[:, 2 * D:3 * D] + r * gh[:, 2 * D:3 * D])
    w_ref[...] = (1.0 - z) * n + z * x0


_gru = pl.pallas_call(
    _gru_body,
    out_shape=jax.ShapeDtypeStruct((D, D), jnp.float32),
)



_YBLK = 1000


def _y_body(x_ref, w_ref, degt_ref, yh_ref):
    dn = (((1,), (0,)), ((), ()))
    xw = lax.dot_general(x_ref[...], w_ref[...], dn,
                         preferred_element_type=jnp.float32)
    dp = degt_ref[...]
    dinv = lax.rsqrt(dp[:, 0:1] + dp[:, 1:2] + 1.0)
    y = dinv * xw
    yh_ref[0] = y[:, 0:HD]
    yh_ref[1] = y[:, HD:D]


_y_call = pl.pallas_call(
    _y_body,
    grid=(N // _YBLK,),
    in_specs=[
        pl.BlockSpec((_YBLK, D), lambda i: (i, 0)),
        pl.BlockSpec((D, D), lambda i: (0, 0)),
        pl.BlockSpec((_YBLK, 2), lambda i: (i, 0)),
    ],
    out_specs=pl.BlockSpec((2, _YBLK, HD), lambda i: (0, i, 0)),
    out_shape=jax.ShapeDtypeStruct((NC, N, HD), jnp.float32),
)



_CBLK = 1000


def _comb_body(acc_ref, degt_ref, out_ref):
    dp = degt_ref[...]
    dinv = lax.rsqrt(dp[:, 0:1] + dp[:, 1:2] + 1.0)
    out_ref[...] = dinv * jnp.concatenate([acc_ref[0], acc_ref[1]], axis=1)


_comb_call = pl.pallas_call(
    _comb_body,
    grid=(N // _CBLK,),
    in_specs=[
        pl.BlockSpec((2, _CBLK, HD), lambda i: (0, i, 0)),
        pl.BlockSpec((_CBLK, 2), lambda i: (i, 0)),
    ],
    out_specs=pl.BlockSpec((_CBLK, D), lambda i: (i, 0)),
    out_shape=jax.ShapeDtypeStruct((N, D), jnp.float32),
)



def kernel(edge_index, X, initial_weight, W_ih, W_hh, b_ih, b_hh):
    row32 = edge_index[0].astype(jnp.int32)
    col32 = edge_index[1].astype(jnp.int32)
    row_w = row32.reshape(NW, CH1, CHW)
    col_w = col32.reshape(NW, CH1, CHW)
    pad = EPTP - E // NS
    row_t = jnp.concatenate(
        [row32.reshape(NS, E // NS),
         jnp.zeros((NS, pad), jnp.int32)], axis=1).reshape(NS, NCH, CHS)
    col_t = jnp.concatenate(
        [col32.reshape(NS, E // NS),
         jnp.full((NS, pad), TRASH, jnp.int32)], axis=1).reshape(
             NS, NCH, CHS)

    W = _gru(initial_weight[0], W_ih, W_hh,
             b_ih.reshape(1, 3 * D), b_hh.reshape(1, 3 * D))

    deg_parts = _deg_kernel(col_w)
    degt = deg_parts.reshape(NC, DEG_N)[:, :N].T

    yh = _y_call(X, W, degt)
    acc = _prop_kernel(row_t, col_t, yh)
    out = _comb_call(acc, degt)
    return out

# --- scband reference (transcript-rebuilt; emitter-appended) ---
"""Pipeline reference for scband-evolve-gcno-47459388620812 (READ-ONLY COPY).

The authoritative reference and input builder live on the scoring server;
editing this copy changes nothing except your own understanding.
"""

import jax, jax.numpy as jnp
import numpy as np

N_NODES = 10000
N_EDGES = 320000
D = 128


def setup_inputs(seed: int = 0) -> dict:
    key = jax.random.key(seed)
    ks = jax.random.split(key, 8)
    X = jax.random.normal(ks[0], (N_NODES, D), dtype=jnp.float32)
    edge_index = jax.random.randint(ks[1], (2, N_EDGES), 0, N_NODES, dtype=jnp.int64)
    # learned params
    glorot = (6.0 / (D + D)) ** 0.5
    initial_weight = jax.random.uniform(ks[2], (1, D, D), dtype=jnp.float32, minval=-glorot, maxval=glorot)
    s = 1.0 / (D ** 0.5)
    W_ih = jax.random.uniform(ks[3], (3 * D, D), dtype=jnp.float32, minval=-s, maxval=s)
    W_hh = jax.random.uniform(ks[4], (3 * D, D), dtype=jnp.float32, minval=-s, maxval=s)
    b_ih = jax.random.uniform(ks[5], (3 * D,), dtype=jnp.float32, minval=-s, maxval=s)
    b_hh = jax.random.uniform(ks[6], (3 * D,), dtype=jnp.float32, minval=-s, maxval=s)
    return {"edge_index": edge_index, "X": X, "initial_weight": initial_weight,
            "W_ih": W_ih, "W_hh": W_hh, "b_ih": b_ih, "b_hh": b_hh}


def _gru_step(x, h, W_ih, W_hh, b_ih, b_hh):
    gi = x @ W_ih.T + b_ih
    gh = h @ W_hh.T + b_hh
    i_r, i_z, i_n = jnp.split(gi, 3, axis=1)
    h_r, h_z, h_n = jnp.split(gh, 3, axis=1)
    r = jax.nn.sigmoid(i_r + h_r)
    z = jax.nn.sigmoid(i_z + h_z)
    n = jnp.tanh(i_n + r * (h_n))
    return (1.0 - z) * n + z * h


def reference(edge_index, X, initial_weight, W_ih, W_hh, b_ih, b_hh):
    # GRU evolves the GCN weight matrix: input = hidden = initial_weight
    x0 = initial_weight[0]  # [D, D] (batch=D, features=D)
    W = _gru_step(x0, x0, W_ih, W_hh, b_ih, b_hh)  # [D, D]

    # GCNConv with fixed weight W
    N = X.shape[0]
    row = jnp.concatenate([edge_index[0], jnp.arange(N, dtype=edge_index.dtype)])
    col = jnp.concatenate([edge_index[1], jnp.arange(N, dtype=edge_index.dtype)])
    ew = jnp.ones(row.shape[0], dtype=X.dtype)
    deg = jax.ops.segment_sum(ew, col, num_segments=N)
    dinv = jnp.where(deg > 0, deg ** -0.5, 0.0)
    norm = dinv[row] * ew * dinv[col]
    xw = X @ W
    msg = norm[:, None] * jnp.take(xw, row, axis=0)
    out = jax.ops.segment_sum(msg, col, num_segments=N)
    return out

if __name__ == "__main__":
    import jax
    _d = setup_inputs()
    print(jax.jit(kernel)(*tuple(_d.values())))

</pallas_src>

<mosaic_0001>
#map = affine_map<(d0, d1) -> (0, 0, 0)>
#map1 = affine_map<(d0, d1) -> (0)>
module attributes {stable_mosaic.version = 14 : i64} {
  func.func @_deg_kernel(%arg0: i32, %arg1: i32, %arg2: memref<32x125x80xi32, #tpu.memory_space<hbm>>, %arg3: memref<20480xf32, #tpu.memory_space<hbm>>, %arg4: memref<125x80xi32, #tpu.memory_space<vmem>>, %arg5: memref<80xf32, #tpu.memory_space<vmem>>, %arg6: memref<640xf32, #tpu.memory_space<vmem>>, %arg7: memref<10240xf32, #tpu.memory_space<vmem_shared>>) attributes {dimension_semantics = [#tpu.dimension_semantics<core_parallel>, #tpu.dimension_semantics<subcore_parallel>], iteration_bounds = array<i64: 2, 16>, scalar_prefetch = 0 : i64, scratch_operands = 4 : i64, tpu.core_type = #tpu.core_type<sc_vector_subcore>, window_params = [{transform_indices = #map}, {transform_indices = #map1}]} {
    %mul3A = arith.constant 2 : i32
    %mul3A_0 = arith.muli %arg1, %mul3A : i32
    %add3A = arith.addi %mul3A_0, %arg0 : i32
    "tpu.region"() ({
      %run_scoped3A = tpu.sem_alloc : memref<!tpu.dma_semaphore, #tpu.memory_space<semaphore_mem>>
      %dma_start3A = arith.constant 0 : i32
      %dma_start3A_285 = arith.constant 0 : i32
      %dma_start3A_286 = tpu.memref_slice %arg2[%add3A, %dma_start3A, %dma_start3A_285] : memref<32x125x80xi32, #tpu.memory_space<hbm>> -> memref<1x125x80xi32, #tpu.memory_space<hbm>>
      %dma_start3A_287 = tpu.memref_squeeze %dma_start3A_286 : memref<1x125x80xi32, #tpu.memory_space<hbm>> -> memref<125x80xi32, #tpu.memory_space<hbm>>
      %dma_start3A_288 = arith.constant 0 : i32
      %dma_start3A_289 = arith.constant 0 : i32
      %dma_start3A_290 = tpu.memref_slice %arg2[%add3A, %dma_start3A_288, %dma_start3A_289] : memref<32x125x80xi32, #tpu.memory_space<hbm>> -> memref<1x125x80xi32, #tpu.memory_space<hbm>>
      %dma_start3A_291 = tpu.memref_squeeze %dma_start3A_290 : memref<1x125x80xi32, #tpu.memory_space<hbm>> -> memref<125x80xi32, #tpu.memory_space<hbm>>
      tpu.enqueue_dma source(%dma_start3A_291 : memref<125x80xi32, #tpu.memory_space<hbm>>) target(%arg4 : memref<125x80xi32, #tpu.memory_space<vmem>>) target_semaphore(%run_scoped3A : memref<!tpu.dma_semaphore, #tpu.memory_space<semaphore_mem>>)
      %dma_wait3A = arith.constant 0 : i32
      %dma_wait3A_292 = arith.constant 0 : i32
      %dma_wait3A_293 = tpu.memref_slice %arg2[%add3A, %dma_wait3A, %dma_wait3A_292] : memref<32x125x80xi32, #tpu.memory_space<hbm>> -> memref<1x125x80xi32, #tpu.memory_space<hbm>>
      %dma_wait3A_294 = tpu.memref_squeeze %dma_wait3A_293 : memref<1x125x80xi32, #tpu.memory_space<hbm>> -> memref<125x80xi32, #tpu.memory_space<hbm>>
      %dma_wait3A_295 = arith.constant 0 : i32
      %dma_wait3A_296 = arith.constant 0 : i32
      %dma_wait3A_297 = tpu.memref_slice %arg2[%add3A, %dma_wait3A_295, %dma_wait3A_296] : memref<32x125x80xi32, #tpu.memory_space<hbm>> -> memref<1x125x80xi32, #tpu.memory_space<hbm>>
      %dma_wait3A_298 = tpu.memref_squeeze %dma_wait3A_297 : memref<1x125x80xi32, #tpu.memory_space<hbm>> -> memref<125x80xi32, #tpu.memory_space<hbm>>
      tpu.wait_dma2 semaphore(%run_scoped3A : memref<!tpu.dma_semaphore, #tpu.memory_space<semaphore_mem>>) src(%dma_wait3A_298 : memref<125x80xi32, #tpu.memory_space<hbm>>) dst(%arg4 : memref<125x80xi32, #tpu.memory_space<vmem>>)
      tpu.yield
    }) : () -> ()
    %broadcast_in_dim3A = arith.constant 1.000000e+00 : f32
    %broadcast_in_dim3A_1 = vector.broadcast %broadcast_in_dim3A : f32 to vector<16xf32>
    %swap3A = arith.constant 0 : index
    %swap3A_2 = tpu.vector_load %arg5[%swap3A] {strides = array<i32>} : memref<80xf32, #tpu.memory_space<vmem>>, vector<16xf32>,
    %swap3A_3 = vector.shape_cast %swap3A_2 : vector<16xf32> to vector<16xf32>
    %swap3A_4 = vector.shape_cast %broadcast_in_dim3A_1 : vector<16xf32> to vector<16xf32>
    tpu.vector_store %arg5[%swap3A], %swap3A_4 {strides = array<i32>} : memref<80xf32, #tpu.memory_space<vmem>>, vector<16xf32>,
    %broadcast_in_dim3A_5 = arith.constant 1.000000e+00 : f32
    %broadcast_in_dim3A_6 = vector.broadcast %broadcast_in_dim3A_5 : f32 to vector<16xf32>
    %swap3A_7 = arith.constant 16 : index
    %swap3A_8 = tpu.vector_load %arg5[%swap3A_7] {strides = array<i32>} : memref<80xf32, #tpu.memory_space<vmem>>, vector<16xf32>,
    %swap3A_9 = vector.shape_cast %swap3A_8 : vector<16xf32> to vector<16xf32>
    %swap3A_10 = vector.shape_cast %broadcast_in_dim3A_6 : vector<16xf32> to vector<16xf32>
    tpu.vector_store %arg5[%swap3A_7], %swap3A_10 {strides = array<i32>} : memref<80xf32, #tpu.memory_space<vmem>>, vector<16xf32>,
    %broadcast_in_dim3A_11 = arith.constant 1.000000e+00 : f32
    %broadcast_in_dim3A_12 = vector.broadcast %broadcast_in_dim3A_11 : f32 to vector<16xf32>
    %swap3A_13 = arith.constant 32 : index
    %swap3A_14 = tpu.vector_load %arg5[%swap3A_13] {strides = array<i32>} : memref<80xf32, #tpu.memory_space<vmem>>, vector<16xf32>,
    %swap3A_15 = vector.shape_cast %swap3A_14 : vector<16xf32> to vector<16xf32>
    %swap3A_16 = vector.shape_cast %broadcast_in_dim3A_12 : vector<16xf32> to vector<16xf32>
    tpu.vector_store %arg5[%swap3A_13], %swap3A_16 {strides = array<i32>} : memref<80xf32, #tpu.memory_space<vmem>>, vector<16xf32>,
    %broadcast_in_dim3A_17 = arith.constant 1.000000e+00 : f32
    %broadcast_in_dim3A_18 = vector.broadcast %broadcast_in_dim3A_17 : f32 to vector<16xf32>
    %swap3A_19 = arith.constant 48 : index
    %swap3A_20 = tpu.vector_load %arg5[%swap3A_19] {strides = array<i32>} : memref<80xf32, #tpu.memory_space<vmem>>, vector<16xf32>,
    %swap3A_21 = vector.shape_cast %swap3A_20 : vector<16xf32> to vector<16xf32>
    %swap3A_22 = vector.shape_cast %broadcast_in_dim3A_18 : vector<16xf32> to vector<16xf32>
    tpu.vector_store %arg5[%swap3A_19], %swap3A_22 {strides = array<i32>} : memref<80xf32, #tpu.memory_space<vmem>>, vector<16xf32>,
    %broadcast_in_dim3A_23 = arith.constant 1.000000e+00 : f32
    %broadcast_in_dim3A_24 = vector.broadcast %broadcast_in_dim3A_23 : f32 to vector<16xf32>
    %swap3A_25 = arith.constant 64 : index
    %swap3A_26 = tpu.vector_load %arg5[%swap3A_25] {strides = array<i32>} : memref<80xf32, #tpu.memory_space<vmem>>, vector<16xf32>,
    %swap3A_27 = vector.shape_cast %swap3A_26 : vector<16xf32> to vector<16xf32>
    %swap3A_28 = vector.shape_cast %broadcast_in_dim3A_24 : vector<16xf32> to vector<16xf32>
    tpu.vector_store %arg5[%swap3A_25], %swap3A_28 {strides = array<i32>} : memref<80xf32, #tpu.memory_space<vmem>>, vector<16xf32>,
    %broadcast_in_dim3A_29 = arith.constant 0.000000e+00 : f32
    %broadcast_in_dim3A_30 = vector.broadcast %broadcast_in_dim3A_29 : f32 to vector<16xf32>
    %swap3A_31 = arith.constant 0 : index
    %swap3A_32 = tpu.vector_load %arg6[%swap3A_31] {strides = array<i32>} : memref<640xf32, #tpu.memory_space<vmem>>, vector<16xf32>,
    %swap3A_33 = vector.shape_cast %swap3A_32 : vector<16xf32> to vector<16xf32>
    %swap3A_34 = vector.shape_cast %broadcast_in_dim3A_30 : vector<16xf32> to vector<16xf32>
    tpu.vector_store %arg6[%swap3A_31], %swap3A_34 {strides = array<i32>} : memref<640xf32, #tpu.memory_space<vmem>>, vector<16xf32>,
    %broadcast_in_dim3A_35 = arith.constant 0.000000e+00 : f32
    %broadcast_in_dim3A_36 = vector.broadcast %broadcast_in_dim3A_35 : f32 to vector<16xf32>
    %swap3A_37 = arith.constant 16 : index
    %swap3A_38 = tpu.vector_load %arg6[%swap3A_37] {strides = array<i32>} : memref<640xf32, #tpu.memory_space<vmem>>, vector<16xf32>,
    %swap3A_39 = vector.shape_cast %swap3A_38 : vector<16xf32> to vector<16xf32>
    %swap3A_40 = vector.shape_cast %broadcast_in_dim3A_36 : vector<16xf32> to vector<16xf32>
    tpu.vector_store %arg6[%swap3A_37], %swap3A_40 {strides = array<i32>} : memref<640xf32, #tpu.memory_space<vmem>>, vector<16xf32>,
    %broadcast_in_dim3A_41 = arith.constant 0.000000e+00 : f32
    %broadcast_in_dim3A_42 = vector.broadcast %broadcast_in_dim3A_41 : f32 to vector<16xf32>
    %swap3A_43 = arith.constant 32 : index
    %swap3A_44 = tpu.vector_load %arg6[%swap3A_43] {strides = array<i32>} : memref<640xf32, #tpu.memory_space<vmem>>, vector<16xf32>,
    %swap3A_45 = vector.shape_cast %swap3A_44 : vector<16xf32> to vector<16xf32>
    %swap3A_46 = vector.shape_cast %broadcast_in_dim3A_42 : vector<16xf32> to vector<16xf32>
    tpu.vector_store %arg6[%swap3A_43], %swap3A_46 {strides = array<i32>} : memref<640xf32, #tpu.memory_space<vmem>>, vector<16xf32>,
    %broadcast_in_dim3A_47 = arith.constant 0.000000e+00 : f32
    %broadcast_in_dim3A_48 = vector.broadcast %broadcast_in_dim3A_47 : f32 to vector<16xf32>
    %swap3A_49 = arith.constant 48 : index
    %swap3A_50 = tpu.vector_load %arg6[%swap3A_49] {strides = array<i32>} : memref<640xf32, #tpu.memory_space<vmem>>, vector<16xf32>,
    %swap3A_51 = vector.shape_cast %swap3A_50 : vector<16xf32> to vector<16xf32>
    %swap3A_52 = vector.shape_cast %broadcast_in_dim3A_48 : vector<16xf32> to vector<16xf32>
    tpu.vector_store %arg6[%swap3A_49], %swap3A_52 {strides = array<i32>} : memref<640xf32, #tpu.memory_space<vmem>>, vector<16xf32>,
    %broadcast_in_dim3A_53 = arith.constant 0.000000e+00 : f32
    %broadcast_in_dim3A_54 = vector.broadcast %broadcast_in_dim3A_53 : f32 to vector<16xf32>
    %swap3A_55 = arith.constant 64 : index
    %swap3A_56 = tpu.vector_load %arg6[%swap3A_55] {strides = array<i32>} : memref<640xf32, #tpu.memory_space<vmem>>, vector<16xf32>,
    %swap3A_57 = vector.shape_cast %swap3A_56 : vector<16xf32> to vector<16xf32>
    %swap3A_58 = vector.shape_cast %broadcast_in_dim3A_54 : vector<16xf32> to vector<16xf32>
    tpu.vector_store %arg6[%swap3A_55], %swap3A_58 {strides = array<i32>} : memref<640xf32, #tpu.memory_space<vmem>>, vector<16xf32>,
    %broadcast_in_dim3A_59 = arith.constant 0.000000e+00 : f32
    %broadcast_in_dim3A_60 = vector.broadcast %broadcast_in_dim3A_59 : f32 to vector<16xf32>
    %swap3A_61 = arith.constant 80 : index
    %swap3A_62 = tpu.vector_load %arg6[%swap3A_61] {strides = array<i32>} : memref<640xf32, #tpu.memory_space<vmem>>, vector<16xf32>,
    %swap3A_63 = vector.shape_cast %swap3A_62 : vector<16xf32> to vector<16xf32>
    %swap3A_64 = vector.shape_cast %broadcast_in_dim3A_60 : vector<16xf32> to vector<16xf32>
    tpu.vector_store %arg6[%swap3A_61], %swap3A_64 {strides = array<i32>} : memref<640xf32, #tpu.memory_space<vmem>>, vector<16xf32>,
    %broadcast_in_dim3A_65 = arith.constant 0.000000e+00 : f32
    %broadcast_in_dim3A_66 = vector.broadcast %broadcast_in_dim3A_65 : f32 to vector<16xf32>
    %swap3A_67 = arith.constant 96 : index
    %swap3A_68 = tpu.vector_load %arg6[%swap3A_67] {strides = array<i32>} : memref<640xf32, #tpu.memory_space<vmem>>, vector<16xf32>,
    %swap3A_69 = vector.shape_cast %swap3A_68 : vector<16xf32> to vector<16xf32>
    %swap3A_70 = vector.shape_cast %broadcast_in_dim3A_66 : vector<16xf32> to vector<16xf32>
    tpu.vector_store %arg6[%swap3A_67], %swap3A_70 {strides = array<i32>} : memref<640xf32, #tpu.memory_space<vmem>>, vector<16xf32>,
    %broadcast_in_dim3A_71 = arith.constant 0.000000e+00 : f32
    %broadcast_in_dim3A_72 = vector.broadcast %broadcast_in_dim3A_71 : f32 to vector<16xf32>
    %swap3A_73 = arith.constant 112 : index
    %swap3A_74 = tpu.vector_load %arg6[%swap3A_73] {strides = array<i32>} : memref<640xf32, #tpu.memory_space<vmem>>, vector<16xf32>,
    %swap3A_75 = vector.shape_cast %swap3A_74 : vector<16xf32> to vector<16xf32>
    %swap3A_76 = vector.shape_cast %broadcast_in_dim3A_72 : vector<16xf32> to vector<16xf32>
    tpu.vector_store %arg6[%swap3A_73], %swap3A_76 {strides = array<i32>} : memref<640xf32, #tpu.memory_space<vmem>>, vector<16xf32>,
    %broadcast_in_dim3A_77 = arith.constant 0.000000e+00 : f32
    %broadcast_in_dim3A_78 = vector.broadcast %broadcast_in_dim3A_77 : f32 to vector<16xf32>
    %swap3A_79 = arith.constant 128 : index
    %swap3A_80 = tpu.vector_load %arg6[%swap3A_79] {strides = array<i32>} : memref<640xf32, #tpu.memory_space<vmem>>, vector<16xf32>,
    %swap3A_81 = vector.shape_cast %swap3A_80 : vector<16xf32> to vector<16xf32>
    %swap3A_82 = vector.shape_cast %broadcast_in_dim3A_78 : vector<16xf32> to vector<16xf32>
    tpu.vector_store %arg6[%swap3A_79], %swap3A_82 {strides = array<i32>} : memref<640xf32, #tpu.memory_space<vmem>>, vector<16xf32>,
    %broadcast_in_dim3A_83 = arith.constant 0.000000e+00 : f32
    %broadcast_in_dim3A_84 = vector.broadcast %broadcast_in_dim3A_83 : f32 to vector<16xf32>
    %swap3A_85 = arith.constant 144 : index
    %swap3A_86 = tpu.vector_load %arg6[%swap3A_85] {strides = array<i32>} : memref<640xf32, #tpu.memory_space<vmem>>, vector<16xf32>,
    %swap3A_87 = vector.shape_cast %swap3A_86 : vector<16xf32> to vector<16xf32>
    %swap3A_88 = vector.shape_cast %broadcast_in_dim3A_84 : vector<16xf32> to vector<16xf32>
    tpu.vector_store %arg6[%swap3A_85], %swap3A_88 {strides = array<i32>} : memref<640xf32, #tpu.memory_space<vmem>>, vector<16xf32>,
    %broadcast_in_dim3A_89 = arith.constant 0.000000e+00 : f32
    %broadcast_in_dim3A_90 = vector.broadcast %broadcast_in_dim3A_89 : f32 to vector<16xf32>
    %swap3A_91 = arith.constant 160 : index
    %swap3A_92 = tpu.vector_load %arg6[%swap3A_91] {strides = array<i32>} : memref<640xf32, #tpu.memory_space<vmem>>, vector<16xf32>,
    %swap3A_93 = vector.shape_cast %swap3A_92 : vector<16xf32> to vector<16xf32>
    %swap3A_94 = vector.shape_cast %broadcast_in_dim3A_90 : vector<16xf32> to vector<16xf32>
    tpu.vector_store %arg6[%swap3A_91], %swap3A_94 {strides = array<i32>} : memref<640xf32, #tpu.memory_space<vmem>>, vector<16xf32>,
    %broadcast_in_dim3A_95 = arith.constant 0.000000e+00 : f32
    %broadcast_in_dim3A_96 = vector.broadcast %broadcast_in_dim3A_95 : f32 to vector<16xf32>
    %swap3A_97 = arith.constant 176 : index
    %swap3A_98 = tpu.vector_load %arg6[%swap3A_97] {strides = array<i32>} : memref<640xf32, #tpu.memory_space<vmem>>, vector<16xf32>,
    %swap3A_99 = vector.shape_cast %swap3A_98 : vector<16xf32> to vector<16xf32>
    %swap3A_100 = vector.shape_cast %broadcast_in_dim3A_96 : vector<16xf32> to vector<16xf32>
    tpu.vector_store %arg6[%swap3A_97], %swap3A_100 {strides = array<i32>} : memref<640xf32, #tpu.memory_space<vmem>>, vector<16xf32>,
    %broadcast_in_dim3A_101 = arith.constant 0.000000e+00 : f32
    %broadcast_in_dim3A_102 = vector.broadcast %broadcast_in_dim3A_101 : f32 to vector<16xf32>
    %swap3A_103 = arith.constant 192 : index
    %swap3A_104 = tpu.vector_load %arg6[%swap3A_103] {strides = array<i32>} : memref<640xf32, #tpu.memory_space<vmem>>, vector<16xf32>,
    %swap3A_105 = vector.shape_cast %swap3A_104 : vector<16xf32> to vector<16xf32>
    %swap3A_106 = vector.shape_cast %broadcast_in_dim3A_102 : vector<16xf32> to vector<16xf32>
    tpu.vector_store %arg6[%swap3A_103], %swap3A_106 {strides = array<i32>} : memref<640xf32, #tpu.memory_space<vmem>>, vector<16xf32>,
    %broadcast_in_dim3A_107 = arith.constant 0.000000e+00 : f32
    %broadcast_in_dim3A_108 = vector.broadcast %broadcast_in_dim3A_107 : f32 to vector<16xf32>
    %swap3A_109 = arith.constant 208 : index
    %swap3A_110 = tpu.vector_load %arg6[%swap3A_109] {strides = array<i32>} : memref<640xf32, #tpu.memory_space<vmem>>, vector<16xf32>,
    %swap3A_111 = vector.shape_cast %swap3A_110 : vector<16xf32> to vector<16xf32>
    %swap3A_112 = vector.shape_cast %broadcast_in_dim3A_108 : vector<16xf32> to vector<16xf32>
    tpu.vector_store %arg6[%swap3A_109], %swap3A_112 {strides = array<i32>} : memref<640xf32, #tpu.memory_space<vmem>>, vector<16xf32>,
    %broadcast_in_dim3A_113 = arith.constant 0.000000e+00 : f32
    %broadcast_in_dim3A_114 = vector.broadcast %broadcast_in_dim3A_113 : f32 to vector<16xf32>
    %swap3A_115 = arith.constant 224 : index
    %swap3A_116 = tpu.vector_load %arg6[%swap3A_115] {strides = array<i32>} : memref<640xf32, #tpu.memory_space<vmem>>, vector<16xf32>,
    %swap3A_117 = vector.shape_cast %swap3A_116 : vector<16xf32> to vector<16xf32>
    %swap3A_118 = vector.shape_cast %broadcast_in_dim3A_114 : vector<16xf32> to vector<16xf32>
    tpu.vector_store %arg6[%swap3A_115], %swap3A_118 {strides = array<i32>} : memref<640xf32, #tpu.memory_space<vmem>>, vector<16xf32>,
    %broadcast_in_dim3A_119 = arith.constant 0.000000e+00 : f32
    %broadcast_in_dim3A_120 = vector.broadcast %broadcast_in_dim3A_119 : f32 to vector<16xf32>
    %swap3A_121 = arith.constant 240 : index
    %swap3A_122 = tpu.vector_load %arg6[%swap3A_121] {strides = array<i32>} : memref<640xf32, #tpu.memory_space<vmem>>, vector<16xf32>,
    %swap3A_123 = vector.shape_cast %swap3A_122 : vector<16xf32> to vector<16xf32>
    %swap3A_124 = vector.shape_cast %broadcast_in_dim3A_120 : vector<16xf32> to vector<16xf32>
    tpu.vector_store %arg6[%swap3A_121], %swap3A_124 {strides = array<i32>} : memref<640xf32, #tpu.memory_space<vmem>>, vector<16xf32>,
    %broadcast_in_dim3A_125 = arith.constant 0.000000e+00 : f32
    %broadcast_in_dim3A_126 = vector.broadcast %broadcast_in_dim3A_125 : f32 to vector<16xf32>
    %swap3A_127 = arith.constant 256 : index
    %swap3A_128 = tpu.vector_load %arg6[%swap3A_127] {strides = array<i32>} : memref<640xf32, #tpu.memory_space<vmem>>, vector<16xf32>,
    %swap3A_129 = vector.shape_cast %swap3A_128 : vector<16xf32> to vector<16xf32>
    %swap3A_130 = vector.shape_cast %broadcast_in_dim3A_126 : vector<16xf32> to vector<16xf32>
    tpu.vector_store %arg6[%swap3A_127], %swap3A_130 {strides = array<i32>} : memref<640xf32, #tpu.memory_space<vmem>>, vector<16xf32>,
    %broadcast_in_dim3A_131 = arith.constant 0.000000e+00 : f32
    %broadcast_in_dim3A_132 = vector.broadcast %broadcast_in_dim3A_131 : f32 to vector<16xf32>
    %swap3A_133 = arith.constant 272 : index
    %swap3A_134 = tpu.vector_load %arg6[%swap3A_133] {strides = array<i32>} : memref<640xf32, #tpu.memory_space<vmem>>, vector<16xf32>,
    %swap3A_135 = vector.shape_cast %swap3A_134 : vector<16xf32> to vector<16xf32>
    %swap3A_136 = vector.shape_cast %broadcast_in_dim3A_132 : vector<16xf32> to vector<16xf32>
    tpu.vector_store %arg6[%swap3A_133], %swap3A_136 {strides = array<i32>} : memref<640xf32, #tpu.memory_space<vmem>>, vector<16xf32>,
    %broadcast_in_dim3A_137 = arith.constant 0.000000e+00 : f32
    %broadcast_in_dim3A_138 = vector.broadcast %broadcast_in_dim3A_137 : f32 to vector<16xf32>
    %swap3A_139 = arith.constant 288 : index
    %swap3A_140 = tpu.vector_load %arg6[%swap3A_139] {strides = array<i32>} : memref<640xf32, #tpu.memory_space<vmem>>, vector<16xf32>,
    %swap3A_141 = vector.shape_cast %swap3A_140 : vector<16xf32> to vector<16xf32>
    %swap3A_142 = vector.shape_cast %broadcast_in_dim3A_138 : vector<16xf32> to vector<16xf32>
    tpu.vector_store %arg6[%swap3A_139], %swap3A_142 {strides = array<i32>} : memref<640xf32, #tpu.memory_space<vmem>>, vector<16xf32>,
    %broadcast_in_dim3A_143 = arith.constant 0.000000e+00 : f32
    %broadcast_in_dim3A_144 = vector.broadcast %broadcast_in_dim3A_143 : f32 to vector<16xf32>
    %swap3A_145 = arith.constant 304 : index
    %swap3A_146 = tpu.vector_load %arg6[%swap3A_145] {strides = array<i32>} : memref<640xf32, #tpu.memory_space<vmem>>, vector<16xf32>,
    %swap3A_147 = vector.shape_cast %swap3A_146 : vector<16xf32> to vector<16xf32>
    %swap3A_148 = vector.shape_cast %broadcast_in_dim3A_144 : vector<16xf32> to vector<16xf32>
    tpu.vector_store %arg6[%swap3A_145], %swap3A_148 {strides = array<i32>} : memref<640xf32, #tpu.memory_space<vmem>>, vector<16xf32>,
    %broadcast_in_dim3A_149 = arith.constant 0.000000e+00 : f32
    %broadcast_in_dim3A_150 = vector.broadcast %broadcast_in_dim3A_149 : f32 to vector<16xf32>
    %swap3A_151 = arith.constant 320 : index
    %swap3A_152 = tpu.vector_load %arg6[%swap3A_151] {strides = array<i32>} : memref<640xf32, #tpu.memory_space<vmem>>, vector<16xf32>,
    %swap3A_153 = vector.shape_cast %swap3A_152 : vector<16xf32> to vector<16xf32>
    %swap3A_154 = vector.shape_cast %broadcast_in_dim3A_150 : vector<16xf32> to vector<16xf32>
    tpu.vector_store %arg6[%swap3A_151], %swap3A_154 {strides = array<i32>} : memref<640xf32, #tpu.memory_space<vmem>>, vector<16xf32>,
    %broadcast_in_dim3A_155 = arith.constant 0.000000e+00 : f32
    %broadcast_in_dim3A_156 = vector.broadcast %broadcast_in_dim3A_155 : f32 to vector<16xf32>
    %swap3A_157 = arith.constant 336 : index
    %swap3A_158 = tpu.vector_load %arg6[%swap3A_157] {strides = array<i32>} : memref<640xf32, #tpu.memory_space<vmem>>, vector<16xf32>,
    %swap3A_159 = vector.shape_cast %swap3A_158 : vector<16xf32> to vector<16xf32>
    %swap3A_160 = vector.shape_cast %broadcast_in_dim3A_156 : vector<16xf32> to vector<16xf32>
    tpu.vector_store %arg6[%swap3A_157], %swap3A_160 {strides = array<i32>} : memref<640xf32, #tpu.memory_space<vmem>>, vector<16xf32>,
    %broadcast_in_dim3A_161 = arith.constant 0.000000e+00 : f32
    %broadcast_in_dim3A_162 = vector.broadcast %broadcast_in_dim3A_161 : f32 to vector<16xf32>
    %swap3A_163 = arith.constant 352 : index
    %swap3A_164 = tpu.vector_load %arg6[%swap3A_163] {strides = array<i32>} : memref<640xf32, #tpu.memory_space<vmem>>, vector<16xf32>,
    %swap3A_165 = vector.shape_cast %swap3A_164 : vector<16xf32> to vector<16xf32>
    %swap3A_166 = vector.shape_cast %broadcast_in_dim3A_162 : vector<16xf32> to vector<16xf32>
    tpu.vector_store %arg6[%swap3A_163], %swap3A_166 {strides = array<i32>} : memref<640xf32, #tpu.memory_space<vmem>>, vector<16xf32>,
    %broadcast_in_dim3A_167 = arith.constant 0.000000e+00 : f32
    %broadcast_in_dim3A_168 = vector.broadcast %broadcast_in_dim3A_167 : f32 to vector<16xf32>
    %swap3A_169 = arith.constant 368 : index
    %swap3A_170 = tpu.vector_load %arg6[%swap3A_169] {strides = array<i32>} : memref<640xf32, #tpu.memory_space<vmem>>, vector<16xf32>,
    %swap3A_171 = vector.shape_cast %swap3A_170 : vector<16xf32> to vector<16xf32>
    %swap3A_172 = vector.shape_cast %broadcast_in_dim3A_168 : vector<16xf32> to vector<16xf32>
    tpu.vector_store %arg6[%swap3A_169], %swap3A_172 {strides = array<i32>} : memref<640xf32, #tpu.memory_space<vmem>>, vector<16xf32>,
    %broadcast_in_dim3A_173 = arith.constant 0.000000e+00 : f32
    %broadcast_in_dim3A_174 = vector.broadcast %broadcast_in_dim3A_173 : f32 to vector<16xf32>
    %swap3A_175 = arith.constant 384 : index
    %swap3A_176 = tpu.vector_load %arg6[%swap3A_175] {strides = array<i32>} : memref<640xf32, #tpu.memory_space<vmem>>, vector<16xf32>,
    %swap3A_177 = vector.shape_cast %swap3A_176 : vector<16xf32> to vector<16xf32>
    %swap3A_178 = vector.shape_cast %broadcast_in_dim3A_174 : vector<16xf32> to vector<16xf32>
    tpu.vector_store %arg6[%swap3A_175], %swap3A_178 {strides = array<i32>} : memref<640xf32, #tpu.memory_space<vmem>>, vector<16xf32>,
    %broadcast_in_dim3A_179 = arith.constant 0.000000e+00 : f32
    %broadcast_in_dim3A_180 = vector.broadcast %broadcast_in_dim3A_179 : f32 to vector<16xf32>
    %swap3A_181 = arith.constant 400 : index
    %swap3A_182 = tpu.vector_load %arg6[%swap3A_181] {strides = array<i32>} : memref<640xf32, #tpu.memory_space<vmem>>, vector<16xf32>,
    %swap3A_183 = vector.shape_cast %swap3A_182 : vector<16xf32> to vector<16xf32>
    %swap3A_184 = vector.shape_cast %broadcast_in_dim3A_180 : vector<16xf32> to vector<16xf32>
    tpu.vector_store %arg6[%swap3A_181], %swap3A_184 {strides = array<i32>} : memref<640xf32, #tpu.memory_space<vmem>>, vector<16xf32>,
    %broadcast_in_dim3A_185 = arith.constant 0.000000e+00 : f32
    %broadcast_in_dim3A_186 = vector.broadcast %broadcast_in_dim3A_185 : f32 to vector<16xf32>
    %swap3A_187 = arith.constant 416 : index
    %swap3A_188 = tpu.vector_load %arg6[%swap3A_187] {strides = array<i32>} : memref<640xf32, #tpu.memory_space<vmem>>, vector<16xf32>,
    %swap3A_189 = vector.shape_cast %swap3A_188 : vector<16xf32> to vector<16xf32>
    %swap3A_190 = vector.shape_cast %broadcast_in_dim3A_186 : vector<16xf32> to vector<16xf32>
    tpu.vector_store %arg6[%swap3A_187], %swap3A_190 {strides = array<i32>} : memref<640xf32, #tpu.memory_space<vmem>>, vector<16xf32>,
    %broadcast_in_dim3A_191 = arith.constant 0.000000e+00 : f32
    %broadcast_in_dim3A_192 = vector.broadcast %broadcast_in_dim3A_191 : f32 to vector<16xf32>
    %swap3A_193 = arith.constant 432 : index
    %swap3A_194 = tpu.vector_load %arg6[%swap3A_193] {strides = array<i32>} : memref<640xf32, #tpu.memory_space<vmem>>, vector<16xf32>,
    %swap3A_195 = vector.shape_cast %swap3A_194 : vector<16xf32> to vector<16xf32>
    %swap3A_196 = vector.shape_cast %broadcast_in_dim3A_192 : vector<16xf32> to vector<16xf32>
    tpu.vector_store %arg6[%swap3A_193], %swap3A_196 {strides = array<i32>} : memref<640xf32, #tpu.memory_space<vmem>>, vector<16xf32>,
    %broadcast_in_dim3A_197 = arith.constant 0.000000e+00 : f32
    %broadcast_in_dim3A_198 = vector.broadcast %broadcast_in_dim3A_197 : f32 to vector<16xf32>
    %swap3A_199 = arith.constant 448 : index
    %swap3A_200 = tpu.vector_load %arg6[%swap3A_199] {strides = array<i32>} : memref<640xf32, #tpu.memory_space<vmem>>, vector<16xf32>,
    %swap3A_201 = vector.shape_cast %swap3A_200 : vector<16xf32> to vector<16xf32>
    %swap3A_202 = vector.shape_cast %broadcast_in_dim3A_198 : vector<16xf32> to vector<16xf32>
    tpu.vector_store %arg6[%swap3A_199], %swap3A_202 {strides = array<i32>} : memref<640xf32, #tpu.memory_space<vmem>>, vector<16xf32>,
    %broadcast_in_dim3A_203 = arith.constant 0.000000e+00 : f32
    %broadcast_in_dim3A_204 = vector.broadcast %broadcast_in_dim3A_203 : f32 to vector<16xf32>
    %swap3A_205 = arith.constant 464 : index
    %swap3A_206 = tpu.vector_load %arg6[%swap3A_205] {strides = array<i32>} : memref<640xf32, #tpu.memory_space<vmem>>, vector<16xf32>,
    %swap3A_207 = vector.shape_cast %swap3A_206 : vector<16xf32> to vector<16xf32>
    %swap3A_208 = vector.shape_cast %broadcast_in_dim3A_204 : vector<16xf32> to vector<16xf32>
    tpu.vector_store %arg6[%swap3A_205], %swap3A_208 {strides = array<i32>} : memref<640xf32, #tpu.memory_space<vmem>>, vector<16xf32>,
    %broadcast_in_dim3A_209 = arith.constant 0.000000e+00 : f32
    %broadcast_in_dim3A_210 = vector.broadcast %broadcast_in_dim3A_209 : f32 to vector<16xf32>
    %swap3A_211 = arith.constant 480 : index
    %swap3A_212 = tpu.vector_load %arg6[%swap3A_211] {strides = array<i32>} : memref<640xf32, #tpu.memory_space<vmem>>, vector<16xf32>,
    %swap3A_213 = vector.shape_cast %swap3A_212 : vector<16xf32> to vector<16xf32>
    %swap3A_214 = vector.shape_cast %broadcast_in_dim3A_210 : vector<16xf32> to vector<16xf32>
    tpu.vector_store %arg6[%swap3A_211], %swap3A_214 {strides = array<i32>} : memref<640xf32, #tpu.memory_space<vmem>>, vector<16xf32>,
    %broadcast_in_dim3A_215 = arith.constant 0.000000e+00 : f32
    %broadcast_in_dim3A_216 = vector.broadcast %broadcast_in_dim3A_215 : f32 to vector<16xf32>
    %swap3A_217 = arith.constant 496 : index
    %swap3A_218 = tpu.vector_load %arg6[%swap3A_217] {strides = array<i32>} : memref<640xf32, #tpu.memory_space<vmem>>, vector<16xf32>,
    %swap3A_219 = vector.shape_cast %swap3A_218 : vector<16xf32> to vector<16xf32>
    %swap3A_220 = vector.shape_cast %broadcast_in_dim3A_216 : vector<16xf32> to vector<16xf32>
    tpu.vector_store %arg6[%swap3A_217], %swap3A_220 {strides = array<i32>} : memref<640xf32, #tpu.memory_space<vmem>>, vector<16xf32>,
    %broadcast_in_dim3A_221 = arith.constant 0.000000e+00 : f32
    %broadcast_in_dim3A_222 = vector.broadcast %broadcast_in_dim3A_221 : f32 to vector<16xf32>
    %swap3A_223 = arith.constant 512 : index
    %swap3A_224 = tpu.vector_load %arg6[%swap3A_223] {strides = array<i32>} : memref<640xf32, #tpu.memory_space<vmem>>, vector<16xf32>,
    %swap3A_225 = vector.shape_cast %swap3A_224 : vector<16xf32> to vector<16xf32>
    %swap3A_226 = vector.shape_cast %broadcast_in_dim3A_222 : vector<16xf32> to vector<16xf32>
    tpu.vector_store %arg6[%swap3A_223], %swap3A_226 {strides = array<i32>} : memref<640xf32, #tpu.memory_space<vmem>>, vector<16xf32>,
    %broadcast_in_dim3A_227 = arith.constant 0.000000e+00 : f32
    %broadcast_in_dim3A_228 = vector.broadcast %broadcast_in_dim3A_227 : f32 to vector<16xf32>
    %swap3A_229 = arith.constant 528 : index
    %swap3A_230 = tpu.vector_load %arg6[%swap3A_229] {strides = array<i32>} : memref<640xf32, #tpu.memory_space<vmem>>, vector<16xf32>,
    %swap3A_231 = vector.shape_cast %swap3A_230 : vector<16xf32> to vector<16xf32>
    %swap3A_232 = vector.shape_cast %broadcast_in_dim3A_228 : vector<16xf32> to vector<16xf32>
    tpu.vector_store %arg6[%swap3A_229], %swap3A_232 {strides = array<i32>} : memref<640xf32, #tpu.memory_space<vmem>>, vector<16xf32>,
    %broadcast_in_dim3A_233 = arith.constant 0.000000e+00 : f32
    %broadcast_in_dim3A_234 = vector.broadcast %broadcast_in_dim3A_233 : f32 to vector<16xf32>
    %swap3A_235 = arith.constant 544 : index
    %swap3A_236 = tpu.vector_load %arg6[%swap3A_235] {strides = array<i32>} : memref<640xf32, #tpu.memory_space<vmem>>, vector<16xf32>,
    %swap3A_237 = vector.shape_cast %swap3A_236 : vector<16xf32> to vector<16xf32>
    %swap3A_238 = vector.shape_cast %broadcast_in_dim3A_234 : vector<16xf32> to vector<16xf32>
    tpu.vector_store %arg6[%swap3A_235], %swap3A_238 {strides = array<i32>} : memref<640xf32, #tpu.memory_space<vmem>>, vector<16xf32>,
    %broadcast_in_dim3A_239 = arith.constant 0.000000e+00 : f32
    %broadcast_in_dim3A_240 = vector.broadcast %broadcast_in_dim3A_239 : f32 to vector<16xf32>
    %swap3A_241 = arith.constant 560 : index
    %swap3A_242 = tpu.vector_load %arg6[%swap3A_241] {strides = array<i32>} : memref<640xf32, #tpu.memory_space<vmem>>, vector<16xf32>,
    %swap3A_243 = vector.shape_cast %swap3A_242 : vector<16xf32> to vector<16xf32>
    %swap3A_244 = vector.shape_cast %broadcast_in_dim3A_240 : vector<16xf32> to vector<16xf32>
    tpu.vector_store %arg6[%swap3A_241], %swap3A_244 {strides = array<i32>} : memref<640xf32, #tpu.memory_space<vmem>>, vector<16xf32>,
    %broadcast_in_dim3A_245 = arith.constant 0.000000e+00 : f32
    %broadcast_in_dim3A_246 = vector.broadcast %broadcast_in_dim3A_245 : f32 to vector<16xf32>
    %swap3A_247 = arith.constant 576 : index
    %swap3A_248 = tpu.vector_load %arg6[%swap3A_247] {strides = array<i32>} : memref<640xf32, #tpu.memory_space<vmem>>, vector<16xf32>,
    %swap3A_249 = vector.shape_cast %swap3A_248 : vector<16xf32> to vector<16xf32>
    %swap3A_250 = vector.shape_cast %broadcast_in_dim3A_246 : vector<16xf32> to vector<16xf32>
    tpu.vector_store %arg6[%swap3A_247], %swap3A_250 {strides = array<i32>} : memref<640xf32, #tpu.memory_space<vmem>>, vector<16xf32>,
    %broadcast_in_dim3A_251 = arith.constant 0.000000e+00 : f32
    %broadcast_in_dim3A_252 = vector.broadcast %broadcast_in_dim3A_251 : f32 to vector<16xf32>
    %swap3A_253 = arith.constant 592 : index
    %swap3A_254 = tpu.vector_load %arg6[%swap3A_253] {strides = array<i32>} : memref<640xf32, #tpu.memory_space<vmem>>, vector<16xf32>,
    %swap3A_255 = vector.shape_cast %swap3A_254 : vector<16xf32> to vector<16xf32>
    %swap3A_256 = vector.shape_cast %broadcast_in_dim3A_252 : vector<16xf32> to vector<16xf32>
    tpu.vector_store %arg6[%swap3A_253], %swap3A_256 {strides = array<i32>} : memref<640xf32, #tpu.memory_space<vmem>>, vector<16xf32>,
    %broadcast_in_dim3A_257 = arith.constant 0.000000e+00 : f32
    %broadcast_in_dim3A_258 = vector.broadcast %broadcast_in_dim3A_257 : f32 to vector<16xf32>
    %swap3A_259 = arith.constant 608 : index
    %swap3A_260 = tpu.vector_load %arg6[%swap3A_259] {strides = array<i32>} : memref<640xf32, #tpu.memory_space<vmem>>, vector<16xf32>,
    %swap3A_261 = vector.shape_cast %swap3A_260 : vector<16xf32> to vector<16xf32>
    %swap3A_262 = vector.shape_cast %broadcast_in_dim3A_258 : vector<16xf32> to vector<16xf32>
    tpu.vector_store %arg6[%swap3A_259], %swap3A_262 {strides = array<i32>} : memref<640xf32, #tpu.memory_space<vmem>>, vector<16xf32>,
    %broadcast_in_dim3A_263 = arith.constant 0.000000e+00 : f32
    %broadcast_in_dim3A_264 = vector.broadcast %broadcast_in_dim3A_263 : f32 to vector<16xf32>
    %swap3A_265 = arith.constant 624 : index
    %swap3A_266 = tpu.vector_load %arg6[%swap3A_265] {strides = array<i32>} : memref<640xf32, #tpu.memory_space<vmem>>, vector<16xf32>,
    %swap3A_267 = vector.shape_cast %swap3A_266 : vector<16xf32> to vector<16xf32>
    %swap3A_268 = vector.shape_cast %broadcast_in_dim3A_264 : vector<16xf32> to vector<16xf32>
    tpu.vector_store %arg6[%swap3A_265], %swap3A_268 {strides = array<i32>} : memref<640xf32, #tpu.memory_space<vmem>>, vector<16xf32>,
    %mul3A_269 = arith.constant 640 : i32
    %mul3A_270 = arith.muli %arg1, %mul3A_269 : i32
    "tpu.region"() ({
      %run_scoped3A = tpu.sem_alloc : memref<!tpu.dma_semaphore, #tpu.memory_space<semaphore_mem>>
      %dma_start3A = tpu.memref_slice %arg7[%mul3A_270] : memref<10240xf32, #tpu.memory_space<vmem_shared>> -> memref<640xf32, #tpu.memory_space<vmem_shared>>
      %dma_start3A_285 = tpu.memref_slice %arg7[%mul3A_270] : memref<10240xf32, #tpu.memory_space<vmem_shared>> -> memref<640xf32, #tpu.memory_space<vmem_shared>>
      tpu.enqueue_dma source(%arg6 : memref<640xf32, #tpu.memory_space<vmem>>) target(%dma_start3A_285 : memref<640xf32, #tpu.memory_space<vmem_shared>>) target_semaphore(%run_scoped3A : memref<!tpu.dma_semaphore, #tpu.memory_space<semaphore_mem>>)
      %dma_wait3A = tpu.memref_slice %arg7[%mul3A_270] : memref<10240xf32, #tpu.memory_space<vmem_shared>> -> memref<640xf32, #tpu.memory_space<vmem_shared>>
      %dma_wait3A_286 = tpu.memref_slice %arg7[%mul3A_270] : memref<10240xf32, #tpu.memory_space<vmem_shared>> -> memref<640xf32, #tpu.memory_space<vmem_shared>>
      tpu.wait_dma2 semaphore(%run_scoped3A : memref<!tpu.dma_semaphore, #tpu.memory_space<semaphore_mem>>) src(%arg6 : memref<640xf32, #tpu.memory_space<vmem>>) dst(%dma_wait3A_286 : memref<640xf32, #tpu.memory_space<vmem_shared>>)
      tpu.yield
    }) : () -> ()
    %barrier3A = arith.constant 0 : index
    tpu.barrier barrier_id(%barrier3A)
    %scan3A = arith.constant 0 : i32
    %scan3A_271 = arith.constant 0 : i32
    %scan3A_272 = arith.constant 125 : i32
    %scan3A_273 = arith.addi %scan3A_271, %scan3A_272 : i32
    %scan3A_274 = arith.constant 1 : i32
    %scan3A_275 = scf.for %scan3A_285 = %scan3A_271 to %scan3A_273 step %scan3A_274 iter_args(%scan3A_286 = %scan3A) -> (i32)  : i32 {
      "tpu.region"() ({
        %run_scoped3A = tpu.sem_alloc : memref<!tpu.dma_semaphore, #tpu.memory_space<semaphore_mem>>
        %dma_start3A = arith.constant 0 : i32
        %dma_start3A_288 = tpu.memref_slice %arg4[%scan3A_285, %dma_start3A] : memref<125x80xi32, #tpu.memory_space<vmem>> -> memref<1x80xi32, #tpu.memory_space<vmem>>
        %dma_start3A_289 = tpu.memref_squeeze %dma_start3A_288 : memref<1x80xi32, #tpu.memory_space<vmem>> -> memref<80xi32, #tpu.memory_space<vmem>>
        %dma_start3A_290 = arith.constant 0 : i32
        %dma_start3A_291 = tpu.memref_slice %arg7[%dma_start3A_290] : memref<10240xf32, #tpu.memory_space<vmem_shared>> -> memref<10240xf32, #tpu.memory_space<vmem_shared>>
        tpu.enqueue_indirect_dma source(%arg5 : memref<80xf32, #tpu.memory_space<vmem>>) target(%dma_start3A_291 : memref<10240xf32, #tpu.memory_space<vmem_shared>>) offsets(%dma_start3A_289 : memref<80xi32, #tpu.memory_space<vmem>>) semaphore(%run_scoped3A : memref<!tpu.dma_semaphore, #tpu.memory_space<semaphore_mem>>) {add = true}
        %dma_wait3A = arith.constant 0 : i32
        %dma_wait3A_292 = tpu.memref_slice %arg4[%scan3A_285, %dma_wait3A] : memref<125x80xi32, #tpu.memory_space<vmem>> -> memref<1x80xi32, #tpu.memory_space<vmem>>
        %dma_wait3A_293 = tpu.memref_squeeze %dma_wait3A_292 : memref<1x80xi32, #tpu.memory_space<vmem>> -> memref<80xi32, #tpu.memory_space<vmem>>
        %dma_wait3A_294 = arith.constant 0 : i32
        %dma_wait3A_295 = tpu.memref_slice %arg7[%dma_wait3A_294] : memref<10240xf32, #tpu.memory_space<vmem_shared>> -> memref<10240xf32, #tpu.memory_space<vmem_shared>>
        tpu.wait_indirect_dma semaphore(%run_scoped3A : memref<!tpu.dma_semaphore, #tpu.memory_space<semaphore_mem>>) src(%arg5 : memref<80xf32, #tpu.memory_space<vmem>>) dst(%dma_wait3A_295 : memref<10240xf32, #tpu.memory_space<vmem_shared>>)
        tpu.yield
      }) : () -> ()
      %scan3A_287 = arith.constant 0 : i32
      scf.yield %scan3A_287 : i32
    }
    %scan3A_276 = arith.constant 125 : i32
    %barrier3A_277 = arith.constant 0 : index
    tpu.barrier barrier_id(%barrier3A_277)
    %mul3A_278 = arith.constant 640 : i32
    %mul3A_279 = arith.muli %arg1, %mul3A_278 : i32
    %mul3A_280 = arith.constant 10240 : i32
    %mul3A_281 = arith.muli %arg0, %mul3A_280 : i32
    %mul3A_282 = arith.constant 640 : i32
    %mul3A_283 = arith.muli %arg1, %mul3A_282 : i32
    %add3A_284 = arith.addi %mul3A_281, %mul3A_283 : i32
    "tpu.region"() ({
      %run_scoped3A = tpu.sem_alloc : memref<!tpu.dma_semaphore, #tpu.memory_space<semaphore_mem>>
      %dma_start3A = tpu.memref_slice %arg3[%add3A_284] : memref<20480xf32, #tpu.memory_space<hbm>> -> memref<640xf32, #tpu.memory_space<hbm>>
      %dma_start3A_285 = tpu.memref_slice %arg7[%mul3A_279] : memref<10240xf32, #tpu.memory_space<vmem_shared>> -> memref<640xf32, #tpu.memory_space<vmem_shared>>
      tpu.enqueue_dma source(%dma_start3A_285 : memref<640xf32, #tpu.memory_space<vmem_shared>>) target(%dma_start3A : memref<640xf32, #tpu.memory_space<hbm>>) target_semaphore(%run_scoped3A : memref<!tpu.dma_semaphore, #tpu.memory_space<semaphore_mem>>)
      %dma_wait3A = tpu.memref_slice %arg3[%add3A_284] : memref<20480xf32, #tpu.memory_space<hbm>> -> memref<640xf32, #tpu.memory_space<hbm>>
      %dma_wait3A_286 = tpu.memref_slice %arg7[%mul3A_279] : memref<10240xf32, #tpu.memory_space<vmem_shared>> -> memref<640xf32, #tpu.memory_space<vmem_shared>>
      tpu.wait_dma2 semaphore(%run_scoped3A : memref<!tpu.dma_semaphore, #tpu.memory_space<semaphore_mem>>) src(%dma_wait3A_286 : memref<640xf32, #tpu.memory_space<vmem_shared>>) dst(%dma_wait3A : memref<640xf32, #tpu.memory_space<hbm>>)
      tpu.yield
    }) : () -> ()
    return
  }
}

#map = affine_map<(d0, d1) -> (0, 0, 0)>
module attributes {stable_mosaic.version = 14 : i64} {
  func.func @_prop_kernel(%arg0: i32, %arg1: i32, %arg2: memref<16x160x128xi32, #tpu.memory_space<hbm>>, %arg3: memref<16x160x128xi32, #tpu.memory_space<hbm>>, %arg4: memref<2x10000x64xf32, #tpu.memory_space<hbm>>, %arg5: memref<2x10000x64xf32, #tpu.memory_space<hbm>>, %arg6: memref<40x128xi32, #tpu.memory_space<vmem>>, %arg7: memref<40x128xi32, #tpu.memory_space<vmem>>, %arg8: memref<128x64xf32, #tpu.memory_space<vmem>>, %arg9: memref<128x64xf32, #tpu.memory_space<vmem>>, %arg10: memref<128x64xf32, #tpu.memory_space<vmem>>, %arg11: memref<128x64xf32, #tpu.memory_space<vmem>>, %arg12: memref<10000x64xf32, #tpu.memory_space<vmem_shared>>, %arg13: memref<10008x64xf32, #tpu.memory_space<vmem_shared>>, %arg14: memref<!tpu.dma_semaphore, #tpu.memory_space<semaphore_mem>>, %arg15: memref<!tpu.dma_semaphore, #tpu.memory_space<semaphore_mem>>, %arg16: memref<!tpu.dma_semaphore, #tpu.memory_space<semaphore_mem>>, %arg17: memref<!tpu.dma_semaphore, #tpu.memory_space<semaphore_mem>>, %arg18: memref<!tpu.dma_semaphore, #tpu.memory_space<semaphore_mem>>, %arg19: memref<!tpu.dma_semaphore, #tpu.memory_space<semaphore_mem>>, %arg20: memref<!tpu.dma_semaphore, #tpu.memory_space<semaphore_mem>>, %arg21: memref<!tpu.dma_semaphore, #tpu.memory_space<semaphore_mem>>) attributes {dimension_semantics = [#tpu.dimension_semantics<core_parallel>, #tpu.dimension_semantics<subcore_parallel>], iteration_bounds = array<i64: 2, 16>, scalar_prefetch = 0 : i64, scratch_operands = 16 : i64, tpu.core_type = #tpu.core_type<sc_vector_subcore>, window_params = [{transform_indices = #map}, {transform_indices = #map}, {transform_indices = #map}, {transform_indices = #map}]} {
    %mul3A = arith.constant 632 : i32
    %mul3A_0 = arith.muli %arg1, %mul3A : i32
    %lt3A = arith.constant 15 : i32
    %lt3A_1 = arith.cmpi slt, %arg1, %lt3A : i32
    %convert_element_type3A = arith.extui %lt3A_1 : i1 to i32
    %cond3A = arith.constant 0 : i32
    %cond3A_2 = arith.cmpi ne, %convert_element_type3A, %cond3A : i32
    scf.if %cond3A_2 {
      "tpu.region"() ({
        %run_scoped3A = tpu.sem_alloc : memref<!tpu.dma_semaphore, #tpu.memory_space<semaphore_mem>>
        %dma_start3A_939 = arith.constant 0 : i32
        %dma_start3A_940 = tpu.memref_slice %arg12[%mul3A_0, %dma_start3A_939] : memref<10000x64xf32, #tpu.memory_space<vmem_shared>> -> memref<632x64xf32, #tpu.memory_space<vmem_shared>>
        %dma_start3A_941 = arith.constant 0 : i32
        %dma_start3A_942 = arith.constant 0 : i32
        %dma_start3A_943 = tpu.memref_slice %arg4[%arg0, %dma_start3A_941, %dma_start3A_942] : memref<2x10000x64xf32, #tpu.memory_space<hbm>> -> memref<1x10000x64xf32, #tpu.memory_space<hbm>>
        %dma_start3A_944 = tpu.memref_squeeze %dma_start3A_943 : memref<1x10000x64xf32, #tpu.memory_space<hbm>> -> memref<10000x64xf32, #tpu.memory_space<hbm>>
        %dma_start3A_945 = arith.constant 0 : i32
        %dma_start3A_946 = tpu.memref_slice %dma_start3A_944[%mul3A_0, %dma_start3A_945] : memref<10000x64xf32, #tpu.memory_space<hbm>> -> memref<632x64xf32, #tpu.memory_space<hbm>>
        tpu.enqueue_dma source(%dma_start3A_946 : memref<632x64xf32, #tpu.memory_space<hbm>>) target(%dma_start3A_940 : memref<632x64xf32, #tpu.memory_space<vmem_shared>>) target_semaphore(%run_scoped3A : memref<!tpu.dma_semaphore, #tpu.memory_space<semaphore_mem>>)
        %dma_wait3A_947 = arith.constant 0 : i32
        %dma_wait3A_948 = tpu.memref_slice %arg12[%mul3A_0, %dma_wait3A_947] : memref<10000x64xf32, #tpu.memory_space<vmem_shared>> -> memref<632x64xf32, #tpu.memory_space<vmem_shared>>
        %dma_wait3A_949 = arith.constant 0 : i32
        %dma_wait3A_950 = arith.constant 0 : i32
        %dma_wait3A_951 = tpu.memref_slice %arg4[%arg0, %dma_wait3A_949, %dma_wait3A_950] : memref<2x10000x64xf32, #tpu.memory_space<hbm>> -> memref<1x10000x64xf32, #tpu.memory_space<hbm>>
        %dma_wait3A_952 = tpu.memref_squeeze %dma_wait3A_951 : memref<1x10000x64xf32, #tpu.memory_space<hbm>> -> memref<10000x64xf32, #tpu.memory_space<hbm>>
        %dma_wait3A_953 = arith.constant 0 : i32
        %dma_wait3A_954 = tpu.memref_slice %dma_wait3A_952[%mul3A_0, %dma_wait3A_953] : memref<10000x64xf32, #tpu.memory_space<hbm>> -> memref<632x64xf32, #tpu.memory_space<hbm>>
        tpu.wait_dma2 semaphore(%run_scoped3A : memref<!tpu.dma_semaphore, #tpu.memory_space<semaphore_mem>>) src(%dma_wait3A_954 : memref<632x64xf32, #tpu.memory_space<hbm>>) dst(%dma_wait3A_948 : memref<632x64xf32, #tpu.memory_space<vmem_shared>>)
        tpu.yield
      }) : () -> ()
      "tpu.region"() ({
        %run_scoped3A = tpu.sem_alloc : memref<!tpu.dma_semaphore, #tpu.memory_space<semaphore_mem>>
        %dma_start3A_939 = arith.constant 0 : i32
        %dma_start3A_940 = tpu.memref_slice %arg13[%mul3A_0, %dma_start3A_939] : memref<10008x64xf32, #tpu.memory_space<vmem_shared>> -> memref<632x64xf32, #tpu.memory_space<vmem_shared>>
        %dma_start3A_941 = arith.constant 0 : i32
        %dma_start3A_942 = arith.constant 0 : i32
        %dma_start3A_943 = tpu.memref_slice %arg4[%arg0, %dma_start3A_941, %dma_start3A_942] : memref<2x10000x64xf32, #tpu.memory_space<hbm>> -> memref<1x10000x64xf32, #tpu.memory_space<hbm>>
        %dma_start3A_944 = tpu.memref_squeeze %dma_start3A_943 : memref<1x10000x64xf32, #tpu.memory_space<hbm>> -> memref<10000x64xf32, #tpu.memory_space<hbm>>
        %dma_start3A_945 = arith.constant 0 : i32
        %dma_start3A_946 = tpu.memref_slice %dma_start3A_944[%mul3A_0, %dma_start3A_945] : memref<10000x64xf32, #tpu.memory_space<hbm>> -> memref<632x64xf32, #tpu.memory_space<hbm>>
        tpu.enqueue_dma source(%dma_start3A_946 : memref<632x64xf32, #tpu.memory_space<hbm>>) target(%dma_start3A_940 : memref<632x64xf32, #tpu.memory_space<vmem_shared>>) target_semaphore(%run_scoped3A : memref<!tpu.dma_semaphore, #tpu.memory_space<semaphore_mem>>)
        %dma_wait3A_947 = arith.constant 0 : i32
        %dma_wait3A_948 = tpu.memref_slice %arg13[%mul3A_0, %dma_wait3A_947] : memref<10008x64xf32, #tpu.memory_space<vmem_shared>> -> memref<632x64xf32, #tpu.memory_space<vmem_shared>>
        %dma_wait3A_949 = arith.constant 0 : i32
        %dma_wait3A_950 = arith.constant 0 : i32
        %dma_wait3A_951 = tpu.memref_slice %arg4[%arg0, %dma_wait3A_949, %dma_wait3A_950] : memref<2x10000x64xf32, #tpu.memory_space<hbm>> -> memref<1x10000x64xf32, #tpu.memory_space<hbm>>
        %dma_wait3A_952 = tpu.memref_squeeze %dma_wait3A_951 : memref<1x10000x64xf32, #tpu.memory_space<hbm>> -> memref<10000x64xf32, #tpu.memory_space<hbm>>
        %dma_wait3A_953 = arith.constant 0 : i32
        %dma_wait3A_954 = tpu.memref_slice %dma_wait3A_952[%mul3A_0, %dma_wait3A_953] : memref<10000x64xf32, #tpu.memory_space<hbm>> -> memref<632x64xf32, #tpu.memory_space<hbm>>
        tpu.wait_dma2 semaphore(%run_scoped3A : memref<!tpu.dma_semaphore, #tpu.memory_space<semaphore_mem>>) src(%dma_wait3A_954 : memref<632x64xf32, #tpu.memory_space<hbm>>) dst(%dma_wait3A_948 : memref<632x64xf32, #tpu.memory_space<vmem_shared>>)
        tpu.yield
      }) : () -> ()
    } else {
    }
    %eq3A = arith.constant 15 : i32
    %eq3A_3 = arith.cmpi eq, %arg1, %eq3A : i32
    %convert_element_type3A_4 = arith.extui %eq3A_3 : i1 to i32
    %cond3A_5 = arith.constant 0 : i32
    %cond3A_6 = arith.cmpi ne, %convert_element_type3A_4, %cond3A_5 : i32
    scf.if %cond3A_6 {
      "tpu.region"() ({
        %run_scoped3A = tpu.sem_alloc : memref<!tpu.dma_semaphore, #tpu.memory_space<semaphore_mem>>
        %dma_start3A_939 = arith.constant 0 : i32
        %dma_start3A_940 = tpu.memref_slice %arg12[%mul3A_0, %dma_start3A_939] : memref<10000x64xf32, #tpu.memory_space<vmem_shared>> -> memref<520x64xf32, #tpu.memory_space<vmem_shared>>
        %dma_start3A_941 = arith.constant 0 : i32
        %dma_start3A_942 = arith.constant 0 : i32
        %dma_start3A_943 = tpu.memref_slice %arg4[%arg0, %dma_start3A_941, %dma_start3A_942] : memref<2x10000x64xf32, #tpu.memory_space<hbm>> -> memref<1x10000x64xf32, #tpu.memory_space<hbm>>
        %dma_start3A_944 = tpu.memref_squeeze %dma_start3A_943 : memref<1x10000x64xf32, #tpu.memory_space<hbm>> -> memref<10000x64xf32, #tpu.memory_space<hbm>>
        %dma_start3A_945 = arith.constant 0 : i32
        %dma_start3A_946 = tpu.memref_slice %dma_start3A_944[%mul3A_0, %dma_start3A_945] : memref<10000x64xf32, #tpu.memory_space<hbm>> -> memref<520x64xf32, #tpu.memory_space<hbm>>
        tpu.enqueue_dma source(%dma_start3A_946 : memref<520x64xf32, #tpu.memory_space<hbm>>) target(%dma_start3A_940 : memref<520x64xf32, #tpu.memory_space<vmem_shared>>) target_semaphore(%run_scoped3A : memref<!tpu.dma_semaphore, #tpu.memory_space<semaphore_mem>>)
        %dma_wait3A_947 = arith.constant 0 : i32
        %dma_wait3A_948 = tpu.memref_slice %arg12[%mul3A_0, %dma_wait3A_947] : memref<10000x64xf32, #tpu.memory_space<vmem_shared>> -> memref<520x64xf32, #tpu.memory_space<vmem_shared>>
        %dma_wait3A_949 = arith.constant 0 : i32
        %dma_wait3A_950 = arith.constant 0 : i32
        %dma_wait3A_951 = tpu.memref_slice %arg4[%arg0, %dma_wait3A_949, %dma_wait3A_950] : memref<2x10000x64xf32, #tpu.memory_space<hbm>> -> memref<1x10000x64xf32, #tpu.memory_space<hbm>>
        %dma_wait3A_952 = tpu.memref_squeeze %dma_wait3A_951 : memref<1x10000x64xf32, #tpu.memory_space<hbm>> -> memref<10000x64xf32, #tpu.memory_space<hbm>>
        %dma_wait3A_953 = arith.constant 0 : i32
        %dma_wait3A_954 = tpu.memref_slice %dma_wait3A_952[%mul3A_0, %dma_wait3A_953] : memref<10000x64xf32, #tpu.memory_space<hbm>> -> memref<520x64xf32, #tpu.memory_space<hbm>>
        tpu.wait_dma2 semaphore(%run_scoped3A : memref<!tpu.dma_semaphore, #tpu.memory_space<semaphore_mem>>) src(%dma_wait3A_954 : memref<520x64xf32, #tpu.memory_space<hbm>>) dst(%dma_wait3A_948 : memref<520x64xf32, #tpu.memory_space<vmem_shared>>)
        tpu.yield
      }) : () -> ()
      "tpu.region"() ({
        %run_scoped3A = tpu.sem_alloc : memref<!tpu.dma_semaphore, #tpu.memory_space<semaphore_mem>>
        %dma_start3A_939 = arith.constant 0 : i32
        %dma_start3A_940 = tpu.memref_slice %arg13[%mul3A_0, %dma_start3A_939] : memref<10008x64xf32, #tpu.memory_space<vmem_shared>> -> memref<520x64xf32, #tpu.memory_space<vmem_shared>>
        %dma_start3A_941 = arith.constant 0 : i32
        %dma_start3A_942 = arith.constant 0 : i32
        %dma_start3A_943 = tpu.memref_slice %arg4[%arg0, %dma_start3A_941, %dma_start3A_942] : memref<2x10000x64xf32, #tpu.memory_space<hbm>> -> memref<1x10000x64xf32, #tpu.memory_space<hbm>>
        %dma_start3A_944 = tpu.memref_squeeze %dma_start3A_943 : memref<1x10000x64xf32, #tpu.memory_space<hbm>> -> memref<10000x64xf32, #tpu.memory_space<hbm>>
        %dma_start3A_945 = arith.constant 0 : i32
        %dma_start3A_946 = tpu.memref_slice %dma_start3A_944[%mul3A_0, %dma_start3A_945] : memref<10000x64xf32, #tpu.memory_space<hbm>> -> memref<520x64xf32, #tpu.memory_space<hbm>>
        tpu.enqueue_dma source(%dma_start3A_946 : memref<520x64xf32, #tpu.memory_space<hbm>>) target(%dma_start3A_940 : memref<520x64xf32, #tpu.memory_space<vmem_shared>>) target_semaphore(%run_scoped3A : memref<!tpu.dma_semaphore, #tpu.memory_space<semaphore_mem>>)
        %dma_wait3A_947 = arith.constant 0 : i32
        %dma_wait3A_948 = tpu.memref_slice %arg13[%mul3A_0, %dma_wait3A_947] : memref<10008x64xf32, #tpu.memory_space<vmem_shared>> -> memref<520x64xf32, #tpu.memory_space<vmem_shared>>
        %dma_wait3A_949 = arith.constant 0 : i32
        %dma_wait3A_950 = arith.constant 0 : i32
        %dma_wait3A_951 = tpu.memref_slice %arg4[%arg0, %dma_wait3A_949, %dma_wait3A_950] : memref<2x10000x64xf32, #tpu.memory_space<hbm>> -> memref<1x10000x64xf32, #tpu.memory_space<hbm>>
        %dma_wait3A_952 = tpu.memref_squeeze %dma_wait3A_951 : memref<1x10000x64xf32, #tpu.memory_space<hbm>> -> memref<10000x64xf32, #tpu.memory_space<hbm>>
        %dma_wait3A_953 = arith.constant 0 : i32
        %dma_wait3A_954 = tpu.memref_slice %dma_wait3A_952[%mul3A_0, %dma_wait3A_953] : memref<10000x64xf32, #tpu.memory_space<hbm>> -> memref<520x64xf32, #tpu.memory_space<hbm>>
        tpu.wait_dma2 semaphore(%run_scoped3A : memref<!tpu.dma_semaphore, #tpu.memory_space<semaphore_mem>>) src(%dma_wait3A_954 : memref<520x64xf32, #tpu.memory_space<hbm>>) dst(%dma_wait3A_948 : memref<520x64xf32, #tpu.memory_space<vmem_shared>>)
        tpu.yield
      }) : () -> ()
    } else {
    }
    %barrier3A = arith.constant 0 : index
    tpu.barrier barrier_id(%barrier3A)
    "tpu.region"() ({
      %run_scoped3A = tpu.sem_alloc : memref<!tpu.dma_semaphore, #tpu.memory_space<semaphore_mem>>
      %dma_start3A_939 = arith.constant 0 : i32
      %dma_start3A_940 = arith.constant 0 : i32
      %dma_start3A_941 = tpu.memref_slice %arg2[%arg1, %dma_start3A_939, %dma_start3A_940] : memref<16x160x128xi32, #tpu.memory_space<hbm>> -> memref<1x160x128xi32, #tpu.memory_space<hbm>>
      %dma_start3A_942 = tpu.memref_squeeze %dma_start3A_941 : memref<1x160x128xi32, #tpu.memory_space<hbm>> -> memref<160x128xi32, #tpu.memory_space<hbm>>
      %dma_start3A_943 = arith.constant 0 : i32
      %dma_start3A_944 = arith.constant 0 : i32
      %dma_start3A_945 = tpu.memref_slice %dma_start3A_942[%dma_start3A_943, %dma_start3A_944] : memref<160x128xi32, #tpu.memory_space<hbm>> -> memref<40x128xi32, #tpu.memory_space<hbm>>
      %dma_start3A_946 = arith.constant 0 : i32
      %dma_start3A_947 = arith.constant 0 : i32
      %dma_start3A_948 = tpu.memref_slice %arg2[%arg1, %dma_start3A_946, %dma_start3A_947] : memref<16x160x128xi32, #tpu.memory_space<hbm>> -> memref<1x160x128xi32, #tpu.memory_space<hbm>>
      %dma_start3A_949 = tpu.memref_squeeze %dma_start3A_948 : memref<1x160x128xi32, #tpu.memory_space<hbm>> -> memref<160x128xi32, #tpu.memory_space<hbm>>
      %dma_start3A_950 = arith.constant 0 : i32
      %dma_start3A_951 = arith.constant 0 : i32
      %dma_start3A_952 = tpu.memref_slice %dma_start3A_949[%dma_start3A_950, %dma_start3A_951] : memref<160x128xi32, #tpu.memory_space<hbm>> -> memref<40x128xi32, #tpu.memory_space<hbm>>
      tpu.enqueue_dma source(%dma_start3A_952 : memref<40x128xi32, #tpu.memory_space<hbm>>) target(%arg6 : memref<40x128xi32, #tpu.memory_space<vmem>>) target_semaphore(%run_scoped3A : memref<!tpu.dma_semaphore, #tpu.memory_space<semaphore_mem>>)
      %dma_wait3A_953 = arith.constant 0 : i32
      %dma_wait3A_954 = arith.constant 0 : i32
      %dma_wait3A_955 = tpu.memref_slice %arg2[%arg1, %dma_wait3A_953, %dma_wait3A_954] : memref<16x160x128xi32, #tpu.memory_space<hbm>> -> memref<1x160x128xi32, #tpu.memory_space<hbm>>
      %dma_wait3A_956 = tpu.memref_squeeze %dma_wait3A_955 : memref<1x160x128xi32, #tpu.memory_space<hbm>> -> memref<160x128xi32, #tpu.memory_space<hbm>>
      %dma_wait3A_957 = arith.constant 0 : i32
      %dma_wait3A_958 = arith.constant 0 : i32
      %dma_wait3A_959 = tpu.memref_slice %dma_wait3A_956[%dma_wait3A_957, %dma_wait3A_958] : memref<160x128xi32, #tpu.memory_space<hbm>> -> memref<40x128xi32, #tpu.memory_space<hbm>>
      %dma_wait3A_960 = arith.constant 0 : i32
      %dma_wait3A_961 = arith.constant 0 : i32
      %dma_wait3A_962 = tpu.memref_slice %arg2[%arg1, %dma_wait3A_960, %dma_wait3A_961] : memref<16x160x128xi32, #tpu.memory_space<hbm>> -> memref<1x160x128xi32, #tpu.memory_space<hbm>>
      %dma_wait3A_963 = tpu.memref_squeeze %dma_wait3A_962 : memref<1x160x128xi32, #tpu.memory_space<hbm>> -> memref<160x128xi32, #tpu.memory_space<hbm>>
      %dma_wait3A_964 = arith.constant 0 : i32
      %dma_wait3A_965 = arith.constant 0 : i32
      %dma_wait3A_966 = tpu.memref_slice %dma_wait3A_963[%dma_wait3A_964, %dma_wait3A_965] : memref<160x128xi32, #tpu.memory_space<hbm>> -> memref<40x128xi32, #tpu.memory_space<hbm>>
      tpu.wait_dma2 semaphore(%run_scoped3A : memref<!tpu.dma_semaphore, #tpu.memory_space<semaphore_mem>>) src(%dma_wait3A_966 : memref<40x128xi32, #tpu.memory_space<hbm>>) dst(%arg6 : memref<40x128xi32, #tpu.memory_space<vmem>>)
      tpu.yield
    }) : () -> ()
    "tpu.region"() ({
      %run_scoped3A = tpu.sem_alloc : memref<!tpu.dma_semaphore, #tpu.memory_space<semaphore_mem>>
      %dma_start3A_939 = arith.constant 0 : i32
      %dma_start3A_940 = arith.constant 0 : i32
      %dma_start3A_941 = tpu.memref_slice %arg3[%arg1, %dma_start3A_939, %dma_start3A_940] : memref<16x160x128xi32, #tpu.memory_space<hbm>> -> memref<1x160x128xi32, #tpu.memory_space<hbm>>
      %dma_start3A_942 = tpu.memref_squeeze %dma_start3A_941 : memref<1x160x128xi32, #tpu.memory_space<hbm>> -> memref<160x128xi32, #tpu.memory_space<hbm>>
      %dma_start3A_943 = arith.constant 0 : i32
      %dma_start3A_944 = arith.constant 0 : i32
      %dma_start3A_945 = tpu.memref_slice %dma_start3A_942[%dma_start3A_943, %dma_start3A_944] : memref<160x128xi32, #tpu.memory_space<hbm>> -> memref<40x128xi32, #tpu.memory_space<hbm>>
      %dma_start3A_946 = arith.constant 0 : i32
      %dma_start3A_947 = arith.constant 0 : i32
      %dma_start3A_948 = tpu.memref_slice %arg3[%arg1, %dma_start3A_946, %dma_start3A_947] : memref<16x160x128xi32, #tpu.memory_space<hbm>> -> memref<1x160x128xi32, #tpu.memory_space<hbm>>
      %dma_start3A_949 = tpu.memref_squeeze %dma_start3A_948 : memref<1x160x128xi32, #tpu.memory_space<hbm>> -> memref<160x128xi32, #tpu.memory_space<hbm>>
      %dma_start3A_950 = arith.constant 0 : i32
      %dma_start3A_951 = arith.constant 0 : i32
      %dma_start3A_952 = tpu.memref_slice %dma_start3A_949[%dma_start3A_950, %dma_start3A_951] : memref<160x128xi32, #tpu.memory_space<hbm>> -> memref<40x128xi32, #tpu.memory_space<hbm>>
      tpu.enqueue_dma source(%dma_start3A_952 : memref<40x128xi32, #tpu.memory_space<hbm>>) target(%arg7 : memref<40x128xi32, #tpu.memory_space<vmem>>) target_semaphore(%run_scoped3A : memref<!tpu.dma_semaphore, #tpu.memory_space<semaphore_mem>>)
      %dma_wait3A_953 = arith.constant 0 : i32
      %dma_wait3A_954 = arith.constant 0 : i32
      %dma_wait3A_955 = tpu.memref_slice %arg3[%arg1, %dma_wait3A_953, %dma_wait3A_954] : memref<16x160x128xi32, #tpu.memory_space<hbm>> -> memref<1x160x128xi32, #tpu.memory_space<hbm>>
      %dma_wait3A_956 = tpu.memref_squeeze %dma_wait3A_955 : memref<1x160x128xi32, #tpu.memory_space<hbm>> -> memref<160x128xi32, #tpu.memory_space<hbm>>
      %dma_wait3A_957 = arith.constant 0 : i32
      %dma_wait3A_958 = arith.constant 0 : i32
      %dma_wait3A_959 = tpu.memref_slice %dma_wait3A_956[%dma_wait3A_957, %dma_wait3A_958] : memref<160x128xi32, #tpu.memory_space<hbm>> -> memref<40x128xi32, #tpu.memory_space<hbm>>
      %dma_wait3A_960 = arith.constant 0 : i32
      %dma_wait3A_961 = arith.constant 0 : i32
      %dma_wait3A_962 = tpu.memref_slice %arg3[%arg1, %dma_wait3A_960, %dma_wait3A_961] : memref<16x160x128xi32, #tpu.memory_space<hbm>> -> memref<1x160x128xi32, #tpu.memory_space<hbm>>
      %dma_wait3A_963 = tpu.memref_squeeze %dma_wait3A_962 : memref<1x160x128xi32, #tpu.memory_space<hbm>> -> memref<160x128xi32, #tpu.memory_space<hbm>>
      %dma_wait3A_964 = arith.constant 0 : i32
      %dma_wait3A_965 = arith.constant 0 : i32
      %dma_wait3A_966 = tpu.memref_slice %dma_wait3A_963[%dma_wait3A_964, %dma_wait3A_965] : memref<160x128xi32, #tpu.memory_space<hbm>> -> memref<40x128xi32, #tpu.memory_space<hbm>>
      tpu.wait_dma2 semaphore(%run_scoped3A : memref<!tpu.dma_semaphore, #tpu.memory_space<semaphore_mem>>) src(%dma_wait3A_966 : memref<40x128xi32, #tpu.memory_space<hbm>>) dst(%arg7 : memref<40x128xi32, #tpu.memory_space<vmem>>)
      tpu.yield
    }) : () -> ()
    %dma_start3A = arith.constant 0 : i32
    %dma_start3A_7 = arith.constant 0 : i32
    %dma_start3A_8 = tpu.memref_slice %arg6[%dma_start3A, %dma_start3A_7] : memref<40x128xi32, #tpu.memory_space<vmem>> -> memref<1x128xi32, #tpu.memory_space<vmem>>
    %dma_start3A_9 = tpu.memref_squeeze %dma_start3A_8 : memref<1x128xi32, #tpu.memory_space<vmem>> -> memref<128xi32, #tpu.memory_space<vmem>>
    %dma_start3A_10 = arith.constant 0 : i32
    %dma_start3A_11 = arith.constant 0 : i32
    %dma_start3A_12 = tpu.memref_slice %arg12[%dma_start3A_10, %dma_start3A_11] : memref<10000x64xf32, #tpu.memory_space<vmem_shared>> -> memref<10000x64xf32, #tpu.memory_space<vmem_shared>>
    tpu.enqueue_indirect_dma source(%dma_start3A_12 : memref<10000x64xf32, #tpu.memory_space<vmem_shared>>) target(%arg8 : memref<128x64xf32, #tpu.memory_space<vmem>>) offsets(%dma_start3A_9 : memref<128xi32, #tpu.memory_space<vmem>>) semaphore(%arg14 : memref<!tpu.dma_semaphore, #tpu.memory_space<semaphore_mem>>)
    %dma_start3A_13 = arith.constant 1 : i32
    %dma_start3A_14 = arith.constant 0 : i32
    %dma_start3A_15 = tpu.memref_slice %arg6[%dma_start3A_13, %dma_start3A_14] : memref<40x128xi32, #tpu.memory_space<vmem>> -> memref<1x128xi32, #tpu.memory_space<vmem>>
    %dma_start3A_16 = tpu.memref_squeeze %dma_start3A_15 : memref<1x128xi32, #tpu.memory_space<vmem>> -> memref<128xi32, #tpu.memory_space<vmem>>
    %dma_start3A_17 = arith.constant 0 : i32
    %dma_start3A_18 = arith.constant 0 : i32
    %dma_start3A_19 = tpu.memref_slice %arg12[%dma_start3A_17, %dma_start3A_18] : memref<10000x64xf32, #tpu.memory_space<vmem_shared>> -> memref<10000x64xf32, #tpu.memory_space<vmem_shared>>
    tpu.enqueue_indirect_dma source(%dma_start3A_19 : memref<10000x64xf32, #tpu.memory_space<vmem_shared>>) target(%arg9 : memref<128x64xf32, #tpu.memory_space<vmem>>) offsets(%dma_start3A_16 : memref<128xi32, #tpu.memory_space<vmem>>) semaphore(%arg15 : memref<!tpu.dma_semaphore, #tpu.memory_space<semaphore_mem>>)
    %dma_wait3A = arith.constant 0 : i32
    %dma_wait3A_20 = arith.constant 0 : i32
    %dma_wait3A_21 = tpu.memref_slice %arg6[%dma_wait3A, %dma_wait3A_20] : memref<40x128xi32, #tpu.memory_space<vmem>> -> memref<1x128xi32, #tpu.memory_space<vmem>>
    %dma_wait3A_22 = tpu.memref_squeeze %dma_wait3A_21 : memref<1x128xi32, #tpu.memory_space<vmem>> -> memref<128xi32, #tpu.memory_space<vmem>>
    %dma_wait3A_23 = arith.constant 0 : i32
    %dma_wait3A_24 = arith.constant 0 : i32
    %dma_wait3A_25 = tpu.memref_slice %arg12[%dma_wait3A_23, %dma_wait3A_24] : memref<10000x64xf32, #tpu.memory_space<vmem_shared>> -> memref<10000x64xf32, #tpu.memory_space<vmem_shared>>
    tpu.wait_indirect_dma semaphore(%arg14 : memref<!tpu.dma_semaphore, #tpu.memory_space<semaphore_mem>>) src(%dma_wait3A_25 : memref<10000x64xf32, #tpu.memory_space<vmem_shared>>) dst(%arg8 : memref<128x64xf32, #tpu.memory_space<vmem>>)
    %dma_start3A_26 = arith.constant 2 : i32
    %dma_start3A_27 = arith.constant 0 : i32
    %dma_start3A_28 = tpu.memref_slice %arg6[%dma_start3A_26, %dma_start3A_27] : memref<40x128xi32, #tpu.memory_space<vmem>> -> memref<1x128xi32, #tpu.memory_space<vmem>>
    %dma_start3A_29 = tpu.memref_squeeze %dma_start3A_28 : memref<1x128xi32, #tpu.memory_space<vmem>> -> memref<128xi32, #tpu.memory_space<vmem>>
    %dma_start3A_30 = arith.constant 0 : i32
    %dma_start3A_31 = arith.constant 0 : i32
    %dma_start3A_32 = tpu.memref_slice %arg12[%dma_start3A_30, %dma_start3A_31] : memref<10000x64xf32, #tpu.memory_space<vmem_shared>> -> memref<10000x64xf32, #tpu.memory_space<vmem_shared>>
    tpu.enqueue_indirect_dma source(%dma_start3A_32 : memref<10000x64xf32, #tpu.memory_space<vmem_shared>>) target(%arg10 : memref<128x64xf32, #tpu.memory_space<vmem>>) offsets(%dma_start3A_29 : memref<128xi32, #tpu.memory_space<vmem>>) semaphore(%arg16 : memref<!tpu.dma_semaphore, #tpu.memory_space<semaphore_mem>>)
    %dma_start3A_33 = arith.constant 0 : i32
    %dma_start3A_34 = arith.constant 0 : i32
    %dma_start3A_35 = tpu.memref_slice %arg7[%dma_start3A_33, %dma_start3A_34] : memref<40x128xi32, #tpu.memory_space<vmem>> -> memref<1x128xi32, #tpu.memory_space<vmem>>
    %dma_start3A_36 = tpu.memref_squeeze %dma_start3A_35 : memref<1x128xi32, #tpu.memory_space<vmem>> -> memref<128xi32, #tpu.memory_space<vmem>>
    %dma_start3A_37 = arith.constant 0 : i32
    %dma_start3A_38 = arith.constant 0 : i32
    %dma_start3A_39 = tpu.memref_slice %arg13[%dma_start3A_37, %dma_start3A_38] : memref<10008x64xf32, #tpu.memory_space<vmem_shared>> -> memref<10008x64xf32, #tpu.memory_space<vmem_shared>>
    tpu.enqueue_indirect_dma source(%arg8 : memref<128x64xf32, #tpu.memory_space<vmem>>) target(%dma_start3A_39 : memref<10008x64xf32, #tpu.memory_space<vmem_shared>>) offsets(%dma_start3A_36 : memref<128xi32, #tpu.memory_space<vmem>>) semaphore(%arg18 : memref<!tpu.dma_semaphore, #tpu.memory_space<semaphore_mem>>) {add = true}
    %dma_wait3A_40 = arith.constant 1 : i32
    %dma_wait3A_41 = arith.constant 0 : i32
    %dma_wait3A_42 = tpu.memref_slice %arg6[%dma_wait3A_40, %dma_wait3A_41] : memref<40x128xi32, #tpu.memory_space<vmem>> -> memref<1x128xi32, #tpu.memory_space<vmem>>
    %dma_wait3A_43 = tpu.memref_squeeze %dma_wait3A_42 : memref<1x128xi32, #tpu.memory_space<vmem>> -> memref<128xi32, #tpu.memory_space<vmem>>
    %dma_wait3A_44 = arith.constant 0 : i32
    %dma_wait3A_45 = arith.constant 0 : i32
    %dma_wait3A_46 = tpu.memref_slice %arg12[%dma_wait3A_44, %dma_wait3A_45] : memref<10000x64xf32, #tpu.memory_space<vmem_shared>> -> memref<10000x64xf32, #tpu.memory_space<vmem_shared>>
    tpu.wait_indirect_dma semaphore(%arg15 : memref<!tpu.dma_semaphore, #tpu.memory_space<semaphore_mem>>) src(%dma_wait3A_46 : memref<10000x64xf32, #tpu.memory_space<vmem_shared>>) dst(%arg9 : memref<128x64xf32, #tpu.memory_space<vmem>>)
    %dma_start3A_47 = arith.constant 3 : i32
    %dma_start3A_48 = arith.constant 0 : i32
    %dma_start3A_49 = tpu.memref_slice %arg6[%dma_start3A_47, %dma_start3A_48] : memref<40x128xi32, #tpu.memory_space<vmem>> -> memref<1x128xi32, #tpu.memory_space<vmem>>
    %dma_start3A_50 = tpu.memref_squeeze %dma_start3A_49 : memref<1x128xi32, #tpu.memory_space<vmem>> -> memref<128xi32, #tpu.memory_space<vmem>>
    %dma_start3A_51 = arith.constant 0 : i32
    %dma_start3A_52 = arith.constant 0 : i32
    %dma_start3A_53 = tpu.memref_slice %arg12[%dma_start3A_51, %dma_start3A_52] : memref<10000x64xf32, #tpu.memory_space<vmem_shared>> -> memref<10000x64xf32, #tpu.memory_space<vmem_shared>>
    tpu.enqueue_indirect_dma source(%dma_start3A_53 : memref<10000x64xf32, #tpu.memory_space<vmem_shared>>) target(%arg11 : memref<128x64xf32, #tpu.memory_space<vmem>>) offsets(%dma_start3A_50 : memref<128xi32, #tpu.memory_space<vmem>>) semaphore(%arg17 : memref<!tpu.dma_semaphore, #tpu.memory_space<semaphore_mem>>)
    %dma_start3A_54 = arith.constant 1 : i32
    %dma_start3A_55 = arith.constant 0 : i32
    %dma_start3A_56 = tpu.memref_slice %arg7[%dma_start3A_54, %dma_start3A_55] : memref<40x128xi32, #tpu.memory_space<vmem>> -> memref<1x128xi32, #tpu.memory_space<vmem>>
    %dma_start3A_57 = tpu.memref_squeeze %dma_start3A_56 : memref<1x128xi32, #tpu.memory_space<vmem>> -> memref<128xi32, #tpu.memory_space<vmem>>
    %dma_start3A_58 = arith.constant 0 : i32
    %dma_start3A_59 = arith.constant 0 : i32
    %dma_start3A_60 = tpu.memref_slice %arg13[%dma_start3A_58, %dma_start3A_59] : memref<10008x64xf32, #tpu.memory_space<vmem_shared>> -> memref<10008x64xf32, #tpu.memory_space<vmem_shared>>
    tpu.enqueue_indirect_dma source(%arg9 : memref<128x64xf32, #tpu.memory_space<vmem>>) target(%dma_start3A_60 : memref<10008x64xf32, #tpu.memory_space<vmem_shared>>) offsets(%dma_start3A_57 : memref<128xi32, #tpu.memory_space<vmem>>) semaphore(%arg19 : memref<!tpu.dma_semaphore, #tpu.memory_space<semaphore_mem>>) {add = true}
    %dma_wait3A_61 = arith.constant 2 : i32
    %dma_wait3A_62 = arith.constant 0 : i32
    %dma_wait3A_63 = tpu.memref_slice %arg6[%dma_wait3A_61, %dma_wait3A_62] : memref<40x128xi32, #tpu.memory_space<vmem>> -> memref<1x128xi32, #tpu.memory_space<vmem>>
    %dma_wait3A_64 = tpu.memref_squeeze %dma_wait3A_63 : memref<1x128xi32, #tpu.memory_space<vmem>> -> memref<128xi32, #tpu.memory_space<vmem>>
    %dma_wait3A_65 = arith.constant 0 : i32
    %dma_wait3A_66 = arith.constant 0 : i32
    %dma_wait3A_67 = tpu.memref_slice %arg12[%dma_wait3A_65, %dma_wait3A_66] : memref<10000x64xf32, #tpu.memory_space<vmem_shared>> -> memref<10000x64xf32, #tpu.memory_space<vmem_shared>>
    tpu.wait_indirect_dma semaphore(%arg16 : memref<!tpu.dma_semaphore, #tpu.memory_space<semaphore_mem>>) src(%dma_wait3A_67 : memref<10000x64xf32, #tpu.memory_space<vmem_shared>>) dst(%arg10 : memref<128x64xf32, #tpu.memory_space<vmem>>)
    %dma_wait3A_68 = arith.constant 0 : i32
    %dma_wait3A_69 = arith.constant 0 : i32
    %dma_wait3A_70 = tpu.memref_slice %arg7[%dma_wait3A_68, %dma_wait3A_69] : memref<40x128xi32, #tpu.memory_space<vmem>> -> memref<1x128xi32, #tpu.memory_space<vmem>>
    %dma_wait3A_71 = tpu.memref_squeeze %dma_wait3A_70 : memref<1x128xi32, #tpu.memory_space<vmem>> -> memref<128xi32, #tpu.memory_space<vmem>>
    %dma_wait3A_72 = arith.constant 0 : i32
    %dma_wait3A_73 = arith.constant 0 : i32
    %dma_wait3A_74 = tpu.memref_slice %arg13[%dma_wait3A_72, %dma_wait3A_73] : memref<10008x64xf32, #tpu.memory_space<vmem_shared>> -> memref<10008x64xf32, #tpu.memory_space<vmem_shared>>
    tpu.wait_indirect_dma semaphore(%arg18 : memref<!tpu.dma_semaphore, #tpu.memory_space<semaphore_mem>>) src(%arg8 : memref<128x64xf32, #tpu.memory_space<vmem>>) dst(%dma_wait3A_74 : memref<10008x64xf32, #tpu.memory_space<vmem_shared>>)
    %dma_start3A_75 = arith.constant 4 : i32
    %dma_start3A_76 = arith.constant 0 : i32
    %dma_start3A_77 = tpu.memref_slice %arg6[%dma_start3A_75, %dma_start3A_76] : memref<40x128xi32, #tpu.memory_space<vmem>> -> memref<1x128xi32, #tpu.memory_space<vmem>>
    %dma_start3A_78 = tpu.memref_squeeze %dma_start3A_77 : memref<1x128xi32, #tpu.memory_space<vmem>> -> memref<128xi32, #tpu.memory_space<vmem>>
    %dma_start3A_79 = arith.constant 0 : i32
    %dma_start3A_80 = arith.constant 0 : i32
    %dma_start3A_81 = tpu.memref_slice %arg12[%dma_start3A_79, %dma_start3A_80] : memref<10000x64xf32, #tpu.memory_space<vmem_shared>> -> memref<10000x64xf32, #tpu.memory_space<vmem_shared>>
    tpu.enqueue_indirect_dma source(%dma_start3A_81 : memref<10000x64xf32, #tpu.memory_space<vmem_shared>>) target(%arg8 : memref<128x64xf32, #tpu.memory_space<vmem>>) offsets(%dma_start3A_78 : memref<128xi32, #tpu.memory_space<vmem>>) semaphore(%arg14 : memref<!tpu.dma_semaphore, #tpu.memory_space<semaphore_mem>>)
    %dma_start3A_82 = arith.constant 2 : i32
    %dma_start3A_83 = arith.constant 0 : i32
    %dma_start3A_84 = tpu.memref_slice %arg7[%dma_start3A_82, %dma_start3A_83] : memref<40x128xi32, #tpu.memory_space<vmem>> -> memref<1x128xi32, #tpu.memory_space<vmem>>
    %dma_start3A_85 = tpu.memref_squeeze %dma_start3A_84 : memref<1x128xi32, #tpu.memory_space<vmem>> -> memref<128xi32, #tpu.memory_space<vmem>>
    %dma_start3A_86 = arith.constant 0 : i32
    %dma_start3A_87 = arith.constant 0 : i32
    %dma_start3A_88 = tpu.memref_slice %arg13[%dma_start3A_86, %dma_start3A_87] : memref<10008x64xf32, #tpu.memory_space<vmem_shared>> -> memref<10008x64xf32, #tpu.memory_space<vmem_shared>>
    tpu.enqueue_indirect_dma source(%arg10 : memref<128x64xf32, #tpu.memory_space<vmem>>) target(%dma_start3A_88 : memref<10008x64xf32, #tpu.memory_space<vmem_shared>>) offsets(%dma_start3A_85 : memref<128xi32, #tpu.memory_space<vmem>>) semaphore(%arg20 : memref<!tpu.dma_semaphore, #tpu.memory_space<semaphore_mem>>) {add = true}
    %dma_wait3A_89 = arith.constant 3 : i32
    %dma_wait3A_90 = arith.constant 0 : i32
    %dma_wait3A_91 = tpu.memref_slice %arg6[%dma_wait3A_89, %dma_wait3A_90] : memref<40x128xi32, #tpu.memory_space<vmem>> -> memref<1x128xi32, #tpu.memory_space<vmem>>
    %dma_wait3A_92 = tpu.memref_squeeze %dma_wait3A_91 : memref<1x128xi32, #tpu.memory_space<vmem>> -> memref<128xi32, #tpu.memory_space<vmem>>
    %dma_wait3A_93 = arith.constant 0 : i32
    %dma_wait3A_94 = arith.constant 0 : i32
    %dma_wait3A_95 = tpu.memref_slice %arg12[%dma_wait3A_93, %dma_wait3A_94] : memref<10000x64xf32, #tpu.memory_space<vmem_shared>> -> memref<10000x64xf32, #tpu.memory_space<vmem_shared>>
    tpu.wait_indirect_dma semaphore(%arg17 : memref<!tpu.dma_semaphore, #tpu.memory_space<semaphore_mem>>) src(%dma_wait3A_95 : memref<10000x64xf32, #tpu.memory_space<vmem_shared>>) dst(%arg11 : memref<128x64xf32, #tpu.memory_space<vmem>>)
    %dma_wait3A_96 = arith.constant 1 : i32
    %dma_wait3A_97 = arith.constant 0 : i32
    %dma_wait3A_98 = tpu.memref_slice %arg7[%dma_wait3A_96, %dma_wait3A_97] : memref<40x128xi32, #tpu.memory_space<vmem>> -> memref<1x128xi32, #tpu.memory_space<vmem>>
    %dma_wait3A_99 = tpu.memref_squeeze %dma_wait3A_98 : memref<1x128xi32, #tpu.memory_space<vmem>> -> memref<128xi32, #tpu.memory_space<vmem>>
    %dma_wait3A_100 = arith.constant 0 : i32
    %dma_wait3A_101 = arith.constant 0 : i32
    %dma_wait3A_102 = tpu.memref_slice %arg13[%dma_wait3A_100, %dma_wait3A_101] : memref<10008x64xf32, #tpu.memory_space<vmem_shared>> -> memref<10008x64xf32, #tpu.memory_space<vmem_shared>>
    tpu.wait_indirect_dma semaphore(%arg19 : memref<!tpu.dma_semaphore, #tpu.memory_space<semaphore_mem>>) src(%arg9 : memref<128x64xf32, #tpu.memory_space<vmem>>) dst(%dma_wait3A_102 : memref<10008x64xf32, #tpu.memory_space<vmem_shared>>)
    %dma_start3A_103 = arith.constant 5 : i32
    %dma_start3A_104 = arith.constant 0 : i32
    %dma_start3A_105 = tpu.memref_slice %arg6[%dma_start3A_103, %dma_start3A_104] : memref<40x128xi32, #tpu.memory_space<vmem>> -> memref<1x128xi32, #tpu.memory_space<vmem>>
    %dma_start3A_106 = tpu.memref_squeeze %dma_start3A_105 : memref<1x128xi32, #tpu.memory_space<vmem>> -> memref<128xi32, #tpu.memory_space<vmem>>
    %dma_start3A_107 = arith.constant 0 : i32
    %dma_start3A_108 = arith.constant 0 : i32
    %dma_start3A_109 = tpu.memref_slice %arg12[%dma_start3A_107, %dma_start3A_108] : memref<10000x64xf32, #tpu.memory_space<vmem_shared>> -> memref<10000x64xf32, #tpu.memory_space<vmem_shared>>
    tpu.enqueue_indirect_dma source(%dma_start3A_109 : memref<10000x64xf32, #tpu.memory_space<vmem_shared>>) target(%arg9 : memref<128x64xf32, #tpu.memory_space<vmem>>) offsets(%dma_start3A_106 : memref<128xi32, #tpu.memory_space<vmem>>) semaphore(%arg15 : memref<!tpu.dma_semaphore, #tpu.memory_space<semaphore_mem>>)
    %dma_start3A_110 = arith.constant 3 : i32
    %dma_start3A_111 = arith.constant 0 : i32
    %dma_start3A_112 = tpu.memref_slice %arg7[%dma_start3A_110, %dma_start3A_111] : memref<40x128xi32, #tpu.memory_space<vmem>> -> memref<1x128xi32, #tpu.memory_space<vmem>>
    %dma_start3A_113 = tpu.memref_squeeze %dma_start3A_112 : memref<1x128xi32, #tpu.memory_space<vmem>> -> memref<128xi32, #tpu.memory_space<vmem>>
    %dma_start3A_114 = arith.constant 0 : i32
    %dma_start3A_115 = arith.constant 0 : i32
    %dma_start3A_116 = tpu.memref_slice %arg13[%dma_start3A_114, %dma_start3A_115] : memref<10008x64xf32, #tpu.memory_space<vmem_shared>> -> memref<10008x64xf32, #tpu.memory_space<vmem_shared>>
    tpu.enqueue_indirect_dma source(%arg11 : memref<128x64xf32, #tpu.memory_space<vmem>>) target(%dma_start3A_116 : memref<10008x64xf32, #tpu.memory_space<vmem_shared>>) offsets(%dma_start3A_113 : memref<128xi32, #tpu.memory_space<vmem>>) semaphore(%arg21 : memref<!tpu.dma_semaphore, #tpu.memory_space<semaphore_mem>>) {add = true}
    %scan3A = arith.constant 0 : i32
    %scan3A_117 = arith.constant 1 : i32
    %scan3A_118 = arith.constant 8 : i32
    %scan3A_119 = arith.addi %scan3A_117, %scan3A_118 : i32
    %scan3A_120 = arith.constant 1 : i32
    %scan3A_121 = scf.for %scan3A_939 = %scan3A_117 to %scan3A_119 step %scan3A_120 iter_args(%scan3A_940 = %scan3A) -> (i32)  : i32 {
      %mul3A_941 = arith.constant 4 : i32
      %mul3A_942 = arith.muli %mul3A_941, %scan3A_939 : i32
      %add3A = arith.constant 0 : i32
      %add3A_943 = arith.addi %mul3A_942, %add3A : i32
      %dma_wait3A_944 = arith.constant 0 : i32
      %dma_wait3A_945 = tpu.memref_slice %arg6[%add3A_943, %dma_wait3A_944] : memref<40x128xi32, #tpu.memory_space<vmem>> -> memref<1x128xi32, #tpu.memory_space<vmem>>
      %dma_wait3A_946 = tpu.memref_squeeze %dma_wait3A_945 : memref<1x128xi32, #tpu.memory_space<vmem>> -> memref<128xi32, #tpu.memory_space<vmem>>
      %dma_wait3A_947 = arith.constant 0 : i32
      %dma_wait3A_948 = arith.constant 0 : i32
      %dma_wait3A_949 = tpu.memref_slice %arg12[%dma_wait3A_947, %dma_wait3A_948] : memref<10000x64xf32, #tpu.memory_space<vmem_shared>> -> memref<10000x64xf32, #tpu.memory_space<vmem_shared>>
      tpu.wait_indirect_dma semaphore(%arg14 : memref<!tpu.dma_semaphore, #tpu.memory_space<semaphore_mem>>) src(%dma_wait3A_949 : memref<10000x64xf32, #tpu.memory_space<vmem_shared>>) dst(%arg8 : memref<128x64xf32, #tpu.memory_space<vmem>>)
      %sub3A = arith.constant 2 : i32
      %sub3A_950 = arith.subi %add3A_943, %sub3A : i32
      %dma_wait3A_951 = arith.constant 0 : i32
      %dma_wait3A_952 = tpu.memref_slice %arg7[%sub3A_950, %dma_wait3A_951] : memref<40x128xi32, #tpu.memory_space<vmem>> -> memref<1x128xi32, #tpu.memory_space<vmem>>
      %dma_wait3A_953 = tpu.memref_squeeze %dma_wait3A_952 : memref<1x128xi32, #tpu.memory_space<vmem>> -> memref<128xi32, #tpu.memory_space<vmem>>
      %dma_wait3A_954 = arith.constant 0 : i32
      %dma_wait3A_955 = arith.constant 0 : i32
      %dma_wait3A_956 = tpu.memref_slice %arg13[%dma_wait3A_954, %dma_wait3A_955] : memref<10008x64xf32, #tpu.memory_space<vmem_shared>> -> memref<10008x64xf32, #tpu.memory_space<vmem_shared>>
      tpu.wait_indirect_dma semaphore(%arg20 : memref<!tpu.dma_semaphore, #tpu.memory_space<semaphore_mem>>) src(%arg10 : memref<128x64xf32, #tpu.memory_space<vmem>>) dst(%dma_wait3A_956 : memref<10008x64xf32, #tpu.memory_space<vmem_shared>>)
      %add3A_957 = arith.constant 2 : i32
      %add3A_958 = arith.addi %add3A_943, %add3A_957 : i32
      %dma_start3A_959 = arith.constant 0 : i32
      %dma_start3A_960 = tpu.memref_slice %arg6[%add3A_958, %dma_start3A_959] : memref<40x128xi32, #tpu.memory_space<vmem>> -> memref<1x128xi32, #tpu.memory_space<vmem>>
      %dma_start3A_961 = tpu.memref_squeeze %dma_start3A_960 : memref<1x128xi32, #tpu.memory_space<vmem>> -> memref<128xi32, #tpu.memory_space<vmem>>
      %dma_start3A_962 = arith.constant 0 : i32
      %dma_start3A_963 = arith.constant 0 : i32
      %dma_start3A_964 = tpu.memref_slice %arg12[%dma_start3A_962, %dma_start3A_963] : memref<10000x64xf32, #tpu.memory_space<vmem_shared>> -> memref<10000x64xf32, #tpu.memory_space<vmem_shared>>
      tpu.enqueue_indirect_dma source(%dma_start3A_964 : memref<10000x64xf32, #tpu.memory_space<vmem_shared>>) target(%arg10 : memref<128x64xf32, #tpu.memory_space<vmem>>) offsets(%dma_start3A_961 : memref<128xi32, #tpu.memory_space<vmem>>) semaphore(%arg16 : memref<!tpu.dma_semaphore, #tpu.memory_space<semaphore_mem>>)
      %dma_start3A_965 = arith.constant 0 : i32
      %dma_start3A_966 = tpu.memref_slice %arg7[%add3A_943, %dma_start3A_965] : memref<40x128xi32, #tpu.memory_space<vmem>> -> memref<1x128xi32, #tpu.memory_space<vmem>>
      %dma_start3A_967 = tpu.memref_squeeze %dma_start3A_966 : memref<1x128xi32, #tpu.memory_space<vmem>> -> memref<128xi32, #tpu.memory_space<vmem>>
      %dma_start3A_968 = arith.constant 0 : i32
      %dma_start3A_969 = arith.constant 0 : i32
      %dma_start3A_970 = tpu.memref_slice %arg13[%dma_start3A_968, %dma_start3A_969] : memref<10008x64xf32, #tpu.memory_space<vmem_shared>> -> memref<10008x64xf32, #tpu.memory_space<vmem_shared>>
      tpu.enqueue_indirect_dma source(%arg8 : memref<128x64xf32, #tpu.memory_space<vmem>>) target(%dma_start3A_970 : memref<10008x64xf32, #tpu.memory_space<vmem_shared>>) offsets(%dma_start3A_967 : memref<128xi32, #tpu.memory_space<vmem>>) semaphore(%arg18 : memref<!tpu.dma_semaphore, #tpu.memory_space<semaphore_mem>>) {add = true}
      %add3A_971 = arith.constant 1 : i32
      %add3A_972 = arith.addi %mul3A_942, %add3A_971 : i32
      %dma_wait3A_973 = arith.constant 0 : i32
      %dma_wait3A_974 = tpu.memref_slice %arg6[%add3A_972, %dma_wait3A_973] : memref<40x128xi32, #tpu.memory_space<vmem>> -> memref<1x128xi32, #tpu.memory_space<vmem>>
      %dma_wait3A_975 = tpu.memref_squeeze %dma_wait3A_974 : memref<1x128xi32, #tpu.memory_space<vmem>> -> memref<128xi32, #tpu.memory_space<vmem>>
      %dma_wait3A_976 = arith.constant 0 : i32
      %dma_wait3A_977 = arith.constant 0 : i32
      %dma_wait3A_978 = tpu.memref_slice %arg12[%dma_wait3A_976, %dma_wait3A_977] : memref<10000x64xf32, #tpu.memory_space<vmem_shared>> -> memref<10000x64xf32, #tpu.memory_space<vmem_shared>>
      tpu.wait_indirect_dma semaphore(%arg15 : memref<!tpu.dma_semaphore, #tpu.memory_space<semaphore_mem>>) src(%dma_wait3A_978 : memref<10000x64xf32, #tpu.memory_space<vmem_shared>>) dst(%arg9 : memref<128x64xf32, #tpu.memory_space<vmem>>)
      %sub3A_979 = arith.constant 2 : i32
      %sub3A_980 = arith.subi %add3A_972, %sub3A_979 : i32
      %dma_wait3A_981 = arith.constant 0 : i32
      %dma_wait3A_982 = tpu.memref_slice %arg7[%sub3A_980, %dma_wait3A_981] : memref<40x128xi32, #tpu.memory_space<vmem>> -> memref<1x128xi32, #tpu.memory_space<vmem>>
      %dma_wait3A_983 = tpu.memref_squeeze %dma_wait3A_982 : memref<1x128xi32, #tpu.memory_space<vmem>> -> memref<128xi32, #tpu.memory_space<vmem>>
      %dma_wait3A_984 = arith.constant 0 : i32
      %dma_wait3A_985 = arith.constant 0 : i32
      %dma_wait3A_986 = tpu.memref_slice %arg13[%dma_wait3A_984, %dma_wait3A_985] : memref<10008x64xf32, #tpu.memory_space<vmem_shared>> -> memref<10008x64xf32, #tpu.memory_space<vmem_shared>>
      tpu.wait_indirect_dma semaphore(%arg21 : memref<!tpu.dma_semaphore, #tpu.memory_space<semaphore_mem>>) src(%arg11 : memref<128x64xf32, #tpu.memory_space<vmem>>) dst(%dma_wait3A_986 : memref<10008x64xf32, #tpu.memory_space<vmem_shared>>)
      %add3A_987 = arith.constant 2 : i32
      %add3A_988 = arith.addi %add3A_972, %add3A_987 : i32
      %dma_start3A_989 = arith.constant 0 : i32
      %dma_start3A_990 = tpu.memref_slice %arg6[%add3A_988, %dma_start3A_989] : memref<40x128xi32, #tpu.memory_space<vmem>> -> memref<1x128xi32, #tpu.memory_space<vmem>>
      %dma_start3A_991 = tpu.memref_squeeze %dma_start3A_990 : memref<1x128xi32, #tpu.memory_space<vmem>> -> memref<128xi32, #tpu.memory_space<vmem>>
      %dma_start3A_992 = arith.constant 0 : i32
      %dma_start3A_993 = arith.constant 0 : i32
      %dma_start3A_994 = tpu.memref_slice %arg12[%dma_start3A_992, %dma_start3A_993] : memref<10000x64xf32, #tpu.memory_space<vmem_shared>> -> memref<10000x64xf32, #tpu.memory_space<vmem_shared>>
      tpu.enqueue_indirect_dma source(%dma_start3A_994 : memref<10000x64xf32, #tpu.memory_space<vmem_shared>>) target(%arg11 : memref<128x64xf32, #tpu.memory_space<vmem>>) offsets(%dma_start3A_991 : memref<128xi32, #tpu.memory_space<vmem>>) semaphore(%arg17 : memref<!tpu.dma_semaphore, #tpu.memory_space<semaphore_mem>>)
      %dma_start3A_995 = arith.constant 0 : i32
      %dma_start3A_996 = tpu.memref_slice %arg7[%add3A_972, %dma_start3A_995] : memref<40x128xi32, #tpu.memory_space<vmem>> -> memref<1x128xi32, #tpu.memory_space<vmem>>
      %dma_start3A_997 = tpu.memref_squeeze %dma_start3A_996 : memref<1x128xi32, #tpu.memory_space<vmem>> -> memref<128xi32, #tpu.memory_space<vmem>>
      %dma_start3A_998 = arith.constant 0 : i32
      %dma_start3A_999 = arith.constant 0 : i32
      %dma_start3A_1000 = tpu.memref_slice %arg13[%dma_start3A_998, %dma_start3A_999] : memref<10008x64xf32, #tpu.memory_space<vmem_shared>> -> memref<10008x64xf32, #tpu.memory_space<vmem_shared>>
      tpu.enqueue_indirect_dma source(%arg9 : memref<128x64xf32, #tpu.memory_space<vmem>>) target(%dma_start3A_1000 : memref<10008x64xf32, #tpu.memory_space<vmem_shared>>) offsets(%dma_start3A_997 : memref<128xi32, #tpu.memory_space<vmem>>) semaphore(%arg19 : memref<!tpu.dma_semaphore, #tpu.memory_space<semaphore_mem>>) {add = true}
      %add3A_1001 = arith.constant 2 : i32
      %add3A_1002 = arith.addi %mul3A_942, %add3A_1001 : i32
      %dma_wait3A_1003 = arith.constant 0 : i32
      %dma_wait3A_1004 = tpu.memref_slice %arg6[%add3A_1002, %dma_wait3A_1003] : memref<40x128xi32, #tpu.memory_space<vmem>> -> memref<1x128xi32, #tpu.memory_space<vmem>>
      %dma_wait3A_1005 = tpu.memref_squeeze %dma_wait3A_1004 : memref<1x128xi32, #tpu.memory_space<vmem>> -> memref<128xi32, #tpu.memory_space<vmem>>
      %dma_wait3A_1006 = arith.constant 0 : i32
      %dma_wait3A_1007 = arith.constant 0 : i32
      %dma_wait3A_1008 = tpu.memref_slice %arg12[%dma_wait3A_1006, %dma_wait3A_1007] : memref<10000x64xf32, #tpu.memory_space<vmem_shared>> -> memref<10000x64xf32, #tpu.memory_space<vmem_shared>>
      tpu.wait_indirect_dma semaphore(%arg16 : memref<!tpu.dma_semaphore, #tpu.memory_space<semaphore_mem>>) src(%dma_wait3A_1008 : memref<10000x64xf32, #tpu.memory_space<vmem_shared>>) dst(%arg10 : memref<128x64xf32, #tpu.memory_space<vmem>>)
      %sub3A_1009 = arith.constant 2 : i32
      %sub3A_1010 = arith.subi %add3A_1002, %sub3A_1009 : i32
      %dma_wait3A_1011 = arith.constant 0 : i32
      %dma_wait3A_1012 = tpu.memref_slice %arg7[%sub3A_1010, %dma_wait3A_1011] : memref<40x128xi32, #tpu.memory_space<vmem>> -> memref<1x128xi32, #tpu.memory_space<vmem>>
      %dma_wait3A_1013 = tpu.memref_squeeze %dma_wait3A_1012 : memref<1x128xi32, #tpu.memory_space<vmem>> -> memref<128xi32, #tpu.memory_space<vmem>>
      %dma_wait3A_1014 = arith.constant 0 : i32
      %dma_wait3A_1015 = arith.constant 0 : i32
      %dma_wait3A_1016 = tpu.memref_slice %arg13[%dma_wait3A_1014, %dma_wait3A_1015] : memref<10008x64xf32, #tpu.memory_space<vmem_shared>> -> memref<10008x64xf32, #tpu.memory_space<vmem_shared>>
      tpu.wait_indirect_dma semaphore(%arg18 : memref<!tpu.dma_semaphore, #tpu.memory_space<semaphore_mem>>) src(%arg8 : memref<128x64xf32, #tpu.memory_space<vmem>>) dst(%dma_wait3A_1016 : memref<10008x64xf32, #tpu.memory_space<vmem_shared>>)
      %add3A_1017 = arith.constant 2 : i32
      %add3A_1018 = arith.addi %add3A_1002, %add3A_1017 : i32
      %dma_start3A_1019 = arith.constant 0 : i32
      %dma_start3A_1020 = tpu.memref_slice %arg6[%add3A_1018, %dma_start3A_1019] : memref<40x128xi32, #tpu.memory_space<vmem>> -> memref<1x128xi32, #tpu.memory_space<vmem>>
      %dma_start3A_1021 = tpu.memref_squeeze %dma_start3A_1020 : memref<1x128xi32, #tpu.memory_space<vmem>> -> memref<128xi32, #tpu.memory_space<vmem>>
      %dma_start3A_1022 = arith.constant 0 : i32
      %dma_start3A_1023 = arith.constant 0 : i32
      %dma_start3A_1024 = tpu.memref_slice %arg12[%dma_start3A_1022, %dma_start3A_1023] : memref<10000x64xf32, #tpu.memory_space<vmem_shared>> -> memref<10000x64xf32, #tpu.memory_space<vmem_shared>>
      tpu.enqueue_indirect_dma source(%dma_start3A_1024 : memref<10000x64xf32, #tpu.memory_space<vmem_shared>>) target(%arg8 : memref<128x64xf32, #tpu.memory_space<vmem>>) offsets(%dma_start3A_1021 : memref<128xi32, #tpu.memory_space<vmem>>) semaphore(%arg14 : memref<!tpu.dma_semaphore, #tpu.memory_space<semaphore_mem>>)
      %dma_start3A_1025 = arith.constant 0 : i32
      %dma_start3A_1026 = tpu.memref_slice %arg7[%add3A_1002, %dma_start3A_1025] : memref<40x128xi32, #tpu.memory_space<vmem>> -> memref<1x128xi32, #tpu.memory_space<vmem>>
      %dma_start3A_1027 = tpu.memref_squeeze %dma_start3A_1026 : memref<1x128xi32, #tpu.memory_space<vmem>> -> memref<128xi32, #tpu.memory_space<vmem>>
      %dma_start3A_1028 = arith.constant 0 : i32
      %dma_start3A_1029 = arith.constant 0 : i32
      %dma_start3A_1030 = tpu.memref_slice %arg13[%dma_start3A_1028, %dma_start3A_1029] : memref<10008x64xf32, #tpu.memory_space<vmem_shared>> -> memref<10008x64xf32, #tpu.memory_space<vmem_shared>>
      tpu.enqueue_indirect_dma source(%arg10 : memref<128x64xf32, #tpu.memory_space<vmem>>) target(%dma_start3A_1030 : memref<10008x64xf32, #tpu.memory_space<vmem_shared>>) offsets(%dma_start3A_1027 : memref<128xi32, #tpu.memory_space<vmem>>) semaphore(%arg20 : memref<!tpu.dma_semaphore, #tpu.memory_space<semaphore_mem>>) {add = true}
      %add3A_1031 = arith.constant 3 : i32
      %add3A_1032 = arith.addi %mul3A_942, %add3A_1031 : i32
      %dma_wait3A_1033 = arith.constant 0 : i32
      %dma_wait3A_1034 = tpu.memref_slice %arg6[%add3A_1032, %dma_wait3A_1033] : memref<40x128xi32, #tpu.memory_space<vmem>> -> memref<1x128xi32, #tpu.memory_space<vmem>>
      %dma_wait3A_1035 = tpu.memref_squeeze %dma_wait3A_1034 : memref<1x128xi32, #tpu.memory_space<vmem>> -> memref<128xi32, #tpu.memory_space<vmem>>
      %dma_wait3A_1036 = arith.constant 0 : i32
      %dma_wait3A_1037 = arith.constant 0 : i32
      %dma_wait3A_1038 = tpu.memref_slice %arg12[%dma_wait3A_1036, %dma_wait3A_1037] : memref<10000x64xf32, #tpu.memory_space<vmem_shared>> -> memref<10000x64xf32, #tpu.memory_space<vmem_shared>>
      tpu.wait_indirect_dma semaphore(%arg17 : memref<!tpu.dma_semaphore, #tpu.memory_space<semaphore_mem>>) src(%dma_wait3A_1038 : memref<10000x64xf32, #tpu.memory_space<vmem_shared>>) dst(%arg11 : memref<128x64xf32, #tpu.memory_space<vmem>>)
      %sub3A_1039 = arith.constant 2 : i32
      %sub3A_1040 = arith.subi %add3A_1032, %sub3A_1039 : i32
      %dma_wait3A_1041 = arith.constant 0 : i32
      %dma_wait3A_1042 = tpu.memref_slice %arg7[%sub3A_1040, %dma_wait3A_1041] : memref<40x128xi32, #tpu.memory_space<vmem>> -> memref<1x128xi32, #tpu.memory_space<vmem>>
      %dma_wait3A_1043 = tpu.memref_squeeze %dma_wait3A_1042 : memref<1x128xi32, #tpu.memory_space<vmem>> -> memref<128xi32, #tpu.memory_space<vmem>>
      %dma_wait3A_1044 = arith.constant 0 : i32
      %dma_wait3A_1045 = arith.constant 0 : i32
      %dma_wait3A_1046 = tpu.memref_slice %arg13[%dma_wait3A_1044, %dma_wait3A_1045] : memref<10008x64xf32, #tpu.memory_space<vmem_shared>> -> memref<10008x64xf32, #tpu.memory_space<vmem_shared>>
      tpu.wait_indirect_dma semaphore(%arg19 : memref<!tpu.dma_semaphore, #tpu.memory_space<semaphore_mem>>) src(%arg9 : memref<128x64xf32, #tpu.memory_space<vmem>>) dst(%dma_wait3A_1046 : memref<10008x64xf32, #tpu.memory_space<vmem_shared>>)
      %add3A_1047 = arith.constant 2 : i32
      %add3A_1048 = arith.addi %add3A_1032, %add3A_1047 : i32
      %dma_start3A_1049 = arith.constant 0 : i32
      %dma_start3A_1050 = tpu.memref_slice %arg6[%add3A_1048, %dma_start3A_1049] : memref<40x128xi32, #tpu.memory_space<vmem>> -> memref<1x128xi32, #tpu.memory_space<vmem>>
      %dma_start3A_1051 = tpu.memref_squeeze %dma_start3A_1050 : memref<1x128xi32, #tpu.memory_space<vmem>> -> memref<128xi32, #tpu.memory_space<vmem>>
      %dma_start3A_1052 = arith.constant 0 : i32
      %dma_start3A_1053 = arith.constant 0 : i32
      %dma_start3A_1054 = tpu.memref_slice %arg12[%dma_start3A_1052, %dma_start3A_1053] : memref<10000x64xf32, #tpu.memory_space<vmem_shared>> -> memref<10000x64xf32, #tpu.memory_space<vmem_shared>>
      tpu.enqueue_indirect_dma source(%dma_start3A_1054 : memref<10000x64xf32, #tpu.memory_space<vmem_shared>>) target(%arg9 : memref<128x64xf32, #tpu.memory_space<vmem>>) offsets(%dma_start3A_1051 : memref<128xi32, #tpu.memory_space<vmem>>) semaphore(%arg15 : memref<!tpu.dma_semaphore, #tpu.memory_space<semaphore_mem>>)
      %dma_start3A_1055 = arith.constant 0 : i32
      %dma_start3A_1056 = tpu.memref_slice %arg7[%add3A_1032, %dma_start3A_1055] : memref<40x128xi32, #tpu.memory_space<vmem>> -> memref<1x128xi32, #tpu.memory_space<vmem>>
      %dma_start3A_1057 = tpu.memref_squeeze %dma_start3A_1056 : memref<1x128xi32, #tpu.memory_space<vmem>> -> memref<128xi32, #tpu.memory_space<vmem>>
      %dma_start3A_1058 = arith.constant 0 : i32
      %dma_start3A_1059 = arith.constant 0 : i32
      %dma_start3A_1060 = tpu.memref_slice %arg13[%dma_start3A_1058, %dma_start3A_1059] : memref<10008x64xf32, #tpu.memory_space<vmem_shared>> -> memref<10008x64xf32, #tpu.memory_space<vmem_shared>>
      tpu.enqueue_indirect_dma source(%arg11 : memref<128x64xf32, #tpu.memory_space<vmem>>) target(%dma_start3A_1060 : memref<10008x64xf32, #tpu.memory_space<vmem_shared>>) offsets(%dma_start3A_1057 : memref<128xi32, #tpu.memory_space<vmem>>) semaphore(%arg21 : memref<!tpu.dma_semaphore, #tpu.memory_space<semaphore_mem>>) {add = true}
      %scan3A_1061 = arith.constant 0 : i32
      scf.yield %scan3A_1061 : i32
    }
    %scan3A_122 = arith.constant 8 : i32
    %dma_wait3A_123 = arith.constant 36 : i32
    %dma_wait3A_124 = arith.constant 0 : i32
    %dma_wait3A_125 = tpu.memref_slice %arg6[%dma_wait3A_123, %dma_wait3A_124] : memref<40x128xi32, #tpu.memory_space<vmem>> -> memref<1x128xi32, #tpu.memory_space<vmem>>
    %dma_wait3A_126 = tpu.memref_squeeze %dma_wait3A_125 : memref<1x128xi32, #tpu.memory_space<vmem>> -> memref<128xi32, #tpu.memory_space<vmem>>
    %dma_wait3A_127 = arith.constant 0 : i32
    %dma_wait3A_128 = arith.constant 0 : i32
    %dma_wait3A_129 = tpu.memref_slice %arg12[%dma_wait3A_127, %dma_wait3A_128] : memref<10000x64xf32, #tpu.memory_space<vmem_shared>> -> memref<10000x64xf32, #tpu.memory_space<vmem_shared>>
    tpu.wait_indirect_dma semaphore(%arg14 : memref<!tpu.dma_semaphore, #tpu.memory_space<semaphore_mem>>) src(%dma_wait3A_129 : memref<10000x64xf32, #tpu.memory_space<vmem_shared>>) dst(%arg8 : memref<128x64xf32, #tpu.memory_space<vmem>>)
    %dma_wait3A_130 = arith.constant 34 : i32
    %dma_wait3A_131 = arith.constant 0 : i32
    %dma_wait3A_132 = tpu.memref_slice %arg7[%dma_wait3A_130, %dma_wait3A_131] : memref<40x128xi32, #tpu.memory_space<vmem>> -> memref<1x128xi32, #tpu.memory_space<vmem>>
    %dma_wait3A_133 = tpu.memref_squeeze %dma_wait3A_132 : memref<1x128xi32, #tpu.memory_space<vmem>> -> memref<128xi32, #tpu.memory_space<vmem>>
    %dma_wait3A_134 = arith.constant 0 : i32
    %dma_wait3A_135 = arith.constant 0 : i32
    %dma_wait3A_136 = tpu.memref_slice %arg13[%dma_wait3A_134, %dma_wait3A_135] : memref<10008x64xf32, #tpu.memory_space<vmem_shared>> -> memref<10008x64xf32, #tpu.memory_space<vmem_shared>>
    tpu.wait_indirect_dma semaphore(%arg20 : memref<!tpu.dma_semaphore, #tpu.memory_space<semaphore_mem>>) src(%arg10 : memref<128x64xf32, #tpu.memory_space<vmem>>) dst(%dma_wait3A_136 : memref<10008x64xf32, #tpu.memory_space<vmem_shared>>)
    %dma_start3A_137 = arith.constant 38 : i32
    %dma_start3A_138 = arith.constant 0 : i32
    %dma_start3A_139 = tpu.memref_slice %arg6[%dma_start3A_137, %dma_start3A_138] : memref<40x128xi32, #tpu.memory_space<vmem>> -> memref<1x128xi32, #tpu.memory_space<vmem>>
    %dma_start3A_140 = tpu.memref_squeeze %dma_start3A_139 : memref<1x128xi32, #tpu.memory_space<vmem>> -> memref<128xi32, #tpu.memory_space<vmem>>
    %dma_start3A_141 = arith.constant 0 : i32
    %dma_start3A_142 = arith.constant 0 : i32
    %dma_start3A_143 = tpu.memref_slice %arg12[%dma_start3A_141, %dma_start3A_142] : memref<10000x64xf32, #tpu.memory_space<vmem_shared>> -> memref<10000x64xf32, #tpu.memory_space<vmem_shared>>
    tpu.enqueue_indirect_dma source(%dma_start3A_143 : memref<10000x64xf32, #tpu.memory_space<vmem_shared>>) target(%arg10 : memref<128x64xf32, #tpu.memory_space<vmem>>) offsets(%dma_start3A_140 : memref<128xi32, #tpu.memory_space<vmem>>) semaphore(%arg16 : memref<!tpu.dma_semaphore, #tpu.memory_space<semaphore_mem>>)
    %dma_start3A_144 = arith.constant 36 : i32
    %dma_start3A_145 = arith.constant 0 : i32
    %dma_start3A_146 = tpu.memref_slice %arg7[%dma_start3A_144, %dma_start3A_145] : memref<40x128xi32, #tpu.memory_space<vmem>> -> memref<1x128xi32, #tpu.memory_space<vmem>>
    %dma_start3A_147 = tpu.memref_squeeze %dma_start3A_146 : memref<1x128xi32, #tpu.memory_space<vmem>> -> memref<128xi32, #tpu.memory_space<vmem>>
    %dma_start3A_148 = arith.constant 0 : i32
    %dma_start3A_149 = arith.constant 0 : i32
    %dma_start3A_150 = tpu.memref_slice %arg13[%dma_start3A_148, %dma_start3A_149] : memref<10008x64xf32, #tpu.memory_space<vmem_shared>> -> memref<10008x64xf32, #tpu.memory_space<vmem_shared>>
    tpu.enqueue_indirect_dma source(%arg8 : memref<128x64xf32, #tpu.memory_space<vmem>>) target(%dma_start3A_150 : memref<10008x64xf32, #tpu.memory_space<vmem_shared>>) offsets(%dma_start3A_147 : memref<128xi32, #tpu.memory_space<vmem>>) semaphore(%arg18 : memref<!tpu.dma_semaphore, #tpu.memory_space<semaphore_mem>>) {add = true}
    %dma_wait3A_151 = arith.constant 37 : i32
    %dma_wait3A_152 = arith.constant 0 : i32
    %dma_wait3A_153 = tpu.memref_slice %arg6[%dma_wait3A_151, %dma_wait3A_152] : memref<40x128xi32, #tpu.memory_space<vmem>> -> memref<1x128xi32, #tpu.memory_space<vmem>>
    %dma_wait3A_154 = tpu.memref_squeeze %dma_wait3A_153 : memref<1x128xi32, #tpu.memory_space<vmem>> -> memref<128xi32, #tpu.memory_space<vmem>>
    %dma_wait3A_155 = arith.constant 0 : i32
    %dma_wait3A_156 = arith.constant 0 : i32
    %dma_wait3A_157 = tpu.memref_slice %arg12[%dma_wait3A_155, %dma_wait3A_156] : memref<10000x64xf32, #tpu.memory_space<vmem_shared>> -> memref<10000x64xf32, #tpu.memory_space<vmem_shared>>
    tpu.wait_indirect_dma semaphore(%arg15 : memref<!tpu.dma_semaphore, #tpu.memory_space<semaphore_mem>>) src(%dma_wait3A_157 : memref<10000x64xf32, #tpu.memory_space<vmem_shared>>) dst(%arg9 : memref<128x64xf32, #tpu.memory_space<vmem>>)
    %dma_wait3A_158 = arith.constant 35 : i32
    %dma_wait3A_159 = arith.constant 0 : i32
    %dma_wait3A_160 = tpu.memref_slice %arg7[%dma_wait3A_158, %dma_wait3A_159] : memref<40x128xi32, #tpu.memory_space<vmem>> -> memref<1x128xi32, #tpu.memory_space<vmem>>
    %dma_wait3A_161 = tpu.memref_squeeze %dma_wait3A_160 : memref<1x128xi32, #tpu.memory_space<vmem>> -> memref<128xi32, #tpu.memory_space<vmem>>
    %dma_wait3A_162 = arith.constant 0 : i32
    %dma_wait3A_163 = arith.constant 0 : i32
    %dma_wait3A_164 = tpu.memref_slice %arg13[%dma_wait3A_162, %dma_wait3A_163] : memref<10008x64xf32, #tpu.memory_space<vmem_shared>> -> memref<10008x64xf32, #tpu.memory_space<vmem_shared>>
    tpu.wait_indirect_dma semaphore(%arg21 : memref<!tpu.dma_semaphore, #tpu.memory_space<semaphore_mem>>) src(%arg11 : memref<128x64xf32, #tpu.memory_space<vmem>>) dst(%dma_wait3A_164 : memref<10008x64xf32, #tpu.memory_space<vmem_shared>>)
    %dma_start3A_165 = arith.constant 39 : i32
    %dma_start3A_166 = arith.constant 0 : i32
    %dma_start3A_167 = tpu.memref_slice %arg6[%dma_start3A_165, %dma_start3A_166] : memref<40x128xi32, #tpu.memory_space<vmem>> -> memref<1x128xi32, #tpu.memory_space<vmem>>
    %dma_start3A_168 = tpu.memref_squeeze %dma_start3A_167 : memref<1x128xi32, #tpu.memory_space<vmem>> -> memref<128xi32, #tpu.memory_space<vmem>>
    %dma_start3A_169 = arith.constant 0 : i32
    %dma_start3A_170 = arith.constant 0 : i32
    %dma_start3A_171 = tpu.memref_slice %arg12[%dma_start3A_169, %dma_start3A_170] : memref<10000x64xf32, #tpu.memory_space<vmem_shared>> -> memref<10000x64xf32, #tpu.memory_space<vmem_shared>>
    tpu.enqueue_indirect_dma source(%dma_start3A_171 : memref<10000x64xf32, #tpu.memory_space<vmem_shared>>) target(%arg11 : memref<128x64xf32, #tpu.memory_space<vmem>>) offsets(%dma_start3A_168 : memref<128xi32, #tpu.memory_space<vmem>>) semaphore(%arg17 : memref<!tpu.dma_semaphore, #tpu.memory_space<semaphore_mem>>)
    %dma_start3A_172 = arith.constant 37 : i32
    %dma_start3A_173 = arith.constant 0 : i32
    %dma_start3A_174 = tpu.memref_slice %arg7[%dma_start3A_172, %dma_start3A_173] : memref<40x128xi32, #tpu.memory_space<vmem>> -> memref<1x128xi32, #tpu.memory_space<vmem>>
    %dma_start3A_175 = tpu.memref_squeeze %dma_start3A_174 : memref<1x128xi32, #tpu.memory_space<vmem>> -> memref<128xi32, #tpu.memory_space<vmem>>
    %dma_start3A_176 = arith.constant 0 : i32
    %dma_start3A_177 = arith.constant 0 : i32
    %dma_start3A_178 = tpu.memref_slice %arg13[%dma_start3A_176, %dma_start3A_177] : memref<10008x64xf32, #tpu.memory_space<vmem_shared>> -> memref<10008x64xf32, #tpu.memory_space<vmem_shared>>
    tpu.enqueue_indirect_dma source(%arg9 : memref<128x64xf32, #tpu.memory_space<vmem>>) target(%dma_start3A_178 : memref<10008x64xf32, #tpu.memory_space<vmem_shared>>) offsets(%dma_start3A_175 : memref<128xi32, #tpu.memory_space<vmem>>) semaphore(%arg19 : memref<!tpu.dma_semaphore, #tpu.memory_space<semaphore_mem>>) {add = true}
    %dma_wait3A_179 = arith.constant 38 : i32
    %dma_wait3A_180 = arith.constant 0 : i32
    %dma_wait3A_181 = tpu.memref_slice %arg6[%dma_wait3A_179, %dma_wait3A_180] : memref<40x128xi32, #tpu.memory_space<vmem>> -> memref<1x128xi32, #tpu.memory_space<vmem>>
    %dma_wait3A_182 = tpu.memref_squeeze %dma_wait3A_181 : memref<1x128xi32, #tpu.memory_space<vmem>> -> memref<128xi32, #tpu.memory_space<vmem>>
    %dma_wait3A_183 = arith.constant 0 : i32
    %dma_wait3A_184 = arith.constant 0 : i32
    %dma_wait3A_185 = tpu.memref_slice %arg12[%dma_wait3A_183, %dma_wait3A_184] : memref<10000x64xf32, #tpu.memory_space<vmem_shared>> -> memref<10000x64xf32, #tpu.memory_space<vmem_shared>>
    tpu.wait_indirect_dma semaphore(%arg16 : memref<!tpu.dma_semaphore, #tpu.memory_space<semaphore_mem>>) src(%dma_wait3A_185 : memref<10000x64xf32, #tpu.memory_space<vmem_shared>>) dst(%arg10 : memref<128x64xf32, #tpu.memory_space<vmem>>)
    %dma_wait3A_186 = arith.constant 36 : i32
    %dma_wait3A_187 = arith.constant 0 : i32
    %dma_wait3A_188 = tpu.memref_slice %arg7[%dma_wait3A_186, %dma_wait3A_187] : memref<40x128xi32, #tpu.memory_space<vmem>> -> memref<1x128xi32, #tpu.memory_space<vmem>>
    %dma_wait3A_189 = tpu.memref_squeeze %dma_wait3A_188 : memref<1x128xi32, #tpu.memory_space<vmem>> -> memref<128xi32, #tpu.memory_space<vmem>>
    %dma_wait3A_190 = arith.constant 0 : i32
    %dma_wait3A_191 = arith.constant 0 : i32
    %dma_wait3A_192 = tpu.memref_slice %arg13[%dma_wait3A_190, %dma_wait3A_191] : memref<10008x64xf32, #tpu.memory_space<vmem_shared>> -> memref<10008x64xf32, #tpu.memory_space<vmem_shared>>
    tpu.wait_indirect_dma semaphore(%arg18 : memref<!tpu.dma_semaphore, #tpu.memory_space<semaphore_mem>>) src(%arg8 : memref<128x64xf32, #tpu.memory_space<vmem>>) dst(%dma_wait3A_192 : memref<10008x64xf32, #tpu.memory_space<vmem_shared>>)
    %dma_start3A_193 = arith.constant 38 : i32
    %dma_start3A_194 = arith.constant 0 : i32
    %dma_start3A_195 = tpu.memref_slice %arg7[%dma_start3A_193, %dma_start3A_194] : memref<40x128xi32, #tpu.memory_space<vmem>> -> memref<1x128xi32, #tpu.memory_space<vmem>>
    %dma_start3A_196 = tpu.memref_squeeze %dma_start3A_195 : memref<1x128xi32, #tpu.memory_space<vmem>> -> memref<128xi32, #tpu.memory_space<vmem>>
    %dma_start3A_197 = arith.constant 0 : i32
    %dma_start3A_198 = arith.constant 0 : i32
    %dma_start3A_199 = tpu.memref_slice %arg13[%dma_start3A_197, %dma_start3A_198] : memref<10008x64xf32, #tpu.memory_space<vmem_shared>> -> memref<10008x64xf32, #tpu.memory_space<vmem_shared>>
    tpu.enqueue_indirect_dma source(%arg10 : memref<128x64xf32, #tpu.memory_space<vmem>>) target(%dma_start3A_199 : memref<10008x64xf32, #tpu.memory_space<vmem_shared>>) offsets(%dma_start3A_196 : memref<128xi32, #tpu.memory_space<vmem>>) semaphore(%arg20 : memref<!tpu.dma_semaphore, #tpu.memory_space<semaphore_mem>>) {add = true}
    %dma_wait3A_200 = arith.constant 39 : i32
    %dma_wait3A_201 = arith.constant 0 : i32
    %dma_wait3A_202 = tpu.memref_slice %arg6[%dma_wait3A_200, %dma_wait3A_201] : memref<40x128xi32, #tpu.memory_space<vmem>> -> memref<1x128xi32, #tpu.memory_space<vmem>>
    %dma_wait3A_203 = tpu.memref_squeeze %dma_wait3A_202 : memref<1x128xi32, #tpu.memory_space<vmem>> -> memref<128xi32, #tpu.memory_space<vmem>>
    %dma_wait3A_204 = arith.constant 0 : i32
    %dma_wait3A_205 = arith.constant 0 : i32
    %dma_wait3A_206 = tpu.memref_slice %arg12[%dma_wait3A_204, %dma_wait3A_205] : memref<10000x64xf32, #tpu.memory_space<vmem_shared>> -> memref<10000x64xf32, #tpu.memory_space<vmem_shared>>
    tpu.wait_indirect_dma semaphore(%arg17 : memref<!tpu.dma_semaphore, #tpu.memory_space<semaphore_mem>>) src(%dma_wait3A_206 : memref<10000x64xf32, #tpu.memory_space<vmem_shared>>) dst(%arg11 : memref<128x64xf32, #tpu.memory_space<vmem>>)
    %dma_wait3A_207 = arith.constant 37 : i32
    %dma_wait3A_208 = arith.constant 0 : i32
    %dma_wait3A_209 = tpu.memref_slice %arg7[%dma_wait3A_207, %dma_wait3A_208] : memref<40x128xi32, #tpu.memory_space<vmem>> -> memref<1x128xi32, #tpu.memory_space<vmem>>
    %dma_wait3A_210 = tpu.memref_squeeze %dma_wait3A_209 : memref<1x128xi32, #tpu.memory_space<vmem>> -> memref<128xi32, #tpu.memory_space<vmem>>
    %dma_wait3A_211 = arith.constant 0 : i32
    %dma_wait3A_212 = arith.constant 0 : i32
    %dma_wait3A_213 = tpu.memref_slice %arg13[%dma_wait3A_211, %dma_wait3A_212] : memref<10008x64xf32, #tpu.memory_space<vmem_shared>> -> memref<10008x64xf32, #tpu.memory_space<vmem_shared>>
    tpu.wait_indirect_dma semaphore(%arg19 : memref<!tpu.dma_semaphore, #tpu.memory_space<semaphore_mem>>) src(%arg9 : memref<128x64xf32, #tpu.memory_space<vmem>>) dst(%dma_wait3A_213 : memref<10008x64xf32, #tpu.memory_space<vmem_shared>>)
    %dma_start3A_214 = arith.constant 39 : i32
    %dma_start3A_215 = arith.constant 0 : i32
    %dma_start3A_216 = tpu.memref_slice %arg7[%dma_start3A_214, %dma_start3A_215] : memref<40x128xi32, #tpu.memory_space<vmem>> -> memref<1x128xi32, #tpu.memory_space<vmem>>
    %dma_start3A_217 = tpu.memref_squeeze %dma_start3A_216 : memref<1x128xi32, #tpu.memory_space<vmem>> -> memref<128xi32, #tpu.memory_space<vmem>>
    %dma_start3A_218 = arith.constant 0 : i32
    %dma_start3A_219 = arith.constant 0 : i32
    %dma_start3A_220 = tpu.memref_slice %arg13[%dma_start3A_218, %dma_start3A_219] : memref<10008x64xf32, #tpu.memory_space<vmem_shared>> -> memref<10008x64xf32, #tpu.memory_space<vmem_shared>>
    tpu.enqueue_indirect_dma source(%arg11 : memref<128x64xf32, #tpu.memory_space<vmem>>) target(%dma_start3A_220 : memref<10008x64xf32, #tpu.memory_space<vmem_shared>>) offsets(%dma_start3A_217 : memref<128xi32, #tpu.memory_space<vmem>>) semaphore(%arg21 : memref<!tpu.dma_semaphore, #tpu.memory_space<semaphore_mem>>) {add = true}
    %dma_wait3A_221 = arith.constant 38 : i32
    %dma_wait3A_222 = arith.constant 0 : i32
    %dma_wait3A_223 = tpu.memref_slice %arg7[%dma_wait3A_221, %dma_wait3A_222] : memref<40x128xi32, #tpu.memory_space<vmem>> -> memref<1x128xi32, #tpu.memory_space<vmem>>
    %dma_wait3A_224 = tpu.memref_squeeze %dma_wait3A_223 : memref<1x128xi32, #tpu.memory_space<vmem>> -> memref<128xi32, #tpu.memory_space<vmem>>
    %dma_wait3A_225 = arith.constant 0 : i32
    %dma_wait3A_226 = arith.constant 0 : i32
    %dma_wait3A_227 = tpu.memref_slice %arg13[%dma_wait3A_225, %dma_wait3A_226] : memref<10008x64xf32, #tpu.memory_space<vmem_shared>> -> memref<10008x64xf32, #tpu.memory_space<vmem_shared>>
    tpu.wait_indirect_dma semaphore(%arg20 : memref<!tpu.dma_semaphore, #tpu.memory_space<semaphore_mem>>) src(%arg10 : memref<128x64xf32, #tpu.memory_space<vmem>>) dst(%dma_wait3A_227 : memref<10008x64xf32, #tpu.memory_space<vmem_shared>>)
    %dma_wait3A_228 = arith.constant 39 : i32
    %dma_wait3A_229 = arith.constant 0 : i32
    %dma_wait3A_230 = tpu.memref_slice %arg7[%dma_wait3A_228, %dma_wait3A_229] : memref<40x128xi32, #tpu.memory_space<vmem>> -> memref<1x128xi32, #tpu.memory_space<vmem>>
    %dma_wait3A_231 = tpu.memref_squeeze %dma_wait3A_230 : memref<1x128xi32, #tpu.memory_space<vmem>> -> memref<128xi32, #tpu.memory_space<vmem>>
    %dma_wait3A_232 = arith.constant 0 : i32
    %dma_wait3A_233 = arith.constant 0 : i32
    %dma_wait3A_234 = tpu.memref_slice %arg13[%dma_wait3A_232, %dma_wait3A_233] : memref<10008x64xf32, #tpu.memory_space<vmem_shared>> -> memref<10008x64xf32, #tpu.memory_space<vmem_shared>>
    tpu.wait_indirect_dma semaphore(%arg21 : memref<!tpu.dma_semaphore, #tpu.memory_space<semaphore_mem>>) src(%arg11 : memref<128x64xf32, #tpu.memory_space<vmem>>) dst(%dma_wait3A_234 : memref<10008x64xf32, #tpu.memory_space<vmem_shared>>)
    "tpu.region"() ({
      %run_scoped3A = tpu.sem_alloc : memref<!tpu.dma_semaphore, #tpu.memory_space<semaphore_mem>>
      %dma_start3A_939 = arith.constant 0 : i32
      %dma_start3A_940 = arith.constant 0 : i32
      %dma_start3A_941 = tpu.memref_slice %arg2[%arg1, %dma_start3A_939, %dma_start3A_940] : memref<16x160x128xi32, #tpu.memory_space<hbm>> -> memref<1x160x128xi32, #tpu.memory_space<hbm>>
      %dma_start3A_942 = tpu.memref_squeeze %dma_start3A_941 : memref<1x160x128xi32, #tpu.memory_space<hbm>> -> memref<160x128xi32, #tpu.memory_space<hbm>>
      %dma_start3A_943 = arith.constant 40 : i32
      %dma_start3A_944 = arith.constant 0 : i32
      %dma_start3A_945 = tpu.memref_slice %dma_start3A_942[%dma_start3A_943, %dma_start3A_944] : memref<160x128xi32, #tpu.memory_space<hbm>> -> memref<40x128xi32, #tpu.memory_space<hbm>>
      %dma_start3A_946 = arith.constant 0 : i32
      %dma_start3A_947 = arith.constant 0 : i32
      %dma_start3A_948 = tpu.memref_slice %arg2[%arg1, %dma_start3A_946, %dma_start3A_947] : memref<16x160x128xi32, #tpu.memory_space<hbm>> -> memref<1x160x128xi32, #tpu.memory_space<hbm>>
      %dma_start3A_949 = tpu.memref_squeeze %dma_start3A_948 : memref<1x160x128xi32, #tpu.memory_space<hbm>> -> memref<160x128xi32, #tpu.memory_space<hbm>>
      %dma_start3A_950 = arith.constant 40 : i32
      %dma_start3A_951 = arith.constant 0 : i32
      %dma_start3A_952 = tpu.memref_slice %dma_start3A_949[%dma_start3A_950, %dma_start3A_951] : memref<160x128xi32, #tpu.memory_space<hbm>> -> memref<40x128xi32, #tpu.memory_space<hbm>>
      tpu.enqueue_dma source(%dma_start3A_952 : memref<40x128xi32, #tpu.memory_space<hbm>>) target(%arg6 : memref<40x128xi32, #tpu.memory_space<vmem>>) target_semaphore(%run_scoped3A : memref<!tpu.dma_semaphore, #tpu.memory_space<semaphore_mem>>)
      %dma_wait3A_953 = arith.constant 0 : i32
      %dma_wait3A_954 = arith.constant 0 : i32
      %dma_wait3A_955 = tpu.memref_slice %arg2[%arg1, %dma_wait3A_953, %dma_wait3A_954] : memref<16x160x128xi32, #tpu.memory_space<hbm>> -> memref<1x160x128xi32, #tpu.memory_space<hbm>>
      %dma_wait3A_956 = tpu.memref_squeeze %dma_wait3A_955 : memref<1x160x128xi32, #tpu.memory_space<hbm>> -> memref<160x128xi32, #tpu.memory_space<hbm>>
      %dma_wait3A_957 = arith.constant 40 : i32
      %dma_wait3A_958 = arith.constant 0 : i32
      %dma_wait3A_959 = tpu.memref_slice %dma_wait3A_956[%dma_wait3A_957, %dma_wait3A_958] : memref<160x128xi32, #tpu.memory_space<hbm>> -> memref<40x128xi32, #tpu.memory_space<hbm>>
      %dma_wait3A_960 = arith.constant 0 : i32
      %dma_wait3A_961 = arith.constant 0 : i32
      %dma_wait3A_962 = tpu.memref_slice %arg2[%arg1, %dma_wait3A_960, %dma_wait3A_961] : memref<16x160x128xi32, #tpu.memory_space<hbm>> -> memref<1x160x128xi32, #tpu.memory_space<hbm>>
      %dma_wait3A_963 = tpu.memref_squeeze %dma_wait3A_962 : memref<1x160x128xi32, #tpu.memory_space<hbm>> -> memref<160x128xi32, #tpu.memory_space<hbm>>
      %dma_wait3A_964 = arith.constant 40 : i32
      %dma_wait3A_965 = arith.constant 0 : i32
      %dma_wait3A_966 = tpu.memref_slice %dma_wait3A_963[%dma_wait3A_964, %dma_wait3A_965] : memref<160x128xi32, #tpu.memory_space<hbm>> -> memref<40x128xi32, #tpu.memory_space<hbm>>
      tpu.wait_dma2 semaphore(%run_scoped3A : memref<!tpu.dma_semaphore, #tpu.memory_space<semaphore_mem>>) src(%dma_wait3A_966 : memref<40x128xi32, #tpu.memory_space<hbm>>) dst(%arg6 : memref<40x128xi32, #tpu.memory_space<vmem>>)
      tpu.yield
    }) : () -> ()
    "tpu.region"() ({
      %run_scoped3A = tpu.sem_alloc : memref<!tpu.dma_semaphore, #tpu.memory_space<semaphore_mem>>
      %dma_start3A_939 = arith.constant 0 : i32
      %dma_start3A_940 = arith.constant 0 : i32
      %dma_start3A_941 = tpu.memref_slice %arg3[%arg1, %dma_start3A_939, %dma_start3A_940] : memref<16x160x128xi32, #tpu.memory_space<hbm>> -> memref<1x160x128xi32, #tpu.memory_space<hbm>>
      %dma_start3A_942 = tpu.memref_squeeze %dma_start3A_941 : memref<1x160x128xi32, #tpu.memory_space<hbm>> -> memref<160x128xi32, #tpu.memory_space<hbm>>
      %dma_start3A_943 = arith.constant 40 : i32
      %dma_start3A_944 = arith.constant 0 : i32
      %dma_start3A_945 = tpu.memref_slice %dma_start3A_942[%dma_start3A_943, %dma_start3A_944] : memref<160x128xi32, #tpu.memory_space<hbm>> -> memref<40x128xi32, #tpu.memory_space<hbm>>
      %dma_start3A_946 = arith.constant 0 : i32
      %dma_start3A_947 = arith.constant 0 : i32
      %dma_start3A_948 = tpu.memref_slice %arg3[%arg1, %dma_start3A_946, %dma_start3A_947] : memref<16x160x128xi32, #tpu.memory_space<hbm>> -> memref<1x160x128xi32, #tpu.memory_space<hbm>>
      %dma_start3A_949 = tpu.memref_squeeze %dma_start3A_948 : memref<1x160x128xi32, #tpu.memory_space<hbm>> -> memref<160x128xi32, #tpu.memory_space<hbm>>
      %dma_start3A_950 = arith.constant 40 : i32
      %dma_start3A_951 = arith.constant 0 : i32
      %dma_start3A_952 = tpu.memref_slice %dma_start3A_949[%dma_start3A_950, %dma_start3A_951] : memref<160x128xi32, #tpu.memory_space<hbm>> -> memref<40x128xi32, #tpu.memory_space<hbm>>
      tpu.enqueue_dma source(%dma_start3A_952 : memref<40x128xi32, #tpu.memory_space<hbm>>) target(%arg7 : memref<40x128xi32, #tpu.memory_space<vmem>>) target_semaphore(%run_scoped3A : memref<!tpu.dma_semaphore, #tpu.memory_space<semaphore_mem>>)
      %dma_wait3A_953 = arith.constant 0 : i32
      %dma_wait3A_954 = arith.constant 0 : i32
      %dma_wait3A_955 = tpu.memref_slice %arg3[%arg1, %dma_wait3A_953, %dma_wait3A_954] : memref<16x160x128xi32, #tpu.memory_space<hbm>> -> memref<1x160x128xi32, #tpu.memory_space<hbm>>
      %dma_wait3A_956 = tpu.memref_squeeze %dma_wait3A_955 : memref<1x160x128xi32, #tpu.memory_space<hbm>> -> memref<160x128xi32, #tpu.memory_space<hbm>>
      %dma_wait3A_957 = arith.constant 40 : i32
      %dma_wait3A_958 = arith.constant 0 : i32
      %dma_wait3A_959 = tpu.memref_slice %dma_wait3A_956[%dma_wait3A_957, %dma_wait3A_958] : memref<160x128xi32, #tpu.memory_space<hbm>> -> memref<40x128xi32, #tpu.memory_space<hbm>>
      %dma_wait3A_960 = arith.constant 0 : i32
      %dma_wait3A_961 = arith.constant 0 : i32
      %dma_wait3A_962 = tpu.memref_slice %arg3[%arg1, %dma_wait3A_960, %dma_wait3A_961] : memref<16x160x128xi32, #tpu.memory_space<hbm>> -> memref<1x160x128xi32, #tpu.memory_space<hbm>>
      %dma_wait3A_963 = tpu.memref_squeeze %dma_wait3A_962 : memref<1x160x128xi32, #tpu.memory_space<hbm>> -> memref<160x128xi32, #tpu.memory_space<hbm>>
      %dma_wait3A_964 = arith.constant 40 : i32
      %dma_wait3A_965 = arith.constant 0 : i32
      %dma_wait3A_966 = tpu.memref_slice %dma_wait3A_963[%dma_wait3A_964, %dma_wait3A_965] : memref<160x128xi32, #tpu.memory_space<hbm>> -> memref<40x128xi32, #tpu.memory_space<hbm>>
      tpu.wait_dma2 semaphore(%run_scoped3A : memref<!tpu.dma_semaphore, #tpu.memory_space<semaphore_mem>>) src(%dma_wait3A_966 : memref<40x128xi32, #tpu.memory_space<hbm>>) dst(%arg7 : memref<40x128xi32, #tpu.memory_space<vmem>>)
      tpu.yield
    }) : () -> ()
    %dma_start3A_235 = arith.constant 0 : i32
    %dma_start3A_236 = arith.constant 0 : i32
    %dma_start3A_237 = tpu.memref_slice %arg6[%dma_start3A_235, %dma_start3A_236] : memref<40x128xi32, #tpu.memory_space<vmem>> -> memref<1x128xi32, #tpu.memory_space<vmem>>
    %dma_start3A_238 = tpu.memref_squeeze %dma_start3A_237 : memref<1x128xi32, #tpu.memory_space<vmem>> -> memref<128xi32, #tpu.memory_space<vmem>>
    %dma_start3A_239 = arith.constant 0 : i32
    %dma_start3A_240 = arith.constant 0 : i32
    %dma_start3A_241 = tpu.memref_slice %arg12[%dma_start3A_239, %dma_start3A_240] : memref<10000x64xf32, #tpu.memory_space<vmem_shared>> -> memref<10000x64xf32, #tpu.memory_space<vmem_shared>>
    tpu.enqueue_indirect_dma source(%dma_start3A_241 : memref<10000x64xf32, #tpu.memory_space<vmem_shared>>) target(%arg8 : memref<128x64xf32, #tpu.memory_space<vmem>>) offsets(%dma_start3A_238 : memref<128xi32, #tpu.memory_space<vmem>>) semaphore(%arg14 : memref<!tpu.dma_semaphore, #tpu.memory_space<semaphore_mem>>)
    %dma_start3A_242 = arith.constant 1 : i32
    %dma_start3A_243 = arith.constant 0 : i32
    %dma_start3A_244 = tpu.memref_slice %arg6[%dma_start3A_242, %dma_start3A_243] : memref<40x128xi32, #tpu.memory_space<vmem>> -> memref<1x128xi32, #tpu.memory_space<vmem>>
    %dma_start3A_245 = tpu.memref_squeeze %dma_start3A_244 : memref<1x128xi32, #tpu.memory_space<vmem>> -> memref<128xi32, #tpu.memory_space<vmem>>
    %dma_start3A_246 = arith.constant 0 : i32
    %dma_start3A_247 = arith.constant 0 : i32
    %dma_start3A_248 = tpu.memref_slice %arg12[%dma_start3A_246, %dma_start3A_247] : memref<10000x64xf32, #tpu.memory_space<vmem_shared>> -> memref<10000x64xf32, #tpu.memory_space<vmem_shared>>
    tpu.enqueue_indirect_dma source(%dma_start3A_248 : memref<10000x64xf32, #tpu.memory_space<vmem_shared>>) target(%arg9 : memref<128x64xf32, #tpu.memory_space<vmem>>) offsets(%dma_start3A_245 : memref<128xi32, #tpu.memory_space<vmem>>) semaphore(%arg15 : memref<!tpu.dma_semaphore, #tpu.memory_space<semaphore_mem>>)
    %dma_wait3A_249 = arith.constant 0 : i32
    %dma_wait3A_250 = arith.constant 0 : i32
    %dma_wait3A_251 = tpu.memref_slice %arg6[%dma_wait3A_249, %dma_wait3A_250] : memref<40x128xi32, #tpu.memory_space<vmem>> -> memref<1x128xi32, #tpu.memory_space<vmem>>
    %dma_wait3A_252 = tpu.memref_squeeze %dma_wait3A_251 : memref<1x128xi32, #tpu.memory_space<vmem>> -> memref<128xi32, #tpu.memory_space<vmem>>
    %dma_wait3A_253 = arith.constant 0 : i32
    %dma_wait3A_254 = arith.constant 0 : i32
    %dma_wait3A_255 = tpu.memref_slice %arg12[%dma_wait3A_253, %dma_wait3A_254] : memref<10000x64xf32, #tpu.memory_space<vmem_shared>> -> memref<10000x64xf32, #tpu.memory_space<vmem_shared>>
    tpu.wait_indirect_dma semaphore(%arg14 : memref<!tpu.dma_semaphore, #tpu.memory_space<semaphore_mem>>) src(%dma_wait3A_255 : memref<10000x64xf32, #tpu.memory_space<vmem_shared>>) dst(%arg8 : memref<128x64xf32, #tpu.memory_space<vmem>>)
    %dma_start3A_256 = arith.constant 2 : i32
    %dma_start3A_257 = arith.constant 0 : i32
    %dma_start3A_258 = tpu.memref_slice %arg6[%dma_start3A_256, %dma_start3A_257] : memref<40x128xi32, #tpu.memory_space<vmem>> -> memref<1x128xi32, #tpu.memory_space<vmem>>
    %dma_start3A_259 = tpu.memref_squeeze %dma_start3A_258 : memref<1x128xi32, #tpu.memory_space<vmem>> -> memref<128xi32, #tpu.memory_space<vmem>>
    %dma_start3A_260 = arith.constant 0 : i32
    %dma_start3A_261 = arith.constant 0 : i32
    %dma_start3A_262 = tpu.memref_slice %arg12[%dma_start3A_260, %dma_start3A_261] : memref<10000x64xf32, #tpu.memory_space<vmem_shared>> -> memref<10000x64xf32, #tpu.memory_space<vmem_shared>>
    tpu.enqueue_indirect_dma source(%dma_start3A_262 : memref<10000x64xf32, #tpu.memory_space<vmem_shared>>) target(%arg10 : memref<128x64xf32, #tpu.memory_space<vmem>>) offsets(%dma_start3A_259 : memref<128xi32, #tpu.memory_space<vmem>>) semaphore(%arg16 : memref<!tpu.dma_semaphore, #tpu.memory_space<semaphore_mem>>)
    %dma_start3A_263 = arith.constant 0 : i32
    %dma_start3A_264 = arith.constant 0 : i32
    %dma_start3A_265 = tpu.memref_slice %arg7[%dma_start3A_263, %dma_start3A_264] : memref<40x128xi32, #tpu.memory_space<vmem>> -> memref<1x128xi32, #tpu.memory_space<vmem>>
    %dma_start3A_266 = tpu.memref_squeeze %dma_start3A_265 : memref<1x128xi32, #tpu.memory_space<vmem>> -> memref<128xi32, #tpu.memory_space<vmem>>
    %dma_start3A_267 = arith.constant 0 : i32
    %dma_start3A_268 = arith.constant 0 : i32
    %dma_start3A_269 = tpu.memref_slice %arg13[%dma_start3A_267, %dma_start3A_268] : memref<10008x64xf32, #tpu.memory_space<vmem_shared>> -> memref<10008x64xf32, #tpu.memory_space<vmem_shared>>
    tpu.enqueue_indirect_dma source(%arg8 : memref<128x64xf32, #tpu.memory_space<vmem>>) target(%dma_start3A_269 : memref<10008x64xf32, #tpu.memory_space<vmem_shared>>) offsets(%dma_start3A_266 : memref<128xi32, #tpu.memory_space<vmem>>) semaphore(%arg18 : memref<!tpu.dma_semaphore, #tpu.memory_space<semaphore_mem>>) {add = true}
    %dma_wait3A_270 = arith.constant 1 : i32
    %dma_wait3A_271 = arith.constant 0 : i32
    %dma_wait3A_272 = tpu.memref_slice %arg6[%dma_wait3A_270, %dma_wait3A_271] : memref<40x128xi32, #tpu.memory_space<vmem>> -> memref<1x128xi32, #tpu.memory_space<vmem>>
    %dma_wait3A_273 = tpu.memref_squeeze %dma_wait3A_272 : memref<1x128xi32, #tpu.memory_space<vmem>> -> memref<128xi32, #tpu.memory_space<vmem>>
    %dma_wait3A_274 = arith.constant 0 : i32
    %dma_wait3A_275 = arith.constant 0 : i32
    %dma_wait3A_276 = tpu.memref_slice %arg12[%dma_wait3A_274, %dma_wait3A_275] : memref<10000x64xf32, #tpu.memory_space<vmem_shared>> -> memref<10000x64xf32, #tpu.memory_space<vmem_shared>>
    tpu.wait_indirect_dma semaphore(%arg15 : memref<!tpu.dma_semaphore, #tpu.memory_space<semaphore_mem>>) src(%dma_wait3A_276 : memref<10000x64xf32, #tpu.memory_space<vmem_shared>>) dst(%arg9 : memref<128x64xf32, #tpu.memory_space<vmem>>)
    %dma_start3A_277 = arith.constant 3 : i32
    %dma_start3A_278 = arith.constant 0 : i32
    %dma_start3A_279 = tpu.memref_slice %arg6[%dma_start3A_277, %dma_start3A_278] : memref<40x128xi32, #tpu.memory_space<vmem>> -> memref<1x128xi32, #tpu.memory_space<vmem>>
    %dma_start3A_280 = tpu.memref_squeeze %dma_start3A_279 : memref<1x128xi32, #tpu.memory_space<vmem>> -> memref<128xi32, #tpu.memory_space<vmem>>
    %dma_start3A_281 = arith.constant 0 : i32
    %dma_start3A_282 = arith.constant 0 : i32
    %dma_start3A_283 = tpu.memref_slice %arg12[%dma_start3A_281, %dma_start3A_282] : memref<10000x64xf32, #tpu.memory_space<vmem_shared>> -> memref<10000x64xf32, #tpu.memory_space<vmem_shared>>
    tpu.enqueue_indirect_dma source(%dma_start3A_283 : memref<10000x64xf32, #tpu.memory_space<vmem_shared>>) target(%arg11 : memref<128x64xf32, #tpu.memory_space<vmem>>) offsets(%dma_start3A_280 : memref<128xi32, #tpu.memory_space<vmem>>) semaphore(%arg17 : memref<!tpu.dma_semaphore, #tpu.memory_space<semaphore_mem>>)
    %dma_start3A_284 = arith.constant 1 : i32
    %dma_start3A_285 = arith.constant 0 : i32
    %dma_start3A_286 = tpu.memref_slice %arg7[%dma_start3A_284, %dma_start3A_285] : memref<40x128xi32, #tpu.memory_space<vmem>> -> memref<1x128xi32, #tpu.memory_space<vmem>>
    %dma_start3A_287 = tpu.memref_squeeze %dma_start3A_286 : memref<1x128xi32, #tpu.memory_space<vmem>> -> memref<128xi32, #tpu.memory_space<vmem>>
    %dma_start3A_288 = arith.constant 0 : i32
    %dma_start3A_289 = arith.constant 0 : i32
    %dma_start3A_290 = tpu.memref_slice %arg13[%dma_start3A_288, %dma_start3A_289] : memref<10008x64xf32, #tpu.memory_space<vmem_shared>> -> memref<10008x64xf32, #tpu.memory_space<vmem_shared>>
    tpu.enqueue_indirect_dma source(%arg9 : memref<128x64xf32, #tpu.memory_space<vmem>>) target(%dma_start3A_290 : memref<10008x64xf32, #tpu.memory_space<vmem_shared>>) offsets(%dma_start3A_287 : memref<128xi32, #tpu.memory_space<vmem>>) semaphore(%arg19 : memref<!tpu.dma_semaphore, #tpu.memory_space<semaphore_mem>>) {add = true}
    %dma_wait3A_291 = arith.constant 2 : i32
    %dma_wait3A_292 = arith.constant 0 : i32
    %dma_wait3A_293 = tpu.memref_slice %arg6[%dma_wait3A_291, %dma_wait3A_292] : memref<40x128xi32, #tpu.memory_space<vmem>> -> memref<1x128xi32, #tpu.memory_space<vmem>>
    %dma_wait3A_294 = tpu.memref_squeeze %dma_wait3A_293 : memref<1x128xi32, #tpu.memory_space<vmem>> -> memref<128xi32, #tpu.memory_space<vmem>>
    %dma_wait3A_295 = arith.constant 0 : i32
    %dma_wait3A_296 = arith.constant 0 : i32
    %dma_wait3A_297 = tpu.memref_slice %arg12[%dma_wait3A_295, %dma_wait3A_296] : memref<10000x64xf32, #tpu.memory_space<vmem_shared>> -> memref<10000x64xf32, #tpu.memory_space<vmem_shared>>
    tpu.wait_indirect_dma semaphore(%arg16 : memref<!tpu.dma_semaphore, #tpu.memory_space<semaphore_mem>>) src(%dma_wait3A_297 : memref<10000x64xf32, #tpu.memory_space<vmem_shared>>) dst(%arg10 : memref<128x64xf32, #tpu.memory_space<vmem>>)
    %dma_wait3A_298 = arith.constant 0 : i32
    %dma_wait3A_299 = arith.constant 0 : i32
    %dma_wait3A_300 = tpu.memref_slice %arg7[%dma_wait3A_298, %dma_wait3A_299] : memref<40x128xi32, #tpu.memory_space<vmem>> -> memref<1x128xi32, #tpu.memory_space<vmem>>
    %dma_wait3A_301 = tpu.memref_squeeze %dma_wait3A_300 : memref<1x128xi32, #tpu.memory_space<vmem>> -> memref<128xi32, #tpu.memory_space<vmem>>
    %dma_wait3A_302 = arith.constant 0 : i32
    %dma_wait3A_303 = arith.constant 0 : i32
    %dma_wait3A_304 = tpu.memref_slice %arg13[%dma_wait3A_302, %dma_wait3A_303] : memref<10008x64xf32, #tpu.memory_space<vmem_shared>> -> memref<10008x64xf32, #tpu.memory_space<vmem_shared>>
    tpu.wait_indirect_dma semaphore(%arg18 : memref<!tpu.dma_semaphore, #tpu.memory_space<semaphore_mem>>) src(%arg8 : memref<128x64xf32, #tpu.memory_space<vmem>>) dst(%dma_wait3A_304 : memref<10008x64xf32, #tpu.memory_space<vmem_shared>>)
    %dma_start3A_305 = arith.constant 4 : i32
    %dma_start3A_306 = arith.constant 0 : i32
    %dma_start3A_307 = tpu.memref_slice %arg6[%dma_start3A_305, %dma_start3A_306] : memref<40x128xi32, #tpu.memory_space<vmem>> -> memref<1x128xi32, #tpu.memory_space<vmem>>
    %dma_start3A_308 = tpu.memref_squeeze %dma_start3A_307 : memref<1x128xi32, #tpu.memory_space<vmem>> -> memref<128xi32, #tpu.memory_space<vmem>>
    %dma_start3A_309 = arith.constant 0 : i32
    %dma_start3A_310 = arith.constant 0 : i32
    %dma_start3A_311 = tpu.memref_slice %arg12[%dma_start3A_309, %dma_start3A_310] : memref<10000x64xf32, #tpu.memory_space<vmem_shared>> -> memref<10000x64xf32, #tpu.memory_space<vmem_shared>>
    tpu.enqueue_indirect_dma source(%dma_start3A_311 : memref<10000x64xf32, #tpu.memory_space<vmem_shared>>) target(%arg8 : memref<128x64xf32, #tpu.memory_space<vmem>>) offsets(%dma_start3A_308 : memref<128xi32, #tpu.memory_space<vmem>>) semaphore(%arg14 : memref<!tpu.dma_semaphore, #tpu.memory_space<semaphore_mem>>)
    %dma_start3A_312 = arith.constant 2 : i32
    %dma_start3A_313 = arith.constant 0 : i32
    %dma_start3A_314 = tpu.memref_slice %arg7[%dma_start3A_312, %dma_start3A_313] : memref<40x128xi32, #tpu.memory_space<vmem>> -> memref<1x128xi32, #tpu.memory_space<vmem>>
    %dma_start3A_315 = tpu.memref_squeeze %dma_start3A_314 : memref<1x128xi32, #tpu.memory_space<vmem>> -> memref<128xi32, #tpu.memory_space<vmem>>
    %dma_start3A_316 = arith.constant 0 : i32
    %dma_start3A_317 = arith.constant 0 : i32
    %dma_start3A_318 = tpu.memref_slice %arg13[%dma_start3A_316, %dma_start3A_317] : memref<10008x64xf32, #tpu.memory_space<vmem_shared>> -> memref<10008x64xf32, #tpu.memory_space<vmem_shared>>
    tpu.enqueue_indirect_dma source(%arg10 : memref<128x64xf32, #tpu.memory_space<vmem>>) target(%dma_start3A_318 : memref<10008x64xf32, #tpu.memory_space<vmem_shared>>) offsets(%dma_start3A_315 : memref<128xi32, #tpu.memory_space<vmem>>) semaphore(%arg20 : memref<!tpu.dma_semaphore, #tpu.memory_space<semaphore_mem>>) {add = true}
    %dma_wait3A_319 = arith.constant 3 : i32
    %dma_wait3A_320 = arith.constant 0 : i32
    %dma_wait3A_321 = tpu.memref_slice %arg6[%dma_wait3A_319, %dma_wait3A_320] : memref<40x128xi32, #tpu.memory_space<vmem>> -> memref<1x128xi32, #tpu.memory_space<vmem>>
    %dma_wait3A_322 = tpu.memref_squeeze %dma_wait3A_321 : memref<1x128xi32, #tpu.memory_space<vmem>> -> memref<128xi32, #tpu.memory_space<vmem>>
    %dma_wait3A_323 = arith.constant 0 : i32
    %dma_wait3A_324 = arith.constant 0 : i32
    %dma_wait3A_325 = tpu.memref_slice %arg12[%dma_wait3A_323, %dma_wait3A_324] : memref<10000x64xf32, #tpu.memory_space<vmem_shared>> -> memref<10000x64xf32, #tpu.memory_space<vmem_shared>>
    tpu.wait_indirect_dma semaphore(%arg17 : memref<!tpu.dma_semaphore, #tpu.memory_space<semaphore_mem>>) src(%dma_wait3A_325 : memref<10000x64xf32, #tpu.memory_space<vmem_shared>>) dst(%arg11 : memref<128x64xf32, #tpu.memory_space<vmem>>)
    %dma_wait3A_326 = arith.constant 1 : i32
    %dma_wait3A_327 = arith.constant 0 : i32
    %dma_wait3A_328 = tpu.memref_slice %arg7[%dma_wait3A_326, %dma_wait3A_327] : memref<40x128xi32, #tpu.memory_space<vmem>> -> memref<1x128xi32, #tpu.memory_space<vmem>>
    %dma_wait3A_329 = tpu.memref_squeeze %dma_wait3A_328 : memref<1x128xi32, #tpu.memory_space<vmem>> -> memref<128xi32, #tpu.memory_space<vmem>>
    %dma_wait3A_330 = arith.constant 0 : i32
    %dma_wait3A_331 = arith.constant 0 : i32
    %dma_wait3A_332 = tpu.memref_slice %arg13[%dma_wait3A_330, %dma_wait3A_331] : memref<10008x64xf32, #tpu.memory_space<vmem_shared>> -> memref<10008x64xf32, #tpu.memory_space<vmem_shared>>
    tpu.wait_indirect_dma semaphore(%arg19 : memref<!tpu.dma_semaphore, #tpu.memory_space<semaphore_mem>>) src(%arg9 : memref<128x64xf32, #tpu.memory_space<vmem>>) dst(%dma_wait3A_332 : memref<10008x64xf32, #tpu.memory_space<vmem_shared>>)
    %dma_start3A_333 = arith.constant 5 : i32
    %dma_start3A_334 = arith.constant 0 : i32
    %dma_start3A_335 = tpu.memref_slice %arg6[%dma_start3A_333, %dma_start3A_334] : memref<40x128xi32, #tpu.memory_space<vmem>> -> memref<1x128xi32, #tpu.memory_space<vmem>>
    %dma_start3A_336 = tpu.memref_squeeze %dma_start3A_335 : memref<1x128xi32, #tpu.memory_space<vmem>> -> memref<128xi32, #tpu.memory_space<vmem>>
    %dma_start3A_337 = arith.constant 0 : i32
    %dma_start3A_338 = arith.constant 0 : i32
    %dma_start3A_339 = tpu.memref_slice %arg12[%dma_start3A_337, %dma_start3A_338] : memref<10000x64xf32, #tpu.memory_space<vmem_shared>> -> memref<10000x64xf32, #tpu.memory_space<vmem_shared>>
    tpu.enqueue_indirect_dma source(%dma_start3A_339 : memref<10000x64xf32, #tpu.memory_space<vmem_shared>>) target(%arg9 : memref<128x64xf32, #tpu.memory_space<vmem>>) offsets(%dma_start3A_336 : memref<128xi32, #tpu.memory_space<vmem>>) semaphore(%arg15 : memref<!tpu.dma_semaphore, #tpu.memory_space<semaphore_mem>>)
    %dma_start3A_340 = arith.constant 3 : i32
    %dma_start3A_341 = arith.constant 0 : i32
    %dma_start3A_342 = tpu.memref_slice %arg7[%dma_start3A_340, %dma_start3A_341] : memref<40x128xi32, #tpu.memory_space<vmem>> -> memref<1x128xi32, #tpu.memory_space<vmem>>
    %dma_start3A_343 = tpu.memref_squeeze %dma_start3A_342 : memref<1x128xi32, #tpu.memory_space<vmem>> -> memref<128xi32, #tpu.memory_space<vmem>>
    %dma_start3A_344 = arith.constant 0 : i32
    %dma_start3A_345 = arith.constant 0 : i32
    %dma_start3A_346 = tpu.memref_slice %arg13[%dma_start3A_344, %dma_start3A_345] : memref<10008x64xf32, #tpu.memory_space<vmem_shared>> -> memref<10008x64xf32, #tpu.memory_space<vmem_shared>>
    tpu.enqueue_indirect_dma source(%arg11 : memref<128x64xf32, #tpu.memory_space<vmem>>) target(%dma_start3A_346 : memref<10008x64xf32, #tpu.memory_space<vmem_shared>>) offsets(%dma_start3A_343 : memref<128xi32, #tpu.memory_space<vmem>>) semaphore(%arg21 : memref<!tpu.dma_semaphore, #tpu.memory_space<semaphore_mem>>) {add = true}
    %scan3A_347 = arith.constant 0 : i32
    %scan3A_348 = arith.constant 1 : i32
    %scan3A_349 = arith.constant 8 : i32
    %scan3A_350 = arith.addi %scan3A_348, %scan3A_349 : i32
    %scan3A_351 = arith.constant 1 : i32
    %scan3A_352 = scf.for %scan3A_939 = %scan3A_348 to %scan3A_350 step %scan3A_351 iter_args(%scan3A_940 = %scan3A_347) -> (i32)  : i32 {
      %mul3A_941 = arith.constant 4 : i32
      %mul3A_942 = arith.muli %mul3A_941, %scan3A_939 : i32
      %add3A = arith.constant 0 : i32
      %add3A_943 = arith.addi %mul3A_942, %add3A : i32
      %dma_wait3A_944 = arith.constant 0 : i32
      %dma_wait3A_945 = tpu.memref_slice %arg6[%add3A_943, %dma_wait3A_944] : memref<40x128xi32, #tpu.memory_space<vmem>> -> memref<1x128xi32, #tpu.memory_space<vmem>>
      %dma_wait3A_946 = tpu.memref_squeeze %dma_wait3A_945 : memref<1x128xi32, #tpu.memory_space<vmem>> -> memref<128xi32, #tpu.memory_space<vmem>>
      %dma_wait3A_947 = arith.constant 0 : i32
      %dma_wait3A_948 = arith.constant 0 : i32
      %dma_wait3A_949 = tpu.memref_slice %arg12[%dma_wait3A_947, %dma_wait3A_948] : memref<10000x64xf32, #tpu.memory_space<vmem_shared>> -> memref<10000x64xf32, #tpu.memory_space<vmem_shared>>
      tpu.wait_indirect_dma semaphore(%arg14 : memref<!tpu.dma_semaphore, #tpu.memory_space<semaphore_mem>>) src(%dma_wait3A_949 : memref<10000x64xf32, #tpu.memory_space<vmem_shared>>) dst(%arg8 : memref<128x64xf32, #tpu.memory_space<vmem>>)
      %sub3A = arith.constant 2 : i32
      %sub3A_950 = arith.subi %add3A_943, %sub3A : i32
      %dma_wait3A_951 = arith.constant 0 : i32
      %dma_wait3A_952 = tpu.memref_slice %arg7[%sub3A_950, %dma_wait3A_951] : memref<40x128xi32, #tpu.memory_space<vmem>> -> memref<1x128xi32, #tpu.memory_space<vmem>>
      %dma_wait3A_953 = tpu.memref_squeeze %dma_wait3A_952 : memref<1x128xi32, #tpu.memory_space<vmem>> -> memref<128xi32, #tpu.memory_space<vmem>>
      %dma_wait3A_954 = arith.constant 0 : i32
      %dma_wait3A_955 = arith.constant 0 : i32
      %dma_wait3A_956 = tpu.memref_slice %arg13[%dma_wait3A_954, %dma_wait3A_955] : memref<10008x64xf32, #tpu.memory_space<vmem_shared>> -> memref<10008x64xf32, #tpu.memory_space<vmem_shared>>
      tpu.wait_indirect_dma semaphore(%arg20 : memref<!tpu.dma_semaphore, #tpu.memory_space<semaphore_mem>>) src(%arg10 : memref<128x64xf32, #tpu.memory_space<vmem>>) dst(%dma_wait3A_956 : memref<10008x64xf32, #tpu.memory_space<vmem_shared>>)
      %add3A_957 = arith.constant 2 : i32
      %add3A_958 = arith.addi %add3A_943, %add3A_957 : i32
      %dma_start3A_959 = arith.constant 0 : i32
      %dma_start3A_960 = tpu.memref_slice %arg6[%add3A_958, %dma_start3A_959] : memref<40x128xi32, #tpu.memory_space<vmem>> -> memref<1x128xi32, #tpu.memory_space<vmem>>
      %dma_start3A_961 = tpu.memref_squeeze %dma_start3A_960 : memref<1x128xi32, #tpu.memory_space<vmem>> -> memref<128xi32, #tpu.memory_space<vmem>>
      %dma_start3A_962 = arith.constant 0 : i32
      %dma_start3A_963 = arith.constant 0 : i32
      %dma_start3A_964 = tpu.memref_slice %arg12[%dma_start3A_962, %dma_start3A_963] : memref<10000x64xf32, #tpu.memory_space<vmem_shared>> -> memref<10000x64xf32, #tpu.memory_space<vmem_shared>>
      tpu.enqueue_indirect_dma source(%dma_start3A_964 : memref<10000x64xf32, #tpu.memory_space<vmem_shared>>) target(%arg10 : memref<128x64xf32, #tpu.memory_space<vmem>>) offsets(%dma_start3A_961 : memref<128xi32, #tpu.memory_space<vmem>>) semaphore(%arg16 : memref<!tpu.dma_semaphore, #tpu.memory_space<semaphore_mem>>)
      %dma_start3A_965 = arith.constant 0 : i32
      %dma_start3A_966 = tpu.memref_slice %arg7[%add3A_943, %dma_start3A_965] : memref<40x128xi32, #tpu.memory_space<vmem>> -> memref<1x128xi32, #tpu.memory_space<vmem>>
      %dma_start3A_967 = tpu.memref_squeeze %dma_start3A_966 : memref<1x128xi32, #tpu.memory_space<vmem>> -> memref<128xi32, #tpu.memory_space<vmem>>
      %dma_start3A_968 = arith.constant 0 : i32
      %dma_start3A_969 = arith.constant 0 : i32
      %dma_start3A_970 = tpu.memref_slice %arg13[%dma_start3A_968, %dma_start3A_969] : memref<10008x64xf32, #tpu.memory_space<vmem_shared>> -> memref<10008x64xf32, #tpu.memory_space<vmem_shared>>
      tpu.enqueue_indirect_dma source(%arg8 : memref<128x64xf32, #tpu.memory_space<vmem>>) target(%dma_start3A_970 : memref<10008x64xf32, #tpu.memory_space<vmem_shared>>) offsets(%dma_start3A_967 : memref<128xi32, #tpu.memory_space<vmem>>) semaphore(%arg18 : memref<!tpu.dma_semaphore, #tpu.memory_space<semaphore_mem>>) {add = true}
      %add3A_971 = arith.constant 1 : i32
      %add3A_972 = arith.addi %mul3A_942, %add3A_971 : i32
      %dma_wait3A_973 = arith.constant 0 : i32
      %dma_wait3A_974 = tpu.memref_slice %arg6[%add3A_972, %dma_wait3A_973] : memref<40x128xi32, #tpu.memory_space<vmem>> -> memref<1x128xi32, #tpu.memory_space<vmem>>
      %dma_wait3A_975 = tpu.memref_squeeze %dma_wait3A_974 : memref<1x128xi32, #tpu.memory_space<vmem>> -> memref<128xi32, #tpu.memory_space<vmem>>
      %dma_wait3A_976 = arith.constant 0 : i32
      %dma_wait3A_977 = arith.constant 0 : i32
      %dma_wait3A_978 = tpu.memref_slice %arg12[%dma_wait3A_976, %dma_wait3A_977] : memref<10000x64xf32, #tpu.memory_space<vmem_shared>> -> memref<10000x64xf32, #tpu.memory_space<vmem_shared>>
      tpu.wait_indirect_dma semaphore(%arg15 : memref<!tpu.dma_semaphore, #tpu.memory_space<semaphore_mem>>) src(%dma_wait3A_978 : memref<10000x64xf32, #tpu.memory_space<vmem_shared>>) dst(%arg9 : memref<128x64xf32, #tpu.memory_space<vmem>>)
      %sub3A_979 = arith.constant 2 : i32
      %sub3A_980 = arith.subi %add3A_972, %sub3A_979 : i32
      %dma_wait3A_981 = arith.constant 0 : i32
      %dma_wait3A_982 = tpu.memref_slice %arg7[%sub3A_980, %dma_wait3A_981] : memref<40x128xi32, #tpu.memory_space<vmem>> -> memref<1x128xi32, #tpu.memory_space<vmem>>
      %dma_wait3A_983 = tpu.memref_squeeze %dma_wait3A_982 : memref<1x128xi32, #tpu.memory_space<vmem>> -> memref<128xi32, #tpu.memory_space<vmem>>
      %dma_wait3A_984 = arith.constant 0 : i32
      %dma_wait3A_985 = arith.constant 0 : i32
      %dma_wait3A_986 = tpu.memref_slice %arg13[%dma_wait3A_984, %dma_wait3A_985] : memref<10008x64xf32, #tpu.memory_space<vmem_shared>> -> memref<10008x64xf32, #tpu.memory_space<vmem_shared>>
      tpu.wait_indirect_dma semaphore(%arg21 : memref<!tpu.dma_semaphore, #tpu.memory_space<semaphore_mem>>) src(%arg11 : memref<128x64xf32, #tpu.memory_space<vmem>>) dst(%dma_wait3A_986 : memref<10008x64xf32, #tpu.memory_space<vmem_shared>>)
      %add3A_987 = arith.constant 2 : i32
      %add3A_988 = arith.addi %add3A_972, %add3A_987 : i32
      %dma_start3A_989 = arith.constant 0 : i32
      %dma_start3A_990 = tpu.memref_slice %arg6[%add3A_988, %dma_start3A_989] : memref<40x128xi32, #tpu.memory_space<vmem>> -> memref<1x128xi32, #tpu.memory_space<vmem>>
      %dma_start3A_991 = tpu.memref_squeeze %dma_start3A_990 : memref<1x128xi32, #tpu.memory_space<vmem>> -> memref<128xi32, #tpu.memory_space<vmem>>
      %dma_start3A_992 = arith.constant 0 : i32
      %dma_start3A_993 = arith.constant 0 : i32
      %dma_start3A_994 = tpu.memref_slice %arg12[%dma_start3A_992, %dma_start3A_993] : memref<10000x64xf32, #tpu.memory_space<vmem_shared>> -> memref<10000x64xf32, #tpu.memory_space<vmem_shared>>
      tpu.enqueue_indirect_dma source(%dma_start3A_994 : memref<10000x64xf32, #tpu.memory_space<vmem_shared>>) target(%arg11 : memref<128x64xf32, #tpu.memory_space<vmem>>) offsets(%dma_start3A_991 : memref<128xi32, #tpu.memory_space<vmem>>) semaphore(%arg17 : memref<!tpu.dma_semaphore, #tpu.memory_space<semaphore_mem>>)
      %dma_start3A_995 = arith.constant 0 : i32
      %dma_start3A_996 = tpu.memref_slice %arg7[%add3A_972, %dma_start3A_995] : memref<40x128xi32, #tpu.memory_space<vmem>> -> memref<1x128xi32, #tpu.memory_space<vmem>>
      %dma_start3A_997 = tpu.memref_squeeze %dma_start3A_996 : memref<1x128xi32, #tpu.memory_space<vmem>> -> memref<128xi32, #tpu.memory_space<vmem>>
      %dma_start3A_998 = arith.constant 0 : i32
      %dma_start3A_999 = arith.constant 0 : i32
      %dma_start3A_1000 = tpu.memref_slice %arg13[%dma_start3A_998, %dma_start3A_999] : memref<10008x64xf32, #tpu.memory_space<vmem_shared>> -> memref<10008x64xf32, #tpu.memory_space<vmem_shared>>
      tpu.enqueue_indirect_dma source(%arg9 : memref<128x64xf32, #tpu.memory_space<vmem>>) target(%dma_start3A_1000 : memref<10008x64xf32, #tpu.memory_space<vmem_shared>>) offsets(%dma_start3A_997 : memref<128xi32, #tpu.memory_space<vmem>>) semaphore(%arg19 : memref<!tpu.dma_semaphore, #tpu.memory_space<semaphore_mem>>) {add = true}
      %add3A_1001 = arith.constant 2 : i32
      %add3A_1002 = arith.addi %mul3A_942, %add3A_1001 : i32
      %dma_wait3A_1003 = arith.constant 0 : i32
      %dma_wait3A_1004 = tpu.memref_slice %arg6[%add3A_1002, %dma_wait3A_1003] : memref<40x128xi32, #tpu.memory_space<vmem>> -> memref<1x128xi32, #tpu.memory_space<vmem>>
      %dma_wait3A_1005 = tpu.memref_squeeze %dma_wait3A_1004 : memref<1x128xi32, #tpu.memory_space<vmem>> -> memref<128xi32, #tpu.memory_space<vmem>>
      %dma_wait3A_1006 = arith.constant 0 : i32
      %dma_wait3A_1007 = arith.constant 0 : i32
      %dma_wait3A_1008 = tpu.memref_slice %arg12[%dma_wait3A_1006, %dma_wait3A_1007] : memref<10000x64xf32, #tpu.memory_space<vmem_shared>> -> memref<10000x64xf32, #tpu.memory_space<vmem_shared>>
      tpu.wait_indirect_dma semaphore(%arg16 : memref<!tpu.dma_semaphore, #tpu.memory_space<semaphore_mem>>) src(%dma_wait3A_1008 : memref<10000x64xf32, #tpu.memory_space<vmem_shared>>) dst(%arg10 : memref<128x64xf32, #tpu.memory_space<vmem>>)
      %sub3A_1009 = arith.constant 2 : i32
      %sub3A_1010 = arith.subi %add3A_1002, %sub3A_1009 : i32
      %dma_wait3A_1011 = arith.constant 0 : i32
      %dma_wait3A_1012 = tpu.memref_slice %arg7[%sub3A_1010, %dma_wait3A_1011] : memref<40x128xi32, #tpu.memory_space<vmem>> -> memref<1x128xi32, #tpu.memory_space<vmem>>
      %dma_wait3A_1013 = tpu.memref_squeeze %dma_wait3A_1012 : memref<1x128xi32, #tpu.memory_space<vmem>> -> memref<128xi32, #tpu.memory_space<vmem>>
      %dma_wait3A_1014 = arith.constant 0 : i32
      %dma_wait3A_1015 = arith.constant 0 : i32
      %dma_wait3A_1016 = tpu.memref_slice %arg13[%dma_wait3A_1014, %dma_wait3A_1015] : memref<10008x64xf32, #tpu.memory_space<vmem_shared>> -> memref<10008x64xf32, #tpu.memory_space<vmem_shared>>
      tpu.wait_indirect_dma semaphore(%arg18 : memref<!tpu.dma_semaphore, #tpu.memory_space<semaphore_mem>>) src(%arg8 : memref<128x64xf32, #tpu.memory_space<vmem>>) dst(%dma_wait3A_1016 : memref<10008x64xf32, #tpu.memory_space<vmem_shared>>)
      %add3A_1017 = arith.constant 2 : i32
      %add3A_1018 = arith.addi %add3A_1002, %add3A_1017 : i32
      %dma_start3A_1019 = arith.constant 0 : i32
      %dma_start3A_1020 = tpu.memref_slice %arg6[%add3A_1018, %dma_start3A_1019] : memref<40x128xi32, #tpu.memory_space<vmem>> -> memref<1x128xi32, #tpu.memory_space<vmem>>
      %dma_start3A_1021 = tpu.memref_squeeze %dma_start3A_1020 : memref<1x128xi32, #tpu.memory_space<vmem>> -> memref<128xi32, #tpu.memory_space<vmem>>
      %dma_start3A_1022 = arith.constant 0 : i32
      %dma_start3A_1023 = arith.constant 0 : i32
      %dma_start3A_1024 = tpu.memref_slice %arg12[%dma_start3A_1022, %dma_start3A_1023] : memref<10000x64xf32, #tpu.memory_space<vmem_shared>> -> memref<10000x64xf32, #tpu.memory_space<vmem_shared>>
      tpu.enqueue_indirect_dma source(%dma_start3A_1024 : memref<10000x64xf32, #tpu.memory_space<vmem_shared>>) target(%arg8 : memref<128x64xf32, #tpu.memory_space<vmem>>) offsets(%dma_start3A_1021 : memref<128xi32, #tpu.memory_space<vmem>>) semaphore(%arg14 : memref<!tpu.dma_semaphore, #tpu.memory_space<semaphore_mem>>)
      %dma_start3A_1025 = arith.constant 0 : i32
      %dma_start3A_1026 = tpu.memref_slice %arg7[%add3A_1002, %dma_start3A_1025] : memref<40x128xi32, #tpu.memory_space<vmem>> -> memref<1x128xi32, #tpu.memory_space<vmem>>
      %dma_start3A_1027 = tpu.memref_squeeze %dma_start3A_1026 : memref<1x128xi32, #tpu.memory_space<vmem>> -> memref<128xi32, #tpu.memory_space<vmem>>
      %dma_start3A_1028 = arith.constant 0 : i32
      %dma_start3A_1029 = arith.constant 0 : i32
      %dma_start3A_1030 = tpu.memref_slice %arg13[%dma_start3A_1028, %dma_start3A_1029] : memref<10008x64xf32, #tpu.memory_space<vmem_shared>> -> memref<10008x64xf32, #tpu.memory_space<vmem_shared>>
      tpu.enqueue_indirect_dma source(%arg10 : memref<128x64xf32, #tpu.memory_space<vmem>>) target(%dma_start3A_1030 : memref<10008x64xf32, #tpu.memory_space<vmem_shared>>) offsets(%dma_start3A_1027 : memref<128xi32, #tpu.memory_space<vmem>>) semaphore(%arg20 : memref<!tpu.dma_semaphore, #tpu.memory_space<semaphore_mem>>) {add = true}
      %add3A_1031 = arith.constant 3 : i32
      %add3A_1032 = arith.addi %mul3A_942, %add3A_1031 : i32
      %dma_wait3A_1033 = arith.constant 0 : i32
      %dma_wait3A_1034 = tpu.memref_slice %arg6[%add3A_1032, %dma_wait3A_1033] : memref<40x128xi32, #tpu.memory_space<vmem>> -> memref<1x128xi32, #tpu.memory_space<vmem>>
      %dma_wait3A_1035 = tpu.memref_squeeze %dma_wait3A_1034 : memref<1x128xi32, #tpu.memory_space<vmem>> -> memref<128xi32, #tpu.memory_space<vmem>>
      %dma_wait3A_1036 = arith.constant 0 : i32
      %dma_wait3A_1037 = arith.constant 0 : i32
      %dma_wait3A_1038 = tpu.memref_slice %arg12[%dma_wait3A_1036, %dma_wait3A_1037] : memref<10000x64xf32, #tpu.memory_space<vmem_shared>> -> memref<10000x64xf32, #tpu.memory_space<vmem_shared>>
      tpu.wait_indirect_dma semaphore(%arg17 : memref<!tpu.dma_semaphore, #tpu.memory_space<semaphore_mem>>) src(%dma_wait3A_1038 : memref<10000x64xf32, #tpu.memory_space<vmem_shared>>) dst(%arg11 : memref<128x64xf32, #tpu.memory_space<vmem>>)
      %sub3A_1039 = arith.constant 2 : i32
      %sub3A_1040 = arith.subi %add3A_1032, %sub3A_1039 : i32
      %dma_wait3A_1041 = arith.constant 0 : i32
      %dma_wait3A_1042 = tpu.memref_slice %arg7[%sub3A_1040, %dma_wait3A_1041] : memref<40x128xi32, #tpu.memory_space<vmem>> -> memref<1x128xi32, #tpu.memory_space<vmem>>
      %dma_wait3A_1043 = tpu.memref_squeeze %dma_wait3A_1042 : memref<1x128xi32, #tpu.memory_space<vmem>> -> memref<128xi32, #tpu.memory_space<vmem>>
      %dma_wait3A_1044 = arith.constant 0 : i32
      %dma_wait3A_1045 = arith.constant 0 : i32
      %dma_wait3A_1046 = tpu.memref_slice %arg13[%dma_wait3A_1044, %dma_wait3A_1045] : memref<10008x64xf32, #tpu.memory_space<vmem_shared>> -> memref<10008x64xf32, #tpu.memory_space<vmem_shared>>
      tpu.wait_indirect_dma semaphore(%arg19 : memref<!tpu.dma_semaphore, #tpu.memory_space<semaphore_mem>>) src(%arg9 : memref<128x64xf32, #tpu.memory_space<vmem>>) dst(%dma_wait3A_1046 : memref<10008x64xf32, #tpu.memory_space<vmem_shared>>)
      %add3A_1047 = arith.constant 2 : i32
      %add3A_1048 = arith.addi %add3A_1032, %add3A_1047 : i32
      %dma_start3A_1049 = arith.constant 0 : i32
      %dma_start3A_1050 = tpu.memref_slice %arg6[%add3A_1048, %dma_start3A_1049] : memref<40x128xi32, #tpu.memory_space<vmem>> -> memref<1x128xi32, #tpu.memory_space<vmem>>
      %dma_start3A_1051 = tpu.memref_squeeze %dma_start3A_1050 : memref<1x128xi32, #tpu.memory_space<vmem>> -> memref<128xi32, #tpu.memory_space<vmem>>
      %dma_start3A_1052 = arith.constant 0 : i32
      %dma_start3A_1053 = arith.constant 0 : i32
      %dma_start3A_1054 = tpu.memref_slice %arg12[%dma_start3A_1052, %dma_start3A_1053] : memref<10000x64xf32, #tpu.memory_space<vmem_shared>> -> memref<10000x64xf32, #tpu.memory_space<vmem_shared>>
      tpu.enqueue_indirect_dma source(%dma_start3A_1054 : memref<10000x64xf32, #tpu.memory_space<vmem_shared>>) target(%arg9 : memref<128x64xf32, #tpu.memory_space<vmem>>) offsets(%dma_start3A_1051 : memref<128xi32, #tpu.memory_space<vmem>>) semaphore(%arg15 : memref<!tpu.dma_semaphore, #tpu.memory_space<semaphore_mem>>)
      %dma_start3A_1055 = arith.constant 0 : i32
      %dma_start3A_1056 = tpu.memref_slice %arg7[%add3A_1032, %dma_start3A_1055] : memref<40x128xi32, #tpu.memory_space<vmem>> -> memref<1x128xi32, #tpu.memory_space<vmem>>
      %dma_start3A_1057 = tpu.memref_squeeze %dma_start3A_1056 : memref<1x128xi32, #tpu.memory_space<vmem>> -> memref<128xi32, #tpu.memory_space<vmem>>
      %dma_start3A_1058 = arith.constant 0 : i32
      %dma_start3A_1059 = arith.constant 0 : i32
      %dma_start3A_1060 = tpu.memref_slice %arg13[%dma_start3A_1058, %dma_start3A_1059] : memref<10008x64xf32, #tpu.memory_space<vmem_shared>> -> memref<10008x64xf32, #tpu.memory_space<vmem_shared>>
      tpu.enqueue_indirect_dma source(%arg11 : memref<128x64xf32, #tpu.memory_space<vmem>>) target(%dma_start3A_1060 : memref<10008x64xf32, #tpu.memory_space<vmem_shared>>) offsets(%dma_start3A_1057 : memref<128xi32, #tpu.memory_space<vmem>>) semaphore(%arg21 : memref<!tpu.dma_semaphore, #tpu.memory_space<semaphore_mem>>) {add = true}
      %scan3A_1061 = arith.constant 0 : i32
      scf.yield %scan3A_1061 : i32
    }
    %scan3A_353 = arith.constant 8 : i32
    %dma_wait3A_354 = arith.constant 36 : i32
    %dma_wait3A_355 = arith.constant 0 : i32
    %dma_wait3A_356 = tpu.memref_slice %arg6[%dma_wait3A_354, %dma_wait3A_355] : memref<40x128xi32, #tpu.memory_space<vmem>> -> memref<1x128xi32, #tpu.memory_space<vmem>>
    %dma_wait3A_357 = tpu.memref_squeeze %dma_wait3A_356 : memref<1x128xi32, #tpu.memory_space<vmem>> -> memref<128xi32, #tpu.memory_space<vmem>>
    %dma_wait3A_358 = arith.constant 0 : i32
    %dma_wait3A_359 = arith.constant 0 : i32
    %dma_wait3A_360 = tpu.memref_slice %arg12[%dma_wait3A_358, %dma_wait3A_359] : memref<10000x64xf32, #tpu.memory_space<vmem_shared>> -> memref<10000x64xf32, #tpu.memory_space<vmem_shared>>
    tpu.wait_indirect_dma semaphore(%arg14 : memref<!tpu.dma_semaphore, #tpu.memory_space<semaphore_mem>>) src(%dma_wait3A_360 : memref<10000x64xf32, #tpu.memory_space<vmem_shared>>) dst(%arg8 : memref<128x64xf32, #tpu.memory_space<vmem>>)
    %dma_wait3A_361 = arith.constant 34 : i32
    %dma_wait3A_362 = arith.constant 0 : i32
    %dma_wait3A_363 = tpu.memref_slice %arg7[%dma_wait3A_361, %dma_wait3A_362] : memref<40x128xi32, #tpu.memory_space<vmem>> -> memref<1x128xi32, #tpu.memory_space<vmem>>
    %dma_wait3A_364 = tpu.memref_squeeze %dma_wait3A_363 : memref<1x128xi32, #tpu.memory_space<vmem>> -> memref<128xi32, #tpu.memory_space<vmem>>
    %dma_wait3A_365 = arith.constant 0 : i32
    %dma_wait3A_366 = arith.constant 0 : i32
    %dma_wait3A_367 = tpu.memref_slice %arg13[%dma_wait3A_365, %dma_wait3A_366] : memref<10008x64xf32, #tpu.memory_space<vmem_shared>> -> memref<10008x64xf32, #tpu.memory_space<vmem_shared>>
    tpu.wait_indirect_dma semaphore(%arg20 : memref<!tpu.dma_semaphore, #tpu.memory_space<semaphore_mem>>) src(%arg10 : memref<128x64xf32, #tpu.memory_space<vmem>>) dst(%dma_wait3A_367 : memref<10008x64xf32, #tpu.memory_space<vmem_shared>>)
    %dma_start3A_368 = arith.constant 38 : i32
    %dma_start3A_369 = arith.constant 0 : i32
    %dma_start3A_370 = tpu.memref_slice %arg6[%dma_start3A_368, %dma_start3A_369] : memref<40x128xi32, #tpu.memory_space<vmem>> -> memref<1x128xi32, #tpu.memory_space<vmem>>
    %dma_start3A_371 = tpu.memref_squeeze %dma_start3A_370 : memref<1x128xi32, #tpu.memory_space<vmem>> -> memref<128xi32, #tpu.memory_space<vmem>>
    %dma_start3A_372 = arith.constant 0 : i32
    %dma_start3A_373 = arith.constant 0 : i32
    %dma_start3A_374 = tpu.memref_slice %arg12[%dma_start3A_372, %dma_start3A_373] : memref<10000x64xf32, #tpu.memory_space<vmem_shared>> -> memref<10000x64xf32, #tpu.memory_space<vmem_shared>>
    tpu.enqueue_indirect_dma source(%dma_start3A_374 : memref<10000x64xf32, #tpu.memory_space<vmem_shared>>) target(%arg10 : memref<128x64xf32, #tpu.memory_space<vmem>>) offsets(%dma_start3A_371 : memref<128xi32, #tpu.memory_space<vmem>>) semaphore(%arg16 : memref<!tpu.dma_semaphore, #tpu.memory_space<semaphore_mem>>)
    %dma_start3A_375 = arith.constant 36 : i32
    %dma_start3A_376 = arith.constant 0 : i32
    %dma_start3A_377 = tpu.memref_slice %arg7[%dma_start3A_375, %dma_start3A_376] : memref<40x128xi32, #tpu.memory_space<vmem>> -> memref<1x128xi32, #tpu.memory_space<vmem>>
    %dma_start3A_378 = tpu.memref_squeeze %dma_start3A_377 : memref<1x128xi32, #tpu.memory_space<vmem>> -> memref<128xi32, #tpu.memory_space<vmem>>
    %dma_start3A_379 = arith.constant 0 : i32
    %dma_start3A_380 = arith.constant 0 : i32
    %dma_start3A_381 = tpu.memref_slice %arg13[%dma_start3A_379, %dma_start3A_380] : memref<10008x64xf32, #tpu.memory_space<vmem_shared>> -> memref<10008x64xf32, #tpu.memory_space<vmem_shared>>
    tpu.enqueue_indirect_dma source(%arg8 : memref<128x64xf32, #tpu.memory_space<vmem>>) target(%dma_start3A_381 : memref<10008x64xf32, #tpu.memory_space<vmem_shared>>) offsets(%dma_start3A_378 : memref<128xi32, #tpu.memory_space<vmem>>) semaphore(%arg18 : memref<!tpu.dma_semaphore, #tpu.memory_space<semaphore_mem>>) {add = true}
    %dma_wait3A_382 = arith.constant 37 : i32
    %dma_wait3A_383 = arith.constant 0 : i32
    %dma_wait3A_384 = tpu.memref_slice %arg6[%dma_wait3A_382, %dma_wait3A_383] : memref<40x128xi32, #tpu.memory_space<vmem>> -> memref<1x128xi32, #tpu.memory_space<vmem>>
    %dma_wait3A_385 = tpu.memref_squeeze %dma_wait3A_384 : memref<1x128xi32, #tpu.memory_space<vmem>> -> memref<128xi32, #tpu.memory_space<vmem>>
    %dma_wait3A_386 = arith.constant 0 : i32
    %dma_wait3A_387 = arith.constant 0 : i32
    %dma_wait3A_388 = tpu.memref_slice %arg12[%dma_wait3A_386, %dma_wait3A_387] : memref<10000x64xf32, #tpu.memory_space<vmem_shared>> -> memref<10000x64xf32, #tpu.memory_space<vmem_shared>>
    tpu.wait_indirect_dma semaphore(%arg15 : memref<!tpu.dma_semaphore, #tpu.memory_space<semaphore_mem>>) src(%dma_wait3A_388 : memref<10000x64xf32, #tpu.memory_space<vmem_shared>>) dst(%arg9 : memref<128x64xf32, #tpu.memory_space<vmem>>)
    %dma_wait3A_389 = arith.constant 35 : i32
    %dma_wait3A_390 = arith.constant 0 : i32
    %dma_wait3A_391 = tpu.memref_slice %arg7[%dma_wait3A_389, %dma_wait3A_390] : memref<40x128xi32, #tpu.memory_space<vmem>> -> memref<1x128xi32, #tpu.memory_space<vmem>>
    %dma_wait3A_392 = tpu.memref_squeeze %dma_wait3A_391 : memref<1x128xi32, #tpu.memory_space<vmem>> -> memref<128xi32, #tpu.memory_space<vmem>>
    %dma_wait3A_393 = arith.constant 0 : i32
    %dma_wait3A_394 = arith.constant 0 : i32
    %dma_wait3A_395 = tpu.memref_slice %arg13[%dma_wait3A_393, %dma_wait3A_394] : memref<10008x64xf32, #tpu.memory_space<vmem_shared>> -> memref<10008x64xf32, #tpu.memory_space<vmem_shared>>
    tpu.wait_indirect_dma semaphore(%arg21 : memref<!tpu.dma_semaphore, #tpu.memory_space<semaphore_mem>>) src(%arg11 : memref<128x64xf32, #tpu.memory_space<vmem>>) dst(%dma_wait3A_395 : memref<10008x64xf32, #tpu.memory_space<vmem_shared>>)
    %dma_start3A_396 = arith.constant 39 : i32
    %dma_start3A_397 = arith.constant 0 : i32
    %dma_start3A_398 = tpu.memref_slice %arg6[%dma_start3A_396, %dma_start3A_397] : memref<40x128xi32, #tpu.memory_space<vmem>> -> memref<1x128xi32, #tpu.memory_space<vmem>>
    %dma_start3A_399 = tpu.memref_squeeze %dma_start3A_398 : memref<1x128xi32, #tpu.memory_space<vmem>> -> memref<128xi32, #tpu.memory_space<vmem>>
    %dma_start3A_400 = arith.constant 0 : i32
    %dma_start3A_401 = arith.constant 0 : i32
    %dma_start3A_402 = tpu.memref_slice %arg12[%dma_start3A_400, %dma_start3A_401] : memref<10000x64xf32, #tpu.memory_space<vmem_shared>> -> memref<10000x64xf32, #tpu.memory_space<vmem_shared>>
    tpu.enqueue_indirect_dma source(%dma_start3A_402 : memref<10000x64xf32, #tpu.memory_space<vmem_shared>>) target(%arg11 : memref<128x64xf32, #tpu.memory_space<vmem>>) offsets(%dma_start3A_399 : memref<128xi32, #tpu.memory_space<vmem>>) semaphore(%arg17 : memref<!tpu.dma_semaphore, #tpu.memory_space<semaphore_mem>>)
    %dma_start3A_403 = arith.constant 37 : i32
    %dma_start3A_404 = arith.constant 0 : i32
    %dma_start3A_405 = tpu.memref_slice %arg7[%dma_start3A_403, %dma_start3A_404] : memref<40x128xi32, #tpu.memory_space<vmem>> -> memref<1x128xi32, #tpu.memory_space<vmem>>
    %dma_start3A_406 = tpu.memref_squeeze %dma_start3A_405 : memref<1x128xi32, #tpu.memory_space<vmem>> -> memref<128xi32, #tpu.memory_space<vmem>>
    %dma_start3A_407 = arith.constant 0 : i32
    %dma_start3A_408 = arith.constant 0 : i32
    %dma_start3A_409 = tpu.memref_slice %arg13[%dma_start3A_407, %dma_start3A_408] : memref<10008x64xf32, #tpu.memory_space<vmem_shared>> -> memref<10008x64xf32, #tpu.memory_space<vmem_shared>>
    tpu.enqueue_indirect_dma source(%arg9 : memref<128x64xf32, #tpu.memory_space<vmem>>) target(%dma_start3A_409 : memref<10008x64xf32, #tpu.memory_space<vmem_shared>>) offsets(%dma_start3A_406 : memref<128xi32, #tpu.memory_space<vmem>>) semaphore(%arg19 : memref<!tpu.dma_semaphore, #tpu.memory_space<semaphore_mem>>) {add = true}
    %dma_wait3A_410 = arith.constant 38 : i32
    %dma_wait3A_411 = arith.constant 0 : i32
    %dma_wait3A_412 = tpu.memref_slice %arg6[%dma_wait3A_410, %dma_wait3A_411] : memref<40x128xi32, #tpu.memory_space<vmem>> -> memref<1x128xi32, #tpu.memory_space<vmem>>
    %dma_wait3A_413 = tpu.memref_squeeze %dma_wait3A_412 : memref<1x128xi32, #tpu.memory_space<vmem>> -> memref<128xi32, #tpu.memory_space<vmem>>
    %dma_wait3A_414 = arith.constant 0 : i32
    %dma_wait3A_415 = arith.constant 0 : i32
    %dma_wait3A_416 = tpu.memref_slice %arg12[%dma_wait3A_414, %dma_wait3A_415] : memref<10000x64xf32, #tpu.memory_space<vmem_shared>> -> memref<10000x64xf32, #tpu.memory_space<vmem_shared>>
    tpu.wait_indirect_dma semaphore(%arg16 : memref<!tpu.dma_semaphore, #tpu.memory_space<semaphore_mem>>) src(%dma_wait3A_416 : memref<10000x64xf32, #tpu.memory_space<vmem_shared>>) dst(%arg10 : memref<128x64xf32, #tpu.memory_space<vmem>>)
    %dma_wait3A_417 = arith.constant 36 : i32
    %dma_wait3A_418 = arith.constant 0 : i32
    %dma_wait3A_419 = tpu.memref_slice %arg7[%dma_wait3A_417, %dma_wait3A_418] : memref<40x128xi32, #tpu.memory_space<vmem>> -> memref<1x128xi32, #tpu.memory_space<vmem>>
    %dma_wait3A_420 = tpu.memref_squeeze %dma_wait3A_419 : memref<1x128xi32, #tpu.memory_space<vmem>> -> memref<128xi32, #tpu.memory_space<vmem>>
    %dma_wait3A_421 = arith.constant 0 : i32
    %dma_wait3A_422 = arith.constant 0 : i32
    %dma_wait3A_423 = tpu.memref_slice %arg13[%dma_wait3A_421, %dma_wait3A_422] : memref<10008x64xf32, #tpu.memory_space<vmem_shared>> -> memref<10008x64xf32, #tpu.memory_space<vmem_shared>>
    tpu.wait_indirect_dma semaphore(%arg18 : memref<!tpu.dma_semaphore, #tpu.memory_space<semaphore_mem>>) src(%arg8 : memref<128x64xf32, #tpu.memory_space<vmem>>) dst(%dma_wait3A_423 : memref<10008x64xf32, #tpu.memory_space<vmem_shared>>)
    %dma_start3A_424 = arith.constant 38 : i32
    %dma_start3A_425 = arith.constant 0 : i32
    %dma_start3A_426 = tpu.memref_slice %arg7[%dma_start3A_424, %dma_start3A_425] : memref<40x128xi32, #tpu.memory_space<vmem>> -> memref<1x128xi32, #tpu.memory_space<vmem>>
    %dma_start3A_427 = tpu.memref_squeeze %dma_start3A_426 : memref<1x128xi32, #tpu.memory_space<vmem>> -> memref<128xi32, #tpu.memory_space<vmem>>
    %dma_start3A_428 = arith.constant 0 : i32
    %dma_start3A_429 = arith.constant 0 : i32
    %dma_start3A_430 = tpu.memref_slice %arg13[%dma_start3A_428, %dma_start3A_429] : memref<10008x64xf32, #tpu.memory_space<vmem_shared>> -> memref<10008x64xf32, #tpu.memory_space<vmem_shared>>
    tpu.enqueue_indirect_dma source(%arg10 : memref<128x64xf32, #tpu.memory_space<vmem>>) target(%dma_start3A_430 : memref<10008x64xf32, #tpu.memory_space<vmem_shared>>) offsets(%dma_start3A_427 : memref<128xi32, #tpu.memory_space<vmem>>) semaphore(%arg20 : memref<!tpu.dma_semaphore, #tpu.memory_space<semaphore_mem>>) {add = true}
    %dma_wait3A_431 = arith.constant 39 : i32
    %dma_wait3A_432 = arith.constant 0 : i32
    %dma_wait3A_433 = tpu.memref_slice %arg6[%dma_wait3A_431, %dma_wait3A_432] : memref<40x128xi32, #tpu.memory_space<vmem>> -> memref<1x128xi32, #tpu.memory_space<vmem>>
    %dma_wait3A_434 = tpu.memref_squeeze %dma_wait3A_433 : memref<1x128xi32, #tpu.memory_space<vmem>> -> memref<128xi32, #tpu.memory_space<vmem>>
    %dma_wait3A_435 = arith.constant 0 : i32
    %dma_wait3A_436 = arith.constant 0 : i32
    %dma_wait3A_437 = tpu.memref_slice %arg12[%dma_wait3A_435, %dma_wait3A_436] : memref<10000x64xf32, #tpu.memory_space<vmem_shared>> -> memref<10000x64xf32, #tpu.memory_space<vmem_shared>>
    tpu.wait_indirect_dma semaphore(%arg17 : memref<!tpu.dma_semaphore, #tpu.memory_space<semaphore_mem>>) src(%dma_wait3A_437 : memref<10000x64xf32, #tpu.memory_space<vmem_shared>>) dst(%arg11 : memref<128x64xf32, #tpu.memory_space<vmem>>)
    %dma_wait3A_438 = arith.constant 37 : i32
    %dma_wait3A_439 = arith.constant 0 : i32
    %dma_wait3A_440 = tpu.memref_slice %arg7[%dma_wait3A_438, %dma_wait3A_439] : memref<40x128xi32, #tpu.memory_space<vmem>> -> memref<1x128xi32, #tpu.memory_space<vmem>>
    %dma_wait3A_441 = tpu.memref_squeeze %dma_wait3A_440 : memref<1x128xi32, #tpu.memory_space<vmem>> -> memref<128xi32, #tpu.memory_space<vmem>>
    %dma_wait3A_442 = arith.constant 0 : i32
    %dma_wait3A_443 = arith.constant 0 : i32
    %dma_wait3A_444 = tpu.memref_slice %arg13[%dma_wait3A_442, %dma_wait3A_443] : memref<10008x64xf32, #tpu.memory_space<vmem_shared>> -> memref<10008x64xf32, #tpu.memory_space<vmem_shared>>
    tpu.wait_indirect_dma semaphore(%arg19 : memref<!tpu.dma_semaphore, #tpu.memory_space<semaphore_mem>>) src(%arg9 : memref<128x64xf32, #tpu.memory_space<vmem>>) dst(%dma_wait3A_444 : memref<10008x64xf32, #tpu.memory_space<vmem_shared>>)
    %dma_start3A_445 = arith.constant 39 : i32
    %dma_start3A_446 = arith.constant 0 : i32
    %dma_start3A_447 = tpu.memref_slice %arg7[%dma_start3A_445, %dma_start3A_446] : memref<40x128xi32, #tpu.memory_space<vmem>> -> memref<1x128xi32, #tpu.memory_space<vmem>>
    %dma_start3A_448 = tpu.memref_squeeze %dma_start3A_447 : memref<1x128xi32, #tpu.memory_space<vmem>> -> memref<128xi32, #tpu.memory_space<vmem>>
    %dma_start3A_449 = arith.constant 0 : i32
    %dma_start3A_450 = arith.constant 0 : i32
    %dma_start3A_451 = tpu.memref_slice %arg13[%dma_start3A_449, %dma_start3A_450] : memref<10008x64xf32, #tpu.memory_space<vmem_shared>> -> memref<10008x64xf32, #tpu.memory_space<vmem_shared>>
    tpu.enqueue_indirect_dma source(%arg11 : memref<128x64xf32, #tpu.memory_space<vmem>>) target(%dma_start3A_451 : memref<10008x64xf32, #tpu.memory_space<vmem_shared>>) offsets(%dma_start3A_448 : memref<128xi32, #tpu.memory_space<vmem>>) semaphore(%arg21 : memref<!tpu.dma_semaphore, #tpu.memory_space<semaphore_mem>>) {add = true}
    %dma_wait3A_452 = arith.constant 38 : i32
    %dma_wait3A_453 = arith.constant 0 : i32
    %dma_wait3A_454 = tpu.memref_slice %arg7[%dma_wait3A_452, %dma_wait3A_453] : memref<40x128xi32, #tpu.memory_space<vmem>> -> memref<1x128xi32, #tpu.memory_space<vmem>>
    %dma_wait3A_455 = tpu.memref_squeeze %dma_wait3A_454 : memref<1x128xi32, #tpu.memory_space<vmem>> -> memref<128xi32, #tpu.memory_space<vmem>>
    %dma_wait3A_456 = arith.constant 0 : i32
    %dma_wait3A_457 = arith.constant 0 : i32
    %dma_wait3A_458 = tpu.memref_slice %arg13[%dma_wait3A_456, %dma_wait3A_457] : memref<10008x64xf32, #tpu.memory_space<vmem_shared>> -> memref<10008x64xf32, #tpu.memory_space<vmem_shared>>
    tpu.wait_indirect_dma semaphore(%arg20 : memref<!tpu.dma_semaphore, #tpu.memory_space<semaphore_mem>>) src(%arg10 : memref<128x64xf32, #tpu.memory_space<vmem>>) dst(%dma_wait3A_458 : memref<10008x64xf32, #tpu.memory_space<vmem_shared>>)
    %dma_wait3A_459 = arith.constant 39 : i32
    %dma_wait3A_460 = arith.constant 0 : i32
    %dma_wait3A_461 = tpu.memref_slice %arg7[%dma_wait3A_459, %dma_wait3A_460] : memref<40x128xi32, #tpu.memory_space<vmem>> -> memref<1x128xi32, #tpu.memory_space<vmem>>
    %dma_wait3A_462 = tpu.memref_squeeze %dma_wait3A_461 : memref<1x128xi32, #tpu.memory_space<vmem>> -> memref<128xi32, #tpu.memory_space<vmem>>
    %dma_wait3A_463 = arith.constant 0 : i32
    %dma_wait3A_464 = arith.constant 0 : i32
    %dma_wait3A_465 = tpu.memref_slice %arg13[%dma_wait3A_463, %dma_wait3A_464] : memref<10008x64xf32, #tpu.memory_space<vmem_shared>> -> memref<10008x64xf32, #tpu.memory_space<vmem_shared>>
    tpu.wait_indirect_dma semaphore(%arg21 : memref<!tpu.dma_semaphore, #tpu.memory_space<semaphore_mem>>) src(%arg11 : memref<128x64xf32, #tpu.memory_space<vmem>>) dst(%dma_wait3A_465 : memref<10008x64xf32, #tpu.memory_space<vmem_shared>>)
    "tpu.region"() ({
      %run_scoped3A = tpu.sem_alloc : memref<!tpu.dma_semaphore, #tpu.memory_space<semaphore_mem>>
      %dma_start3A_939 = arith.constant 0 : i32
      %dma_start3A_940 = arith.constant 0 : i32
      %dma_start3A_941 = tpu.memref_slice %arg2[%arg1, %dma_start3A_939, %dma_start3A_940] : memref<16x160x128xi32, #tpu.memory_space<hbm>> -> memref<1x160x128xi32, #tpu.memory_space<hbm>>
      %dma_start3A_942 = tpu.memref_squeeze %dma_start3A_941 : memref<1x160x128xi32, #tpu.memory_space<hbm>> -> memref<160x128xi32, #tpu.memory_space<hbm>>
      %dma_start3A_943 = arith.constant 80 : i32
      %dma_start3A_944 = arith.constant 0 : i32
      %dma_start3A_945 = tpu.memref_slice %dma_start3A_942[%dma_start3A_943, %dma_start3A_944] : memref<160x128xi32, #tpu.memory_space<hbm>> -> memref<40x128xi32, #tpu.memory_space<hbm>>
      %dma_start3A_946 = arith.constant 0 : i32
      %dma_start3A_947 = arith.constant 0 : i32
      %dma_start3A_948 = tpu.memref_slice %arg2[%arg1, %dma_start3A_946, %dma_start3A_947] : memref<16x160x128xi32, #tpu.memory_space<hbm>> -> memref<1x160x128xi32, #tpu.memory_space<hbm>>
      %dma_start3A_949 = tpu.memref_squeeze %dma_start3A_948 : memref<1x160x128xi32, #tpu.memory_space<hbm>> -> memref<160x128xi32, #tpu.memory_space<hbm>>
      %dma_start3A_950 = arith.constant 80 : i32
      %dma_start3A_951 = arith.constant 0 : i32
      %dma_start3A_952 = tpu.memref_slice %dma_start3A_949[%dma_start3A_950, %dma_start3A_951] : memref<160x128xi32, #tpu.memory_space<hbm>> -> memref<40x128xi32, #tpu.memory_space<hbm>>
      tpu.enqueue_dma source(%dma_start3A_952 : memref<40x128xi32, #tpu.memory_space<hbm>>) target(%arg6 : memref<40x128xi32, #tpu.memory_space<vmem>>) target_semaphore(%run_scoped3A : memref<!tpu.dma_semaphore, #tpu.memory_space<semaphore_mem>>)
      %dma_wait3A_953 = arith.constant 0 : i32
      %dma_wait3A_954 = arith.constant 0 : i32
      %dma_wait3A_955 = tpu.memref_slice %arg2[%arg1, %dma_wait3A_953, %dma_wait3A_954] : memref<16x160x128xi32, #tpu.memory_space<hbm>> -> memref<1x160x128xi32, #tpu.memory_space<hbm>>
      %dma_wait3A_956 = tpu.memref_squeeze %dma_wait3A_955 : memref<1x160x128xi32, #tpu.memory_space<hbm>> -> memref<160x128xi32, #tpu.memory_space<hbm>>
      %dma_wait3A_957 = arith.constant 80 : i32
      %dma_wait3A_958 = arith.constant 0 : i32
      %dma_wait3A_959 = tpu.memref_slice %dma_wait3A_956[%dma_wait3A_957, %dma_wait3A_958] : memref<160x128xi32, #tpu.memory_space<hbm>> -> memref<40x128xi32, #tpu.memory_space<hbm>>
      %dma_wait3A_960 = arith.constant 0 : i32
      %dma_wait3A_961 = arith.constant 0 : i32
      %dma_wait3A_962 = tpu.memref_slice %arg2[%arg1, %dma_wait3A_960, %dma_wait3A_961] : memref<16x160x128xi32, #tpu.memory_space<hbm>> -> memref<1x160x128xi32, #tpu.memory_space<hbm>>
      %dma_wait3A_963 = tpu.memref_squeeze %dma_wait3A_962 : memref<1x160x128xi32, #tpu.memory_space<hbm>> -> memref<160x128xi32, #tpu.memory_space<hbm>>
      %dma_wait3A_964 = arith.constant 80 : i32
      %dma_wait3A_965 = arith.constant 0 : i32
      %dma_wait3A_966 = tpu.memref_slice %dma_wait3A_963[%dma_wait3A_964, %dma_wait3A_965] : memref<160x128xi32, #tpu.memory_space<hbm>> -> memref<40x128xi32, #tpu.memory_space<hbm>>
      tpu.wait_dma2 semaphore(%run_scoped3A : memref<!tpu.dma_semaphore, #tpu.memory_space<semaphore_mem>>) src(%dma_wait3A_966 : memref<40x128xi32, #tpu.memory_space<hbm>>) dst(%arg6 : memref<40x128xi32, #tpu.memory_space<vmem>>)
      tpu.yield
    }) : () -> ()
    "tpu.region"() ({
      %run_scoped3A = tpu.sem_alloc : memref<!tpu.dma_semaphore, #tpu.memory_space<semaphore_mem>>
      %dma_start3A_939 = arith.constant 0 : i32
      %dma_start3A_940 = arith.constant 0 : i32
      %dma_start3A_941 = tpu.memref_slice %arg3[%arg1, %dma_start3A_939, %dma_start3A_940] : memref<16x160x128xi32, #tpu.memory_space<hbm>> -> memref<1x160x128xi32, #tpu.memory_space<hbm>>
      %dma_start3A_942 = tpu.memref_squeeze %dma_start3A_941 : memref<1x160x128xi32, #tpu.memory_space<hbm>> -> memref<160x128xi32, #tpu.memory_space<hbm>>
      %dma_start3A_943 = arith.constant 80 : i32
      %dma_start3A_944 = arith.constant 0 : i32
      %dma_start3A_945 = tpu.memref_slice %dma_start3A_942[%dma_start3A_943, %dma_start3A_944] : memref<160x128xi32, #tpu.memory_space<hbm>> -> memref<40x128xi32, #tpu.memory_space<hbm>>
      %dma_start3A_946 = arith.constant 0 : i32
      %dma_start3A_947 = arith.constant 0 : i32
      %dma_start3A_948 = tpu.memref_slice %arg3[%arg1, %dma_start3A_946, %dma_start3A_947] : memref<16x160x128xi32, #tpu.memory_space<hbm>> -> memref<1x160x128xi32, #tpu.memory_space<hbm>>
      %dma_start3A_949 = tpu.memref_squeeze %dma_start3A_948 : memref<1x160x128xi32, #tpu.memory_space<hbm>> -> memref<160x128xi32, #tpu.memory_space<hbm>>
      %dma_start3A_950 = arith.constant 80 : i32
      %dma_start3A_951 = arith.constant 0 : i32
      %dma_start3A_952 = tpu.memref_slice %dma_start3A_949[%dma_start3A_950, %dma_start3A_951] : memref<160x128xi32, #tpu.memory_space<hbm>> -> memref<40x128xi32, #tpu.memory_space<hbm>>
      tpu.enqueue_dma source(%dma_start3A_952 : memref<40x128xi32, #tpu.memory_space<hbm>>) target(%arg7 : memref<40x128xi32, #tpu.memory_space<vmem>>) target_semaphore(%run_scoped3A : memref<!tpu.dma_semaphore, #tpu.memory_space<semaphore_mem>>)
      %dma_wait3A_953 = arith.constant 0 : i32
      %dma_wait3A_954 = arith.constant 0 : i32
      %dma_wait3A_955 = tpu.memref_slice %arg3[%arg1, %dma_wait3A_953, %dma_wait3A_954] : memref<16x160x128xi32, #tpu.memory_space<hbm>> -> memref<1x160x128xi32, #tpu.memory_space<hbm>>
      %dma_wait3A_956 = tpu.memref_squeeze %dma_wait3A_955 : memref<1x160x128xi32, #tpu.memory_space<hbm>> -> memref<160x128xi32, #tpu.memory_space<hbm>>
      %dma_wait3A_957 = arith.constant 80 : i32
      %dma_wait3A_958 = arith.constant 0 : i32
      %dma_wait3A_959 = tpu.memref_slice %dma_wait3A_956[%dma_wait3A_957, %dma_wait3A_958] : memref<160x128xi32, #tpu.memory_space<hbm>> -> memref<40x128xi32, #tpu.memory_space<hbm>>
      %dma_wait3A_960 = arith.constant 0 : i32
      %dma_wait3A_961 = arith.constant 0 : i32
      %dma_wait3A_962 = tpu.memref_slice %arg3[%arg1, %dma_wait3A_960, %dma_wait3A_961] : memref<16x160x128xi32, #tpu.memory_space<hbm>> -> memref<1x160x128xi32, #tpu.memory_space<hbm>>
      %dma_wait3A_963 = tpu.memref_squeeze %dma_wait3A_962 : memref<1x160x128xi32, #tpu.memory_space<hbm>> -> memref<160x128xi32, #tpu.memory_space<hbm>>
      %dma_wait3A_964 = arith.constant 80 : i32
      %dma_wait3A_965 = arith.constant 0 : i32
      %dma_wait3A_966 = tpu.memref_slice %dma_wait3A_963[%dma_wait3A_964, %dma_wait3A_965] : memref<160x128xi32, #tpu.memory_space<hbm>> -> memref<40x128xi32, #tpu.memory_space<hbm>>
      tpu.wait_dma2 semaphore(%run_scoped3A : memref<!tpu.dma_semaphore, #tpu.memory_space<semaphore_mem>>) src(%dma_wait3A_966 : memref<40x128xi32, #tpu.memory_space<hbm>>) dst(%arg7 : memref<40x128xi32, #tpu.memory_space<vmem>>)
      tpu.yield
    }) : () -> ()
    %dma_start3A_466 = arith.constant 0 : i32
    %dma_start3A_467 = arith.constant 0 : i32
    %dma_start3A_468 = tpu.memref_slice %arg6[%dma_start3A_466, %dma_start3A_467] : memref<40x128xi32, #tpu.memory_space<vmem>> -> memref<1x128xi32, #tpu.memory_space<vmem>>
    %dma_start3A_469 = tpu.memref_squeeze %dma_start3A_468 : memref<1x128xi32, #tpu.memory_space<vmem>> -> memref<128xi32, #tpu.memory_space<vmem>>
    %dma_start3A_470 = arith.constant 0 : i32
    %dma_start3A_471 = arith.constant 0 : i32
    %dma_start3A_472 = tpu.memref_slice %arg12[%dma_start3A_470, %dma_start3A_471] : memref<10000x64xf32, #tpu.memory_space<vmem_shared>> -> memref<10000x64xf32, #tpu.memory_space<vmem_shared>>
    tpu.enqueue_indirect_dma source(%dma_start3A_472 : memref<10000x64xf32, #tpu.memory_space<vmem_shared>>) target(%arg8 : memref<128x64xf32, #tpu.memory_space<vmem>>) offsets(%dma_start3A_469 : memref<128xi32, #tpu.memory_space<vmem>>) semaphore(%arg14 : memref<!tpu.dma_semaphore, #tpu.memory_space<semaphore_mem>>)
    %dma_start3A_473 = arith.constant 1 : i32
    %dma_start3A_474 = arith.constant 0 : i32
    %dma_start3A_475 = tpu.memref_slice %arg6[%dma_start3A_473, %dma_start3A_474] : memref<40x128xi32, #tpu.memory_space<vmem>> -> memref<1x128xi32, #tpu.memory_space<vmem>>
    %dma_start3A_476 = tpu.memref_squeeze %dma_start3A_475 : memref<1x128xi32, #tpu.memory_space<vmem>> -> memref<128xi32, #tpu.memory_space<vmem>>
    %dma_start3A_477 = arith.constant 0 : i32
    %dma_start3A_478 = arith.constant 0 : i32
    %dma_start3A_479 = tpu.memref_slice %arg12[%dma_start3A_477, %dma_start3A_478] : memref<10000x64xf32, #tpu.memory_space<vmem_shared>> -> memref<10000x64xf32, #tpu.memory_space<vmem_shared>>
    tpu.enqueue_indirect_dma source(%dma_start3A_479 : memref<10000x64xf32, #tpu.memory_space<vmem_shared>>) target(%arg9 : memref<128x64xf32, #tpu.memory_space<vmem>>) offsets(%dma_start3A_476 : memref<128xi32, #tpu.memory_space<vmem>>) semaphore(%arg15 : memref<!tpu.dma_semaphore, #tpu.memory_space<semaphore_mem>>)
    %dma_wait3A_480 = arith.constant 0 : i32
    %dma_wait3A_481 = arith.constant 0 : i32
    %dma_wait3A_482 = tpu.memref_slice %arg6[%dma_wait3A_480, %dma_wait3A_481] : memref<40x128xi32, #tpu.memory_space<vmem>> -> memref<1x128xi32, #tpu.memory_space<vmem>>
    %dma_wait3A_483 = tpu.memref_squeeze %dma_wait3A_482 : memref<1x128xi32, #tpu.memory_space<vmem>> -> memref<128xi32, #tpu.memory_space<vmem>>
    %dma_wait3A_484 = arith.constant 0 : i32
    %dma_wait3A_485 = arith.constant 0 : i32
    %dma_wait3A_486 = tpu.memref_slice %arg12[%dma_wait3A_484, %dma_wait3A_485] : memref<10000x64xf32, #tpu.memory_space<vmem_shared>> -> memref<10000x64xf32, #tpu.memory_space<vmem_shared>>
    tpu.wait_indirect_dma semaphore(%arg14 : memref<!tpu.dma_semaphore, #tpu.memory_space<semaphore_mem>>) src(%dma_wait3A_486 : memref<10000x64xf32, #tpu.memory_space<vmem_shared>>) dst(%arg8 : memref<128x64xf32, #tpu.memory_space<vmem>>)
    %dma_start3A_487 = arith.constant 2 : i32
    %dma_start3A_488 = arith.constant 0 : i32
    %dma_start3A_489 = tpu.memref_slice %arg6[%dma_start3A_487, %dma_start3A_488] : memref<40x128xi32, #tpu.memory_space<vmem>> -> memref<1x128xi32, #tpu.memory_space<vmem>>
    %dma_start3A_490 = tpu.memref_squeeze %dma_start3A_489 : memref<1x128xi32, #tpu.memory_space<vmem>> -> memref<128xi32, #tpu.memory_space<vmem>>
    %dma_start3A_491 = arith.constant 0 : i32
    %dma_start3A_492 = arith.constant 0 : i32
    %dma_start3A_493 = tpu.memref_slice %arg12[%dma_start3A_491, %dma_start3A_492] : memref<10000x64xf32, #tpu.memory_space<vmem_shared>> -> memref<10000x64xf32, #tpu.memory_space<vmem_shared>>
    tpu.enqueue_indirect_dma source(%dma_start3A_493 : memref<10000x64xf32, #tpu.memory_space<vmem_shared>>) target(%arg10 : memref<128x64xf32, #tpu.memory_space<vmem>>) offsets(%dma_start3A_490 : memref<128xi32, #tpu.memory_space<vmem>>) semaphore(%arg16 : memref<!tpu.dma_semaphore, #tpu.memory_space<semaphore_mem>>)
    %dma_start3A_494 = arith.constant 0 : i32
    %dma_start3A_495 = arith.constant 0 : i32
    %dma_start3A_496 = tpu.memref_slice %arg7[%dma_start3A_494, %dma_start3A_495] : memref<40x128xi32, #tpu.memory_space<vmem>> -> memref<1x128xi32, #tpu.memory_space<vmem>>
    %dma_start3A_497 = tpu.memref_squeeze %dma_start3A_496 : memref<1x128xi32, #tpu.memory_space<vmem>> -> memref<128xi32, #tpu.memory_space<vmem>>
    %dma_start3A_498 = arith.constant 0 : i32
    %dma_start3A_499 = arith.constant 0 : i32
    %dma_start3A_500 = tpu.memref_slice %arg13[%dma_start3A_498, %dma_start3A_499] : memref<10008x64xf32, #tpu.memory_space<vmem_shared>> -> memref<10008x64xf32, #tpu.memory_space<vmem_shared>>
    tpu.enqueue_indirect_dma source(%arg8 : memref<128x64xf32, #tpu.memory_space<vmem>>) target(%dma_start3A_500 : memref<10008x64xf32, #tpu.memory_space<vmem_shared>>) offsets(%dma_start3A_497 : memref<128xi32, #tpu.memory_space<vmem>>) semaphore(%arg18 : memref<!tpu.dma_semaphore, #tpu.memory_space<semaphore_mem>>) {add = true}
    %dma_wait3A_501 = arith.constant 1 : i32
    %dma_wait3A_502 = arith.constant 0 : i32
    %dma_wait3A_503 = tpu.memref_slice %arg6[%dma_wait3A_501, %dma_wait3A_502] : memref<40x128xi32, #tpu.memory_space<vmem>> -> memref<1x128xi32, #tpu.memory_space<vmem>>
    %dma_wait3A_504 = tpu.memref_squeeze %dma_wait3A_503 : memref<1x128xi32, #tpu.memory_space<vmem>> -> memref<128xi32, #tpu.memory_space<vmem>>
    %dma_wait3A_505 = arith.constant 0 : i32
    %dma_wait3A_506 = arith.constant 0 : i32
    %dma_wait3A_507 = tpu.memref_slice %arg12[%dma_wait3A_505, %dma_wait3A_506] : memref<10000x64xf32, #tpu.memory_space<vmem_shared>> -> memref<10000x64xf32, #tpu.memory_space<vmem_shared>>
    tpu.wait_indirect_dma semaphore(%arg15 : memref<!tpu.dma_semaphore, #tpu.memory_space<semaphore_mem>>) src(%dma_wait3A_507 : memref<10000x64xf32, #tpu.memory_space<vmem_shared>>) dst(%arg9 : memref<128x64xf32, #tpu.memory_space<vmem>>)
    %dma_start3A_508 = arith.constant 3 : i32
    %dma_start3A_509 = arith.constant 0 : i32
    %dma_start3A_510 = tpu.memref_slice %arg6[%dma_start3A_508, %dma_start3A_509] : memref<40x128xi32, #tpu.memory_space<vmem>> -> memref<1x128xi32, #tpu.memory_space<vmem>>
    %dma_start3A_511 = tpu.memref_squeeze %dma_start3A_510 : memref<1x128xi32, #tpu.memory_space<vmem>> -> memref<128xi32, #tpu.memory_space<vmem>>
    %dma_start3A_512 = arith.constant 0 : i32
    %dma_start3A_513 = arith.constant 0 : i32
    %dma_start3A_514 = tpu.memref_slice %arg12[%dma_start3A_512, %dma_start3A_513] : memref<10000x64xf32, #tpu.memory_space<vmem_shared>> -> memref<10000x64xf32, #tpu.memory_space<vmem_shared>>
    tpu.enqueue_indirect_dma source(%dma_start3A_514 : memref<10000x64xf32, #tpu.memory_space<vmem_shared>>) target(%arg11 : memref<128x64xf32, #tpu.memory_space<vmem>>) offsets(%dma_start3A_511 : memref<128xi32, #tpu.memory_space<vmem>>) semaphore(%arg17 : memref<!tpu.dma_semaphore, #tpu.memory_space<semaphore_mem>>)
    %dma_start3A_515 = arith.constant 1 : i32
    %dma_start3A_516 = arith.constant 0 : i32
    %dma_start3A_517 = tpu.memref_slice %arg7[%dma_start3A_515, %dma_start3A_516] : memref<40x128xi32, #tpu.memory_space<vmem>> -> memref<1x128xi32, #tpu.memory_space<vmem>>
    %dma_start3A_518 = tpu.memref_squeeze %dma_start3A_517 : memref<1x128xi32, #tpu.memory_space<vmem>> -> memref<128xi32, #tpu.memory_space<vmem>>
    %dma_start3A_519 = arith.constant 0 : i32
    %dma_start3A_520 = arith.constant 0 : i32
    %dma_start3A_521 = tpu.memref_slice %arg13[%dma_start3A_519, %dma_start3A_520] : memref<10008x64xf32, #tpu.memory_space<vmem_shared>> -> memref<10008x64xf32, #tpu.memory_space<vmem_shared>>
    tpu.enqueue_indirect_dma source(%arg9 : memref<128x64xf32, #tpu.memory_space<vmem>>) target(%dma_start3A_521 : memref<10008x64xf32, #tpu.memory_space<vmem_shared>>) offsets(%dma_start3A_518 : memref<128xi32, #tpu.memory_space<vmem>>) semaphore(%arg19 : memref<!tpu.dma_semaphore, #tpu.memory_space<semaphore_mem>>) {add = true}
    %dma_wait3A_522 = arith.constant 2 : i32
    %dma_wait3A_523 = arith.constant 0 : i32
    %dma_wait3A_524 = tpu.memref_slice %arg6[%dma_wait3A_522, %dma_wait3A_523] : memref<40x128xi32, #tpu.memory_space<vmem>> -> memref<1x128xi32, #tpu.memory_space<vmem>>
    %dma_wait3A_525 = tpu.memref_squeeze %dma_wait3A_524 : memref<1x128xi32, #tpu.memory_space<vmem>> -> memref<128xi32, #tpu.memory_space<vmem>>
    %dma_wait3A_526 = arith.constant 0 : i32
    %dma_wait3A_527 = arith.constant 0 : i32
    %dma_wait3A_528 = tpu.memref_slice %arg12[%dma_wait3A_526, %dma_wait3A_527] : memref<10000x64xf32, #tpu.memory_space<vmem_shared>> -> memref<10000x64xf32, #tpu.memory_space<vmem_shared>>
    tpu.wait_indirect_dma semaphore(%arg16 : memref<!tpu.dma_semaphore, #tpu.memory_space<semaphore_mem>>) src(%dma_wait3A_528 : memref<10000x64xf32, #tpu.memory_space<vmem_shared>>) dst(%arg10 : memref<128x64xf32, #tpu.memory_space<vmem>>)
    %dma_wait3A_529 = arith.constant 0 : i32
    %dma_wait3A_530 = arith.constant 0 : i32
    %dma_wait3A_531 = tpu.memref_slice %arg7[%dma_wait3A_529, %dma_wait3A_530] : memref<40x128xi32, #tpu.memory_space<vmem>> -> memref<1x128xi32, #tpu.memory_space<vmem>>
    %dma_wait3A_532 = tpu.memref_squeeze %dma_wait3A_531 : memref<1x128xi32, #tpu.memory_space<vmem>> -> memref<128xi32, #tpu.memory_space<vmem>>
    %dma_wait3A_533 = arith.constant 0 : i32
    %dma_wait3A_534 = arith.constant 0 : i32
    %dma_wait3A_535 = tpu.memref_slice %arg13[%dma_wait3A_533, %dma_wait3A_534] : memref<10008x64xf32, #tpu.memory_space<vmem_shared>> -> memref<10008x64xf32, #tpu.memory_space<vmem_shared>>
    tpu.wait_indirect_dma semaphore(%arg18 : memref<!tpu.dma_semaphore, #tpu.memory_space<semaphore_mem>>) src(%arg8 : memref<128x64xf32, #tpu.memory_space<vmem>>) dst(%dma_wait3A_535 : memref<10008x64xf32, #tpu.memory_space<vmem_shared>>)
    %dma_start3A_536 = arith.constant 4 : i32
    %dma_start3A_537 = arith.constant 0 : i32
    %dma_start3A_538 = tpu.memref_slice %arg6[%dma_start3A_536, %dma_start3A_537] : memref<40x128xi32, #tpu.memory_space<vmem>> -> memref<1x128xi32, #tpu.memory_space<vmem>>
    %dma_start3A_539 = tpu.memref_squeeze %dma_start3A_538 : memref<1x128xi32, #tpu.memory_space<vmem>> -> memref<128xi32, #tpu.memory_space<vmem>>
    %dma_start3A_540 = arith.constant 0 : i32
    %dma_start3A_541 = arith.constant 0 : i32
    %dma_start3A_542 = tpu.memref_slice %arg12[%dma_start3A_540, %dma_start3A_541] : memref<10000x64xf32, #tpu.memory_space<vmem_shared>> -> memref<10000x64xf32, #tpu.memory_space<vmem_shared>>
    tpu.enqueue_indirect_dma source(%dma_start3A_542 : memref<10000x64xf32, #tpu.memory_space<vmem_shared>>) target(%arg8 : memref<128x64xf32, #tpu.memory_space<vmem>>) offsets(%dma_start3A_539 : memref<128xi32, #tpu.memory_space<vmem>>) semaphore(%arg14 : memref<!tpu.dma_semaphore, #tpu.memory_space<semaphore_mem>>)
    %dma_start3A_543 = arith.constant 2 : i32
    %dma_start3A_544 = arith.constant 0 : i32
    %dma_start3A_545 = tpu.memref_slice %arg7[%dma_start3A_543, %dma_start3A_544] : memref<40x128xi32, #tpu.memory_space<vmem>> -> memref<1x128xi32, #tpu.memory_space<vmem>>
    %dma_start3A_546 = tpu.memref_squeeze %dma_start3A_545 : memref<1x128xi32, #tpu.memory_space<vmem>> -> memref<128xi32, #tpu.memory_space<vmem>>
    %dma_start3A_547 = arith.constant 0 : i32
    %dma_start3A_548 = arith.constant 0 : i32
    %dma_start3A_549 = tpu.memref_slice %arg13[%dma_start3A_547, %dma_start3A_548] : memref<10008x64xf32, #tpu.memory_space<vmem_shared>> -> memref<10008x64xf32, #tpu.memory_space<vmem_shared>>
    tpu.enqueue_indirect_dma source(%arg10 : memref<128x64xf32, #tpu.memory_space<vmem>>) target(%dma_start3A_549 : memref<10008x64xf32, #tpu.memory_space<vmem_shared>>) offsets(%dma_start3A_546 : memref<128xi32, #tpu.memory_space<vmem>>) semaphore(%arg20 : memref<!tpu.dma_semaphore, #tpu.memory_space<semaphore_mem>>) {add = true}
    %dma_wait3A_550 = arith.constant 3 : i32
    %dma_wait3A_551 = arith.constant 0 : i32
    %dma_wait3A_552 = tpu.memref_slice %arg6[%dma_wait3A_550, %dma_wait3A_551] : memref<40x128xi32, #tpu.memory_space<vmem>> -> memref<1x128xi32, #tpu.memory_space<vmem>>
    %dma_wait3A_553 = tpu.memref_squeeze %dma_wait3A_552 : memref<1x128xi32, #tpu.memory_space<vmem>> -> memref<128xi32, #tpu.memory_space<vmem>>
    %dma_wait3A_554 = arith.constant 0 : i32
    %dma_wait3A_555 = arith.constant 0 : i32
    %dma_wait3A_556 = tpu.memref_slice %arg12[%dma_wait3A_554, %dma_wait3A_555] : memref<10000x64xf32, #tpu.memory_space<vmem_shared>> -> memref<10000x64xf32, #tpu.memory_space<vmem_shared>>
    tpu.wait_indirect_dma semaphore(%arg17 : memref<!tpu.dma_semaphore, #tpu.memory_space<semaphore_mem>>) src(%dma_wait3A_556 : memref<10000x64xf32, #tpu.memory_space<vmem_shared>>) dst(%arg11 : memref<128x64xf32, #tpu.memory_space<vmem>>)
    %dma_wait3A_557 = arith.constant 1 : i32
    %dma_wait3A_558 = arith.constant 0 : i32
    %dma_wait3A_559 = tpu.memref_slice %arg7[%dma_wait3A_557, %dma_wait3A_558] : memref<40x128xi32, #tpu.memory_space<vmem>> -> memref<1x128xi32, #tpu.memory_space<vmem>>
    %dma_wait3A_560 = tpu.memref_squeeze %dma_wait3A_559 : memref<1x128xi32, #tpu.memory_space<vmem>> -> memref<128xi32, #tpu.memory_space<vmem>>
    %dma_wait3A_561 = arith.constant 0 : i32
    %dma_wait3A_562 = arith.constant 0 : i32
    %dma_wait3A_563 = tpu.memref_slice %arg13[%dma_wait3A_561, %dma_wait3A_562] : memref<10008x64xf32, #tpu.memory_space<vmem_shared>> -> memref<10008x64xf32, #tpu.memory_space<vmem_shared>>
    tpu.wait_indirect_dma semaphore(%arg19 : memref<!tpu.dma_semaphore, #tpu.memory_space<semaphore_mem>>) src(%arg9 : memref<128x64xf32, #tpu.memory_space<vmem>>) dst(%dma_wait3A_563 : memref<10008x64xf32, #tpu.memory_space<vmem_shared>>)
    %dma_start3A_564 = arith.constant 5 : i32
    %dma_start3A_565 = arith.constant 0 : i32
    %dma_start3A_566 = tpu.memref_slice %arg6[%dma_start3A_564, %dma_start3A_565] : memref<40x128xi32, #tpu.memory_space<vmem>> -> memref<1x128xi32, #tpu.memory_space<vmem>>
    %dma_start3A_567 = tpu.memref_squeeze %dma_start3A_566 : memref<1x128xi32, #tpu.memory_space<vmem>> -> memref<128xi32, #tpu.memory_space<vmem>>
    %dma_start3A_568 = arith.constant 0 : i32
    %dma_start3A_569 = arith.constant 0 : i32
    %dma_start3A_570 = tpu.memref_slice %arg12[%dma_start3A_568, %dma_start3A_569] : memref<10000x64xf32, #tpu.memory_space<vmem_shared>> -> memref<10000x64xf32, #tpu.memory_space<vmem_shared>>
    tpu.enqueue_indirect_dma source(%dma_start3A_570 : memref<10000x64xf32, #tpu.memory_space<vmem_shared>>) target(%arg9 : memref<128x64xf32, #tpu.memory_space<vmem>>) offsets(%dma_start3A_567 : memref<128xi32, #tpu.memory_space<vmem>>) semaphore(%arg15 : memref<!tpu.dma_semaphore, #tpu.memory_space<semaphore_mem>>)
    %dma_start3A_571 = arith.constant 3 : i32
    %dma_start3A_572 = arith.constant 0 : i32
    %dma_start3A_573 = tpu.memref_slice %arg7[%dma_start3A_571, %dma_start3A_572] : memref<40x128xi32, #tpu.memory_space<vmem>> -> memref<1x128xi32, #tpu.memory_space<vmem>>
    %dma_start3A_574 = tpu.memref_squeeze %dma_start3A_573 : memref<1x128xi32, #tpu.memory_space<vmem>> -> memref<128xi32, #tpu.memory_space<vmem>>
    %dma_start3A_575 = arith.constant 0 : i32
    %dma_start3A_576 = arith.constant 0 : i32
    %dma_start3A_577 = tpu.memref_slice %arg13[%dma_start3A_575, %dma_start3A_576] : memref<10008x64xf32, #tpu.memory_space<vmem_shared>> -> memref<10008x64xf32, #tpu.memory_space<vmem_shared>>
    tpu.enqueue_indirect_dma source(%arg11 : memref<128x64xf32, #tpu.memory_space<vmem>>) target(%dma_start3A_577 : memref<10008x64xf32, #tpu.memory_space<vmem_shared>>) offsets(%dma_start3A_574 : memref<128xi32, #tpu.memory_space<vmem>>) semaphore(%arg21 : memref<!tpu.dma_semaphore, #tpu.memory_space<semaphore_mem>>) {add = true}
    %scan3A_578 = arith.constant 0 : i32
    %scan3A_579 = arith.constant 1 : i32
    %scan3A_580 = arith.constant 8 : i32
    %scan3A_581 = arith.addi %scan3A_579, %scan3A_580 : i32
    %scan3A_582 = arith.constant 1 : i32
    %scan3A_583 = scf.for %scan3A_939 = %scan3A_579 to %scan3A_581 step %scan3A_582 iter_args(%scan3A_940 = %scan3A_578) -> (i32)  : i32 {
      %mul3A_941 = arith.constant 4 : i32
      %mul3A_942 = arith.muli %mul3A_941, %scan3A_939 : i32
      %add3A = arith.constant 0 : i32
      %add3A_943 = arith.addi %mul3A_942, %add3A : i32
      %dma_wait3A_944 = arith.constant 0 : i32
      %dma_wait3A_945 = tpu.memref_slice %arg6[%add3A_943, %dma_wait3A_944] : memref<40x128xi32, #tpu.memory_space<vmem>> -> memref<1x128xi32, #tpu.memory_space<vmem>>
      %dma_wait3A_946 = tpu.memref_squeeze %dma_wait3A_945 : memref<1x128xi32, #tpu.memory_space<vmem>> -> memref<128xi32, #tpu.memory_space<vmem>>
      %dma_wait3A_947 = arith.constant 0 : i32
      %dma_wait3A_948 = arith.constant 0 : i32
      %dma_wait3A_949 = tpu.memref_slice %arg12[%dma_wait3A_947, %dma_wait3A_948] : memref<10000x64xf32, #tpu.memory_space<vmem_shared>> -> memref<10000x64xf32, #tpu.memory_space<vmem_shared>>
      tpu.wait_indirect_dma semaphore(%arg14 : memref<!tpu.dma_semaphore, #tpu.memory_space<semaphore_mem>>) src(%dma_wait3A_949 : memref<10000x64xf32, #tpu.memory_space<vmem_shared>>) dst(%arg8 : memref<128x64xf32, #tpu.memory_space<vmem>>)
      %sub3A = arith.constant 2 : i32
      %sub3A_950 = arith.subi %add3A_943, %sub3A : i32
      %dma_wait3A_951 = arith.constant 0 : i32
      %dma_wait3A_952 = tpu.memref_slice %arg7[%sub3A_950, %dma_wait3A_951] : memref<40x128xi32, #tpu.memory_space<vmem>> -> memref<1x128xi32, #tpu.memory_space<vmem>>
      %dma_wait3A_953 = tpu.memref_squeeze %dma_wait3A_952 : memref<1x128xi32, #tpu.memory_space<vmem>> -> memref<128xi32, #tpu.memory_space<vmem>>
      %dma_wait3A_954 = arith.constant 0 : i32
      %dma_wait3A_955 = arith.constant 0 : i32
      %dma_wait3A_956 = tpu.memref_slice %arg13[%dma_wait3A_954, %dma_wait3A_955] : memref<10008x64xf32, #tpu.memory_space<vmem_shared>> -> memref<10008x64xf32, #tpu.memory_space<vmem_shared>>
      tpu.wait_indirect_dma semaphore(%arg20 : memref<!tpu.dma_semaphore, #tpu.memory_space<semaphore_mem>>) src(%arg10 : memref<128x64xf32, #tpu.memory_space<vmem>>) dst(%dma_wait3A_956 : memref<10008x64xf32, #tpu.memory_space<vmem_shared>>)
      %add3A_957 = arith.constant 2 : i32
      %add3A_958 = arith.addi %add3A_943, %add3A_957 : i32
      %dma_start3A_959 = arith.constant 0 : i32
      %dma_start3A_960 = tpu.memref_slice %arg6[%add3A_958, %dma_start3A_959] : memref<40x128xi32, #tpu.memory_space<vmem>> -> memref<1x128xi32, #tpu.memory_space<vmem>>
      %dma_start3A_961 = tpu.memref_squeeze %dma_start3A_960 : memref<1x128xi32, #tpu.memory_space<vmem>> -> memref<128xi32, #tpu.memory_space<vmem>>
      %dma_start3A_962 = arith.constant 0 : i32
      %dma_start3A_963 = arith.constant 0 : i32
      %dma_start3A_964 = tpu.memref_slice %arg12[%dma_start3A_962, %dma_start3A_963] : memref<10000x64xf32, #tpu.memory_space<vmem_shared>> -> memref<10000x64xf32, #tpu.memory_space<vmem_shared>>
      tpu.enqueue_indirect_dma source(%dma_start3A_964 : memref<10000x64xf32, #tpu.memory_space<vmem_shared>>) target(%arg10 : memref<128x64xf32, #tpu.memory_space<vmem>>) offsets(%dma_start3A_961 : memref<128xi32, #tpu.memory_space<vmem>>) semaphore(%arg16 : memref<!tpu.dma_semaphore, #tpu.memory_space<semaphore_mem>>)
      %dma_start3A_965 = arith.constant 0 : i32
      %dma_start3A_966 = tpu.memref_slice %arg7[%add3A_943, %dma_start3A_965] : memref<40x128xi32, #tpu.memory_space<vmem>> -> memref<1x128xi32, #tpu.memory_space<vmem>>
      %dma_start3A_967 = tpu.memref_squeeze %dma_start3A_966 : memref<1x128xi32, #tpu.memory_space<vmem>> -> memref<128xi32, #tpu.memory_space<vmem>>
      %dma_start3A_968 = arith.constant 0 : i32
      %dma_start3A_969 = arith.constant 0 : i32
      %dma_start3A_970 = tpu.memref_slice %arg13[%dma_start3A_968, %dma_start3A_969] : memref<10008x64xf32, #tpu.memory_space<vmem_shared>> -> memref<10008x64xf32, #tpu.memory_space<vmem_shared>>
      tpu.enqueue_indirect_dma source(%arg8 : memref<128x64xf32, #tpu.memory_space<vmem>>) target(%dma_start3A_970 : memref<10008x64xf32, #tpu.memory_space<vmem_shared>>) offsets(%dma_start3A_967 : memref<128xi32, #tpu.memory_space<vmem>>) semaphore(%arg18 : memref<!tpu.dma_semaphore, #tpu.memory_space<semaphore_mem>>) {add = true}
      %add3A_971 = arith.constant 1 : i32
      %add3A_972 = arith.addi %mul3A_942, %add3A_971 : i32
      %dma_wait3A_973 = arith.constant 0 : i32
      %dma_wait3A_974 = tpu.memref_slice %arg6[%add3A_972, %dma_wait3A_973] : memref<40x128xi32, #tpu.memory_space<vmem>> -> memref<1x128xi32, #tpu.memory_space<vmem>>
      %dma_wait3A_975 = tpu.memref_squeeze %dma_wait3A_974 : memref<1x128xi32, #tpu.memory_space<vmem>> -> memref<128xi32, #tpu.memory_space<vmem>>
      %dma_wait3A_976 = arith.constant 0 : i32
      %dma_wait3A_977 = arith.constant 0 : i32
      %dma_wait3A_978 = tpu.memref_slice %arg12[%dma_wait3A_976, %dma_wait3A_977] : memref<10000x64xf32, #tpu.memory_space<vmem_shared>> -> memref<10000x64xf32, #tpu.memory_space<vmem_shared>>
      tpu.wait_indirect_dma semaphore(%arg15 : memref<!tpu.dma_semaphore, #tpu.memory_space<semaphore_mem>>) src(%dma_wait3A_978 : memref<10000x64xf32, #tpu.memory_space<vmem_shared>>) dst(%arg9 : memref<128x64xf32, #tpu.memory_space<vmem>>)
      %sub3A_979 = arith.constant 2 : i32
      %sub3A_980 = arith.subi %add3A_972, %sub3A_979 : i32
      %dma_wait3A_981 = arith.constant 0 : i32
      %dma_wait3A_982 = tpu.memref_slice %arg7[%sub3A_980, %dma_wait3A_981] : memref<40x128xi32, #tpu.memory_space<vmem>> -> memref<1x128xi32, #tpu.memory_space<vmem>>
      %dma_wait3A_983 = tpu.memref_squeeze %dma_wait3A_982 : memref<1x128xi32, #tpu.memory_space<vmem>> -> memref<128xi32, #tpu.memory_space<vmem>>
      %dma_wait3A_984 = arith.constant 0 : i32
      %dma_wait3A_985 = arith.constant 0 : i32
      %dma_wait3A_986 = tpu.memref_slice %arg13[%dma_wait3A_984, %dma_wait3A_985] : memref<10008x64xf32, #tpu.memory_space<vmem_shared>> -> memref<10008x64xf32, #tpu.memory_space<vmem_shared>>
      tpu.wait_indirect_dma semaphore(%arg21 : memref<!tpu.dma_semaphore, #tpu.memory_space<semaphore_mem>>) src(%arg11 : memref<128x64xf32, #tpu.memory_space<vmem>>) dst(%dma_wait3A_986 : memref<10008x64xf32, #tpu.memory_space<vmem_shared>>)
      %add3A_987 = arith.constant 2 : i32
      %add3A_988 = arith.addi %add3A_972, %add3A_987 : i32
      %dma_start3A_989 = arith.constant 0 : i32
      %dma_start3A_990 = tpu.memref_slice %arg6[%add3A_988, %dma_start3A_989] : memref<40x128xi32, #tpu.memory_space<vmem>> -> memref<1x128xi32, #tpu.memory_space<vmem>>
      %dma_start3A_991 = tpu.memref_squeeze %dma_start3A_990 : memref<1x128xi32, #tpu.memory_space<vmem>> -> memref<128xi32, #tpu.memory_space<vmem>>
      %dma_start3A_992 = arith.constant 0 : i32
      %dma_start3A_993 = arith.constant 0 : i32
      %dma_start3A_994 = tpu.memref_slice %arg12[%dma_start3A_992, %dma_start3A_993] : memref<10000x64xf32, #tpu.memory_space<vmem_shared>> -> memref<10000x64xf32, #tpu.memory_space<vmem_shared>>
      tpu.enqueue_indirect_dma source(%dma_start3A_994 : memref<10000x64xf32, #tpu.memory_space<vmem_shared>>) target(%arg11 : memref<128x64xf32, #tpu.memory_space<vmem>>) offsets(%dma_start3A_991 : memref<128xi32, #tpu.memory_space<vmem>>) semaphore(%arg17 : memref<!tpu.dma_semaphore, #tpu.memory_space<semaphore_mem>>)
      %dma_start3A_995 = arith.constant 0 : i32
      %dma_start3A_996 = tpu.memref_slice %arg7[%add3A_972, %dma_start3A_995] : memref<40x128xi32, #tpu.memory_space<vmem>> -> memref<1x128xi32, #tpu.memory_space<vmem>>
      %dma_start3A_997 = tpu.memref_squeeze %dma_start3A_996 : memref<1x128xi32, #tpu.memory_space<vmem>> -> memref<128xi32, #tpu.memory_space<vmem>>
      %dma_start3A_998 = arith.constant 0 : i32
      %dma_start3A_999 = arith.constant 0 : i32
      %dma_start3A_1000 = tpu.memref_slice %arg13[%dma_start3A_998, %dma_start3A_999] : memref<10008x64xf32, #tpu.memory_space<vmem_shared>> -> memref<10008x64xf32, #tpu.memory_space<vmem_shared>>
      tpu.enqueue_indirect_dma source(%arg9 : memref<128x64xf32, #tpu.memory_space<vmem>>) target(%dma_start3A_1000 : memref<10008x64xf32, #tpu.memory_space<vmem_shared>>) offsets(%dma_start3A_997 : memref<128xi32, #tpu.memory_space<vmem>>) semaphore(%arg19 : memref<!tpu.dma_semaphore, #tpu.memory_space<semaphore_mem>>) {add = true}
      %add3A_1001 = arith.constant 2 : i32
      %add3A_1002 = arith.addi %mul3A_942, %add3A_1001 : i32
      %dma_wait3A_1003 = arith.constant 0 : i32
      %dma_wait3A_1004 = tpu.memref_slice %arg6[%add3A_1002, %dma_wait3A_1003] : memref<40x128xi32, #tpu.memory_space<vmem>> -> memref<1x128xi32, #tpu.memory_space<vmem>>
      %dma_wait3A_1005 = tpu.memref_squeeze %dma_wait3A_1004 : memref<1x128xi32, #tpu.memory_space<vmem>> -> memref<128xi32, #tpu.memory_space<vmem>>
      %dma_wait3A_1006 = arith.constant 0 : i32
      %dma_wait3A_1007 = arith.constant 0 : i32
      %dma_wait3A_1008 = tpu.memref_slice %arg12[%dma_wait3A_1006, %dma_wait3A_1007] : memref<10000x64xf32, #tpu.memory_space<vmem_shared>> -> memref<10000x64xf32, #tpu.memory_space<vmem_shared>>
      tpu.wait_indirect_dma semaphore(%arg16 : memref<!tpu.dma_semaphore, #tpu.memory_space<semaphore_mem>>) src(%dma_wait3A_1008 : memref<10000x64xf32, #tpu.memory_space<vmem_shared>>) dst(%arg10 : memref<128x64xf32, #tpu.memory_space<vmem>>)
      %sub3A_1009 = arith.constant 2 : i32
      %sub3A_1010 = arith.subi %add3A_1002, %sub3A_1009 : i32
      %dma_wait3A_1011 = arith.constant 0 : i32
      %dma_wait3A_1012 = tpu.memref_slice %arg7[%sub3A_1010, %dma_wait3A_1011] : memref<40x128xi32, #tpu.memory_space<vmem>> -> memref<1x128xi32, #tpu.memory_space<vmem>>
      %dma_wait3A_1013 = tpu.memref_squeeze %dma_wait3A_1012 : memref<1x128xi32, #tpu.memory_space<vmem>> -> memref<128xi32, #tpu.memory_space<vmem>>
      %dma_wait3A_1014 = arith.constant 0 : i32
      %dma_wait3A_1015 = arith.constant 0 : i32
      %dma_wait3A_1016 = tpu.memref_slice %arg13[%dma_wait3A_1014, %dma_wait3A_1015] : memref<10008x64xf32, #tpu.memory_space<vmem_shared>> -> memref<10008x64xf32, #tpu.memory_space<vmem_shared>>
      tpu.wait_indirect_dma semaphore(%arg18 : memref<!tpu.dma_semaphore, #tpu.memory_space<semaphore_mem>>) src(%arg8 : memref<128x64xf32, #tpu.memory_space<vmem>>) dst(%dma_wait3A_1016 : memref<10008x64xf32, #tpu.memory_space<vmem_shared>>)
      %add3A_1017 = arith.constant 2 : i32
      %add3A_1018 = arith.addi %add3A_1002, %add3A_1017 : i32
      %dma_start3A_1019 = arith.constant 0 : i32
      %dma_start3A_1020 = tpu.memref_slice %arg6[%add3A_1018, %dma_start3A_1019] : memref<40x128xi32, #tpu.memory_space<vmem>> -> memref<1x128xi32, #tpu.memory_space<vmem>>
      %dma_start3A_1021 = tpu.memref_squeeze %dma_start3A_1020 : memref<1x128xi32, #tpu.memory_space<vmem>> -> memref<128xi32, #tpu.memory_space<vmem>>
      %dma_start3A_1022 = arith.constant 0 : i32
      %dma_start3A_1023 = arith.constant 0 : i32
      %dma_start3A_1024 = tpu.memref_slice %arg12[%dma_start3A_1022, %dma_start3A_1023] : memref<10000x64xf32, #tpu.memory_space<vmem_shared>> -> memref<10000x64xf32, #tpu.memory_space<vmem_shared>>
      tpu.enqueue_indirect_dma source(%dma_start3A_1024 : memref<10000x64xf32, #tpu.memory_space<vmem_shared>>) target(%arg8 : memref<128x64xf32, #tpu.memory_space<vmem>>) offsets(%dma_start3A_1021 : memref<128xi32, #tpu.memory_space<vmem>>) semaphore(%arg14 : memref<!tpu.dma_semaphore, #tpu.memory_space<semaphore_mem>>)
      %dma_start3A_1025 = arith.constant 0 : i32
      %dma_start3A_1026 = tpu.memref_slice %arg7[%add3A_1002, %dma_start3A_1025] : memref<40x128xi32, #tpu.memory_space<vmem>> -> memref<1x128xi32, #tpu.memory_space<vmem>>
      %dma_start3A_1027 = tpu.memref_squeeze %dma_start3A_1026 : memref<1x128xi32, #tpu.memory_space<vmem>> -> memref<128xi32, #tpu.memory_space<vmem>>
      %dma_start3A_1028 = arith.constant 0 : i32
      %dma_start3A_1029 = arith.constant 0 : i32
      %dma_start3A_1030 = tpu.memref_slice %arg13[%dma_start3A_1028, %dma_start3A_1029] : memref<10008x64xf32, #tpu.memory_space<vmem_shared>> -> memref<10008x64xf32, #tpu.memory_space<vmem_shared>>
      tpu.enqueue_indirect_dma source(%arg10 : memref<128x64xf32, #tpu.memory_space<vmem>>) target(%dma_start3A_1030 : memref<10008x64xf32, #tpu.memory_space<vmem_shared>>) offsets(%dma_start3A_1027 : memref<128xi32, #tpu.memory_space<vmem>>) semaphore(%arg20 : memref<!tpu.dma_semaphore, #tpu.memory_space<semaphore_mem>>) {add = true}
      %add3A_1031 = arith.constant 3 : i32
      %add3A_1032 = arith.addi %mul3A_942, %add3A_1031 : i32
      %dma_wait3A_1033 = arith.constant 0 : i32
      %dma_wait3A_1034 = tpu.memref_slice %arg6[%add3A_1032, %dma_wait3A_1033] : memref<40x128xi32, #tpu.memory_space<vmem>> -> memref<1x128xi32, #tpu.memory_space<vmem>>
      %dma_wait3A_1035 = tpu.memref_squeeze %dma_wait3A_1034 : memref<1x128xi32, #tpu.memory_space<vmem>> -> memref<128xi32, #tpu.memory_space<vmem>>
      %dma_wait3A_1036 = arith.constant 0 : i32
      %dma_wait3A_1037 = arith.constant 0 : i32
      %dma_wait3A_1038 = tpu.memref_slice %arg12[%dma_wait3A_1036, %dma_wait3A_1037] : memref<10000x64xf32, #tpu.memory_space<vmem_shared>> -> memref<10000x64xf32, #tpu.memory_space<vmem_shared>>
      tpu.wait_indirect_dma semaphore(%arg17 : memref<!tpu.dma_semaphore, #tpu.memory_space<semaphore_mem>>) src(%dma_wait3A_1038 : memref<10000x64xf32, #tpu.memory_space<vmem_shared>>) dst(%arg11 : memref<128x64xf32, #tpu.memory_space<vmem>>)
      %sub3A_1039 = arith.constant 2 : i32
      %sub3A_1040 = arith.subi %add3A_1032, %sub3A_1039 : i32
      %dma_wait3A_1041 = arith.constant 0 : i32
      %dma_wait3A_1042 = tpu.memref_slice %arg7[%sub3A_1040, %dma_wait3A_1041] : memref<40x128xi32, #tpu.memory_space<vmem>> -> memref<1x128xi32, #tpu.memory_space<vmem>>
      %dma_wait3A_1043 = tpu.memref_squeeze %dma_wait3A_1042 : memref<1x128xi32, #tpu.memory_space<vmem>> -> memref<128xi32, #tpu.memory_space<vmem>>
      %dma_wait3A_1044 = arith.constant 0 : i32
      %dma_wait3A_1045 = arith.constant 0 : i32
      %dma_wait3A_1046 = tpu.memref_slice %arg13[%dma_wait3A_1044, %dma_wait3A_1045] : memref<10008x64xf32, #tpu.memory_space<vmem_shared>> -> memref<10008x64xf32, #tpu.memory_space<vmem_shared>>
      tpu.wait_indirect_dma semaphore(%arg19 : memref<!tpu.dma_semaphore, #tpu.memory_space<semaphore_mem>>) src(%arg9 : memref<128x64xf32, #tpu.memory_space<vmem>>) dst(%dma_wait3A_1046 : memref<10008x64xf32, #tpu.memory_space<vmem_shared>>)
      %add3A_1047 = arith.constant 2 : i32
      %add3A_1048 = arith.addi %add3A_1032, %add3A_1047 : i32
      %dma_start3A_1049 = arith.constant 0 : i32
      %dma_start3A_1050 = tpu.memref_slice %arg6[%add3A_1048, %dma_start3A_1049] : memref<40x128xi32, #tpu.memory_space<vmem>> -> memref<1x128xi32, #tpu.memory_space<vmem>>
      %dma_start3A_1051 = tpu.memref_squeeze %dma_start3A_1050 : memref<1x128xi32, #tpu.memory_space<vmem>> -> memref<128xi32, #tpu.memory_space<vmem>>
      %dma_start3A_1052 = arith.constant 0 : i32
      %dma_start3A_1053 = arith.constant 0 : i32
      %dma_start3A_1054 = tpu.memref_slice %arg12[%dma_start3A_1052, %dma_start3A_1053] : memref<10000x64xf32, #tpu.memory_space<vmem_shared>> -> memref<10000x64xf32, #tpu.memory_space<vmem_shared>>
      tpu.enqueue_indirect_dma source(%dma_start3A_1054 : memref<10000x64xf32, #tpu.memory_space<vmem_shared>>) target(%arg9 : memref<128x64xf32, #tpu.memory_space<vmem>>) offsets(%dma_start3A_1051 : memref<128xi32, #tpu.memory_space<vmem>>) semaphore(%arg15 : memref<!tpu.dma_semaphore, #tpu.memory_space<semaphore_mem>>)
      %dma_start3A_1055 = arith.constant 0 : i32
      %dma_start3A_1056 = tpu.memref_slice %arg7[%add3A_1032, %dma_start3A_1055] : memref<40x128xi32, #tpu.memory_space<vmem>> -> memref<1x128xi32, #tpu.memory_space<vmem>>
      %dma_start3A_1057 = tpu.memref_squeeze %dma_start3A_1056 : memref<1x128xi32, #tpu.memory_space<vmem>> -> memref<128xi32, #tpu.memory_space<vmem>>
      %dma_start3A_1058 = arith.constant 0 : i32
      %dma_start3A_1059 = arith.constant 0 : i32
      %dma_start3A_1060 = tpu.memref_slice %arg13[%dma_start3A_1058, %dma_start3A_1059] : memref<10008x64xf32, #tpu.memory_space<vmem_shared>> -> memref<10008x64xf32, #tpu.memory_space<vmem_shared>>
      tpu.enqueue_indirect_dma source(%arg11 : memref<128x64xf32, #tpu.memory_space<vmem>>) target(%dma_start3A_1060 : memref<10008x64xf32, #tpu.memory_space<vmem_shared>>) offsets(%dma_start3A_1057 : memref<128xi32, #tpu.memory_space<vmem>>) semaphore(%arg21 : memref<!tpu.dma_semaphore, #tpu.memory_space<semaphore_mem>>) {add = true}
      %scan3A_1061 = arith.constant 0 : i32
      scf.yield %scan3A_1061 : i32
    }
    %scan3A_584 = arith.constant 8 : i32
    %dma_wait3A_585 = arith.constant 36 : i32
    %dma_wait3A_586 = arith.constant 0 : i32
    %dma_wait3A_587 = tpu.memref_slice %arg6[%dma_wait3A_585, %dma_wait3A_586] : memref<40x128xi32, #tpu.memory_space<vmem>> -> memref<1x128xi32, #tpu.memory_space<vmem>>
    %dma_wait3A_588 = tpu.memref_squeeze %dma_wait3A_587 : memref<1x128xi32, #tpu.memory_space<vmem>> -> memref<128xi32, #tpu.memory_space<vmem>>
    %dma_wait3A_589 = arith.constant 0 : i32
    %dma_wait3A_590 = arith.constant 0 : i32
    %dma_wait3A_591 = tpu.memref_slice %arg12[%dma_wait3A_589, %dma_wait3A_590] : memref<10000x64xf32, #tpu.memory_space<vmem_shared>> -> memref<10000x64xf32, #tpu.memory_space<vmem_shared>>
    tpu.wait_indirect_dma semaphore(%arg14 : memref<!tpu.dma_semaphore, #tpu.memory_space<semaphore_mem>>) src(%dma_wait3A_591 : memref<10000x64xf32, #tpu.memory_space<vmem_shared>>) dst(%arg8 : memref<128x64xf32, #tpu.memory_space<vmem>>)
    %dma_wait3A_592 = arith.constant 34 : i32
    %dma_wait3A_593 = arith.constant 0 : i32
    %dma_wait3A_594 = tpu.memref_slice %arg7[%dma_wait3A_592, %dma_wait3A_593] : memref<40x128xi32, #tpu.memory_space<vmem>> -> memref<1x128xi32, #tpu.memory_space<vmem>>
    %dma_wait3A_595 = tpu.memref_squeeze %dma_wait3A_594 : memref<1x128xi32, #tpu.memory_space<vmem>> -> memref<128xi32, #tpu.memory_space<vmem>>
    %dma_wait3A_596 = arith.constant 0 : i32
    %dma_wait3A_597 = arith.constant 0 : i32
    %dma_wait3A_598 = tpu.memref_slice %arg13[%dma_wait3A_596, %dma_wait3A_597] : memref<10008x64xf32, #tpu.memory_space<vmem_shared>> -> memref<10008x64xf32, #tpu.memory_space<vmem_shared>>
    tpu.wait_indirect_dma semaphore(%arg20 : memref<!tpu.dma_semaphore, #tpu.memory_space<semaphore_mem>>) src(%arg10 : memref<128x64xf32, #tpu.memory_space<vmem>>) dst(%dma_wait3A_598 : memref<10008x64xf32, #tpu.memory_space<vmem_shared>>)
    %dma_start3A_599 = arith.constant 38 : i32
    %dma_start3A_600 = arith.constant 0 : i32
    %dma_start3A_601 = tpu.memref_slice %arg6[%dma_start3A_599, %dma_start3A_600] : memref<40x128xi32, #tpu.memory_space<vmem>> -> memref<1x128xi32, #tpu.memory_space<vmem>>
    %dma_start3A_602 = tpu.memref_squeeze %dma_start3A_601 : memref<1x128xi32, #tpu.memory_space<vmem>> -> memref<128xi32, #tpu.memory_space<vmem>>
    %dma_start3A_603 = arith.constant 0 : i32
    %dma_start3A_604 = arith.constant 0 : i32
    %dma_start3A_605 = tpu.memref_slice %arg12[%dma_start3A_603, %dma_start3A_604] : memref<10000x64xf32, #tpu.memory_space<vmem_shared>> -> memref<10000x64xf32, #tpu.memory_space<vmem_shared>>
    tpu.enqueue_indirect_dma source(%dma_start3A_605 : memref<10000x64xf32, #tpu.memory_space<vmem_shared>>) target(%arg10 : memref<128x64xf32, #tpu.memory_space<vmem>>) offsets(%dma_start3A_602 : memref<128xi32, #tpu.memory_space<vmem>>) semaphore(%arg16 : memref<!tpu.dma_semaphore, #tpu.memory_space<semaphore_mem>>)
    %dma_start3A_606 = arith.constant 36 : i32
    %dma_start3A_607 = arith.constant 0 : i32
    %dma_start3A_608 = tpu.memref_slice %arg7[%dma_start3A_606, %dma_start3A_607] : memref<40x128xi32, #tpu.memory_space<vmem>> -> memref<1x128xi32, #tpu.memory_space<vmem>>
    %dma_start3A_609 = tpu.memref_squeeze %dma_start3A_608 : memref<1x128xi32, #tpu.memory_space<vmem>> -> memref<128xi32, #tpu.memory_space<vmem>>
    %dma_start3A_610 = arith.constant 0 : i32
    %dma_start3A_611 = arith.constant 0 : i32
    %dma_start3A_612 = tpu.memref_slice %arg13[%dma_start3A_610, %dma_start3A_611] : memref<10008x64xf32, #tpu.memory_space<vmem_shared>> -> memref<10008x64xf32, #tpu.memory_space<vmem_shared>>
    tpu.enqueue_indirect_dma source(%arg8 : memref<128x64xf32, #tpu.memory_space<vmem>>) target(%dma_start3A_612 : memref<10008x64xf32, #tpu.memory_space<vmem_shared>>) offsets(%dma_start3A_609 : memref<128xi32, #tpu.memory_space<vmem>>) semaphore(%arg18 : memref<!tpu.dma_semaphore, #tpu.memory_space<semaphore_mem>>) {add = true}
    %dma_wait3A_613 = arith.constant 37 : i32
    %dma_wait3A_614 = arith.constant 0 : i32
    %dma_wait3A_615 = tpu.memref_slice %arg6[%dma_wait3A_613, %dma_wait3A_614] : memref<40x128xi32, #tpu.memory_space<vmem>> -> memref<1x128xi32, #tpu.memory_space<vmem>>
    %dma_wait3A_616 = tpu.memref_squeeze %dma_wait3A_615 : memref<1x128xi32, #tpu.memory_space<vmem>> -> memref<128xi32, #tpu.memory_space<vmem>>
    %dma_wait3A_617 = arith.constant 0 : i32
    %dma_wait3A_618 = arith.constant 0 : i32
    %dma_wait3A_619 = tpu.memref_slice %arg12[%dma_wait3A_617, %dma_wait3A_618] : memref<10000x64xf32, #tpu.memory_space<vmem_shared>> -> memref<10000x64xf32, #tpu.memory_space<vmem_shared>>
    tpu.wait_indirect_dma semaphore(%arg15 : memref<!tpu.dma_semaphore, #tpu.memory_space<semaphore_mem>>) src(%dma_wait3A_619 : memref<10000x64xf32, #tpu.memory_space<vmem_shared>>) dst(%arg9 : memref<128x64xf32, #tpu.memory_space<vmem>>)
    %dma_wait3A_620 = arith.constant 35 : i32
    %dma_wait3A_621 = arith.constant 0 : i32
    %dma_wait3A_622 = tpu.memref_slice %arg7[%dma_wait3A_620, %dma_wait3A_621] : memref<40x128xi32, #tpu.memory_space<vmem>> -> memref<1x128xi32, #tpu.memory_space<vmem>>
    %dma_wait3A_623 = tpu.memref_squeeze %dma_wait3A_622 : memref<1x128xi32, #tpu.memory_space<vmem>> -> memref<128xi32, #tpu.memory_space<vmem>>
    %dma_wait3A_624 = arith.constant 0 : i32
    %dma_wait3A_625 = arith.constant 0 : i32
    %dma_wait3A_626 = tpu.memref_slice %arg13[%dma_wait3A_624, %dma_wait3A_625] : memref<10008x64xf32, #tpu.memory_space<vmem_shared>> -> memref<10008x64xf32, #tpu.memory_space<vmem_shared>>
    tpu.wait_indirect_dma semaphore(%arg21 : memref<!tpu.dma_semaphore, #tpu.memory_space<semaphore_mem>>) src(%arg11 : memref<128x64xf32, #tpu.memory_space<vmem>>) dst(%dma_wait3A_626 : memref<10008x64xf32, #tpu.memory_space<vmem_shared>>)
    %dma_start3A_627 = arith.constant 39 : i32
    %dma_start3A_628 = arith.constant 0 : i32
    %dma_start3A_629 = tpu.memref_slice %arg6[%dma_start3A_627, %dma_start3A_628] : memref<40x128xi32, #tpu.memory_space<vmem>> -> memref<1x128xi32, #tpu.memory_space<vmem>>
    %dma_start3A_630 = tpu.memref_squeeze %dma_start3A_629 : memref<1x128xi32, #tpu.memory_space<vmem>> -> memref<128xi32, #tpu.memory_space<vmem>>
    %dma_start3A_631 = arith.constant 0 : i32
    %dma_start3A_632 = arith.constant 0 : i32
    %dma_start3A_633 = tpu.memref_slice %arg12[%dma_start3A_631, %dma_start3A_632] : memref<10000x64xf32, #tpu.memory_space<vmem_shared>> -> memref<10000x64xf32, #tpu.memory_space<vmem_shared>>
    tpu.enqueue_indirect_dma source(%dma_start3A_633 : memref<10000x64xf32, #tpu.memory_space<vmem_shared>>) target(%arg11 : memref<128x64xf32, #tpu.memory_space<vmem>>) offsets(%dma_start3A_630 : memref<128xi32, #tpu.memory_space<vmem>>) semaphore(%arg17 : memref<!tpu.dma_semaphore, #tpu.memory_space<semaphore_mem>>)
    %dma_start3A_634 = arith.constant 37 : i32
    %dma_start3A_635 = arith.constant 0 : i32
    %dma_start3A_636 = tpu.memref_slice %arg7[%dma_start3A_634, %dma_start3A_635] : memref<40x128xi32, #tpu.memory_space<vmem>> -> memref<1x128xi32, #tpu.memory_space<vmem>>
    %dma_start3A_637 = tpu.memref_squeeze %dma_start3A_636 : memref<1x128xi32, #tpu.memory_space<vmem>> -> memref<128xi32, #tpu.memory_space<vmem>>
    %dma_start3A_638 = arith.constant 0 : i32
    %dma_start3A_639 = arith.constant 0 : i32
    %dma_start3A_640 = tpu.memref_slice %arg13[%dma_start3A_638, %dma_start3A_639] : memref<10008x64xf32, #tpu.memory_space<vmem_shared>> -> memref<10008x64xf32, #tpu.memory_space<vmem_shared>>
    tpu.enqueue_indirect_dma source(%arg9 : memref<128x64xf32, #tpu.memory_space<vmem>>) target(%dma_start3A_640 : memref<10008x64xf32, #tpu.memory_space<vmem_shared>>) offsets(%dma_start3A_637 : memref<128xi32, #tpu.memory_space<vmem>>) semaphore(%arg19 : memref<!tpu.dma_semaphore, #tpu.memory_space<semaphore_mem>>) {add = true}
    %dma_wait3A_641 = arith.constant 38 : i32
    %dma_wait3A_642 = arith.constant 0 : i32
    %dma_wait3A_643 = tpu.memref_slice %arg6[%dma_wait3A_641, %dma_wait3A_642] : memref<40x128xi32, #tpu.memory_space<vmem>> -> memref<1x128xi32, #tpu.memory_space<vmem>>
    %dma_wait3A_644 = tpu.memref_squeeze %dma_wait3A_643 : memref<1x128xi32, #tpu.memory_space<vmem>> -> memref<128xi32, #tpu.memory_space<vmem>>
    %dma_wait3A_645 = arith.constant 0 : i32
    %dma_wait3A_646 = arith.constant 0 : i32
    %dma_wait3A_647 = tpu.memref_slice %arg12[%dma_wait3A_645, %dma_wait3A_646] : memref<10000x64xf32, #tpu.memory_space<vmem_shared>> -> memref<10000x64xf32, #tpu.memory_space<vmem_shared>>
    tpu.wait_indirect_dma semaphore(%arg16 : memref<!tpu.dma_semaphore, #tpu.memory_space<semaphore_mem>>) src(%dma_wait3A_647 : memref<10000x64xf32, #tpu.memory_space<vmem_shared>>) dst(%arg10 : memref<128x64xf32, #tpu.memory_space<vmem>>)
    %dma_wait3A_648 = arith.constant 36 : i32
    %dma_wait3A_649 = arith.constant 0 : i32
    %dma_wait3A_650 = tpu.memref_slice %arg7[%dma_wait3A_648, %dma_wait3A_649] : memref<40x128xi32, #tpu.memory_space<vmem>> -> memref<1x128xi32, #tpu.memory_space<vmem>>
    %dma_wait3A_651 = tpu.memref_squeeze %dma_wait3A_650 : memref<1x128xi32, #tpu.memory_space<vmem>> -> memref<128xi32, #tpu.memory_space<vmem>>
    %dma_wait3A_652 = arith.constant 0 : i32
    %dma_wait3A_653 = arith.constant 0 : i32
    %dma_wait3A_654 = tpu.memref_slice %arg13[%dma_wait3A_652, %dma_wait3A_653] : memref<10008x64xf32, #tpu.memory_space<vmem_shared>> -> memref<10008x64xf32, #tpu.memory_space<vmem_shared>>
    tpu.wait_indirect_dma semaphore(%arg18 : memref<!tpu.dma_semaphore, #tpu.memory_space<semaphore_mem>>) src(%arg8 : memref<128x64xf32, #tpu.memory_space<vmem>>) dst(%dma_wait3A_654 : memref<10008x64xf32, #tpu.memory_space<vmem_shared>>)
    %dma_start3A_655 = arith.constant 38 : i32
    %dma_start3A_656 = arith.constant 0 : i32
    %dma_start3A_657 = tpu.memref_slice %arg7[%dma_start3A_655, %dma_start3A_656] : memref<40x128xi32, #tpu.memory_space<vmem>> -> memref<1x128xi32, #tpu.memory_space<vmem>>
    %dma_start3A_658 = tpu.memref_squeeze %dma_start3A_657 : memref<1x128xi32, #tpu.memory_space<vmem>> -> memref<128xi32, #tpu.memory_space<vmem>>
    %dma_start3A_659 = arith.constant 0 : i32
    %dma_start3A_660 = arith.constant 0 : i32
    %dma_start3A_661 = tpu.memref_slice %arg13[%dma_start3A_659, %dma_start3A_660] : memref<10008x64xf32, #tpu.memory_space<vmem_shared>> -> memref<10008x64xf32, #tpu.memory_space<vmem_shared>>
    tpu.enqueue_indirect_dma source(%arg10 : memref<128x64xf32, #tpu.memory_space<vmem>>) target(%dma_start3A_661 : memref<10008x64xf32, #tpu.memory_space<vmem_shared>>) offsets(%dma_start3A_658 : memref<128xi32, #tpu.memory_space<vmem>>) semaphore(%arg20 : memref<!tpu.dma_semaphore, #tpu.memory_space<semaphore_mem>>) {add = true}
    %dma_wait3A_662 = arith.constant 39 : i32
    %dma_wait3A_663 = arith.constant 0 : i32
    %dma_wait3A_664 = tpu.memref_slice %arg6[%dma_wait3A_662, %dma_wait3A_663] : memref<40x128xi32, #tpu.memory_space<vmem>> -> memref<1x128xi32, #tpu.memory_space<vmem>>
    %dma_wait3A_665 = tpu.memref_squeeze %dma_wait3A_664 : memref<1x128xi32, #tpu.memory_space<vmem>> -> memref<128xi32, #tpu.memory_space<vmem>>
    %dma_wait3A_666 = arith.constant 0 : i32
    %dma_wait3A_667 = arith.constant 0 : i32
    %dma_wait3A_668 = tpu.memref_slice %arg12[%dma_wait3A_666, %dma_wait3A_667] : memref<10000x64xf32, #tpu.memory_space<vmem_shared>> -> memref<10000x64xf32, #tpu.memory_space<vmem_shared>>
    tpu.wait_indirect_dma semaphore(%arg17 : memref<!tpu.dma_semaphore, #tpu.memory_space<semaphore_mem>>) src(%dma_wait3A_668 : memref<10000x64xf32, #tpu.memory_space<vmem_shared>>) dst(%arg11 : memref<128x64xf32, #tpu.memory_space<vmem>>)
    %dma_wait3A_669 = arith.constant 37 : i32
    %dma_wait3A_670 = arith.constant 0 : i32
    %dma_wait3A_671 = tpu.memref_slice %arg7[%dma_wait3A_669, %dma_wait3A_670] : memref<40x128xi32, #tpu.memory_space<vmem>> -> memref<1x128xi32, #tpu.memory_space<vmem>>
    %dma_wait3A_672 = tpu.memref_squeeze %dma_wait3A_671 : memref<1x128xi32, #tpu.memory_space<vmem>> -> memref<128xi32, #tpu.memory_space<vmem>>
    %dma_wait3A_673 = arith.constant 0 : i32
    %dma_wait3A_674 = arith.constant 0 : i32
    %dma_wait3A_675 = tpu.memref_slice %arg13[%dma_wait3A_673, %dma_wait3A_674] : memref<10008x64xf32, #tpu.memory_space<vmem_shared>> -> memref<10008x64xf32, #tpu.memory_space<vmem_shared>>
    tpu.wait_indirect_dma semaphore(%arg19 : memref<!tpu.dma_semaphore, #tpu.memory_space<semaphore_mem>>) src(%arg9 : memref<128x64xf32, #tpu.memory_space<vmem>>) dst(%dma_wait3A_675 : memref<10008x64xf32, #tpu.memory_space<vmem_shared>>)
    %dma_start3A_676 = arith.constant 39 : i32
    %dma_start3A_677 = arith.constant 0 : i32
    %dma_start3A_678 = tpu.memref_slice %arg7[%dma_start3A_676, %dma_start3A_677] : memref<40x128xi32, #tpu.memory_space<vmem>> -> memref<1x128xi32, #tpu.memory_space<vmem>>
    %dma_start3A_679 = tpu.memref_squeeze %dma_start3A_678 : memref<1x128xi32, #tpu.memory_space<vmem>> -> memref<128xi32, #tpu.memory_space<vmem>>
    %dma_start3A_680 = arith.constant 0 : i32
    %dma_start3A_681 = arith.constant 0 : i32
    %dma_start3A_682 = tpu.memref_slice %arg13[%dma_start3A_680, %dma_start3A_681] : memref<10008x64xf32, #tpu.memory_space<vmem_shared>> -> memref<10008x64xf32, #tpu.memory_space<vmem_shared>>
    tpu.enqueue_indirect_dma source(%arg11 : memref<128x64xf32, #tpu.memory_space<vmem>>) target(%dma_start3A_682 : memref<10008x64xf32, #tpu.memory_space<vmem_shared>>) offsets(%dma_start3A_679 : memref<128xi32, #tpu.memory_space<vmem>>) semaphore(%arg21 : memref<!tpu.dma_semaphore, #tpu.memory_space<semaphore_mem>>) {add = true}
    %dma_wait3A_683 = arith.constant 38 : i32
    %dma_wait3A_684 = arith.constant 0 : i32
    %dma_wait3A_685 = tpu.memref_slice %arg7[%dma_wait3A_683, %dma_wait3A_684] : memref<40x128xi32, #tpu.memory_space<vmem>> -> memref<1x128xi32, #tpu.memory_space<vmem>>
    %dma_wait3A_686 = tpu.memref_squeeze %dma_wait3A_685 : memref<1x128xi32, #tpu.memory_space<vmem>> -> memref<128xi32, #tpu.memory_space<vmem>>
    %dma_wait3A_687 = arith.constant 0 : i32
    %dma_wait3A_688 = arith.constant 0 : i32
    %dma_wait3A_689 = tpu.memref_slice %arg13[%dma_wait3A_687, %dma_wait3A_688] : memref<10008x64xf32, #tpu.memory_space<vmem_shared>> -> memref<10008x64xf32, #tpu.memory_space<vmem_shared>>
    tpu.wait_indirect_dma semaphore(%arg20 : memref<!tpu.dma_semaphore, #tpu.memory_space<semaphore_mem>>) src(%arg10 : memref<128x64xf32, #tpu.memory_space<vmem>>) dst(%dma_wait3A_689 : memref<10008x64xf32, #tpu.memory_space<vmem_shared>>)
    %dma_wait3A_690 = arith.constant 39 : i32
    %dma_wait3A_691 = arith.constant 0 : i32
    %dma_wait3A_692 = tpu.memref_slice %arg7[%dma_wait3A_690, %dma_wait3A_691] : memref<40x128xi32, #tpu.memory_space<vmem>> -> memref<1x128xi32, #tpu.memory_space<vmem>>
    %dma_wait3A_693 = tpu.memref_squeeze %dma_wait3A_692 : memref<1x128xi32, #tpu.memory_space<vmem>> -> memref<128xi32, #tpu.memory_space<vmem>>
    %dma_wait3A_694 = arith.constant 0 : i32
    %dma_wait3A_695 = arith.constant 0 : i32
    %dma_wait3A_696 = tpu.memref_slice %arg13[%dma_wait3A_694, %dma_wait3A_695] : memref<10008x64xf32, #tpu.memory_space<vmem_shared>> -> memref<10008x64xf32, #tpu.memory_space<vmem_shared>>
    tpu.wait_indirect_dma semaphore(%arg21 : memref<!tpu.dma_semaphore, #tpu.memory_space<semaphore_mem>>) src(%arg11 : memref<128x64xf32, #tpu.memory_space<vmem>>) dst(%dma_wait3A_696 : memref<10008x64xf32, #tpu.memory_space<vmem_shared>>)
    "tpu.region"() ({
      %run_scoped3A = tpu.sem_alloc : memref<!tpu.dma_semaphore, #tpu.memory_space<semaphore_mem>>
      %dma_start3A_939 = arith.constant 0 : i32
      %dma_start3A_940 = arith.constant 0 : i32
      %dma_start3A_941 = tpu.memref_slice %arg2[%arg1, %dma_start3A_939, %dma_start3A_940] : memref<16x160x128xi32, #tpu.memory_space<hbm>> -> memref<1x160x128xi32, #tpu.memory_space<hbm>>
      %dma_start3A_942 = tpu.memref_squeeze %dma_start3A_941 : memref<1x160x128xi32, #tpu.memory_space<hbm>> -> memref<160x128xi32, #tpu.memory_space<hbm>>
      %dma_start3A_943 = arith.constant 120 : i32
      %dma_start3A_944 = arith.constant 0 : i32
      %dma_start3A_945 = tpu.memref_slice %dma_start3A_942[%dma_start3A_943, %dma_start3A_944] : memref<160x128xi32, #tpu.memory_space<hbm>> -> memref<40x128xi32, #tpu.memory_space<hbm>>
      %dma_start3A_946 = arith.constant 0 : i32
      %dma_start3A_947 = arith.constant 0 : i32
      %dma_start3A_948 = tpu.memref_slice %arg2[%arg1, %dma_start3A_946, %dma_start3A_947] : memref<16x160x128xi32, #tpu.memory_space<hbm>> -> memref<1x160x128xi32, #tpu.memory_space<hbm>>
      %dma_start3A_949 = tpu.memref_squeeze %dma_start3A_948 : memref<1x160x128xi32, #tpu.memory_space<hbm>> -> memref<160x128xi32, #tpu.memory_space<hbm>>
      %dma_start3A_950 = arith.constant 120 : i32
      %dma_start3A_951 = arith.constant 0 : i32
      %dma_start3A_952 = tpu.memref_slice %dma_start3A_949[%dma_start3A_950, %dma_start3A_951] : memref<160x128xi32, #tpu.memory_space<hbm>> -> memref<40x128xi32, #tpu.memory_space<hbm>>
      tpu.enqueue_dma source(%dma_start3A_952 : memref<40x128xi32, #tpu.memory_space<hbm>>) target(%arg6 : memref<40x128xi32, #tpu.memory_space<vmem>>) target_semaphore(%run_scoped3A : memref<!tpu.dma_semaphore, #tpu.memory_space<semaphore_mem>>)
      %dma_wait3A_953 = arith.constant 0 : i32
      %dma_wait3A_954 = arith.constant 0 : i32
      %dma_wait3A_955 = tpu.memref_slice %arg2[%arg1, %dma_wait3A_953, %dma_wait3A_954] : memref<16x160x128xi32, #tpu.memory_space<hbm>> -> memref<1x160x128xi32, #tpu.memory_space<hbm>>
      %dma_wait3A_956 = tpu.memref_squeeze %dma_wait3A_955 : memref<1x160x128xi32, #tpu.memory_space<hbm>> -> memref<160x128xi32, #tpu.memory_space<hbm>>
      %dma_wait3A_957 = arith.constant 120 : i32
      %dma_wait3A_958 = arith.constant 0 : i32
      %dma_wait3A_959 = tpu.memref_slice %dma_wait3A_956[%dma_wait3A_957, %dma_wait3A_958] : memref<160x128xi32, #tpu.memory_space<hbm>> -> memref<40x128xi32, #tpu.memory_space<hbm>>
      %dma_wait3A_960 = arith.constant 0 : i32
      %dma_wait3A_961 = arith.constant 0 : i32
      %dma_wait3A_962 = tpu.memref_slice %arg2[%arg1, %dma_wait3A_960, %dma_wait3A_961] : memref<16x160x128xi32, #tpu.memory_space<hbm>> -> memref<1x160x128xi32, #tpu.memory_space<hbm>>
      %dma_wait3A_963 = tpu.memref_squeeze %dma_wait3A_962 : memref<1x160x128xi32, #tpu.memory_space<hbm>> -> memref<160x128xi32, #tpu.memory_space<hbm>>
      %dma_wait3A_964 = arith.constant 120 : i32
      %dma_wait3A_965 = arith.constant 0 : i32
      %dma_wait3A_966 = tpu.memref_slice %dma_wait3A_963[%dma_wait3A_964, %dma_wait3A_965] : memref<160x128xi32, #tpu.memory_space<hbm>> -> memref<40x128xi32, #tpu.memory_space<hbm>>
      tpu.wait_dma2 semaphore(%run_scoped3A : memref<!tpu.dma_semaphore, #tpu.memory_space<semaphore_mem>>) src(%dma_wait3A_966 : memref<40x128xi32, #tpu.memory_space<hbm>>) dst(%arg6 : memref<40x128xi32, #tpu.memory_space<vmem>>)
      tpu.yield
    }) : () -> ()
    "tpu.region"() ({
      %run_scoped3A = tpu.sem_alloc : memref<!tpu.dma_semaphore, #tpu.memory_space<semaphore_mem>>
      %dma_start3A_939 = arith.constant 0 : i32
      %dma_start3A_940 = arith.constant 0 : i32
      %dma_start3A_941 = tpu.memref_slice %arg3[%arg1, %dma_start3A_939, %dma_start3A_940] : memref<16x160x128xi32, #tpu.memory_space<hbm>> -> memref<1x160x128xi32, #tpu.memory_space<hbm>>
      %dma_start3A_942 = tpu.memref_squeeze %dma_start3A_941 : memref<1x160x128xi32, #tpu.memory_space<hbm>> -> memref<160x128xi32, #tpu.memory_space<hbm>>
      %dma_start3A_943 = arith.constant 120 : i32
      %dma_start3A_944 = arith.constant 0 : i32
      %dma_start3A_945 = tpu.memref_slice %dma_start3A_942[%dma_start3A_943, %dma_start3A_944] : memref<160x128xi32, #tpu.memory_space<hbm>> -> memref<40x128xi32, #tpu.memory_space<hbm>>
      %dma_start3A_946 = arith.constant 0 : i32
      %dma_start3A_947 = arith.constant 0 : i32
      %dma_start3A_948 = tpu.memref_slice %arg3[%arg1, %dma_start3A_946, %dma_start3A_947] : memref<16x160x128xi32, #tpu.memory_space<hbm>> -> memref<1x160x128xi32, #tpu.memory_space<hbm>>
      %dma_start3A_949 = tpu.memref_squeeze %dma_start3A_948 : memref<1x160x128xi32, #tpu.memory_space<hbm>> -> memref<160x128xi32, #tpu.memory_space<hbm>>
      %dma_start3A_950 = arith.constant 120 : i32
      %dma_start3A_951 = arith.constant 0 : i32
      %dma_start3A_952 = tpu.memref_slice %dma_start3A_949[%dma_start3A_950, %dma_start3A_951] : memref<160x128xi32, #tpu.memory_space<hbm>> -> memref<40x128xi32, #tpu.memory_space<hbm>>
      tpu.enqueue_dma source(%dma_start3A_952 : memref<40x128xi32, #tpu.memory_space<hbm>>) target(%arg7 : memref<40x128xi32, #tpu.memory_space<vmem>>) target_semaphore(%run_scoped3A : memref<!tpu.dma_semaphore, #tpu.memory_space<semaphore_mem>>)
      %dma_wait3A_953 = arith.constant 0 : i32
      %dma_wait3A_954 = arith.constant 0 : i32
      %dma_wait3A_955 = tpu.memref_slice %arg3[%arg1, %dma_wait3A_953, %dma_wait3A_954] : memref<16x160x128xi32, #tpu.memory_space<hbm>> -> memref<1x160x128xi32, #tpu.memory_space<hbm>>
      %dma_wait3A_956 = tpu.memref_squeeze %dma_wait3A_955 : memref<1x160x128xi32, #tpu.memory_space<hbm>> -> memref<160x128xi32, #tpu.memory_space<hbm>>
      %dma_wait3A_957 = arith.constant 120 : i32
      %dma_wait3A_958 = arith.constant 0 : i32
      %dma_wait3A_959 = tpu.memref_slice %dma_wait3A_956[%dma_wait3A_957, %dma_wait3A_958] : memref<160x128xi32, #tpu.memory_space<hbm>> -> memref<40x128xi32, #tpu.memory_space<hbm>>
      %dma_wait3A_960 = arith.constant 0 : i32
      %dma_wait3A_961 = arith.constant 0 : i32
      %dma_wait3A_962 = tpu.memref_slice %arg3[%arg1, %dma_wait3A_960, %dma_wait3A_961] : memref<16x160x128xi32, #tpu.memory_space<hbm>> -> memref<1x160x128xi32, #tpu.memory_space<hbm>>
      %dma_wait3A_963 = tpu.memref_squeeze %dma_wait3A_962 : memref<1x160x128xi32, #tpu.memory_space<hbm>> -> memref<160x128xi32, #tpu.memory_space<hbm>>
      %dma_wait3A_964 = arith.constant 120 : i32
      %dma_wait3A_965 = arith.constant 0 : i32
      %dma_wait3A_966 = tpu.memref_slice %dma_wait3A_963[%dma_wait3A_964, %dma_wait3A_965] : memref<160x128xi32, #tpu.memory_space<hbm>> -> memref<40x128xi32, #tpu.memory_space<hbm>>
      tpu.wait_dma2 semaphore(%run_scoped3A : memref<!tpu.dma_semaphore, #tpu.memory_space<semaphore_mem>>) src(%dma_wait3A_966 : memref<40x128xi32, #tpu.memory_space<hbm>>) dst(%arg7 : memref<40x128xi32, #tpu.memory_space<vmem>>)
      tpu.yield
    }) : () -> ()
    %dma_start3A_697 = arith.constant 0 : i32
    %dma_start3A_698 = arith.constant 0 : i32
    %dma_start3A_699 = tpu.memref_slice %arg6[%dma_start3A_697, %dma_start3A_698] : memref<40x128xi32, #tpu.memory_space<vmem>> -> memref<1x128xi32, #tpu.memory_space<vmem>>
    %dma_start3A_700 = tpu.memref_squeeze %dma_start3A_699 : memref<1x128xi32, #tpu.memory_space<vmem>> -> memref<128xi32, #tpu.memory_space<vmem>>
    %dma_start3A_701 = arith.constant 0 : i32
    %dma_start3A_702 = arith.constant 0 : i32
    %dma_start3A_703 = tpu.memref_slice %arg12[%dma_start3A_701, %dma_start3A_702] : memref<10000x64xf32, #tpu.memory_space<vmem_shared>> -> memref<10000x64xf32, #tpu.memory_space<vmem_shared>>
    tpu.enqueue_indirect_dma source(%dma_start3A_703 : memref<10000x64xf32, #tpu.memory_space<vmem_shared>>) target(%arg8 : memref<128x64xf32, #tpu.memory_space<vmem>>) offsets(%dma_start3A_700 : memref<128xi32, #tpu.memory_space<vmem>>) semaphore(%arg14 : memref<!tpu.dma_semaphore, #tpu.memory_space<semaphore_mem>>)
    %dma_start3A_704 = arith.constant 1 : i32
    %dma_start3A_705 = arith.constant 0 : i32
    %dma_start3A_706 = tpu.memref_slice %arg6[%dma_start3A_704, %dma_start3A_705] : memref<40x128xi32, #tpu.memory_space<vmem>> -> memref<1x128xi32, #tpu.memory_space<vmem>>
    %dma_start3A_707 = tpu.memref_squeeze %dma_start3A_706 : memref<1x128xi32, #tpu.memory_space<vmem>> -> memref<128xi32, #tpu.memory_space<vmem>>
    %dma_start3A_708 = arith.constant 0 : i32
    %dma_start3A_709 = arith.constant 0 : i32
    %dma_start3A_710 = tpu.memref_slice %arg12[%dma_start3A_708, %dma_start3A_709] : memref<10000x64xf32, #tpu.memory_space<vmem_shared>> -> memref<10000x64xf32, #tpu.memory_space<vmem_shared>>
    tpu.enqueue_indirect_dma source(%dma_start3A_710 : memref<10000x64xf32, #tpu.memory_space<vmem_shared>>) target(%arg9 : memref<128x64xf32, #tpu.memory_space<vmem>>) offsets(%dma_start3A_707 : memref<128xi32, #tpu.memory_space<vmem>>) semaphore(%arg15 : memref<!tpu.dma_semaphore, #tpu.memory_space<semaphore_mem>>)
    %dma_wait3A_711 = arith.constant 0 : i32
    %dma_wait3A_712 = arith.constant 0 : i32
    %dma_wait3A_713 = tpu.memref_slice %arg6[%dma_wait3A_711, %dma_wait3A_712] : memref<40x128xi32, #tpu.memory_space<vmem>> -> memref<1x128xi32, #tpu.memory_space<vmem>>
    %dma_wait3A_714 = tpu.memref_squeeze %dma_wait3A_713 : memref<1x128xi32, #tpu.memory_space<vmem>> -> memref<128xi32, #tpu.memory_space<vmem>>
    %dma_wait3A_715 = arith.constant 0 : i32
    %dma_wait3A_716 = arith.constant 0 : i32
    %dma_wait3A_717 = tpu.memref_slice %arg12[%dma_wait3A_715, %dma_wait3A_716] : memref<10000x64xf32, #tpu.memory_space<vmem_shared>> -> memref<10000x64xf32, #tpu.memory_space<vmem_shared>>
    tpu.wait_indirect_dma semaphore(%arg14 : memref<!tpu.dma_semaphore, #tpu.memory_space<semaphore_mem>>) src(%dma_wait3A_717 : memref<10000x64xf32, #tpu.memory_space<vmem_shared>>) dst(%arg8 : memref<128x64xf32, #tpu.memory_space<vmem>>)
    %dma_start3A_718 = arith.constant 2 : i32
    %dma_start3A_719 = arith.constant 0 : i32
    %dma_start3A_720 = tpu.memref_slice %arg6[%dma_start3A_718, %dma_start3A_719] : memref<40x128xi32, #tpu.memory_space<vmem>> -> memref<1x128xi32, #tpu.memory_space<vmem>>
    %dma_start3A_721 = tpu.memref_squeeze %dma_start3A_720 : memref<1x128xi32, #tpu.memory_space<vmem>> -> memref<128xi32, #tpu.memory_space<vmem>>
    %dma_start3A_722 = arith.constant 0 : i32
    %dma_start3A_723 = arith.constant 0 : i32
    %dma_start3A_724 = tpu.memref_slice %arg12[%dma_start3A_722, %dma_start3A_723] : memref<10000x64xf32, #tpu.memory_space<vmem_shared>> -> memref<10000x64xf32, #tpu.memory_space<vmem_shared>>
    tpu.enqueue_indirect_dma source(%dma_start3A_724 : memref<10000x64xf32, #tpu.memory_space<vmem_shared>>) target(%arg10 : memref<128x64xf32, #tpu.memory_space<vmem>>) offsets(%dma_start3A_721 : memref<128xi32, #tpu.memory_space<vmem>>) semaphore(%arg16 : memref<!tpu.dma_semaphore, #tpu.memory_space<semaphore_mem>>)
    %dma_start3A_725 = arith.constant 0 : i32
    %dma_start3A_726 = arith.constant 0 : i32
    %dma_start3A_727 = tpu.memref_slice %arg7[%dma_start3A_725, %dma_start3A_726] : memref<40x128xi32, #tpu.memory_space<vmem>> -> memref<1x128xi32, #tpu.memory_space<vmem>>
    %dma_start3A_728 = tpu.memref_squeeze %dma_start3A_727 : memref<1x128xi32, #tpu.memory_space<vmem>> -> memref<128xi32, #tpu.memory_space<vmem>>
    %dma_start3A_729 = arith.constant 0 : i32
    %dma_start3A_730 = arith.constant 0 : i32
    %dma_start3A_731 = tpu.memref_slice %arg13[%dma_start3A_729, %dma_start3A_730] : memref<10008x64xf32, #tpu.memory_space<vmem_shared>> -> memref<10008x64xf32, #tpu.memory_space<vmem_shared>>
    tpu.enqueue_indirect_dma source(%arg8 : memref<128x64xf32, #tpu.memory_space<vmem>>) target(%dma_start3A_731 : memref<10008x64xf32, #tpu.memory_space<vmem_shared>>) offsets(%dma_start3A_728 : memref<128xi32, #tpu.memory_space<vmem>>) semaphore(%arg18 : memref<!tpu.dma_semaphore, #tpu.memory_space<semaphore_mem>>) {add = true}
    %dma_wait3A_732 = arith.constant 1 : i32
    %dma_wait3A_733 = arith.constant 0 : i32
    %dma_wait3A_734 = tpu.memref_slice %arg6[%dma_wait3A_732, %dma_wait3A_733] : memref<40x128xi32, #tpu.memory_space<vmem>> -> memref<1x128xi32, #tpu.memory_space<vmem>>
    %dma_wait3A_735 = tpu.memref_squeeze %dma_wait3A_734 : memref<1x128xi32, #tpu.memory_space<vmem>> -> memref<128xi32, #tpu.memory_space<vmem>>
    %dma_wait3A_736 = arith.constant 0 : i32
    %dma_wait3A_737 = arith.constant 0 : i32
    %dma_wait3A_738 = tpu.memref_slice %arg12[%dma_wait3A_736, %dma_wait3A_737] : memref<10000x64xf32, #tpu.memory_space<vmem_shared>> -> memref<10000x64xf32, #tpu.memory_space<vmem_shared>>
    tpu.wait_indirect_dma semaphore(%arg15 : memref<!tpu.dma_semaphore, #tpu.memory_space<semaphore_mem>>) src(%dma_wait3A_738 : memref<10000x64xf32, #tpu.memory_space<vmem_shared>>) dst(%arg9 : memref<128x64xf32, #tpu.memory_space<vmem>>)
    %dma_start3A_739 = arith.constant 3 : i32
    %dma_start3A_740 = arith.constant 0 : i32
    %dma_start3A_741 = tpu.memref_slice %arg6[%dma_start3A_739, %dma_start3A_740] : memref<40x128xi32, #tpu.memory_space<vmem>> -> memref<1x128xi32, #tpu.memory_space<vmem>>
    %dma_start3A_742 = tpu.memref_squeeze %dma_start3A_741 : memref<1x128xi32, #tpu.memory_space<vmem>> -> memref<128xi32, #tpu.memory_space<vmem>>
    %dma_start3A_743 = arith.constant 0 : i32
    %dma_start3A_744 = arith.constant 0 : i32
    %dma_start3A_745 = tpu.memref_slice %arg12[%dma_start3A_743, %dma_start3A_744] : memref<10000x64xf32, #tpu.memory_space<vmem_shared>> -> memref<10000x64xf32, #tpu.memory_space<vmem_shared>>
    tpu.enqueue_indirect_dma source(%dma_start3A_745 : memref<10000x64xf32, #tpu.memory_space<vmem_shared>>) target(%arg11 : memref<128x64xf32, #tpu.memory_space<vmem>>) offsets(%dma_start3A_742 : memref<128xi32, #tpu.memory_space<vmem>>) semaphore(%arg17 : memref<!tpu.dma_semaphore, #tpu.memory_space<semaphore_mem>>)
    %dma_start3A_746 = arith.constant 1 : i32
    %dma_start3A_747 = arith.constant 0 : i32
    %dma_start3A_748 = tpu.memref_slice %arg7[%dma_start3A_746, %dma_start3A_747] : memref<40x128xi32, #tpu.memory_space<vmem>> -> memref<1x128xi32, #tpu.memory_space<vmem>>
    %dma_start3A_749 = tpu.memref_squeeze %dma_start3A_748 : memref<1x128xi32, #tpu.memory_space<vmem>> -> memref<128xi32, #tpu.memory_space<vmem>>
    %dma_start3A_750 = arith.constant 0 : i32
    %dma_start3A_751 = arith.constant 0 : i32
    %dma_start3A_752 = tpu.memref_slice %arg13[%dma_start3A_750, %dma_start3A_751] : memref<10008x64xf32, #tpu.memory_space<vmem_shared>> -> memref<10008x64xf32, #tpu.memory_space<vmem_shared>>
    tpu.enqueue_indirect_dma source(%arg9 : memref<128x64xf32, #tpu.memory_space<vmem>>) target(%dma_start3A_752 : memref<10008x64xf32, #tpu.memory_space<vmem_shared>>) offsets(%dma_start3A_749 : memref<128xi32, #tpu.memory_space<vmem>>) semaphore(%arg19 : memref<!tpu.dma_semaphore, #tpu.memory_space<semaphore_mem>>) {add = true}
    %dma_wait3A_753 = arith.constant 2 : i32
    %dma_wait3A_754 = arith.constant 0 : i32
    %dma_wait3A_755 = tpu.memref_slice %arg6[%dma_wait3A_753, %dma_wait3A_754] : memref<40x128xi32, #tpu.memory_space<vmem>> -> memref<1x128xi32, #tpu.memory_space<vmem>>
    %dma_wait3A_756 = tpu.memref_squeeze %dma_wait3A_755 : memref<1x128xi32, #tpu.memory_space<vmem>> -> memref<128xi32, #tpu.memory_space<vmem>>
    %dma_wait3A_757 = arith.constant 0 : i32
    %dma_wait3A_758 = arith.constant 0 : i32
    %dma_wait3A_759 = tpu.memref_slice %arg12[%dma_wait3A_757, %dma_wait3A_758] : memref<10000x64xf32, #tpu.memory_space<vmem_shared>> -> memref<10000x64xf32, #tpu.memory_space<vmem_shared>>
    tpu.wait_indirect_dma semaphore(%arg16 : memref<!tpu.dma_semaphore, #tpu.memory_space<semaphore_mem>>) src(%dma_wait3A_759 : memref<10000x64xf32, #tpu.memory_space<vmem_shared>>) dst(%arg10 : memref<128x64xf32, #tpu.memory_space<vmem>>)
    %dma_wait3A_760 = arith.constant 0 : i32
    %dma_wait3A_761 = arith.constant 0 : i32
    %dma_wait3A_762 = tpu.memref_slice %arg7[%dma_wait3A_760, %dma_wait3A_761] : memref<40x128xi32, #tpu.memory_space<vmem>> -> memref<1x128xi32, #tpu.memory_space<vmem>>
    %dma_wait3A_763 = tpu.memref_squeeze %dma_wait3A_762 : memref<1x128xi32, #tpu.memory_space<vmem>> -> memref<128xi32, #tpu.memory_space<vmem>>
    %dma_wait3A_764 = arith.constant 0 : i32
    %dma_wait3A_765 = arith.constant 0 : i32
    %dma_wait3A_766 = tpu.memref_slice %arg13[%dma_wait3A_764, %dma_wait3A_765] : memref<10008x64xf32, #tpu.memory_space<vmem_shared>> -> memref<10008x64xf32, #tpu.memory_space<vmem_shared>>
    tpu.wait_indirect_dma semaphore(%arg18 : memref<!tpu.dma_semaphore, #tpu.memory_space<semaphore_mem>>) src(%arg8 : memref<128x64xf32, #tpu.memory_space<vmem>>) dst(%dma_wait3A_766 : memref<10008x64xf32, #tpu.memory_space<vmem_shared>>)
    %dma_start3A_767 = arith.constant 4 : i32
    %dma_start3A_768 = arith.constant 0 : i32
    %dma_start3A_769 = tpu.memref_slice %arg6[%dma_start3A_767, %dma_start3A_768] : memref<40x128xi32, #tpu.memory_space<vmem>> -> memref<1x128xi32, #tpu.memory_space<vmem>>
    %dma_start3A_770 = tpu.memref_squeeze %dma_start3A_769 : memref<1x128xi32, #tpu.memory_space<vmem>> -> memref<128xi32, #tpu.memory_space<vmem>>
    %dma_start3A_771 = arith.constant 0 : i32
    %dma_start3A_772 = arith.constant 0 : i32
    %dma_start3A_773 = tpu.memref_slice %arg12[%dma_start3A_771, %dma_start3A_772] : memref<10000x64xf32, #tpu.memory_space<vmem_shared>> -> memref<10000x64xf32, #tpu.memory_space<vmem_shared>>
    tpu.enqueue_indirect_dma source(%dma_start3A_773 : memref<10000x64xf32, #tpu.memory_space<vmem_shared>>) target(%arg8 : memref<128x64xf32, #tpu.memory_space<vmem>>) offsets(%dma_start3A_770 : memref<128xi32, #tpu.memory_space<vmem>>) semaphore(%arg14 : memref<!tpu.dma_semaphore, #tpu.memory_space<semaphore_mem>>)
    %dma_start3A_774 = arith.constant 2 : i32
    %dma_start3A_775 = arith.constant 0 : i32
    %dma_start3A_776 = tpu.memref_slice %arg7[%dma_start3A_774, %dma_start3A_775] : memref<40x128xi32, #tpu.memory_space<vmem>> -> memref<1x128xi32, #tpu.memory_space<vmem>>
    %dma_start3A_777 = tpu.memref_squeeze %dma_start3A_776 : memref<1x128xi32, #tpu.memory_space<vmem>> -> memref<128xi32, #tpu.memory_space<vmem>>
    %dma_start3A_778 = arith.constant 0 : i32
    %dma_start3A_779 = arith.constant 0 : i32
    %dma_start3A_780 = tpu.memref_slice %arg13[%dma_start3A_778, %dma_start3A_779] : memref<10008x64xf32, #tpu.memory_space<vmem_shared>> -> memref<10008x64xf32, #tpu.memory_space<vmem_shared>>
    tpu.enqueue_indirect_dma source(%arg10 : memref<128x64xf32, #tpu.memory_space<vmem>>) target(%dma_start3A_780 : memref<10008x64xf32, #tpu.memory_space<vmem_shared>>) offsets(%dma_start3A_777 : memref<128xi32, #tpu.memory_space<vmem>>) semaphore(%arg20 : memref<!tpu.dma_semaphore, #tpu.memory_space<semaphore_mem>>) {add = true}
    %dma_wait3A_781 = arith.constant 3 : i32
    %dma_wait3A_782 = arith.constant 0 : i32
    %dma_wait3A_783 = tpu.memref_slice %arg6[%dma_wait3A_781, %dma_wait3A_782] : memref<40x128xi32, #tpu.memory_space<vmem>> -> memref<1x128xi32, #tpu.memory_space<vmem>>
    %dma_wait3A_784 = tpu.memref_squeeze %dma_wait3A_783 : memref<1x128xi32, #tpu.memory_space<vmem>> -> memref<128xi32, #tpu.memory_space<vmem>>
    %dma_wait3A_785 = arith.constant 0 : i32
    %dma_wait3A_786 = arith.constant 0 : i32
    %dma_wait3A_787 = tpu.memref_slice %arg12[%dma_wait3A_785, %dma_wait3A_786] : memref<10000x64xf32, #tpu.memory_space<vmem_shared>> -> memref<10000x64xf32, #tpu.memory_space<vmem_shared>>
    tpu.wait_indirect_dma semaphore(%arg17 : memref<!tpu.dma_semaphore, #tpu.memory_space<semaphore_mem>>) src(%dma_wait3A_787 : memref<10000x64xf32, #tpu.memory_space<vmem_shared>>) dst(%arg11 : memref<128x64xf32, #tpu.memory_space<vmem>>)
    %dma_wait3A_788 = arith.constant 1 : i32
    %dma_wait3A_789 = arith.constant 0 : i32
    %dma_wait3A_790 = tpu.memref_slice %arg7[%dma_wait3A_788, %dma_wait3A_789] : memref<40x128xi32, #tpu.memory_space<vmem>> -> memref<1x128xi32, #tpu.memory_space<vmem>>
    %dma_wait3A_791 = tpu.memref_squeeze %dma_wait3A_790 : memref<1x128xi32, #tpu.memory_space<vmem>> -> memref<128xi32, #tpu.memory_space<vmem>>
    %dma_wait3A_792 = arith.constant 0 : i32
    %dma_wait3A_793 = arith.constant 0 : i32
    %dma_wait3A_794 = tpu.memref_slice %arg13[%dma_wait3A_792, %dma_wait3A_793] : memref<10008x64xf32, #tpu.memory_space<vmem_shared>> -> memref<10008x64xf32, #tpu.memory_space<vmem_shared>>
    tpu.wait_indirect_dma semaphore(%arg19 : memref<!tpu.dma_semaphore, #tpu.memory_space<semaphore_mem>>) src(%arg9 : memref<128x64xf32, #tpu.memory_space<vmem>>) dst(%dma_wait3A_794 : memref<10008x64xf32, #tpu.memory_space<vmem_shared>>)
    %dma_start3A_795 = arith.constant 5 : i32
    %dma_start3A_796 = arith.constant 0 : i32
    %dma_start3A_797 = tpu.memref_slice %arg6[%dma_start3A_795, %dma_start3A_796] : memref<40x128xi32, #tpu.memory_space<vmem>> -> memref<1x128xi32, #tpu.memory_space<vmem>>
    %dma_start3A_798 = tpu.memref_squeeze %dma_start3A_797 : memref<1x128xi32, #tpu.memory_space<vmem>> -> memref<128xi32, #tpu.memory_space<vmem>>
    %dma_start3A_799 = arith.constant 0 : i32
    %dma_start3A_800 = arith.constant 0 : i32
    %dma_start3A_801 = tpu.memref_slice %arg12[%dma_start3A_799, %dma_start3A_800] : memref<10000x64xf32, #tpu.memory_space<vmem_shared>> -> memref<10000x64xf32, #tpu.memory_space<vmem_shared>>
    tpu.enqueue_indirect_dma source(%dma_start3A_801 : memref<10000x64xf32, #tpu.memory_space<vmem_shared>>) target(%arg9 : memref<128x64xf32, #tpu.memory_space<vmem>>) offsets(%dma_start3A_798 : memref<128xi32, #tpu.memory_space<vmem>>) semaphore(%arg15 : memref<!tpu.dma_semaphore, #tpu.memory_space<semaphore_mem>>)
    %dma_start3A_802 = arith.constant 3 : i32
    %dma_start3A_803 = arith.constant 0 : i32
    %dma_start3A_804 = tpu.memref_slice %arg7[%dma_start3A_802, %dma_start3A_803] : memref<40x128xi32, #tpu.memory_space<vmem>> -> memref<1x128xi32, #tpu.memory_space<vmem>>
    %dma_start3A_805 = tpu.memref_squeeze %dma_start3A_804 : memref<1x128xi32, #tpu.memory_space<vmem>> -> memref<128xi32, #tpu.memory_space<vmem>>
    %dma_start3A_806 = arith.constant 0 : i32
    %dma_start3A_807 = arith.constant 0 : i32
    %dma_start3A_808 = tpu.memref_slice %arg13[%dma_start3A_806, %dma_start3A_807] : memref<10008x64xf32, #tpu.memory_space<vmem_shared>> -> memref<10008x64xf32, #tpu.memory_space<vmem_shared>>
    tpu.enqueue_indirect_dma source(%arg11 : memref<128x64xf32, #tpu.memory_space<vmem>>) target(%dma_start3A_808 : memref<10008x64xf32, #tpu.memory_space<vmem_shared>>) offsets(%dma_start3A_805 : memref<128xi32, #tpu.memory_space<vmem>>) semaphore(%arg21 : memref<!tpu.dma_semaphore, #tpu.memory_space<semaphore_mem>>) {add = true}
    %scan3A_809 = arith.constant 0 : i32
    %scan3A_810 = arith.constant 1 : i32
    %scan3A_811 = arith.constant 8 : i32
    %scan3A_812 = arith.addi %scan3A_810, %scan3A_811 : i32
    %scan3A_813 = arith.constant 1 : i32
    %scan3A_814 = scf.for %scan3A_939 = %scan3A_810 to %scan3A_812 step %scan3A_813 iter_args(%scan3A_940 = %scan3A_809) -> (i32)  : i32 {
      %mul3A_941 = arith.constant 4 : i32
      %mul3A_942 = arith.muli %mul3A_941, %scan3A_939 : i32
      %add3A = arith.constant 0 : i32
      %add3A_943 = arith.addi %mul3A_942, %add3A : i32
      %dma_wait3A_944 = arith.constant 0 : i32
      %dma_wait3A_945 = tpu.memref_slice %arg6[%add3A_943, %dma_wait3A_944] : memref<40x128xi32, #tpu.memory_space<vmem>> -> memref<1x128xi32, #tpu.memory_space<vmem>>
      %dma_wait3A_946 = tpu.memref_squeeze %dma_wait3A_945 : memref<1x128xi32, #tpu.memory_space<vmem>> -> memref<128xi32, #tpu.memory_space<vmem>>
      %dma_wait3A_947 = arith.constant 0 : i32
      %dma_wait3A_948 = arith.constant 0 : i32
      %dma_wait3A_949 = tpu.memref_slice %arg12[%dma_wait3A_947, %dma_wait3A_948] : memref<10000x64xf32, #tpu.memory_space<vmem_shared>> -> memref<10000x64xf32, #tpu.memory_space<vmem_shared>>
      tpu.wait_indirect_dma semaphore(%arg14 : memref<!tpu.dma_semaphore, #tpu.memory_space<semaphore_mem>>) src(%dma_wait3A_949 : memref<10000x64xf32, #tpu.memory_space<vmem_shared>>) dst(%arg8 : memref<128x64xf32, #tpu.memory_space<vmem>>)
      %sub3A = arith.constant 2 : i32
      %sub3A_950 = arith.subi %add3A_943, %sub3A : i32
      %dma_wait3A_951 = arith.constant 0 : i32
      %dma_wait3A_952 = tpu.memref_slice %arg7[%sub3A_950, %dma_wait3A_951] : memref<40x128xi32, #tpu.memory_space<vmem>> -> memref<1x128xi32, #tpu.memory_space<vmem>>
      %dma_wait3A_953 = tpu.memref_squeeze %dma_wait3A_952 : memref<1x128xi32, #tpu.memory_space<vmem>> -> memref<128xi32, #tpu.memory_space<vmem>>
      %dma_wait3A_954 = arith.constant 0 : i32
      %dma_wait3A_955 = arith.constant 0 : i32
      %dma_wait3A_956 = tpu.memref_slice %arg13[%dma_wait3A_954, %dma_wait3A_955] : memref<10008x64xf32, #tpu.memory_space<vmem_shared>> -> memref<10008x64xf32, #tpu.memory_space<vmem_shared>>
      tpu.wait_indirect_dma semaphore(%arg20 : memref<!tpu.dma_semaphore, #tpu.memory_space<semaphore_mem>>) src(%arg10 : memref<128x64xf32, #tpu.memory_space<vmem>>) dst(%dma_wait3A_956 : memref<10008x64xf32, #tpu.memory_space<vmem_shared>>)
      %add3A_957 = arith.constant 2 : i32
      %add3A_958 = arith.addi %add3A_943, %add3A_957 : i32
      %dma_start3A_959 = arith.constant 0 : i32
      %dma_start3A_960 = tpu.memref_slice %arg6[%add3A_958, %dma_start3A_959] : memref<40x128xi32, #tpu.memory_space<vmem>> -> memref<1x128xi32, #tpu.memory_space<vmem>>
      %dma_start3A_961 = tpu.memref_squeeze %dma_start3A_960 : memref<1x128xi32, #tpu.memory_space<vmem>> -> memref<128xi32, #tpu.memory_space<vmem>>
      %dma_start3A_962 = arith.constant 0 : i32
      %dma_start3A_963 = arith.constant 0 : i32
      %dma_start3A_964 = tpu.memref_slice %arg12[%dma_start3A_962, %dma_start3A_963] : memref<10000x64xf32, #tpu.memory_space<vmem_shared>> -> memref<10000x64xf32, #tpu.memory_space<vmem_shared>>
      tpu.enqueue_indirect_dma source(%dma_start3A_964 : memref<10000x64xf32, #tpu.memory_space<vmem_shared>>) target(%arg10 : memref<128x64xf32, #tpu.memory_space<vmem>>) offsets(%dma_start3A_961 : memref<128xi32, #tpu.memory_space<vmem>>) semaphore(%arg16 : memref<!tpu.dma_semaphore, #tpu.memory_space<semaphore_mem>>)
      %dma_start3A_965 = arith.constant 0 : i32
      %dma_start3A_966 = tpu.memref_slice %arg7[%add3A_943, %dma_start3A_965] : memref<40x128xi32, #tpu.memory_space<vmem>> -> memref<1x128xi32, #tpu.memory_space<vmem>>
      %dma_start3A_967 = tpu.memref_squeeze %dma_start3A_966 : memref<1x128xi32, #tpu.memory_space<vmem>> -> memref<128xi32, #tpu.memory_space<vmem>>
      %dma_start3A_968 = arith.constant 0 : i32
      %dma_start3A_969 = arith.constant 0 : i32
      %dma_start3A_970 = tpu.memref_slice %arg13[%dma_start3A_968, %dma_start3A_969] : memref<10008x64xf32, #tpu.memory_space<vmem_shared>> -> memref<10008x64xf32, #tpu.memory_space<vmem_shared>>
      tpu.enqueue_indirect_dma source(%arg8 : memref<128x64xf32, #tpu.memory_space<vmem>>) target(%dma_start3A_970 : memref<10008x64xf32, #tpu.memory_space<vmem_shared>>) offsets(%dma_start3A_967 : memref<128xi32, #tpu.memory_space<vmem>>) semaphore(%arg18 : memref<!tpu.dma_semaphore, #tpu.memory_space<semaphore_mem>>) {add = true}
      %add3A_971 = arith.constant 1 : i32
      %add3A_972 = arith.addi %mul3A_942, %add3A_971 : i32
      %dma_wait3A_973 = arith.constant 0 : i32
      %dma_wait3A_974 = tpu.memref_slice %arg6[%add3A_972, %dma_wait3A_973] : memref<40x128xi32, #tpu.memory_space<vmem>> -> memref<1x128xi32, #tpu.memory_space<vmem>>
      %dma_wait3A_975 = tpu.memref_squeeze %dma_wait3A_974 : memref<1x128xi32, #tpu.memory_space<vmem>> -> memref<128xi32, #tpu.memory_space<vmem>>
      %dma_wait3A_976 = arith.constant 0 : i32
      %dma_wait3A_977 = arith.constant 0 : i32
      %dma_wait3A_978 = tpu.memref_slice %arg12[%dma_wait3A_976, %dma_wait3A_977] : memref<10000x64xf32, #tpu.memory_space<vmem_shared>> -> memref<10000x64xf32, #tpu.memory_space<vmem_shared>>
      tpu.wait_indirect_dma semaphore(%arg15 : memref<!tpu.dma_semaphore, #tpu.memory_space<semaphore_mem>>) src(%dma_wait3A_978 : memref<10000x64xf32, #tpu.memory_space<vmem_shared>>) dst(%arg9 : memref<128x64xf32, #tpu.memory_space<vmem>>)
      %sub3A_979 = arith.constant 2 : i32
      %sub3A_980 = arith.subi %add3A_972, %sub3A_979 : i32
      %dma_wait3A_981 = arith.constant 0 : i32
      %dma_wait3A_982 = tpu.memref_slice %arg7[%sub3A_980, %dma_wait3A_981] : memref<40x128xi32, #tpu.memory_space<vmem>> -> memref<1x128xi32, #tpu.memory_space<vmem>>
      %dma_wait3A_983 = tpu.memref_squeeze %dma_wait3A_982 : memref<1x128xi32, #tpu.memory_space<vmem>> -> memref<128xi32, #tpu.memory_space<vmem>>
      %dma_wait3A_984 = arith.constant 0 : i32
      %dma_wait3A_985 = arith.constant 0 : i32
      %dma_wait3A_986 = tpu.memref_slice %arg13[%dma_wait3A_984, %dma_wait3A_985] : memref<10008x64xf32, #tpu.memory_space<vmem_shared>> -> memref<10008x64xf32, #tpu.memory_space<vmem_shared>>
      tpu.wait_indirect_dma semaphore(%arg21 : memref<!tpu.dma_semaphore, #tpu.memory_space<semaphore_mem>>) src(%arg11 : memref<128x64xf32, #tpu.memory_space<vmem>>) dst(%dma_wait3A_986 : memref<10008x64xf32, #tpu.memory_space<vmem_shared>>)
      %add3A_987 = arith.constant 2 : i32
      %add3A_988 = arith.addi %add3A_972, %add3A_987 : i32
      %dma_start3A_989 = arith.constant 0 : i32
      %dma_start3A_990 = tpu.memref_slice %arg6[%add3A_988, %dma_start3A_989] : memref<40x128xi32, #tpu.memory_space<vmem>> -> memref<1x128xi32, #tpu.memory_space<vmem>>
      %dma_start3A_991 = tpu.memref_squeeze %dma_start3A_990 : memref<1x128xi32, #tpu.memory_space<vmem>> -> memref<128xi32, #tpu.memory_space<vmem>>
      %dma_start3A_992 = arith.constant 0 : i32
      %dma_start3A_993 = arith.constant 0 : i32
      %dma_start3A_994 = tpu.memref_slice %arg12[%dma_start3A_992, %dma_start3A_993] : memref<10000x64xf32, #tpu.memory_space<vmem_shared>> -> memref<10000x64xf32, #tpu.memory_space<vmem_shared>>
      tpu.enqueue_indirect_dma source(%dma_start3A_994 : memref<10000x64xf32, #tpu.memory_space<vmem_shared>>) target(%arg11 : memref<128x64xf32, #tpu.memory_space<vmem>>) offsets(%dma_start3A_991 : memref<128xi32, #tpu.memory_space<vmem>>) semaphore(%arg17 : memref<!tpu.dma_semaphore, #tpu.memory_space<semaphore_mem>>)
      %dma_start3A_995 = arith.constant 0 : i32
      %dma_start3A_996 = tpu.memref_slice %arg7[%add3A_972, %dma_start3A_995] : memref<40x128xi32, #tpu.memory_space<vmem>> -> memref<1x128xi32, #tpu.memory_space<vmem>>
      %dma_start3A_997 = tpu.memref_squeeze %dma_start3A_996 : memref<1x128xi32, #tpu.memory_space<vmem>> -> memref<128xi32, #tpu.memory_space<vmem>>
      %dma_start3A_998 = arith.constant 0 : i32
      %dma_start3A_999 = arith.constant 0 : i32
      %dma_start3A_1000 = tpu.memref_slice %arg13[%dma_start3A_998, %dma_start3A_999] : memref<10008x64xf32, #tpu.memory_space<vmem_shared>> -> memref<10008x64xf32, #tpu.memory_space<vmem_shared>>
      tpu.enqueue_indirect_dma source(%arg9 : memref<128x64xf32, #tpu.memory_space<vmem>>) target(%dma_start3A_1000 : memref<10008x64xf32, #tpu.memory_space<vmem_shared>>) offsets(%dma_start3A_997 : memref<128xi32, #tpu.memory_space<vmem>>) semaphore(%arg19 : memref<!tpu.dma_semaphore, #tpu.memory_space<semaphore_mem>>) {add = true}
      %add3A_1001 = arith.constant 2 : i32
      %add3A_1002 = arith.addi %mul3A_942, %add3A_1001 : i32
      %dma_wait3A_1003 = arith.constant 0 : i32
      %dma_wait3A_1004 = tpu.memref_slice %arg6[%add3A_1002, %dma_wait3A_1003] : memref<40x128xi32, #tpu.memory_space<vmem>> -> memref<1x128xi32, #tpu.memory_space<vmem>>
      %dma_wait3A_1005 = tpu.memref_squeeze %dma_wait3A_1004 : memref<1x128xi32, #tpu.memory_space<vmem>> -> memref<128xi32, #tpu.memory_space<vmem>>
      %dma_wait3A_1006 = arith.constant 0 : i32
      %dma_wait3A_1007 = arith.constant 0 : i32
      %dma_wait3A_1008 = tpu.memref_slice %arg12[%dma_wait3A_1006, %dma_wait3A_1007] : memref<10000x64xf32, #tpu.memory_space<vmem_shared>> -> memref<10000x64xf32, #tpu.memory_space<vmem_shared>>
      tpu.wait_indirect_dma semaphore(%arg16 : memref<!tpu.dma_semaphore, #tpu.memory_space<semaphore_mem>>) src(%dma_wait3A_1008 : memref<10000x64xf32, #tpu.memory_space<vmem_shared>>) dst(%arg10 : memref<128x64xf32, #tpu.memory_space<vmem>>)
      %sub3A_1009 = arith.constant 2 : i32
      %sub3A_1010 = arith.subi %add3A_1002, %sub3A_1009 : i32
      %dma_wait3A_1011 = arith.constant 0 : i32
      %dma_wait3A_1012 = tpu.memref_slice %arg7[%sub3A_1010, %dma_wait3A_1011] : memref<40x128xi32, #tpu.memory_space<vmem>> -> memref<1x128xi32, #tpu.memory_space<vmem>>
      %dma_wait3A_1013 = tpu.memref_squeeze %dma_wait3A_1012 : memref<1x128xi32, #tpu.memory_space<vmem>> -> memref<128xi32, #tpu.memory_space<vmem>>
      %dma_wait3A_1014 = arith.constant 0 : i32
      %dma_wait3A_1015 = arith.constant 0 : i32
      %dma_wait3A_1016 = tpu.memref_slice %arg13[%dma_wait3A_1014, %dma_wait3A_1015] : memref<10008x64xf32, #tpu.memory_space<vmem_shared>> -> memref<10008x64xf32, #tpu.memory_space<vmem_shared>>
      tpu.wait_indirect_dma semaphore(%arg18 : memref<!tpu.dma_semaphore, #tpu.memory_space<semaphore_mem>>) src(%arg8 : memref<128x64xf32, #tpu.memory_space<vmem>>) dst(%dma_wait3A_1016 : memref<10008x64xf32, #tpu.memory_space<vmem_shared>>)
      %add3A_1017 = arith.constant 2 : i32
      %add3A_1018 = arith.addi %add3A_1002, %add3A_1017 : i32
      %dma_start3A_1019 = arith.constant 0 : i32
      %dma_start3A_1020 = tpu.memref_slice %arg6[%add3A_1018, %dma_start3A_1019] : memref<40x128xi32, #tpu.memory_space<vmem>> -> memref<1x128xi32, #tpu.memory_space<vmem>>
      %dma_start3A_1021 = tpu.memref_squeeze %dma_start3A_1020 : memref<1x128xi32, #tpu.memory_space<vmem>> -> memref<128xi32, #tpu.memory_space<vmem>>
      %dma_start3A_1022 = arith.constant 0 : i32
      %dma_start3A_1023 = arith.constant 0 : i32
      %dma_start3A_1024 = tpu.memref_slice %arg12[%dma_start3A_1022, %dma_start3A_1023] : memref<10000x64xf32, #tpu.memory_space<vmem_shared>> -> memref<10000x64xf32, #tpu.memory_space<vmem_shared>>
      tpu.enqueue_indirect_dma source(%dma_start3A_1024 : memref<10000x64xf32, #tpu.memory_space<vmem_shared>>) target(%arg8 : memref<128x64xf32, #tpu.memory_space<vmem>>) offsets(%dma_start3A_1021 : memref<128xi32, #tpu.memory_space<vmem>>) semaphore(%arg14 : memref<!tpu.dma_semaphore, #tpu.memory_space<semaphore_mem>>)
      %dma_start3A_1025 = arith.constant 0 : i32
      %dma_start3A_1026 = tpu.memref_slice %arg7[%add3A_1002, %dma_start3A_1025] : memref<40x128xi32, #tpu.memory_space<vmem>> -> memref<1x128xi32, #tpu.memory_space<vmem>>
      %dma_start3A_1027 = tpu.memref_squeeze %dma_start3A_1026 : memref<1x128xi32, #tpu.memory_space<vmem>> -> memref<128xi32, #tpu.memory_space<vmem>>
      %dma_start3A_1028 = arith.constant 0 : i32
      %dma_start3A_1029 = arith.constant 0 : i32
      %dma_start3A_1030 = tpu.memref_slice %arg13[%dma_start3A_1028, %dma_start3A_1029] : memref<10008x64xf32, #tpu.memory_space<vmem_shared>> -> memref<10008x64xf32, #tpu.memory_space<vmem_shared>>
      tpu.enqueue_indirect_dma source(%arg10 : memref<128x64xf32, #tpu.memory_space<vmem>>) target(%dma_start3A_1030 : memref<10008x64xf32, #tpu.memory_space<vmem_shared>>) offsets(%dma_start3A_1027 : memref<128xi32, #tpu.memory_space<vmem>>) semaphore(%arg20 : memref<!tpu.dma_semaphore, #tpu.memory_space<semaphore_mem>>) {add = true}
      %add3A_1031 = arith.constant 3 : i32
      %add3A_1032 = arith.addi %mul3A_942, %add3A_1031 : i32
      %dma_wait3A_1033 = arith.constant 0 : i32
      %dma_wait3A_1034 = tpu.memref_slice %arg6[%add3A_1032, %dma_wait3A_1033] : memref<40x128xi32, #tpu.memory_space<vmem>> -> memref<1x128xi32, #tpu.memory_space<vmem>>
      %dma_wait3A_1035 = tpu.memref_squeeze %dma_wait3A_1034 : memref<1x128xi32, #tpu.memory_space<vmem>> -> memref<128xi32, #tpu.memory_space<vmem>>
      %dma_wait3A_1036 = arith.constant 0 : i32
      %dma_wait3A_1037 = arith.constant 0 : i32
      %dma_wait3A_1038 = tpu.memref_slice %arg12[%dma_wait3A_1036, %dma_wait3A_1037] : memref<10000x64xf32, #tpu.memory_space<vmem_shared>> -> memref<10000x64xf32, #tpu.memory_space<vmem_shared>>
      tpu.wait_indirect_dma semaphore(%arg17 : memref<!tpu.dma_semaphore, #tpu.memory_space<semaphore_mem>>) src(%dma_wait3A_1038 : memref<10000x64xf32, #tpu.memory_space<vmem_shared>>) dst(%arg11 : memref<128x64xf32, #tpu.memory_space<vmem>>)
      %sub3A_1039 = arith.constant 2 : i32
      %sub3A_1040 = arith.subi %add3A_1032, %sub3A_1039 : i32
      %dma_wait3A_1041 = arith.constant 0 : i32
      %dma_wait3A_1042 = tpu.memref_slice %arg7[%sub3A_1040, %dma_wait3A_1041] : memref<40x128xi32, #tpu.memory_space<vmem>> -> memref<1x128xi32, #tpu.memory_space<vmem>>
      %dma_wait3A_1043 = tpu.memref_squeeze %dma_wait3A_1042 : memref<1x128xi32, #tpu.memory_space<vmem>> -> memref<128xi32, #tpu.memory_space<vmem>>
      %dma_wait3A_1044 = arith.constant 0 : i32
      %dma_wait3A_1045 = arith.constant 0 : i32
      %dma_wait3A_1046 = tpu.memref_slice %arg13[%dma_wait3A_1044, %dma_wait3A_1045] : memref<10008x64xf32, #tpu.memory_space<vmem_shared>> -> memref<10008x64xf32, #tpu.memory_space<vmem_shared>>
      tpu.wait_indirect_dma semaphore(%arg19 : memref<!tpu.dma_semaphore, #tpu.memory_space<semaphore_mem>>) src(%arg9 : memref<128x64xf32, #tpu.memory_space<vmem>>) dst(%dma_wait3A_1046 : memref<10008x64xf32, #tpu.memory_space<vmem_shared>>)
      %add3A_1047 = arith.constant 2 : i32
      %add3A_1048 = arith.addi %add3A_1032, %add3A_1047 : i32
      %dma_start3A_1049 = arith.constant 0 : i32
      %dma_start3A_1050 = tpu.memref_slice %arg6[%add3A_1048, %dma_start3A_1049] : memref<40x128xi32, #tpu.memory_space<vmem>> -> memref<1x128xi32, #tpu.memory_space<vmem>>
      %dma_start3A_1051 = tpu.memref_squeeze %dma_start3A_1050 : memref<1x128xi32, #tpu.memory_space<vmem>> -> memref<128xi32, #tpu.memory_space<vmem>>
      %dma_start3A_1052 = arith.constant 0 : i32
      %dma_start3A_1053 = arith.constant 0 : i32
      %dma_start3A_1054 = tpu.memref_slice %arg12[%dma_start3A_1052, %dma_start3A_1053] : memref<10000x64xf32, #tpu.memory_space<vmem_shared>> -> memref<10000x64xf32, #tpu.memory_space<vmem_shared>>
      tpu.enqueue_indirect_dma source(%dma_start3A_1054 : memref<10000x64xf32, #tpu.memory_space<vmem_shared>>) target(%arg9 : memref<128x64xf32, #tpu.memory_space<vmem>>) offsets(%dma_start3A_1051 : memref<128xi32, #tpu.memory_space<vmem>>) semaphore(%arg15 : memref<!tpu.dma_semaphore, #tpu.memory_space<semaphore_mem>>)
      %dma_start3A_1055 = arith.constant 0 : i32
      %dma_start3A_1056 = tpu.memref_slice %arg7[%add3A_1032, %dma_start3A_1055] : memref<40x128xi32, #tpu.memory_space<vmem>> -> memref<1x128xi32, #tpu.memory_space<vmem>>
      %dma_start3A_1057 = tpu.memref_squeeze %dma_start3A_1056 : memref<1x128xi32, #tpu.memory_space<vmem>> -> memref<128xi32, #tpu.memory_space<vmem>>
      %dma_start3A_1058 = arith.constant 0 : i32
      %dma_start3A_1059 = arith.constant 0 : i32
      %dma_start3A_1060 = tpu.memref_slice %arg13[%dma_start3A_1058, %dma_start3A_1059] : memref<10008x64xf32, #tpu.memory_space<vmem_shared>> -> memref<10008x64xf32, #tpu.memory_space<vmem_shared>>
      tpu.enqueue_indirect_dma source(%arg11 : memref<128x64xf32, #tpu.memory_space<vmem>>) target(%dma_start3A_1060 : memref<10008x64xf32, #tpu.memory_space<vmem_shared>>) offsets(%dma_start3A_1057 : memref<128xi32, #tpu.memory_space<vmem>>) semaphore(%arg21 : memref<!tpu.dma_semaphore, #tpu.memory_space<semaphore_mem>>) {add = true}
      %scan3A_1061 = arith.constant 0 : i32
      scf.yield %scan3A_1061 : i32
    }
    %scan3A_815 = arith.constant 8 : i32
    %dma_wait3A_816 = arith.constant 36 : i32
    %dma_wait3A_817 = arith.constant 0 : i32
    %dma_wait3A_818 = tpu.memref_slice %arg6[%dma_wait3A_816, %dma_wait3A_817] : memref<40x128xi32, #tpu.memory_space<vmem>> -> memref<1x128xi32, #tpu.memory_space<vmem>>
    %dma_wait3A_819 = tpu.memref_squeeze %dma_wait3A_818 : memref<1x128xi32, #tpu.memory_space<vmem>> -> memref<128xi32, #tpu.memory_space<vmem>>
    %dma_wait3A_820 = arith.constant 0 : i32
    %dma_wait3A_821 = arith.constant 0 : i32
    %dma_wait3A_822 = tpu.memref_slice %arg12[%dma_wait3A_820, %dma_wait3A_821] : memref<10000x64xf32, #tpu.memory_space<vmem_shared>> -> memref<10000x64xf32, #tpu.memory_space<vmem_shared>>
    tpu.wait_indirect_dma semaphore(%arg14 : memref<!tpu.dma_semaphore, #tpu.memory_space<semaphore_mem>>) src(%dma_wait3A_822 : memref<10000x64xf32, #tpu.memory_space<vmem_shared>>) dst(%arg8 : memref<128x64xf32, #tpu.memory_space<vmem>>)
    %dma_wait3A_823 = arith.constant 34 : i32
    %dma_wait3A_824 = arith.constant 0 : i32
    %dma_wait3A_825 = tpu.memref_slice %arg7[%dma_wait3A_823, %dma_wait3A_824] : memref<40x128xi32, #tpu.memory_space<vmem>> -> memref<1x128xi32, #tpu.memory_space<vmem>>
    %dma_wait3A_826 = tpu.memref_squeeze %dma_wait3A_825 : memref<1x128xi32, #tpu.memory_space<vmem>> -> memref<128xi32, #tpu.memory_space<vmem>>
    %dma_wait3A_827 = arith.constant 0 : i32
    %dma_wait3A_828 = arith.constant 0 : i32
    %dma_wait3A_829 = tpu.memref_slice %arg13[%dma_wait3A_827, %dma_wait3A_828] : memref<10008x64xf32, #tpu.memory_space<vmem_shared>> -> memref<10008x64xf32, #tpu.memory_space<vmem_shared>>
    tpu.wait_indirect_dma semaphore(%arg20 : memref<!tpu.dma_semaphore, #tpu.memory_space<semaphore_mem>>) src(%arg10 : memref<128x64xf32, #tpu.memory_space<vmem>>) dst(%dma_wait3A_829 : memref<10008x64xf32, #tpu.memory_space<vmem_shared>>)
    %dma_start3A_830 = arith.constant 38 : i32
    %dma_start3A_831 = arith.constant 0 : i32
    %dma_start3A_832 = tpu.memref_slice %arg6[%dma_start3A_830, %dma_start3A_831] : memref<40x128xi32, #tpu.memory_space<vmem>> -> memref<1x128xi32, #tpu.memory_space<vmem>>
    %dma_start3A_833 = tpu.memref_squeeze %dma_start3A_832 : memref<1x128xi32, #tpu.memory_space<vmem>> -> memref<128xi32, #tpu.memory_space<vmem>>
    %dma_start3A_834 = arith.constant 0 : i32
    %dma_start3A_835 = arith.constant 0 : i32
    %dma_start3A_836 = tpu.memref_slice %arg12[%dma_start3A_834, %dma_start3A_835] : memref<10000x64xf32, #tpu.memory_space<vmem_shared>> -> memref<10000x64xf32, #tpu.memory_space<vmem_shared>>
    tpu.enqueue_indirect_dma source(%dma_start3A_836 : memref<10000x64xf32, #tpu.memory_space<vmem_shared>>) target(%arg10 : memref<128x64xf32, #tpu.memory_space<vmem>>) offsets(%dma_start3A_833 : memref<128xi32, #tpu.memory_space<vmem>>) semaphore(%arg16 : memref<!tpu.dma_semaphore, #tpu.memory_space<semaphore_mem>>)
    %dma_start3A_837 = arith.constant 36 : i32
    %dma_start3A_838 = arith.constant 0 : i32
    %dma_start3A_839 = tpu.memref_slice %arg7[%dma_start3A_837, %dma_start3A_838] : memref<40x128xi32, #tpu.memory_space<vmem>> -> memref<1x128xi32, #tpu.memory_space<vmem>>
    %dma_start3A_840 = tpu.memref_squeeze %dma_start3A_839 : memref<1x128xi32, #tpu.memory_space<vmem>> -> memref<128xi32, #tpu.memory_space<vmem>>
    %dma_start3A_841 = arith.constant 0 : i32
    %dma_start3A_842 = arith.constant 0 : i32
    %dma_start3A_843 = tpu.memref_slice %arg13[%dma_start3A_841, %dma_start3A_842] : memref<10008x64xf32, #tpu.memory_space<vmem_shared>> -> memref<10008x64xf32, #tpu.memory_space<vmem_shared>>
    tpu.enqueue_indirect_dma source(%arg8 : memref<128x64xf32, #tpu.memory_space<vmem>>) target(%dma_start3A_843 : memref<10008x64xf32, #tpu.memory_space<vmem_shared>>) offsets(%dma_start3A_840 : memref<128xi32, #tpu.memory_space<vmem>>) semaphore(%arg18 : memref<!tpu.dma_semaphore, #tpu.memory_space<semaphore_mem>>) {add = true}
    %dma_wait3A_844 = arith.constant 37 : i32
    %dma_wait3A_845 = arith.constant 0 : i32
    %dma_wait3A_846 = tpu.memref_slice %arg6[%dma_wait3A_844, %dma_wait3A_845] : memref<40x128xi32, #tpu.memory_space<vmem>> -> memref<1x128xi32, #tpu.memory_space<vmem>>
    %dma_wait3A_847 = tpu.memref_squeeze %dma_wait3A_846 : memref<1x128xi32, #tpu.memory_space<vmem>> -> memref<128xi32, #tpu.memory_space<vmem>>
    %dma_wait3A_848 = arith.constant 0 : i32
    %dma_wait3A_849 = arith.constant 0 : i32
    %dma_wait3A_850 = tpu.memref_slice %arg12[%dma_wait3A_848, %dma_wait3A_849] : memref<10000x64xf32, #tpu.memory_space<vmem_shared>> -> memref<10000x64xf32, #tpu.memory_space<vmem_shared>>
    tpu.wait_indirect_dma semaphore(%arg15 : memref<!tpu.dma_semaphore, #tpu.memory_space<semaphore_mem>>) src(%dma_wait3A_850 : memref<10000x64xf32, #tpu.memory_space<vmem_shared>>) dst(%arg9 : memref<128x64xf32, #tpu.memory_space<vmem>>)
    %dma_wait3A_851 = arith.constant 35 : i32
    %dma_wait3A_852 = arith.constant 0 : i32
    %dma_wait3A_853 = tpu.memref_slice %arg7[%dma_wait3A_851, %dma_wait3A_852] : memref<40x128xi32, #tpu.memory_space<vmem>> -> memref<1x128xi32, #tpu.memory_space<vmem>>
    %dma_wait3A_854 = tpu.memref_squeeze %dma_wait3A_853 : memref<1x128xi32, #tpu.memory_space<vmem>> -> memref<128xi32, #tpu.memory_space<vmem>>
    %dma_wait3A_855 = arith.constant 0 : i32
    %dma_wait3A_856 = arith.constant 0 : i32
    %dma_wait3A_857 = tpu.memref_slice %arg13[%dma_wait3A_855, %dma_wait3A_856] : memref<10008x64xf32, #tpu.memory_space<vmem_shared>> -> memref<10008x64xf32, #tpu.memory_space<vmem_shared>>
    tpu.wait_indirect_dma semaphore(%arg21 : memref<!tpu.dma_semaphore, #tpu.memory_space<semaphore_mem>>) src(%arg11 : memref<128x64xf32, #tpu.memory_space<vmem>>) dst(%dma_wait3A_857 : memref<10008x64xf32, #tpu.memory_space<vmem_shared>>)
    %dma_start3A_858 = arith.constant 39 : i32
    %dma_start3A_859 = arith.constant 0 : i32
    %dma_start3A_860 = tpu.memref_slice %arg6[%dma_start3A_858, %dma_start3A_859] : memref<40x128xi32, #tpu.memory_space<vmem>> -> memref<1x128xi32, #tpu.memory_space<vmem>>
    %dma_start3A_861 = tpu.memref_squeeze %dma_start3A_860 : memref<1x128xi32, #tpu.memory_space<vmem>> -> memref<128xi32, #tpu.memory_space<vmem>>
    %dma_start3A_862 = arith.constant 0 : i32
    %dma_start3A_863 = arith.constant 0 : i32
    %dma_start3A_864 = tpu.memref_slice %arg12[%dma_start3A_862, %dma_start3A_863] : memref<10000x64xf32, #tpu.memory_space<vmem_shared>> -> memref<10000x64xf32, #tpu.memory_space<vmem_shared>>
    tpu.enqueue_indirect_dma source(%dma_start3A_864 : memref<10000x64xf32, #tpu.memory_space<vmem_shared>>) target(%arg11 : memref<128x64xf32, #tpu.memory_space<vmem>>) offsets(%dma_start3A_861 : memref<128xi32, #tpu.memory_space<vmem>>) semaphore(%arg17 : memref<!tpu.dma_semaphore, #tpu.memory_space<semaphore_mem>>)
    %dma_start3A_865 = arith.constant 37 : i32
    %dma_start3A_866 = arith.constant 0 : i32
    %dma_start3A_867 = tpu.memref_slice %arg7[%dma_start3A_865, %dma_start3A_866] : memref<40x128xi32, #tpu.memory_space<vmem>> -> memref<1x128xi32, #tpu.memory_space<vmem>>
    %dma_start3A_868 = tpu.memref_squeeze %dma_start3A_867 : memref<1x128xi32, #tpu.memory_space<vmem>> -> memref<128xi32, #tpu.memory_space<vmem>>
    %dma_start3A_869 = arith.constant 0 : i32
    %dma_start3A_870 = arith.constant 0 : i32
    %dma_start3A_871 = tpu.memref_slice %arg13[%dma_start3A_869, %dma_start3A_870] : memref<10008x64xf32, #tpu.memory_space<vmem_shared>> -> memref<10008x64xf32, #tpu.memory_space<vmem_shared>>
    tpu.enqueue_indirect_dma source(%arg9 : memref<128x64xf32, #tpu.memory_space<vmem>>) target(%dma_start3A_871 : memref<10008x64xf32, #tpu.memory_space<vmem_shared>>) offsets(%dma_start3A_868 : memref<128xi32, #tpu.memory_space<vmem>>) semaphore(%arg19 : memref<!tpu.dma_semaphore, #tpu.memory_space<semaphore_mem>>) {add = true}
    %dma_wait3A_872 = arith.constant 38 : i32
    %dma_wait3A_873 = arith.constant 0 : i32
    %dma_wait3A_874 = tpu.memref_slice %arg6[%dma_wait3A_872, %dma_wait3A_873] : memref<40x128xi32, #tpu.memory_space<vmem>> -> memref<1x128xi32, #tpu.memory_space<vmem>>
    %dma_wait3A_875 = tpu.memref_squeeze %dma_wait3A_874 : memref<1x128xi32, #tpu.memory_space<vmem>> -> memref<128xi32, #tpu.memory_space<vmem>>
    %dma_wait3A_876 = arith.constant 0 : i32
    %dma_wait3A_877 = arith.constant 0 : i32
    %dma_wait3A_878 = tpu.memref_slice %arg12[%dma_wait3A_876, %dma_wait3A_877] : memref<10000x64xf32, #tpu.memory_space<vmem_shared>> -> memref<10000x64xf32, #tpu.memory_space<vmem_shared>>
    tpu.wait_indirect_dma semaphore(%arg16 : memref<!tpu.dma_semaphore, #tpu.memory_space<semaphore_mem>>) src(%dma_wait3A_878 : memref<10000x64xf32, #tpu.memory_space<vmem_shared>>) dst(%arg10 : memref<128x64xf32, #tpu.memory_space<vmem>>)
    %dma_wait3A_879 = arith.constant 36 : i32
    %dma_wait3A_880 = arith.constant 0 : i32
    %dma_wait3A_881 = tpu.memref_slice %arg7[%dma_wait3A_879, %dma_wait3A_880] : memref<40x128xi32, #tpu.memory_space<vmem>> -> memref<1x128xi32, #tpu.memory_space<vmem>>
    %dma_wait3A_882 = tpu.memref_squeeze %dma_wait3A_881 : memref<1x128xi32, #tpu.memory_space<vmem>> -> memref<128xi32, #tpu.memory_space<vmem>>
    %dma_wait3A_883 = arith.constant 0 : i32
    %dma_wait3A_884 = arith.constant 0 : i32
    %dma_wait3A_885 = tpu.memref_slice %arg13[%dma_wait3A_883, %dma_wait3A_884] : memref<10008x64xf32, #tpu.memory_space<vmem_shared>> -> memref<10008x64xf32, #tpu.memory_space<vmem_shared>>
    tpu.wait_indirect_dma semaphore(%arg18 : memref<!tpu.dma_semaphore, #tpu.memory_space<semaphore_mem>>) src(%arg8 : memref<128x64xf32, #tpu.memory_space<vmem>>) dst(%dma_wait3A_885 : memref<10008x64xf32, #tpu.memory_space<vmem_shared>>)
    %dma_start3A_886 = arith.constant 38 : i32
    %dma_start3A_887 = arith.constant 0 : i32
    %dma_start3A_888 = tpu.memref_slice %arg7[%dma_start3A_886, %dma_start3A_887] : memref<40x128xi32, #tpu.memory_space<vmem>> -> memref<1x128xi32, #tpu.memory_space<vmem>>
    %dma_start3A_889 = tpu.memref_squeeze %dma_start3A_888 : memref<1x128xi32, #tpu.memory_space<vmem>> -> memref<128xi32, #tpu.memory_space<vmem>>
    %dma_start3A_890 = arith.constant 0 : i32
    %dma_start3A_891 = arith.constant 0 : i32
    %dma_start3A_892 = tpu.memref_slice %arg13[%dma_start3A_890, %dma_start3A_891] : memref<10008x64xf32, #tpu.memory_space<vmem_shared>> -> memref<10008x64xf32, #tpu.memory_space<vmem_shared>>
    tpu.enqueue_indirect_dma source(%arg10 : memref<128x64xf32, #tpu.memory_space<vmem>>) target(%dma_start3A_892 : memref<10008x64xf32, #tpu.memory_space<vmem_shared>>) offsets(%dma_start3A_889 : memref<128xi32, #tpu.memory_space<vmem>>) semaphore(%arg20 : memref<!tpu.dma_semaphore, #tpu.memory_space<semaphore_mem>>) {add = true}
    %dma_wait3A_893 = arith.constant 39 : i32
    %dma_wait3A_894 = arith.constant 0 : i32
    %dma_wait3A_895 = tpu.memref_slice %arg6[%dma_wait3A_893, %dma_wait3A_894] : memref<40x128xi32, #tpu.memory_space<vmem>> -> memref<1x128xi32, #tpu.memory_space<vmem>>
    %dma_wait3A_896 = tpu.memref_squeeze %dma_wait3A_895 : memref<1x128xi32, #tpu.memory_space<vmem>> -> memref<128xi32, #tpu.memory_space<vmem>>
    %dma_wait3A_897 = arith.constant 0 : i32
    %dma_wait3A_898 = arith.constant 0 : i32
    %dma_wait3A_899 = tpu.memref_slice %arg12[%dma_wait3A_897, %dma_wait3A_898] : memref<10000x64xf32, #tpu.memory_space<vmem_shared>> -> memref<10000x64xf32, #tpu.memory_space<vmem_shared>>
    tpu.wait_indirect_dma semaphore(%arg17 : memref<!tpu.dma_semaphore, #tpu.memory_space<semaphore_mem>>) src(%dma_wait3A_899 : memref<10000x64xf32, #tpu.memory_space<vmem_shared>>) dst(%arg11 : memref<128x64xf32, #tpu.memory_space<vmem>>)
    %dma_wait3A_900 = arith.constant 37 : i32
    %dma_wait3A_901 = arith.constant 0 : i32
    %dma_wait3A_902 = tpu.memref_slice %arg7[%dma_wait3A_900, %dma_wait3A_901] : memref<40x128xi32, #tpu.memory_space<vmem>> -> memref<1x128xi32, #tpu.memory_space<vmem>>
    %dma_wait3A_903 = tpu.memref_squeeze %dma_wait3A_902 : memref<1x128xi32, #tpu.memory_space<vmem>> -> memref<128xi32, #tpu.memory_space<vmem>>
    %dma_wait3A_904 = arith.constant 0 : i32
    %dma_wait3A_905 = arith.constant 0 : i32
    %dma_wait3A_906 = tpu.memref_slice %arg13[%dma_wait3A_904, %dma_wait3A_905] : memref<10008x64xf32, #tpu.memory_space<vmem_shared>> -> memref<10008x64xf32, #tpu.memory_space<vmem_shared>>
    tpu.wait_indirect_dma semaphore(%arg19 : memref<!tpu.dma_semaphore, #tpu.memory_space<semaphore_mem>>) src(%arg9 : memref<128x64xf32, #tpu.memory_space<vmem>>) dst(%dma_wait3A_906 : memref<10008x64xf32, #tpu.memory_space<vmem_shared>>)
    %dma_start3A_907 = arith.constant 39 : i32
    %dma_start3A_908 = arith.constant 0 : i32
    %dma_start3A_909 = tpu.memref_slice %arg7[%dma_start3A_907, %dma_start3A_908] : memref<40x128xi32, #tpu.memory_space<vmem>> -> memref<1x128xi32, #tpu.memory_space<vmem>>
    %dma_start3A_910 = tpu.memref_squeeze %dma_start3A_909 : memref<1x128xi32, #tpu.memory_space<vmem>> -> memref<128xi32, #tpu.memory_space<vmem>>
    %dma_start3A_911 = arith.constant 0 : i32
    %dma_start3A_912 = arith.constant 0 : i32
    %dma_start3A_913 = tpu.memref_slice %arg13[%dma_start3A_911, %dma_start3A_912] : memref<10008x64xf32, #tpu.memory_space<vmem_shared>> -> memref<10008x64xf32, #tpu.memory_space<vmem_shared>>
    tpu.enqueue_indirect_dma source(%arg11 : memref<128x64xf32, #tpu.memory_space<vmem>>) target(%dma_start3A_913 : memref<10008x64xf32, #tpu.memory_space<vmem_shared>>) offsets(%dma_start3A_910 : memref<128xi32, #tpu.memory_space<vmem>>) semaphore(%arg21 : memref<!tpu.dma_semaphore, #tpu.memory_space<semaphore_mem>>) {add = true}
    %dma_wait3A_914 = arith.constant 38 : i32
    %dma_wait3A_915 = arith.constant 0 : i32
    %dma_wait3A_916 = tpu.memref_slice %arg7[%dma_wait3A_914, %dma_wait3A_915] : memref<40x128xi32, #tpu.memory_space<vmem>> -> memref<1x128xi32, #tpu.memory_space<vmem>>
    %dma_wait3A_917 = tpu.memref_squeeze %dma_wait3A_916 : memref<1x128xi32, #tpu.memory_space<vmem>> -> memref<128xi32, #tpu.memory_space<vmem>>
    %dma_wait3A_918 = arith.constant 0 : i32
    %dma_wait3A_919 = arith.constant 0 : i32
    %dma_wait3A_920 = tpu.memref_slice %arg13[%dma_wait3A_918, %dma_wait3A_919] : memref<10008x64xf32, #tpu.memory_space<vmem_shared>> -> memref<10008x64xf32, #tpu.memory_space<vmem_shared>>
    tpu.wait_indirect_dma semaphore(%arg20 : memref<!tpu.dma_semaphore, #tpu.memory_space<semaphore_mem>>) src(%arg10 : memref<128x64xf32, #tpu.memory_space<vmem>>) dst(%dma_wait3A_920 : memref<10008x64xf32, #tpu.memory_space<vmem_shared>>)
    %dma_wait3A_921 = arith.constant 39 : i32
    %dma_wait3A_922 = arith.constant 0 : i32
    %dma_wait3A_923 = tpu.memref_slice %arg7[%dma_wait3A_921, %dma_wait3A_922] : memref<40x128xi32, #tpu.memory_space<vmem>> -> memref<1x128xi32, #tpu.memory_space<vmem>>
    %dma_wait3A_924 = tpu.memref_squeeze %dma_wait3A_923 : memref<1x128xi32, #tpu.memory_space<vmem>> -> memref<128xi32, #tpu.memory_space<vmem>>
    %dma_wait3A_925 = arith.constant 0 : i32
    %dma_wait3A_926 = arith.constant 0 : i32
    %dma_wait3A_927 = tpu.memref_slice %arg13[%dma_wait3A_925, %dma_wait3A_926] : memref<10008x64xf32, #tpu.memory_space<vmem_shared>> -> memref<10008x64xf32, #tpu.memory_space<vmem_shared>>
    tpu.wait_indirect_dma semaphore(%arg21 : memref<!tpu.dma_semaphore, #tpu.memory_space<semaphore_mem>>) src(%arg11 : memref<128x64xf32, #tpu.memory_space<vmem>>) dst(%dma_wait3A_927 : memref<10008x64xf32, #tpu.memory_space<vmem_shared>>)
    %barrier3A_928 = arith.constant 0 : index
    tpu.barrier barrier_id(%barrier3A_928)
    %lt3A_929 = arith.constant 15 : i32
    %lt3A_930 = arith.cmpi slt, %arg1, %lt3A_929 : i32
    %convert_element_type3A_931 = arith.extui %lt3A_930 : i1 to i32
    %cond3A_932 = arith.constant 0 : i32
    %cond3A_933 = arith.cmpi ne, %convert_element_type3A_931, %cond3A_932 : i32
    scf.if %cond3A_933 {
      "tpu.region"() ({
        %run_scoped3A = tpu.sem_alloc : memref<!tpu.dma_semaphore, #tpu.memory_space<semaphore_mem>>
        %dma_start3A_939 = arith.constant 0 : i32
        %dma_start3A_940 = arith.constant 0 : i32
        %dma_start3A_941 = tpu.memref_slice %arg5[%arg0, %dma_start3A_939, %dma_start3A_940] : memref<2x10000x64xf32, #tpu.memory_space<hbm>> -> memref<1x10000x64xf32, #tpu.memory_space<hbm>>
        %dma_start3A_942 = tpu.memref_squeeze %dma_start3A_941 : memref<1x10000x64xf32, #tpu.memory_space<hbm>> -> memref<10000x64xf32, #tpu.memory_space<hbm>>
        %dma_start3A_943 = arith.constant 0 : i32
        %dma_start3A_944 = tpu.memref_slice %dma_start3A_942[%mul3A_0, %dma_start3A_943] : memref<10000x64xf32, #tpu.memory_space<hbm>> -> memref<632x64xf32, #tpu.memory_space<hbm>>
        %dma_start3A_945 = arith.constant 0 : i32
        %dma_start3A_946 = tpu.memref_slice %arg13[%mul3A_0, %dma_start3A_945] : memref<10008x64xf32, #tpu.memory_space<vmem_shared>> -> memref<632x64xf32, #tpu.memory_space<vmem_shared>>
        tpu.enqueue_dma source(%dma_start3A_946 : memref<632x64xf32, #tpu.memory_space<vmem_shared>>) target(%dma_start3A_944 : memref<632x64xf32, #tpu.memory_space<hbm>>) target_semaphore(%run_scoped3A : memref<!tpu.dma_semaphore, #tpu.memory_space<semaphore_mem>>)
        %dma_wait3A_947 = arith.constant 0 : i32
        %dma_wait3A_948 = arith.constant 0 : i32
        %dma_wait3A_949 = tpu.memref_slice %arg5[%arg0, %dma_wait3A_947, %dma_wait3A_948] : memref<2x10000x64xf32, #tpu.memory_space<hbm>> -> memref<1x10000x64xf32, #tpu.memory_space<hbm>>
        %dma_wait3A_950 = tpu.memref_squeeze %dma_wait3A_949 : memref<1x10000x64xf32, #tpu.memory_space<hbm>> -> memref<10000x64xf32, #tpu.memory_space<hbm>>
        %dma_wait3A_951 = arith.constant 0 : i32
        %dma_wait3A_952 = tpu.memref_slice %dma_wait3A_950[%mul3A_0, %dma_wait3A_951] : memref<10000x64xf32, #tpu.memory_space<hbm>> -> memref<632x64xf32, #tpu.memory_space<hbm>>
        %dma_wait3A_953 = arith.constant 0 : i32
        %dma_wait3A_954 = tpu.memref_slice %arg13[%mul3A_0, %dma_wait3A_953] : memref<10008x64xf32, #tpu.memory_space<vmem_shared>> -> memref<632x64xf32, #tpu.memory_space<vmem_shared>>
        tpu.wait_dma2 semaphore(%run_scoped3A : memref<!tpu.dma_semaphore, #tpu.memory_space<semaphore_mem>>) src(%dma_wait3A_954 : memref<632x64xf32, #tpu.memory_space<vmem_shared>>) dst(%dma_wait3A_952 : memref<632x64xf32, #tpu.memory_space<hbm>>)
        tpu.yield
      }) : () -> ()
    } else {
    }
    %eq3A_934 = arith.constant 15 : i32
    %eq3A_935 = arith.cmpi eq, %arg1, %eq3A_934 : i32
    %convert_element_type3A_936 = arith.extui %eq3A_935 : i1 to i32
    %cond3A_937 = arith.constant 0 : i32
    %cond3A_938 = arith.cmpi ne, %convert_element_type3A_936, %cond3A_937 : i32
    scf.if %cond3A_938 {
      "tpu.region"() ({
        %run_scoped3A = tpu.sem_alloc : memref<!tpu.dma_semaphore, #tpu.memory_space<semaphore_mem>>
        %dma_start3A_939 = arith.constant 0 : i32
        %dma_start3A_940 = arith.constant 0 : i32
        %dma_start3A_941 = tpu.memref_slice %arg5[%arg0, %dma_start3A_939, %dma_start3A_940] : memref<2x10000x64xf32, #tpu.memory_space<hbm>> -> memref<1x10000x64xf32, #tpu.memory_space<hbm>>
        %dma_start3A_942 = tpu.memref_squeeze %dma_start3A_941 : memref<1x10000x64xf32, #tpu.memory_space<hbm>> -> memref<10000x64xf32, #tpu.memory_space<hbm>>
        %dma_start3A_943 = arith.constant 0 : i32
        %dma_start3A_944 = tpu.memref_slice %dma_start3A_942[%mul3A_0, %dma_start3A_943] : memref<10000x64xf32, #tpu.memory_space<hbm>> -> memref<520x64xf32, #tpu.memory_space<hbm>>
        %dma_start3A_945 = arith.constant 0 : i32
        %dma_start3A_946 = tpu.memref_slice %arg13[%mul3A_0, %dma_start3A_945] : memref<10008x64xf32, #tpu.memory_space<vmem_shared>> -> memref<520x64xf32, #tpu.memory_space<vmem_shared>>
        tpu.enqueue_dma source(%dma_start3A_946 : memref<520x64xf32, #tpu.memory_space<vmem_shared>>) target(%dma_start3A_944 : memref<520x64xf32, #tpu.memory_space<hbm>>) target_semaphore(%run_scoped3A : memref<!tpu.dma_semaphore, #tpu.memory_space<semaphore_mem>>)
        %dma_wait3A_947 = arith.constant 0 : i32
        %dma_wait3A_948 = arith.constant 0 : i32
        %dma_wait3A_949 = tpu.memref_slice %arg5[%arg0, %dma_wait3A_947, %dma_wait3A_948] : memref<2x10000x64xf32, #tpu.memory_space<hbm>> -> memref<1x10000x64xf32, #tpu.memory_space<hbm>>
        %dma_wait3A_950 = tpu.memref_squeeze %dma_wait3A_949 : memref<1x10000x64xf32, #tpu.memory_space<hbm>> -> memref<10000x64xf32, #tpu.memory_space<hbm>>
        %dma_wait3A_951 = arith.constant 0 : i32
        %dma_wait3A_952 = tpu.memref_slice %dma_wait3A_950[%mul3A_0, %dma_wait3A_951] : memref<10000x64xf32, #tpu.memory_space<hbm>> -> memref<520x64xf32, #tpu.memory_space<hbm>>
        %dma_wait3A_953 = arith.constant 0 : i32
        %dma_wait3A_954 = tpu.memref_slice %arg13[%mul3A_0, %dma_wait3A_953] : memref<10008x64xf32, #tpu.memory_space<vmem_shared>> -> memref<520x64xf32, #tpu.memory_space<vmem_shared>>
        tpu.wait_dma2 semaphore(%run_scoped3A : memref<!tpu.dma_semaphore, #tpu.memory_space<semaphore_mem>>) src(%dma_wait3A_954 : memref<520x64xf32, #tpu.memory_space<vmem_shared>>) dst(%dma_wait3A_952 : memref<520x64xf32, #tpu.memory_space<hbm>>)
        tpu.yield
      }) : () -> ()
    } else {
    }
    return
  }
}

module attributes {stable_mosaic.version = 14 : i64} {
  func.func @_gru_body(%arg0: memref<128x128xf32, #tpu.memory_space<vmem>>, %arg1: memref<384x128xf32, #tpu.memory_space<vmem>>, %arg2: memref<384x128xf32, #tpu.memory_space<vmem>>, %arg3: memref<1x384xf32, #tpu.memory_space<vmem>>, %arg4: memref<1x384xf32, #tpu.memory_space<vmem>>, %arg5: memref<128x128xf32, #tpu.memory_space<vmem>>) attributes {dimension_semantics = [], scalar_prefetch = 0 : i64, scratch_operands = 0 : i64, tpu.core_type = #tpu.core_type<tc>} {
    %get3A = arith.constant 0 : index
    %get3A_0 = arith.constant 0 : index
    %get3A_1 = vector.load %arg0[%get3A, %get3A_0] : memref<128x128xf32, #tpu.memory_space<vmem>>, vector<128x128xf32>
    %get3A_2 = arith.constant 0 : index
    %get3A_3 = arith.constant 0 : index
    %get3A_4 = vector.load %arg1[%get3A_2, %get3A_3] : memref<384x128xf32, #tpu.memory_space<vmem>>, vector<384x128xf32>
    %dot_general3A = arith.constant dense<0.000000e+00> : vector<128x384xf32>
    %dot_general3A_5 = tpu.matmul %get3A_1, %get3A_4, %dot_general3A {dimension_numbers = #tpu.dot_dimension_numbers<[1], [1], [0], [0], [0, 0, 1, 0], [], []>, transpose_lhs_hint = false} : vector<128x128xf32>, vector<384x128xf32>, vector<128x384xf32> -> vector<128x384xf32>
    %get3A_6 = arith.constant 0 : index
    %get3A_7 = arith.constant 0 : index
    %get3A_8 = vector.load %arg3[%get3A_6, %get3A_7] : memref<1x384xf32, #tpu.memory_space<vmem>>, vector<1x384xf32>
    %add3A = vector.broadcast %get3A_8 : vector<1x384xf32> to vector<128x384xf32>
    %add3A_9 = arith.addf %dot_general3A_5, %add3A : vector<128x384xf32>
    %get3A_10 = arith.constant 0 : index
    %get3A_11 = arith.constant 0 : index
    %get3A_12 = vector.load %arg2[%get3A_10, %get3A_11] : memref<384x128xf32, #tpu.memory_space<vmem>>, vector<384x128xf32>
    %dot_general3A_13 = arith.constant dense<0.000000e+00> : vector<128x384xf32>
    %dot_general3A_14 = tpu.matmul %get3A_1, %get3A_12, %dot_general3A_13 {dimension_numbers = #tpu.dot_dimension_numbers<[1], [1], [0], [0], [0, 0, 1, 0], [], []>, transpose_lhs_hint = false} : vector<128x128xf32>, vector<384x128xf32>, vector<128x384xf32> -> vector<128x384xf32>
    %get3A_15 = arith.constant 0 : index
    %get3A_16 = arith.constant 0 : index
    %get3A_17 = vector.load %arg4[%get3A_15, %get3A_16] : memref<1x384xf32, #tpu.memory_space<vmem>>, vector<1x384xf32>
    %add3A_18 = vector.broadcast %get3A_17 : vector<1x384xf32> to vector<128x384xf32>
    %add3A_19 = arith.addf %dot_general3A_14, %add3A_18 : vector<128x384xf32>
    %slice3A = vector.extract_strided_slice %add3A_9 {offsets = [0, 0], sizes = [128, 128], strides = [1, 1]} : vector<128x384xf32> to vector<128x128xf32>
    %slice3A_20 = vector.extract_strided_slice %add3A_19 {offsets = [0, 0], sizes = [128, 128], strides = [1, 1]} : vector<128x384xf32> to vector<128x128xf32>
    %add3A_21 = arith.addf %slice3A, %slice3A_20 : vector<128x128xf32>
    %logistic3A = arith.negf %add3A_21 : vector<128x128xf32>
    %logistic3A_22 = math.exp %logistic3A : vector<128x128xf32>
    %logistic3A_23 = arith.constant 1.000000e+00 : f32
    %logistic3A_24 = vector.broadcast %logistic3A_23 : f32 to vector<128x128xf32>
    %logistic3A_25 = arith.addf %logistic3A_24, %logistic3A_22 : vector<128x128xf32>
    %logistic3A_26 = arith.divf %logistic3A_24, %logistic3A_25 : vector<128x128xf32>
    %slice3A_27 = vector.extract_strided_slice %add3A_9 {offsets = [0, 128], sizes = [128, 128], strides = [1, 1]} : vector<128x384xf32> to vector<128x128xf32>
    %slice3A_28 = vector.extract_strided_slice %add3A_19 {offsets = [0, 128], sizes = [128, 128], strides = [1, 1]} : vector<128x384xf32> to vector<128x128xf32>
    %add3A_29 = arith.addf %slice3A_27, %slice3A_28 : vector<128x128xf32>
    %logistic3A_30 = arith.negf %add3A_29 : vector<128x128xf32>
    %logistic3A_31 = math.exp %logistic3A_30 : vector<128x128xf32>
    %logistic3A_32 = arith.constant 1.000000e+00 : f32
    %logistic3A_33 = vector.broadcast %logistic3A_32 : f32 to vector<128x128xf32>
    %logistic3A_34 = arith.addf %logistic3A_33, %logistic3A_31 : vector<128x128xf32>
    %logistic3A_35 = arith.divf %logistic3A_33, %logistic3A_34 : vector<128x128xf32>
    %slice3A_36 = vector.extract_strided_slice %add3A_9 {offsets = [0, 256], sizes = [128, 128], strides = [1, 1]} : vector<128x384xf32> to vector<128x128xf32>
    %slice3A_37 = vector.extract_strided_slice %add3A_19 {offsets = [0, 256], sizes = [128, 128], strides = [1, 1]} : vector<128x384xf32> to vector<128x128xf32>
    %mul3A = arith.mulf %logistic3A_26, %slice3A_37 : vector<128x128xf32>
    %add3A_38 = arith.addf %slice3A_36, %mul3A : vector<128x128xf32>
    %tanh3A = math.tanh %add3A_38 : vector<128x128xf32>
    %sub3A = arith.constant 1.000000e+00 : f32
    %sub3A_39 = vector.broadcast %sub3A : f32 to vector<128x128xf32>
    %sub3A_40 = arith.subf %sub3A_39, %logistic3A_35 : vector<128x128xf32>
    %mul3A_41 = arith.mulf %sub3A_40, %tanh3A : vector<128x128xf32>
    %mul3A_42 = arith.mulf %logistic3A_35, %get3A_1 : vector<128x128xf32>
    %add3A_43 = arith.addf %mul3A_41, %mul3A_42 : vector<128x128xf32>
    %swap3A = arith.constant 0 : index
    %swap3A_44 = arith.constant 0 : index
    %swap3A_45 = vector.load %arg5[%swap3A, %swap3A_44] : memref<128x128xf32, #tpu.memory_space<vmem>>, vector<128x128xf32>
    tpu.vector_store %arg5[%swap3A, %swap3A_44], %add3A_43 {strides = array<i32>} : memref<128x128xf32, #tpu.memory_space<vmem>>, vector<128x128xf32>,
    return
  }
}

module attributes {stable_mosaic.version = 14 : i64} {
  func.func @_y_body(%arg0: i32, %arg1: memref<1000x128xf32, #tpu.memory_space<vmem>>, %arg2: memref<128x128xf32, #tpu.memory_space<vmem>>, %arg3: memref<1000x2xf32, #tpu.memory_space<vmem>>, %arg4: memref<2x1000x64xf32, #tpu.memory_space<vmem>>) attributes {dimension_semantics = [#tpu.dimension_semantics<arbitrary>], iteration_bounds = array<i64: 10>, scalar_prefetch = 0 : i64, scratch_operands = 0 : i64, tpu.core_type = #tpu.core_type<tc>, window_params = [{transform_indices = @transform_0, window_bounds = array<i64: 1000, 128>}, {pipeline_mode = #tpu.pipeline_mode<synchronous>, transform_indices = @transform_1, window_bounds = array<i64: 128, 128>}, {transform_indices = @transform_2, window_bounds = array<i64: 1000, 2>}, {transform_indices = @transform_3, window_bounds = array<i64: 2, 1000, 64>}]} {
    %get3A = arith.constant 0 : index
    %get3A_0 = arith.constant 0 : index
    %get3A_1 = vector.load %arg1[%get3A, %get3A_0] : memref<1000x128xf32, #tpu.memory_space<vmem>>, vector<1000x128xf32>
    %get3A_2 = arith.constant 0 : index
    %get3A_3 = arith.constant 0 : index
    %get3A_4 = vector.load %arg2[%get3A_2, %get3A_3] : memref<128x128xf32, #tpu.memory_space<vmem>>, vector<128x128xf32>
    %dot_general3A = arith.constant dense<0.000000e+00> : vector<1000x128xf32>
    %dot_general3A_5 = tpu.matmul %get3A_1, %get3A_4, %dot_general3A {dimension_numbers = #tpu.dot_dimension_numbers<[1], [0], [0], [1], [0, 0, 1, 1], [], []>, transpose_lhs_hint = false} : vector<1000x128xf32>, vector<128x128xf32>, vector<1000x128xf32> -> vector<1000x128xf32>
    %get3A_6 = arith.constant 0 : index
    %get3A_7 = arith.constant 0 : index
    %get3A_8 = vector.load %arg3[%get3A_6, %get3A_7] : memref<1000x2xf32, #tpu.memory_space<vmem>>, vector<1000x2xf32>
    %slice3A = vector.extract_strided_slice %get3A_8 {offsets = [0, 0], sizes = [1000, 1], strides = [1, 1]} : vector<1000x2xf32> to vector<1000x1xf32>
    %slice3A_9 = vector.extract_strided_slice %get3A_8 {offsets = [0, 1], sizes = [1000, 1], strides = [1, 1]} : vector<1000x2xf32> to vector<1000x1xf32>
    %add3A = arith.addf %slice3A, %slice3A_9 : vector<1000x1xf32>
    %add3A_10 = arith.constant 1.000000e+00 : f32
    %add3A_11 = vector.broadcast %add3A_10 : f32 to vector<1000x1xf32>
    %add3A_12 = arith.addf %add3A, %add3A_11 : vector<1000x1xf32>
    %rsqrt3A = math.rsqrt %add3A_12 : vector<1000x1xf32>
    %mul3A = vector.broadcast %rsqrt3A : vector<1000x1xf32> to vector<1000x128xf32>
    %mul3A_13 = arith.mulf %mul3A, %dot_general3A_5 : vector<1000x128xf32>
    %slice3A_14 = vector.extract_strided_slice %mul3A_13 {offsets = [0, 0], sizes = [1000, 64], strides = [1, 1]} : vector<1000x128xf32> to vector<1000x64xf32>
    %swap3A = arith.constant 0 : index
    %swap3A_15 = arith.constant 0 : index
    %swap3A_16 = arith.constant 0 : index
    %swap3A_17 = vector.load %arg4[%swap3A, %swap3A_15, %swap3A_16] : memref<2x1000x64xf32, #tpu.memory_space<vmem>>, vector<1x1000x64xf32>
    %swap3A_18 = vector.shape_cast %swap3A_17 : vector<1x1000x64xf32> to vector<1000x64xf32>
    %swap3A_19 = vector.shape_cast %slice3A_14 : vector<1000x64xf32> to vector<1x1000x64xf32>
    tpu.vector_store %arg4[%swap3A, %swap3A_15, %swap3A_16], %swap3A_19 {strides = array<i32>} : memref<2x1000x64xf32, #tpu.memory_space<vmem>>, vector<1x1000x64xf32>,
    %slice3A_20 = vector.extract_strided_slice %mul3A_13 {offsets = [0, 64], sizes = [1000, 64], strides = [1, 1]} : vector<1000x128xf32> to vector<1000x64xf32>
    %swap3A_21 = arith.constant 1 : index
    %swap3A_22 = arith.constant 0 : index
    %swap3A_23 = arith.constant 0 : index
    %swap3A_24 = vector.load %arg4[%swap3A_21, %swap3A_22, %swap3A_23] : memref<2x1000x64xf32, #tpu.memory_space<vmem>>, vector<1x1000x64xf32>
    %swap3A_25 = vector.shape_cast %swap3A_24 : vector<1x1000x64xf32> to vector<1000x64xf32>
    %swap3A_26 = vector.shape_cast %slice3A_20 : vector<1000x64xf32> to vector<1x1000x64xf32>
    tpu.vector_store %arg4[%swap3A_21, %swap3A_22, %swap3A_23], %swap3A_26 {strides = array<i32>} : memref<2x1000x64xf32, #tpu.memory_space<vmem>>, vector<1x1000x64xf32>,
    return
  }
  func.func @transform_0(%arg0: i32) -> (i32, i32) {
    %c0_i32 = arith.constant 0 : i32
    %c0_i32_0 = arith.constant 0 : i32
    return %arg0, %c0_i32 : i32, i32
  }
  func.func @transform_1(%arg0: i32) -> (i32, i32) {
    %c0_i32 = arith.constant 0 : i32
    %c0_i32_0 = arith.constant 0 : i32
    %c0_i32_1 = arith.constant 0 : i32
    return %c0_i32, %c0_i32_0 : i32, i32
  }
  func.func @transform_2(%arg0: i32) -> (i32, i32) {
    %c0_i32 = arith.constant 0 : i32
    %c0_i32_0 = arith.constant 0 : i32
    return %arg0, %c0_i32 : i32, i32
  }
  func.func @transform_3(%arg0: i32) -> (i32, i32, i32) {
    %c0_i32 = arith.constant 0 : i32
    %c0_i32_0 = arith.constant 0 : i32
    %c0_i32_1 = arith.constant 0 : i32
    return %c0_i32, %arg0, %c0_i32_0 : i32, i32, i32
  }
}

module attributes {stable_mosaic.version = 14 : i64} {
  func.func @_comb_body(%arg0: i32, %arg1: memref<2x1000x64xf32, #tpu.memory_space<vmem>>, %arg2: memref<1000x2xf32, #tpu.memory_space<vmem>>, %arg3: memref<1000x128xf32, #tpu.memory_space<vmem>>) attributes {dimension_semantics = [#tpu.dimension_semantics<arbitrary>], iteration_bounds = array<i64: 10>, scalar_prefetch = 0 : i64, scratch_operands = 0 : i64, tpu.core_type = #tpu.core_type<tc>, window_params = [{transform_indices = @transform_0, window_bounds = array<i64: 2, 1000, 64>}, {transform_indices = @transform_1, window_bounds = array<i64: 1000, 2>}, {transform_indices = @transform_2, window_bounds = array<i64: 1000, 128>}]} {
    %get3A = arith.constant 0 : index
    %get3A_0 = arith.constant 0 : index
    %get3A_1 = vector.load %arg2[%get3A, %get3A_0] : memref<1000x2xf32, #tpu.memory_space<vmem>>, vector<1000x2xf32>
    %slice3A = vector.extract_strided_slice %get3A_1 {offsets = [0, 0], sizes = [1000, 1], strides = [1, 1]} : vector<1000x2xf32> to vector<1000x1xf32>
    %slice3A_2 = vector.extract_strided_slice %get3A_1 {offsets = [0, 1], sizes = [1000, 1], strides = [1, 1]} : vector<1000x2xf32> to vector<1000x1xf32>
    %add3A = arith.addf %slice3A, %slice3A_2 : vector<1000x1xf32>
    %add3A_3 = arith.constant 1.000000e+00 : f32
    %add3A_4 = vector.broadcast %add3A_3 : f32 to vector<1000x1xf32>
    %add3A_5 = arith.addf %add3A, %add3A_4 : vector<1000x1xf32>
    %rsqrt3A = math.rsqrt %add3A_5 : vector<1000x1xf32>
    %get3A_6 = arith.constant 0 : index
    %get3A_7 = arith.constant 0 : index
    %get3A_8 = arith.constant 0 : index
    %get3A_9 = vector.load %arg1[%get3A_6, %get3A_7, %get3A_8] : memref<2x1000x64xf32, #tpu.memory_space<vmem>>, vector<1x1000x64xf32>
    %get3A_10 = vector.shape_cast %get3A_9 : vector<1x1000x64xf32> to vector<1000x64xf32>
    %get3A_11 = arith.constant 1 : index
    %get3A_12 = arith.constant 0 : index
    %get3A_13 = arith.constant 0 : index
    %get3A_14 = vector.load %arg1[%get3A_11, %get3A_12, %get3A_13] : memref<2x1000x64xf32, #tpu.memory_space<vmem>>, vector<1x1000x64xf32>
    %get3A_15 = vector.shape_cast %get3A_14 : vector<1x1000x64xf32> to vector<1000x64xf32>
    %concatenate3A = tpu.concatenate %get3A_10, %get3A_15 in 1 : vector<1000x64xf32>, vector<1000x64xf32> -> vector<1000x128xf32>
    %mul3A = vector.broadcast %rsqrt3A : vector<1000x1xf32> to vector<1000x128xf32>
    %mul3A_16 = arith.mulf %mul3A, %concatenate3A : vector<1000x128xf32>
    %swap3A = arith.constant 0 : index
    %swap3A_17 = arith.constant 0 : index
    %swap3A_18 = vector.load %arg3[%swap3A, %swap3A_17] : memref<1000x128xf32, #tpu.memory_space<vmem>>, vector<1000x128xf32>
    tpu.vector_store %arg3[%swap3A, %swap3A_17], %mul3A_16 {strides = array<i32>} : memref<1000x128xf32, #tpu.memory_space<vmem>>, vector<1000x128xf32>,
    return
  }
  func.func @transform_0(%arg0: i32) -> (i32, i32, i32) {
    %c0_i32 = arith.constant 0 : i32
    %c0_i32_0 = arith.constant 0 : i32
    %c0_i32_1 = arith.constant 0 : i32
    return %c0_i32, %arg0, %c0_i32_0 : i32, i32, i32
  }
  func.func @transform_1(%arg0: i32) -> (i32, i32) {
    %c0_i32 = arith.constant 0 : i32
    %c0_i32_0 = arith.constant 0 : i32
    return %arg0, %c0_i32 : i32, i32
  }
  func.func @transform_2(%arg0: i32) -> (i32, i32) {
    %c0_i32 = arith.constant 0 : i32
    %c0_i32_0 = arith.constant 0 : i32
    return %arg0, %c0_i32 : i32, i32
  }
}

</mosaic_0001>

<sc_bundles>
// kernel: kernel.10.cloned.1.call-start
scs
__scs_entry_jumppad:
0x0: {  	(pc) =	sbr.rel $0x88, $3  }
0x1: {  	(tag) =	ssettag $0x0;
	lr =	simm.s32 $0x1  }
0x2: {  	[smem:$0x3F9A] =	sst lr;
	_ =	strace $0xD0000000  }
0x3: {  	_ = 	snop  }
0x4: {  	_ = 	snop  }
0x5: {  	_ = 	snop  }
0x6: {  	_ = 	snop  }
0x7: {  	_ = 	snop  }
__scs_overlays_trampoline_lowered:
0x8: {  	[smem:$0x3FA9] =	sst s0  }
0x9: {  	[smem:$0x3FAA] =	sst s1  }
0xa: {  	[smem:$0x3FAB] =	sst s2  }
0xb: {  	[smem:$0x3FAC] =	sst s3  }
0xc: {  	[smem:$0x3FAD] =	sst s4  }
0xd: {  	[smem:$0x3FAE] =	sst s5  }
0xe: {  	[smem:$0x3FAF] =	sst s6  }
0xf: {  	[smem:$0x3FB0] =	sst s7  }
0x10: {  	[smem:$0x3FB1] =	sst s8  }
0x11: {  	[smem:$0x3FB2] =	sst s9;
	s0 =	simm.s32 @!p0 $0x0  }
0x12: {  	s1 =	sld [smem:$0x3F98];
	s0 =	simm.s32 @p0 $0x1  }
0x13: {  	[smem:$0x3FB3] =	sst s0;
	s0 =	simm.s32 @!p1 $0x0  }
0x14: {  	s2 =	sld [smem:$0x3F97];
	s0 =	simm.s32 @p1 $0x1  }
0x15: {  	[smem:$0x3FB4] =	sst s0;
	s0 =	simm.s32 @!p2 $0x0  }
0x16: {  	s3 =	sld [smem:$0x3FDB];
	s0 =	simm.s32 @p2 $0x1  }
0x17: {  	s4 =	simm.s32 $0x1BF5;
	[smem:$0x3FB6] =	sst s0  }
0x18: {  	s0 =	sld [smem:$0x3F99];
	_ =	swait.ge [sflag:s4], $0x0  }
0x19: {  	s7 =	sld [smem:$0x3F9A]  }
0x1a: {  	s8 =	sadd.s32 $0xFFFFE003, lr  }
0x1b: {  	s9 =	sadd.s32 $0xFFFFFEF7, lr;
	s5 =	simm.s32 $0xFFFFFFFF;
	p2 =	slt.u32 s8, $0xFFFFF086  }
0x1c: {  	p1 =	slt.u32 s9, $0xF7A;
	s5 =	simm.s32 @!p2 $0x0  }
0x1d: {  	s5 =	simm.s32 @p1 $0x1;
	p0 =	seq.s32 s7, s2  }
0x1e: {  	s7 =	smul.u32 @!p0 $0xF7A, s2;
	p2 =	seq.s32 @!p0 s5, $0x0  }
0x1f: {  	s9 =	smul.u32 $0xF7A, s1;
	s8 =	simm.s32 @!p0 $0x1BF5;
	p2 =	por !p2, p0  }
0x20: {  	[sflag:s8] =	ssyncset.s32 @!p0 $0xFFFFF086;
	s6 =	sadd.s32 @!p0 s3, s7;
	s7 =	simm.s32 @!p0 $0x108  }
0x21: {  	s3 =	sadd.s32 s3, s9;
	s6 =	sadd.s32 @!p0 $0x88, s6;
	s7 =	simm.s32 @p2 $0x1082  }
0x22: {  	[simem:s7], [sflag:s8] =	dma.local @!p0 [hbm:s6], $0xF7A  }
0x23: {  	s9 =	sor.u32 $0xD0000000, s2;
	s6 =	simm.s32 $0x108;
	_ =	swait.ge @!p0 [sflag:s8], $0x0  }
0x24: {  	s3 =	sadd.s32 $0x88, s3;
	s6 =	simm.s32 @!p1 $0x1082;
	[sflag:s4] =	ssyncset.s32 $0xFFFFF086  }
0x25: {  	[simem:s6], [sflag:s4] =	dma.local [hbm:s3], $0xF7A  }
0x26: {  	[smem:$0x3F9A] =	sst s1;
	(tag) =	ssettag s2;
	_ =	strace s9  }
0x27: {  	s1 =	sld [smem:$0x3FAA]  }
0x28: {  	s2 =	sld [smem:$0x3FAB]  }
0x29: {  	s4 =	sld [smem:$0x3FAD]  }
0x2a: {  	p0 =	seq.s32 s5, $0x0;
	s5 =	sld [smem:$0x3FAE]  }
0x2b: {  	s6 =	sld [smem:$0x3FAF]  }
0x2c: {  	s7 =	sld [smem:$0x3FB0]  }
0x2d: {  	s3 =	simm.s32 $0x108;
	s8 =	sld [smem:$0x3FB1]  }
0x2e: {  	s3 =	simm.s32 @!p0 $0x1082;
	s9 =	sld [smem:$0x3FB2]  }
0x2f: {  	lr =	sadd.s32 s0, s3;
	s0 =	sld [smem:$0x3FA9]  }
0x30: {  	s3 =	sld [smem:$0x3FAC]  }
0x31: {  	[smem:$0x3FB5] =	sst s10  }
0x32: {  	s10 =	sld [smem:$0x3FB3];
	_ =	sdelay $0x3  }
0x33: {  	p0 =	seq.s32 s10, $0x1;
	s10 =	sld [smem:$0x3FB5];
	_ =	sdelay $0x3  }
0x34: {  	[smem:$0x3FB5] =	sst s10  }
0x35: {  	s10 =	sld [smem:$0x3FB4];
	_ =	sdelay $0x3  }
0x36: {  	p1 =	seq.s32 s10, $0x1;
	s10 =	sld [smem:$0x3FB5];
	_ =	sdelay $0x3  }
0x37: {  	[smem:$0x3FB5] =	sst s10  }
0x38: {  	s10 =	sld [smem:$0x3FB6]  }
0x39: {  	_ = 	snop;
	(pc) =	sbr.ind lr, $3  }
0x3a: {  	_ = 	snop  }
0x3b: {  	_ = 	snop  }
0x3c: {  	p2 =	seq.s32 s10, $0x1;
	s10 =	sld [smem:$0x3FB5]  }
0x3d: {  	_ =	shalt  }
0x3e: {  	_ =	shalt  }
0x3f: {  	_ =	shalt  }
0x40: {  	_ =	shalt  }
0x41: {  	_ =	shalt  }
0x42: {  	_ =	shalt  }
0x43: {  	_ =	shalt  }
0x44: {  	_ =	shalt  }
0x45: {  	_ =	shalt  }
0x46: {  	_ =	shalt  }
0x47: {  	_ =	shalt  }
0x48: {  	_ =	shalt  }
0x49: {  	_ =	shalt  }
0x4a: {  	_ =	shalt  }
0x4b: {  	_ =	shalt  }
0x4c: {  	_ =	shalt  }
0x4d: {  	_ =	shalt  }
0x4e: {  	_ =	shalt  }
0x4f: {  	_ =	shalt  }
0x50: {  	_ =	shalt  }
0x51: {  	_ =	shalt  }
0x52: {  	_ =	shalt  }
0x53: {  	_ =	shalt  }
0x54: {  	_ =	shalt  }
0x55: {  	_ =	shalt  }
0x56: {  	_ =	shalt  }
0x57: {  	_ =	shalt  }
0x58: {  	_ =	shalt  }
0x59: {  	_ =	shalt  }
0x5a: {  	_ =	shalt  }
0x5b: {  	_ =	shalt  }
0x5c: {  	_ =	shalt  }
0x5d: {  	_ =	shalt  }
0x5e: {  	_ =	shalt  }
0x5f: {  	_ =	shalt  }
0x60: {  	_ =	shalt  }
0x61: {  	_ =	shalt  }
0x62: {  	_ =	shalt  }
0x63: {  	_ =	shalt  }
0x64: {  	_ =	shalt  }
0x65: {  	_ =	shalt  }
0x66: {  	_ =	shalt  }
0x67: {  	_ =	shalt  }
0x68: {  	_ =	shalt  }
0x69: {  	_ =	shalt  }
0x6a: {  	_ =	shalt  }
0x6b: {  	_ =	shalt  }
0x6c: {  	_ =	shalt  }
0x6d: {  	_ =	shalt  }
0x6e: {  	_ =	shalt  }
0x6f: {  	_ =	shalt  }
0x70: {  	_ =	shalt  }
0x71: {  	_ =	shalt  }
0x72: {  	_ =	shalt  }
0x73: {  	_ =	shalt  }
0x74: {  	_ =	shalt  }
0x75: {  	_ =	shalt  }
0x76: {  	_ =	shalt  }
0x77: {  	_ =	shalt  }
0x78: {  	_ =	shalt  }
0x79: {  	_ =	shalt  }
0x7a: {  	_ =	shalt  }
0x7b: {  	_ =	shalt  }
0x7c: {  	_ =	shalt  }
0x7d: {  	_ =	shalt  }
0x7e: {  	_ =	shalt  }
0x7f: {  	_ =	shalt  }
0x80: {  	_ =	shalt  }
0x81: {  	_ =	shalt  }
0x82: {  	_ =	shalt  }
0x83: {  	_ =	shalt  }
0x84: {  	_ =	shalt  }
0x85: {  	_ =	shalt  }
0x86: {  	_ =	shalt  }
0x87: {  	_ =	shalt  }
.Lfunc_end0:
.L_simem_size_0:
called_computation.1_lowered:
.L_overlay_start_0:
0x88: {  	s2 =	sld [smem:$0x3FD9]  }
0x89: {  	s3 =	sld [smem:$0x3FFE];
	_ =	sdelay $0x1  }
0x8a: {  	s1 =	srdreg.scid  }
0x8b: {  	s0 =	sand.u32 $0x1, s1  }
0x8c: {  	s17 =	sshll.u32 s0, $0xA;
	s2 =	sadd.s32 s3, s2  }
0x8d: {  	s2 =	sadd.s32 s2, s17  }
0x8e: {  	[smem:$0x3FC1] =	sst s2  }
0x8f: {  	_ = 	snop  }
0x90: {  	s2 =	sld [smem:$0x3FD0];
	(tm) =	ssettm $0x1  }
0x91: {  	s18 =	sld [smem:$0x3FFB];
	_ =	sdelay $0x3  }
0x92: {  	_ =	strace s18  }
0x93: {  	s3 =	sld [smem:$0x3FFC];
	_ =	sdelay $0x3  }
0x94: {  	_ =	strace s3  }
0x95: {  	s3 =	sld [smem:$0x3FFD];
	_ =	sdelay $0x3  }
0x96: {  	_ =	strace s3  }
0x97: {  	_ =	strace $0x8FFFFFFF  }
0x98: {  	s19 =	sld [smem:$0x3FDB];
	_ =	sdelay $0x1  }
0x99: {  	s4 =	simm.s32 $_scs_section_size  }
0x9a: {  	s5 =	simm.s32 $_size__tile_overlayer_lowered;
	s6 =	simm.s32 $_tile_overlayer_lowered  }
0x9b: {  	s22 =	simm.s32 $0x1BFF;
	s21 =	sshll.u32 s6, $0x1;
	s3 =	sadd.s32 s4, s19  }
0x9c: {  	s7 =	simm.s32 $0x0;
	s20 =	sshll.u32 s5, $0x1;
	s5 =	sadd.s32 s21, s3  }
0x9d: {  	[timem:s7], [sflag:s22] =	dma.local [hbm:s5], s20  }
0x9e: {  	_ =	swait.ge [sflag:s22], s20  }
0x9f: {  	s4 =	ssub.s32 $0x0, s20;
	[sflag:s22] =	ssyncset.done $0x0  }
0xa0: {  	[sflag:s22] =	ssyncadd.s32 s4;
	_ =	sdelay $0x1  }
0xa1: {  	s23 =	simm.s32 $0x1B8B  }
0xa2: {  	_ =	swait.ge [sflag:s23], $0x1  }
0xa3: {  	[sflag:s23] =	ssyncset.done $0x0  }
0xa4: {  	s25 =	simm.s32 $0x1B8E;
	s24 =	sld [smem:$0x3FFE];
	[sflag:s23] =	ssyncadd.s32 $0xFFFFFFFF  }
0xa5: {  	s26 =	simm.s32 $execute0_lowered;
	[smem:$0x3FD2] =	sst s25  }
0xa6: {  	s5 =	sshll.u32 s26, $0x1;
	_ =	strace $0x80000049;
	[dreg:$0x1] =	wrdreg $0xFFFFFFFF  }
0xa7: {  	s28 =	simm.s32 $_size_execute0_lowered;
	s3 =	sadd.s32 s3, s5;
	[dreg:$0x0] =	wrdreg $0x0  }
0xa8: {  	s5 =	sshll.u32 s28, $0x1;
	[dreg:$0x2] =	wrdreg s3  }
0xa9: {  	[dreg:$0x3] =	wrdreg s5  }
0xaa: {  	[dreg:$0x4] =	wrdreg $0xC0  }
0xab: {  	_ =	task [dreg:s7], $0x5FFFF  }
0xac: {  	[dreg:$0x1] =	wrdreg $0xFFFFFFFF  }
0xad: {  	[dreg:$0x0] =	wrdreg $0x60  }
0xae: {  	[dreg:$0x2] =	wrdreg s24  }
0xaf: {  	[dreg:$0x3] =	wrdreg s2  }
0xb0: {  	[dreg:$0x4] =	wrdreg $0xA8000  }
0xb1: {  	[dreg:$0x5] =	wrdreg $0x144400  }
0xb2: {  	[dreg:$0x6] =	wrdreg $0x9  }
0xb3: {  	_ =	task.clear_ibuf [dreg:s7], $0x7FFFF;
	_ =	strace $0x90000049  }
0xb4: {  	s29 =	simm.s32 $0x9;
	_ =	strace $0x8000004B  }
0xb5: {  	_ =	swait.ge [sflag:s29], $0x1  }
0xb6: {  	[sflag:s29] =	ssyncadd.s32 $0xFFFFFFFF  }
0xb7: {  	_ =	strace $0x9000004B  }
0xb8: {  	_ =	sfence  }
0xb9: {  	s30 =	sld [smem:$0x0];
	_ =	sdelay $0x2  }
0xba: {  	s31 =	sshll.u32 s1, $0xD;
	s1 =	sshrl.u32 s1, $0x2  }
0xbb: {  	s3 =	sand.u32 $0x4000, s31;
	s1 =	sadd.s32 s1, s30  }
0xbc: {  	s0 =	sor.u32 s3, s0;
	s1 =	sshll.u32 s1, $0x11  }
0xbd: {  	s0 =	sor.u32 s1, s0  }
0xbe: {  	s0 =	sadd.s32 $0x8F2B, s0  }
0xbf: {  	[sflag:s0] =	ssyncadd.remote.s32 $0x1  }
0xc0: {  	_ =	sfence.sel $0xFFFF  }
0xc1: {  	[dreg:$0x0] =	wrdreg $0xFFFFFFFF;
	(pc) =	sbr.abs _section_cstart, $3  }
0xc2: {  	[dreg:$0x1] =	wrdreg $0xFFFFFFFF  }
0xc3: {  	_ =	task.clear_ibuf [dreg:s7], $0x2FFFF;
	_ =	strace $0x9FFFFFFF  }
0xc4: {  	(tm) =	ssettm $0x7FFFFFFF  }
0xc5: {  	_ =	shalt  }
tec
execute0_lowered:
.L_overlay_start_1:
0x0: {  	(tag) =	ssettag $0x1  }
0x1: {  	s0 =	rddreg [dreg:$0x0]  }
0x2: {  	s1 =	rddreg [dreg:$0x1]  }
0x3: {  	s2 =	rddreg [dreg:$0x2]  }
0x4: {  	s3 =	rddreg [dreg:$0x3]  }
0x5: {  	s12 =	stileid.u32;
	s4 =	srdreg.scid  }
0x6: {  	s6 =	simm.s32 $0x0;
	s17 =	simm.s32 $0x9;
	s18 =	simm.s32 $0x1400  }
0x7: {  	s19 =	simm.s32 $0x80;
	s20 =	simm.s32 $0x2800;
	s21 =	simm.s32 $0x4800  }
0x8: {  	s22 =	simm.s32 $0x1;
	s28 =	simm.s32 $0x8800;
	s30 =	simm.s32 $0x3  }
0x9: {  	s31 =	simm.s32 $0x5;
	s16 =	simm.s32 $0x2680;
	s29 =	simm.s32 $0x0  }
0xa: {  	s5 =	smul.u32 $0xA00, s12;
	s4 =	sand.u32 $0x1, s4;
	[smem:$0x7FF] =	sst s6  }
0xb: {  	s8 =	smul.u32 $0x9E00, s12;
	s10 =	sadd.s32 $0x94200, s2;
	s11 =	sadd.s32 $0x94200, s3  }
0xc: {  	p0 =	seq.s32 s12, $0xF;
	s23 =	smul.u32 $0x13880, s4;
	s4 =	ssub.s32 $0x2, s4  }
0xd: {  	_ =	strace $0x8000004A;
	s7 =	sshrl.u32 s4, $0x1;
	s5 =	sadd.s32 s5, s0  }
0xe: {  	s9 =	sadd.s32 s8, s2;
	s13 =	sshrl.u32 s8, $0x3;
	s8 =	sadd.s32 s8, s3  }
0xf: {  	s0 =	sadd.s32 s23, s0;
	s4 =	ssub.s32 s4, s7;
	s1 =	sadd.s32 s1, s23  }
0x10: {  	s6 =	sadd.s32 $0xBC00, s5;
	s7 =	sadd.s32 $0x1C00, s5;
	[dreg:$0x5] =	wrdreg s13  }
0x11: {  	s5 =	sshrl.u32 @p0 s11, $0x3;
	s11 =	sshrl.u32 @!p0 s8, $0x3;
	s0 =	sadd.s32 $0x15C00, s0  }
0x12: {  	s8 =	simm.s32 $0x8;
	s24 =	smax.u32 s4, $0x1;
	[dreg:$0x6] =	wrdreg s0  }
0x13: {  	s23 =	simm.s32 $0x2700;
	s25 =	sadd.s32 s13, s1;
	[dreg:$0x7] =	wrdreg s24  }
0x14: {  	s26 =	sadd.s32 $0x12840, s1;
	s4 =	simm.s32 $0x7;
	[dreg:$0x8] =	wrdreg s25  }
0x15: {  	[dreg:$0x9] =	wrdreg s26;
	s0 =	sshrl.u32 @p0 s10, $0x3;
	s24 =	simm.s32 $0x6800  }
0x16: {  	s25 =	simm.s32 $0x2;
	[dreg:$0xa] =	wrdreg s0;
	s0 =	sshll.u32 @!p0 s12, $0x6  }
0x17: {  	s26 =	simm.s32 $0x2780;
	s14 =	sor.u32 @!p0 $0x1C09, s0;
	s0 =	sshrl.u32 @!p0 s9, $0x3  }
0x18: {  	s12 =	simm.s32 $0x6;
	s9 =	simm.s32 $0x4;
	[dreg:$0xb] =	wrdreg s0  }
.LBB2_1:
0x19: {  	s15 =	rddreg [dreg:$0x9]  }
0x1a: {  	s0 =	simm.s32 @p0 $0x1FC9;
	s1 =	rddreg [dreg:$0xa]  }
0x1b: {  	[spmem:s1], [sflag:s0] =	dma.local @p0 [hbm:s15], $0x1040  }
0x1c: {  	s1 =	simm.s32 @p0 $0x9  }
0x1d: {  	_ =	swait.ge @p0 [sflag:s1], $0x1040  }
0x1e: {  	[sflag:s1] =	ssyncset.done @p0 $0x0  }
0x1f: {  	[sflag:s1] =	ssyncadd.s32 @p0 $0xFFFFEFC0  }
0x20: {  	[spmem:s5], [sflag:s0] =	dma.local @p0 [hbm:s15], $0x1040  }
0x21: {  	_ =	swait.ge @p0 [sflag:s1], $0x1040  }
0x22: {  	[sflag:s1] =	ssyncset.done @p0 $0x0;
	s0 =	rddreg [dreg:$0xb]  }
0x23: {  	[sflag:s1] =	ssyncadd.s32 @p0 $0xFFFFEFC0;
	s1 =	rddreg [dreg:$0x8]  }
0x24: {  	[spmem:s0], [sflag:s14] =	dma.local @!p0 [hbm:s1], $0x13C0  }
0x25: {  	s0 =	simm.s32 @!p0 $0x9  }
0x26: {  	_ =	swait.ge @!p0 [sflag:s0], $0x13C0  }
0x27: {  	[sflag:s0] =	ssyncset.done @!p0 $0x0  }
0x28: {  	[sflag:s0] =	ssyncadd.s32 @!p0 $0xFFFFEC40  }
0x29: {  	[spmem:s11], [sflag:s14] =	dma.local @!p0 [hbm:s1], $0x13C0  }
0x2a: {  	_ =	swait.ge @!p0 [sflag:s0], $0x13C0  }
0x2b: {  	[sflag:s0] =	ssyncset.done @!p0 $0x0  }
0x2c: {  	[sflag:s0] =	ssyncadd.s32 @!p0 $0xFFFFEC40  }
0x2d: {  	s15 =	simm.s32 $0x0;
	[bflag:$0x0] =	sbarrier.arrive $0xFFFF  }
0x2e: {  	[tilespmem:s15], [sflag:$0x9] =	stream.linear.gather [hbm4b:s6+s15], $0x1400, $0x38;
	[tilespmem:$0x1E0A0] =	vst v63  }
0x2f: {  	_ =	swait.ge [sflag:s17], $0x1400  }
0x30: {  	[sflag:s17] =	ssyncset.done $0x0  }
0x31: {  	[sflag:s17] =	ssyncadd.s32 $0xFFFFEC00  }
0x32: {  	[tilespmem:s18], [sflag:$0x9] =	stream.linear.gather [hbm4b:s7+s15], $0x1400, $0x38;
	[tilespmem:$0x1E0A0] =	vst v63  }
0x33: {  	_ =	swait.ge [sflag:s17], $0x1400  }
0x34: {  	[sflag:s17] =	ssyncset.done $0x0  }
0x35: {  	[sflag:s17] =	ssyncadd.s32 $0xFFFFEC00  }
0x36: {  	[tilespmem:s20], [sflag:$0x1] =	stream.indirect.gather [spmem:s2], $0x40, s15, s19, $0xb8;
	[tilespmem:$0x1E0A0] =	vst v63  }
0x37: {  	_ = 	snop  }
0x38: {  	[tilespmem:s21], [sflag:$0x2] =	stream.indirect.gather [spmem:s2], $0x40, s19, s19, $0xb8;
	[tilespmem:$0x1E0A0] =	vst v63  }
0x39: {  	_ =	swait.ge [sflag:s22], $0x2000  }
0x3a: {  	[sflag:s22] =	ssyncset.done $0x0  }
0x3b: {  	s10 =	smov.u32 s5;
	s5 =	simm.s32 $0x100;
	[sflag:s22] =	ssyncadd.s32 $0xFFFFE000  }
0x3c: {  	[tilespmem:s24], [sflag:$0x3] =	stream.indirect.gather [spmem:s2], $0x40, s5, s19, $0xb8;
	[tilespmem:$0x1E0A0] =	vst v63  }
0x3d: {  	_ = 	snop  }
0x3e: {  	[spmem:s3] =	stream.indirect.scatter.add.f32 [tilespmem:s20], [sflag:$0x5], $0x40, s18, s19, $0xb8;
	[tilespmem:$0x1E0A0] =	vst v63  }
0x3f: {  	_ =	swait.ge [sflag:s25], $0x2000  }
0x40: {  	[sflag:s25] =	ssyncset.done $0x0  }
0x41: {  	s13 =	smov.u32 s11;
	s11 =	simm.s32 $0x180;
	[sflag:s25] =	ssyncadd.s32 $0xFFFFE000  }
0x42: {  	[tilespmem:s28], [sflag:$0x4] =	stream.indirect.gather [spmem:s2], $0x40, s11, s19, $0xb8;
	[tilespmem:$0x1E0A0] =	vst v63  }
0x43: {  	s1 =	simm.s32 $0x1480  }
0x44: {  	[spmem:s3] =	stream.indirect.scatter.add.f32 [tilespmem:s21], [sflag:$0x6], $0x40, s1, s19, $0xb8;
	[tilespmem:$0x1E0A0] =	vst v63  }
0x45: {  	_ =	swait.ge [sflag:s30], $0x2000  }
0x46: {  	[sflag:s30] =	ssyncset.done $0x0  }
0x47: {  	[sflag:s30] =	ssyncadd.s32 $0xFFFFE000  }
0x48: {  	_ =	swait.ge [sflag:s31], $0x2000  }
0x49: {  	[sflag:s31] =	ssyncset.done $0x0  }
0x4a: {  	s15 =	simm.s32 $0x200;
	[sflag:s31] =	ssyncadd.s32 $0xFFFFE000  }
0x4b: {  	[tilespmem:s20], [sflag:$0x1] =	stream.indirect.gather [spmem:s2], $0x40, s15, s19, $0xb8;
	[tilespmem:$0x1E0A0] =	vst v63  }
0x4c: {  	s1 =	simm.s32 $0x1500  }
0x4d: {  	[spmem:s3] =	stream.indirect.scatter.add.f32 [tilespmem:s24], [sflag:$0x7], $0x40, s1, s19, $0xb8;
	[tilespmem:$0x1E0A0] =	vst v63  }
0x4e: {  	_ =	swait.ge [sflag:s9], $0x2000  }
0x4f: {  	[sflag:s9] =	ssyncset.done $0x0  }
0x50: {  	[sflag:s9] =	ssyncadd.s32 $0xFFFFE000  }
0x51: {  	_ =	swait.ge [sflag:s12], $0x2000  }
0x52: {  	[sflag:s12] =	ssyncset.done $0x0  }
0x53: {  	s15 =	simm.s32 $0x280;
	[sflag:s12] =	ssyncadd.s32 $0xFFFFE000  }
0x54: {  	[tilespmem:s21], [sflag:$0x2] =	stream.indirect.gather [spmem:s2], $0x40, s15, s19, $0xb8;
	[tilespmem:$0x1E0A0] =	vst v63  }
0x55: {  	s1 =	simm.s32 $0x1580  }
0x56: {  	[spmem:s3] =	stream.indirect.scatter.add.f32 [tilespmem:s28], [sflag:$0x8], $0x40, s1, s19, $0xb8;
	[tilespmem:$0x1E0A0] =	vst v63  }
0x57: {  	_ =	swait.ge [sflag:s22], $0x2000  }
0x58: {  	[sflag:s22] =	ssyncset.done $0x0  }
0x59: {  	[sflag:s22] =	ssyncadd.s32 $0xFFFFE000  }
0x5a: {  	_ =	swait.ge [sflag:s4], $0x2000  }
0x5b: {  	[sflag:s4] =	ssyncset.done $0x0  }
0x5c: {  	s15 =	simm.s32 $0x300;
	[sflag:s4] =	ssyncadd.s32 $0xFFFFE000  }
0x5d: {  	[tilespmem:s24], [sflag:$0x3] =	stream.indirect.gather [spmem:s2], $0x40, s15, s19, $0xb8;
	[tilespmem:$0x1E0A0] =	vst v63  }
0x5e: {  	s1 =	simm.s32 $0x1600  }
0x5f: {  	[spmem:s3] =	stream.indirect.scatter.add.f32 [tilespmem:s20], [sflag:$0x5], $0x40, s1, s19, $0xb8;
	[tilespmem:$0x1E0A0] =	vst v63  }
0x60: {  	_ =	swait.ge [sflag:s25], $0x2000  }
0x61: {  	[sflag:s25] =	ssyncset.done $0x0  }
0x62: {  	[sflag:s25] =	ssyncadd.s32 $0xFFFFE000  }
0x63: {  	_ =	swait.ge [sflag:s8], $0x2000  }
0x64: {  	[sflag:s8] =	ssyncset.done $0x0  }
0x65: {  	s15 =	simm.s32 $0x380;
	[sflag:s8] =	ssyncadd.s32 $0xFFFFE000  }
0x66: {  	[tilespmem:s28], [sflag:$0x4] =	stream.indirect.gather [spmem:s2], $0x40, s15, s19, $0xb8;
	[tilespmem:$0x1E0A0] =	vst v63  }
0x67: {  	s1 =	simm.s32 $0x1680  }
0x68: {  	[spmem:s3] =	stream.indirect.scatter.add.f32 [tilespmem:s21], [sflag:$0x6], $0x40, s1, s19, $0xb8;
	[tilespmem:$0x1E0A0] =	vst v63  }
0x69: {  	_ =	swait.ge [sflag:s30], $0x2000  }
0x6a: {  	[sflag:s30] =	ssyncset.done $0x0  }
0x6b: {  	[sflag:s30] =	ssyncadd.s32 $0xFFFFE000  }
0x6c: {  	_ =	swait.ge [sflag:s31], $0x2000  }
0x6d: {  	[sflag:s31] =	ssyncset.done $0x0  }
0x6e: {  	s15 =	simm.s32 $0x400;
	[sflag:s31] =	ssyncadd.s32 $0xFFFFE000  }
0x6f: {  	[tilespmem:s20], [sflag:$0x1] =	stream.indirect.gather [spmem:s2], $0x40, s15, s19, $0xb8;
	[tilespmem:$0x1E0A0] =	vst v63  }
0x70: {  	s1 =	simm.s32 $0x1700  }
0x71: {  	[spmem:s3] =	stream.indirect.scatter.add.f32 [tilespmem:s24], [sflag:$0x7], $0x40, s1, s19, $0xb8;
	[tilespmem:$0x1E0A0] =	vst v63  }
0x72: {  	_ =	swait.ge [sflag:s9], $0x2000  }
0x73: {  	[sflag:s9] =	ssyncset.done $0x0  }
0x74: {  	[sflag:s9] =	ssyncadd.s32 $0xFFFFE000  }
0x75: {  	_ =	swait.ge [sflag:s12], $0x2000  }
0x76: {  	s0 =	simm.s32 $0x800;
	[sflag:s12] =	ssyncset.done $0x0  }
0x77: {  	s15 =	simm.s32 $0x480;
	s1 =	simm.s32 $0x1780;
	[sflag:s12] =	ssyncadd.s32 $0xFFFFE000  }
0x78: {  	[tilespmem:s21], [sflag:$0x2] =	stream.indirect.gather [spmem:s2], $0x40, s15, s19, $0xb8;
	[tilespmem:$0x1E0A0] =	vst v63  }
.LBB2_2:
0x79: {  	[spmem:s3] =	stream.indirect.scatter.add.f32 [tilespmem:s28], [sflag:$0x8], $0x40, s1, s19, $0xb8;
	[tilespmem:$0x1E0A0] =	vst v63  }
0x7a: {  	s1 =	smov.u32 s0  }
0x7b: {  	p1 =	sne.s32 s0, $0x3800;
	s0 =	sadd.s32 $0x800, s0;
	_ =	swait.ge [sflag:s22], $0x2000  }
0x7c: {  	[sflag:s22] =	ssyncset.done $0x0  }
0x7d: {  	[sflag:s22] =	ssyncadd.s32 $0xFFFFE000  }
0x7e: {  	_ =	swait.ge [sflag:s4], $0x2000  }
0x7f: {  	s1 =	sshra.s32 s1, $0x2;
	[sflag:s4] =	ssyncset.done $0x0  }
0x80: {  	s15 =	sadd.s32 $0x300, s1;
	[sflag:s4] =	ssyncadd.s32 $0xFFFFE000  }
0x81: {  	[tilespmem:s24], [sflag:$0x3] =	stream.indirect.gather [spmem:s2], $0x40, s15, s19, $0xb8;
	[tilespmem:$0x1E0A0] =	vst v63  }
0x82: {  	s15 =	sadd.s32 $0x1600, s1  }
0x83: {  	[spmem:s3] =	stream.indirect.scatter.add.f32 [tilespmem:s20], [sflag:$0x5], $0x40, s15, s19, $0xb8;
	[tilespmem:$0x1E0A0] =	vst v63  }
0x84: {  	_ =	swait.ge [sflag:s25], $0x2000  }
0x85: {  	[sflag:s25] =	ssyncset.done $0x0  }
0x86: {  	[sflag:s25] =	ssyncadd.s32 $0xFFFFE000  }
0x87: {  	_ =	swait.ge [sflag:s8], $0x2000  }
0x88: {  	[sflag:s8] =	ssyncset.done $0x0  }
0x89: {  	s15 =	sadd.s32 $0x380, s1;
	[sflag:s8] =	ssyncadd.s32 $0xFFFFE000  }
0x8a: {  	[tilespmem:s28], [sflag:$0x4] =	stream.indirect.gather [spmem:s2], $0x40, s15, s19, $0xb8;
	[tilespmem:$0x1E0A0] =	vst v63  }
0x8b: {  	s15 =	sadd.s32 $0x1680, s1  }
0x8c: {  	[spmem:s3] =	stream.indirect.scatter.add.f32 [tilespmem:s21], [sflag:$0x6], $0x40, s15, s19, $0xb8;
	[tilespmem:$0x1E0A0] =	vst v63  }
0x8d: {  	_ =	swait.ge [sflag:s30], $0x2000  }
0x8e: {  	[sflag:s30] =	ssyncset.done $0x0  }
0x8f: {  	[sflag:s30] =	ssyncadd.s32 $0xFFFFE000  }
0x90: {  	_ =	swait.ge [sflag:s31], $0x2000  }
0x91: {  	[sflag:s31] =	ssyncset.done $0x0  }
0x92: {  	s15 =	sadd.s32 $0x400, s1;
	[sflag:s31] =	ssyncadd.s32 $0xFFFFE000  }
0x93: {  	[tilespmem:s20], [sflag:$0x1] =	stream.indirect.gather [spmem:s2], $0x40, s15, s19, $0xb8;
	[tilespmem:$0x1E0A0] =	vst v63  }
0x94: {  	s15 =	sadd.s32 $0x1700, s1  }
0x95: {  	[spmem:s3] =	stream.indirect.scatter.add.f32 [tilespmem:s24], [sflag:$0x7], $0x40, s15, s19, $0xb8;
	[tilespmem:$0x1E0A0] =	vst v63  }
0x96: {  	_ =	swait.ge [sflag:s9], $0x2000  }
0x97: {  	[sflag:s9] =	ssyncset.done $0x0  }
0x98: {  	[sflag:s9] =	ssyncadd.s32 $0xFFFFE000  }
.Ltmp0:
0x99: {  	_ =	swait.ge [sflag:s12], $0x2000;
	(pc) =	sbr.rel @p1 .LBB2_2-.Ltmp0, $4  }
0x9a: {  	[sflag:s12] =	ssyncset.done $0x0  }
0x9b: {  	s15 =	sadd.s32 $0x480, s1;
	[sflag:s12] =	ssyncadd.s32 $0xFFFFE000  }
0x9c: {  	[tilespmem:s21], [sflag:$0x2] =	stream.indirect.gather [spmem:s2], $0x40, s15, s19, $0xb8;
	[tilespmem:$0x1E0A0] =	vst v63  }
0x9d: {  	s1 =	sadd.s32 $0x1780, s1  }
0x9e: {  	[spmem:s3] =	stream.indirect.scatter.add.f32 [tilespmem:s28], [sflag:$0x8], $0x40, s1, s19, $0xb8;
	[tilespmem:$0x1E0A0] =	vst v63  }
0x9f: {  	_ =	swait.ge [sflag:s22], $0x2000  }
0xa0: {  	[sflag:s22] =	ssyncset.done $0x0  }
0xa1: {  	[sflag:s22] =	ssyncadd.s32 $0xFFFFE000  }
0xa2: {  	_ =	swait.ge [sflag:s4], $0x2000  }
0xa3: {  	[sflag:s4] =	ssyncset.done $0x0  }
0xa4: {  	s0 =	simm.s32 $0x1300;
	[sflag:s4] =	ssyncadd.s32 $0xFFFFE000  }
0xa5: {  	[tilespmem:s24], [sflag:$0x3] =	stream.indirect.gather [spmem:s2], $0x40, s0, s19, $0xb8;
	[tilespmem:$0x1E0A0] =	vst v63  }
0xa6: {  	s15 =	simm.s32 $0x2600  }
0xa7: {  	[spmem:s3] =	stream.indirect.scatter.add.f32 [tilespmem:s20], [sflag:$0x5], $0x40, s15, s19, $0xb8;
	[tilespmem:$0x1E0A0] =	vst v63  }
0xa8: {  	_ =	swait.ge [sflag:s25], $0x2000  }
0xa9: {  	[sflag:s25] =	ssyncset.done $0x0  }
0xaa: {  	[sflag:s25] =	ssyncadd.s32 $0xFFFFE000  }
0xab: {  	_ =	swait.ge [sflag:s8], $0x2000  }
0xac: {  	[sflag:s8] =	ssyncset.done $0x0  }
0xad: {  	s1 =	simm.s32 $0x1380;
	[sflag:s8] =	ssyncadd.s32 $0xFFFFE000  }
0xae: {  	[tilespmem:s28], [sflag:$0x4] =	stream.indirect.gather [spmem:s2], $0x40, s1, s19, $0xb8;
	[tilespmem:$0x1E0A0] =	vst v63  }
0xaf: {  	_ = 	snop  }
0xb0: {  	[spmem:s3] =	stream.indirect.scatter.add.f32 [tilespmem:s21], [sflag:$0x6], $0x40, s16, s19, $0xb8;
	[tilespmem:$0x1E0A0] =	vst v63  }
0xb1: {  	_ =	swait.ge [sflag:s30], $0x2000  }
0xb2: {  	[sflag:s30] =	ssyncset.done $0x0  }
0xb3: {  	[sflag:s30] =	ssyncadd.s32 $0xFFFFE000  }
0xb4: {  	_ =	swait.ge [sflag:s31], $0x2000  }
0xb5: {  	[sflag:s31] =	ssyncset.done $0x0  }
0xb6: {  	[sflag:s31] =	ssyncadd.s32 $0xFFFFE000  }
0xb7: {  	[spmem:s3] =	stream.indirect.scatter.add.f32 [tilespmem:s24], [sflag:$0x7], $0x40, s23, s19, $0xb8;
	[tilespmem:$0x1E0A0] =	vst v63  }
0xb8: {  	_ =	swait.ge [sflag:s9], $0x2000  }
0xb9: {  	[sflag:s9] =	ssyncset.done $0x0  }
0xba: {  	[sflag:s9] =	ssyncadd.s32 $0xFFFFE000  }
0xbb: {  	_ =	swait.ge [sflag:s12], $0x2000  }
0xbc: {  	[sflag:s12] =	ssyncset.done $0x0  }
0xbd: {  	[sflag:s12] =	ssyncadd.s32 $0xFFFFE000  }
0xbe: {  	[spmem:s3] =	stream.indirect.scatter.add.f32 [tilespmem:s28], [sflag:$0x8], $0x40, s26, s19, $0xb8;
	[tilespmem:$0x1E0A0] =	vst v63  }
0xbf: {  	_ =	swait.ge [sflag:s4], $0x2000  }
0xc0: {  	[sflag:s4] =	ssyncset.done $0x0  }
0xc1: {  	[sflag:s4] =	ssyncadd.s32 $0xFFFFE000  }
0xc2: {  	_ =	swait.ge [sflag:s8], $0x2000  }
0xc3: {  	[sflag:s8] =	ssyncset.done $0x0  }
0xc4: {  	s15 =	sadd.s32 $0x280, s6;
	s1 =	simm.s32 $0x0;
	[sflag:s8] =	ssyncadd.s32 $0xFFFFE000  }
0xc5: {  	[tilespmem:s1], [sflag:$0x9] =	stream.linear.gather [hbm4b:s15+s1], $0x1400, $0x38;
	[tilespmem:$0x1E0A0] =	vst v63  }
0xc6: {  	_ =	swait.ge [sflag:s17], $0x1400  }
0xc7: {  	[sflag:s17] =	ssyncset.done $0x0  }
0xc8: {  	s15 =	sadd.s32 $0x280, s7;
	[sflag:s17] =	ssyncadd.s32 $0xFFFFEC00  }
0xc9: {  	[tilespmem:s18], [sflag:$0x9] =	stream.linear.gather [hbm4b:s15+s1], $0x1400, $0x38;
	[tilespmem:$0x1E0A0] =	vst v63  }
0xca: {  	_ =	swait.ge [sflag:s17], $0x1400  }
0xcb: {  	[sflag:s17] =	ssyncset.done $0x0  }
0xcc: {  	[sflag:s17] =	ssyncadd.s32 $0xFFFFEC00  }
0xcd: {  	[tilespmem:s20], [sflag:$0x1] =	stream.indirect.gather [spmem:s2], $0x40, s1, s19, $0xb8;
	[tilespmem:$0x1E0A0] =	vst v63  }
0xce: {  	_ = 	snop  }
0xcf: {  	[tilespmem:s21], [sflag:$0x2] =	stream.indirect.gather [spmem:s2], $0x40, s19, s19, $0xb8;
	[tilespmem:$0x1E0A0] =	vst v63  }
0xd0: {  	_ =	swait.ge [sflag:s22], $0x2000  }
0xd1: {  	[sflag:s22] =	ssyncset.done $0x0  }
0xd2: {  	[sflag:s22] =	ssyncadd.s32 $0xFFFFE000  }
0xd3: {  	[tilespmem:s24], [sflag:$0x3] =	stream.indirect.gather [spmem:s2], $0x40, s5, s19, $0xb8;
	[tilespmem:$0x1E0A0] =	vst v63  }
0xd4: {  	_ = 	snop  }
0xd5: {  	[spmem:s3] =	stream.indirect.scatter.add.f32 [tilespmem:s20], [sflag:$0x5], $0x40, s18, s19, $0xb8;
	[tilespmem:$0x1E0A0] =	vst v63  }
0xd6: {  	_ =	swait.ge [sflag:s25], $0x2000  }
0xd7: {  	[sflag:s25] =	ssyncset.done $0x0  }
0xd8: {  	[sflag:s25] =	ssyncadd.s32 $0xFFFFE000  }
0xd9: {  	[tilespmem:s28], [sflag:$0x4] =	stream.indirect.gather [spmem:s2], $0x40, s11, s19, $0xb8;
	[tilespmem:$0x1E0A0] =	vst v63  }
0xda: {  	s1 =	simm.s32 $0x1480  }
0xdb: {  	[spmem:s3] =	stream.indirect.scatter.add.f32 [tilespmem:s21], [sflag:$0x6], $0x40, s1, s19, $0xb8;
	[tilespmem:$0x1E0A0] =	vst v63  }
0xdc: {  	_ =	swait.ge [sflag:s30], $0x2000  }
0xdd: {  	[sflag:s30] =	ssyncset.done $0x0  }
0xde: {  	[sflag:s30] =	ssyncadd.s32 $0xFFFFE000  }
0xdf: {  	_ =	swait.ge [sflag:s31], $0x2000  }
0xe0: {  	[sflag:s31] =	ssyncset.done $0x0  }
0xe1: {  	s15 =	simm.s32 $0x200;
	[sflag:s31] =	ssyncadd.s32 $0xFFFFE000  }
0xe2: {  	[tilespmem:s20], [sflag:$0x1] =	stream.indirect.gather [spmem:s2], $0x40, s15, s19, $0xb8;
	[tilespmem:$0x1E0A0] =	vst v63  }
0xe3: {  	s1 =	simm.s32 $0x1500  }
0xe4: {  	[spmem:s3] =	stream.indirect.scatter.add.f32 [tilespmem:s24], [sflag:$0x7], $0x40, s1, s19, $0xb8;
	[tilespmem:$0x1E0A0] =	vst v63  }
0xe5: {  	_ =	swait.ge [sflag:s9], $0x2000  }
0xe6: {  	[sflag:s9] =	ssyncset.done $0x0  }
0xe7: {  	[sflag:s9] =	ssyncadd.s32 $0xFFFFE000  }
0xe8: {  	_ =	swait.ge [sflag:s12], $0x2000  }
0xe9: {  	[sflag:s12] =	ssyncset.done $0x0  }
0xea: {  	s15 =	simm.s32 $0x280;
	[sflag:s12] =	ssyncadd.s32 $0xFFFFE000  }
0xeb: {  	[tilespmem:s21], [sflag:$0x2] =	stream.indirect.gather [spmem:s2], $0x40, s15, s19, $0xb8;
	[tilespmem:$0x1E0A0] =	vst v63  }
0xec: {  	s1 =	simm.s32 $0x1580  }
0xed: {  	[spmem:s3] =	stream.indirect.scatter.add.f32 [tilespmem:s28], [sflag:$0x8], $0x40, s1, s19, $0xb8;
	[tilespmem:$0x1E0A0] =	vst v63  }
0xee: {  	_ =	swait.ge [sflag:s22], $0x2000  }
0xef: {  	[sflag:s22] =	ssyncset.done $0x0  }
0xf0: {  	[sflag:s22] =	ssyncadd.s32 $0xFFFFE000  }
0xf1: {  	_ =	swait.ge [sflag:s4], $0x2000  }
0xf2: {  	[sflag:s4] =	ssyncset.done $0x0  }
0xf3: {  	s15 =	simm.s32 $0x300;
	[sflag:s4] =	ssyncadd.s32 $0xFFFFE000  }
0xf4: {  	[tilespmem:s24], [sflag:$0x3] =	stream.indirect.gather [spmem:s2], $0x40, s15, s19, $0xb8;
	[tilespmem:$0x1E0A0] =	vst v63  }
0xf5: {  	s1 =	simm.s32 $0x1600  }
0xf6: {  	[spmem:s3] =	stream.indirect.scatter.add.f32 [tilespmem:s20], [sflag:$0x5], $0x40, s1, s19, $0xb8;
	[tilespmem:$0x1E0A0] =	vst v63  }
0xf7: {  	_ =	swait.ge [sflag:s25], $0x2000  }
0xf8: {  	[sflag:s25] =	ssyncset.done $0x0  }
0xf9: {  	[sflag:s25] =	ssyncadd.s32 $0xFFFFE000  }
0xfa: {  	_ =	swait.ge [sflag:s8], $0x2000  }
0xfb: {  	[sflag:s8] =	ssyncset.done $0x0  }
0xfc: {  	s15 =	simm.s32 $0x380;
	[sflag:s8] =	ssyncadd.s32 $0xFFFFE000  }
0xfd: {  	[tilespmem:s28], [sflag:$0x4] =	stream.indirect.gather [spmem:s2], $0x40, s15, s19, $0xb8;
	[tilespmem:$0x1E0A0] =	vst v63  }
0xfe: {  	s1 =	simm.s32 $0x1680  }
0xff: {  	[spmem:s3] =	stream.indirect.scatter.add.f32 [tilespmem:s21], [sflag:$0x6], $0x40, s1, s19, $0xb8;
	[tilespmem:$0x1E0A0] =	vst v63  }
0x100: {  	_ =	swait.ge [sflag:s30], $0x2000  }
0x101: {  	[sflag:s30] =	ssyncset.done $0x0  }
0x102: {  	[sflag:s30] =	ssyncadd.s32 $0xFFFFE000  }
0x103: {  	_ =	swait.ge [sflag:s31], $0x2000  }
0x104: {  	[sflag:s31] =	ssyncset.done $0x0  }
0x105: {  	s15 =	simm.s32 $0x400;
	[sflag:s31] =	ssyncadd.s32 $0xFFFFE000  }
0x106: {  	[tilespmem:s20], [sflag:$0x1] =	stream.indirect.gather [spmem:s2], $0x40, s15, s19, $0xb8;
	[tilespmem:$0x1E0A0] =	vst v63  }
0x107: {  	s1 =	simm.s32 $0x1700  }
0x108: {  	[spmem:s3] =	stream.indirect.scatter.add.f32 [tilespmem:s24], [sflag:$0x7], $0x40, s1, s19, $0xb8;
	[tilespmem:$0x1E0A0] =	vst v63  }
0x109: {  	_ =	swait.ge [sflag:s9], $0x2000  }
0x10a: {  	[sflag:s9] =	ssyncset.done $0x0  }
0x10b: {  	[sflag:s9] =	ssyncadd.s32 $0xFFFFE000  }
0x10c: {  	_ =	swait.ge [sflag:s12], $0x2000  }
0x10d: {  	s0 =	simm.s32 $0x800;
	[sflag:s12] =	ssyncset.done $0x0  }
0x10e: {  	s15 =	simm.s32 $0x480;
	s1 =	simm.s32 $0x1780;
	[sflag:s12] =	ssyncadd.s32 $0xFFFFE000  }
0x10f: {  	[tilespmem:s21], [sflag:$0x2] =	stream.indirect.gather [spmem:s2], $0x40, s15, s19, $0xb8;
	[tilespmem:$0x1E0A0] =	vst v63  }
.LBB2_4:
0x110: {  	[spmem:s3] =	stream.indirect.scatter.add.f32 [tilespmem:s28], [sflag:$0x8], $0x40, s1, s19, $0xb8;
	[tilespmem:$0x1E0A0] =	vst v63  }
0x111: {  	s1 =	smov.u32 s0  }
0x112: {  	p1 =	sne.s32 s0, $0x3800;
	s0 =	sadd.s32 $0x800, s0;
	_ =	swait.ge [sflag:s22], $0x2000  }
0x113: {  	[sflag:s22] =	ssyncset.done $0x0  }
0x114: {  	[sflag:s22] =	ssyncadd.s32 $0xFFFFE000  }
0x115: {  	_ =	swait.ge [sflag:s4], $0x2000  }
0x116: {  	s1 =	sshra.s32 s1, $0x2;
	[sflag:s4] =	ssyncset.done $0x0  }
0x117: {  	s15 =	sadd.s32 $0x300, s1;
	[sflag:s4] =	ssyncadd.s32 $0xFFFFE000  }
0x118: {  	[tilespmem:s24], [sflag:$0x3] =	stream.indirect.gather [spmem:s2], $0x40, s15, s19, $0xb8;
	[tilespmem:$0x1E0A0] =	vst v63  }
0x119: {  	s15 =	sadd.s32 $0x1600, s1  }
0x11a: {  	[spmem:s3] =	stream.indirect.scatter.add.f32 [tilespmem:s20], [sflag:$0x5], $0x40, s15, s19, $0xb8;
	[tilespmem:$0x1E0A0] =	vst v63  }
0x11b: {  	_ =	swait.ge [sflag:s25], $0x2000  }
0x11c: {  	[sflag:s25] =	ssyncset.done $0x0  }
0x11d: {  	[sflag:s25] =	ssyncadd.s32 $0xFFFFE000  }
0x11e: {  	_ =	swait.ge [sflag:s8], $0x2000  }
0x11f: {  	[sflag:s8] =	ssyncset.done $0x0  }
0x120: {  	s15 =	sadd.s32 $0x380, s1;
	[sflag:s8] =	ssyncadd.s32 $0xFFFFE000  }
0x121: {  	[tilespmem:s28], [sflag:$0x4] =	stream.indirect.gather [spmem:s2], $0x40, s15, s19, $0xb8;
	[tilespmem:$0x1E0A0] =	vst v63  }
0x122: {  	s15 =	sadd.s32 $0x1680, s1  }
0x123: {  	[spmem:s3] =	stream.indirect.scatter.add.f32 [tilespmem:s21], [sflag:$0x6], $0x40, s15, s19, $0xb8;
	[tilespmem:$0x1E0A0] =	vst v63  }
0x124: {  	_ =	swait.ge [sflag:s30], $0x2000  }
0x125: {  	[sflag:s30] =	ssyncset.done $0x0  }
0x126: {  	[sflag:s30] =	ssyncadd.s32 $0xFFFFE000  }
0x127: {  	_ =	swait.ge [sflag:s31], $0x2000  }
0x128: {  	[sflag:s31] =	ssyncset.done $0x0  }
0x129: {  	s15 =	sadd.s32 $0x400, s1;
	[sflag:s31] =	ssyncadd.s32 $0xFFFFE000  }
0x12a: {  	[tilespmem:s20], [sflag:$0x1] =	stream.indirect.gather [spmem:s2], $0x40, s15, s19, $0xb8;
	[tilespmem:$0x1E0A0] =	vst v63  }
0x12b: {  	s15 =	sadd.s32 $0x1700, s1  }
0x12c: {  	[spmem:s3] =	stream.indirect.scatter.add.f32 [tilespmem:s24], [sflag:$0x7], $0x40, s15, s19, $0xb8;
	[tilespmem:$0x1E0A0] =	vst v63  }
0x12d: {  	_ =	swait.ge [sflag:s9], $0x2000  }
0x12e: {  	[sflag:s9] =	ssyncset.done $0x0  }
0x12f: {  	[sflag:s9] =	ssyncadd.s32 $0xFFFFE000  }
.Ltmp1:
0x130: {  	_ =	swait.ge [sflag:s12], $0x2000;
	(pc) =	sbr.rel @p1 .LBB2_4-.Ltmp1, $4  }
0x131: {  	[sflag:s12] =	ssyncset.done $0x0  }
0x132: {  	s15 =	sadd.s32 $0x480, s1;
	[sflag:s12] =	ssyncadd.s32 $0xFFFFE000  }
0x133: {  	[tilespmem:s21], [sflag:$0x2] =	stream.indirect.gather [spmem:s2], $0x40, s15, s19, $0xb8;
	[tilespmem:$0x1E0A0] =	vst v63  }
0x134: {  	s1 =	sadd.s32 $0x1780, s1  }
0x135: {  	[spmem:s3] =	stream.indirect.scatter.add.f32 [tilespmem:s28], [sflag:$0x8], $0x40, s1, s19, $0xb8;
	[tilespmem:$0x1E0A0] =	vst v63  }
0x136: {  	_ =	swait.ge [sflag:s22], $0x2000  }
0x137: {  	[sflag:s22] =	ssyncset.done $0x0  }
0x138: {  	[sflag:s22] =	ssyncadd.s32 $0xFFFFE000  }
0x139: {  	_ =	swait.ge [sflag:s4], $0x2000  }
0x13a: {  	[sflag:s4] =	ssyncset.done $0x0  }
0x13b: {  	s0 =	simm.s32 $0x1300;
	[sflag:s4] =	ssyncadd.s32 $0xFFFFE000  }
0x13c: {  	[tilespmem:s24], [sflag:$0x3] =	stream.indirect.gather [spmem:s2], $0x40, s0, s19, $0xb8;
	[tilespmem:$0x1E0A0] =	vst v63  }
0x13d: {  	s15 =	simm.s32 $0x2600  }
0x13e: {  	[spmem:s3] =	stream.indirect.scatter.add.f32 [tilespmem:s20], [sflag:$0x5], $0x40, s15, s19, $0xb8;
	[tilespmem:$0x1E0A0] =	vst v63  }
0x13f: {  	_ =	swait.ge [sflag:s25], $0x2000  }
0x140: {  	[sflag:s25] =	ssyncset.done $0x0  }
0x141: {  	[sflag:s25] =	ssyncadd.s32 $0xFFFFE000  }
0x142: {  	_ =	swait.ge [sflag:s8], $0x2000  }
0x143: {  	[sflag:s8] =	ssyncset.done $0x0  }
0x144: {  	s1 =	simm.s32 $0x1380;
	[sflag:s8] =	ssyncadd.s32 $0xFFFFE000  }
0x145: {  	[tilespmem:s28], [sflag:$0x4] =	stream.indirect.gather [spmem:s2], $0x40, s1, s19, $0xb8;
	[tilespmem:$0x1E0A0] =	vst v63  }
0x146: {  	_ = 	snop  }
0x147: {  	[spmem:s3] =	stream.indirect.scatter.add.f32 [tilespmem:s21], [sflag:$0x6], $0x40, s16, s19, $0xb8;
	[tilespmem:$0x1E0A0] =	vst v63  }
0x148: {  	_ =	swait.ge [sflag:s30], $0x2000  }
0x149: {  	[sflag:s30] =	ssyncset.done $0x0  }
0x14a: {  	[sflag:s30] =	ssyncadd.s32 $0xFFFFE000  }
0x14b: {  	_ =	swait.ge [sflag:s31], $0x2000  }
0x14c: {  	[sflag:s31] =	ssyncset.done $0x0  }
0x14d: {  	[sflag:s31] =	ssyncadd.s32 $0xFFFFE000  }
0x14e: {  	[spmem:s3] =	stream.indirect.scatter.add.f32 [tilespmem:s24], [sflag:$0x7], $0x40, s23, s19, $0xb8;
	[tilespmem:$0x1E0A0] =	vst v63  }
0x14f: {  	_ =	swait.ge [sflag:s9], $0x2000  }
0x150: {  	[sflag:s9] =	ssyncset.done $0x0  }
0x151: {  	[sflag:s9] =	ssyncadd.s32 $0xFFFFE000  }
0x152: {  	_ =	swait.ge [sflag:s12], $0x2000  }
0x153: {  	[sflag:s12] =	ssyncset.done $0x0  }
0x154: {  	[sflag:s12] =	ssyncadd.s32 $0xFFFFE000  }
0x155: {  	[spmem:s3] =	stream.indirect.scatter.add.f32 [tilespmem:s28], [sflag:$0x8], $0x40, s26, s19, $0xb8;
	[tilespmem:$0x1E0A0] =	vst v63  }
0x156: {  	_ =	swait.ge [sflag:s4], $0x2000  }
0x157: {  	[sflag:s4] =	ssyncset.done $0x0  }
0x158: {  	[sflag:s4] =	ssyncadd.s32 $0xFFFFE000  }
0x159: {  	_ =	swait.ge [sflag:s8], $0x2000  }
0x15a: {  	[sflag:s8] =	ssyncset.done $0x0  }
0x15b: {  	s15 =	sadd.s32 $0x500, s6;
	s1 =	simm.s32 $0x0;
	[sflag:s8] =	ssyncadd.s32 $0xFFFFE000  }
0x15c: {  	[tilespmem:s1], [sflag:$0x9] =	stream.linear.gather [hbm4b:s15+s1], $0x1400, $0x38;
	[tilespmem:$0x1E0A0] =	vst v63  }
0x15d: {  	_ =	swait.ge [sflag:s17], $0x1400  }
0x15e: {  	[sflag:s17] =	ssyncset.done $0x0  }
0x15f: {  	s15 =	sadd.s32 $0x500, s7;
	[sflag:s17] =	ssyncadd.s32 $0xFFFFEC00  }
0x160: {  	[tilespmem:s18], [sflag:$0x9] =	stream.linear.gather [hbm4b:s15+s1], $0x1400, $0x38;
	[tilespmem:$0x1E0A0] =	vst v63  }
0x161: {  	_ =	swait.ge [sflag:s17], $0x1400  }
0x162: {  	[sflag:s17] =	ssyncset.done $0x0  }
0x163: {  	[sflag:s17] =	ssyncadd.s32 $0xFFFFEC00  }
0x164: {  	[tilespmem:s20], [sflag:$0x1] =	stream.indirect.gather [spmem:s2], $0x40, s1, s19, $0xb8;
	[tilespmem:$0x1E0A0] =	vst v63  }
0x165: {  	_ = 	snop  }
0x166: {  	[tilespmem:s21], [sflag:$0x2] =	stream.indirect.gather [spmem:s2], $0x40, s19, s19, $0xb8;
	[tilespmem:$0x1E0A0] =	vst v63  }
0x167: {  	_ =	swait.ge [sflag:s22], $0x2000  }
0x168: {  	[sflag:s22] =	ssyncset.done $0x0  }
0x169: {  	[sflag:s22] =	ssyncadd.s32 $0xFFFFE000  }
0x16a: {  	[tilespmem:s24], [sflag:$0x3] =	stream.indirect.gather [spmem:s2], $0x40, s5, s19, $0xb8;
	[tilespmem:$0x1E0A0] =	vst v63  }
0x16b: {  	_ = 	snop  }
0x16c: {  	[spmem:s3] =	stream.indirect.scatter.add.f32 [tilespmem:s20], [sflag:$0x5], $0x40, s18, s19, $0xb8;
	[tilespmem:$0x1E0A0] =	vst v63  }
0x16d: {  	_ =	swait.ge [sflag:s25], $0x2000  }
0x16e: {  	[sflag:s25] =	ssyncset.done $0x0  }
0x16f: {  	[sflag:s25] =	ssyncadd.s32 $0xFFFFE000  }
0x170: {  	[tilespmem:s28], [sflag:$0x4] =	stream.indirect.gather [spmem:s2], $0x40, s11, s19, $0xb8;
	[tilespmem:$0x1E0A0] =	vst v63  }
0x171: {  	s1 =	simm.s32 $0x1480  }
0x172: {  	[spmem:s3] =	stream.indirect.scatter.add.f32 [tilespmem:s21], [sflag:$0x6], $0x40, s1, s19, $0xb8;
	[tilespmem:$0x1E0A0] =	vst v63  }
0x173: {  	_ =	swait.ge [sflag:s30], $0x2000  }
0x174: {  	[sflag:s30] =	ssyncset.done $0x0  }
0x175: {  	[sflag:s30] =	ssyncadd.s32 $0xFFFFE000  }
0x176: {  	_ =	swait.ge [sflag:s31], $0x2000  }
0x177: {  	[sflag:s31] =	ssyncset.done $0x0  }
0x178: {  	s15 =	simm.s32 $0x200;
	[sflag:s31] =	ssyncadd.s32 $0xFFFFE000  }
0x179: {  	[tilespmem:s20], [sflag:$0x1] =	stream.indirect.gather [spmem:s2], $0x40, s15, s19, $0xb8;
	[tilespmem:$0x1E0A0] =	vst v63  }
0x17a: {  	s1 =	simm.s32 $0x1500  }
0x17b: {  	[spmem:s3] =	stream.indirect.scatter.add.f32 [tilespmem:s24], [sflag:$0x7], $0x40, s1, s19, $0xb8;
	[tilespmem:$0x1E0A0] =	vst v63  }
0x17c: {  	_ =	swait.ge [sflag:s9], $0x2000  }
0x17d: {  	[sflag:s9] =	ssyncset.done $0x0  }
0x17e: {  	[sflag:s9] =	ssyncadd.s32 $0xFFFFE000  }
0x17f: {  	_ =	swait.ge [sflag:s12], $0x2000  }
0x180: {  	[sflag:s12] =	ssyncset.done $0x0  }
0x181: {  	s15 =	simm.s32 $0x280;
	[sflag:s12] =	ssyncadd.s32 $0xFFFFE000  }
0x182: {  	[tilespmem:s21], [sflag:$0x2] =	stream.indirect.gather [spmem:s2], $0x40, s15, s19, $0xb8;
	[tilespmem:$0x1E0A0] =	vst v63  }
0x183: {  	s1 =	simm.s32 $0x1580  }
0x184: {  	[spmem:s3] =	stream.indirect.scatter.add.f32 [tilespmem:s28], [sflag:$0x8], $0x40, s1, s19, $0xb8;
	[tilespmem:$0x1E0A0] =	vst v63  }
0x185: {  	_ =	swait.ge [sflag:s22], $0x2000  }
0x186: {  	[sflag:s22] =	ssyncset.done $0x0  }
0x187: {  	[sflag:s22] =	ssyncadd.s32 $0xFFFFE000  }
0x188: {  	_ =	swait.ge [sflag:s4], $0x2000  }
0x189: {  	[sflag:s4] =	ssyncset.done $0x0  }
0x18a: {  	s15 =	simm.s32 $0x300;
	[sflag:s4] =	ssyncadd.s32 $0xFFFFE000  }
0x18b: {  	[tilespmem:s24], [sflag:$0x3] =	stream.indirect.gather [spmem:s2], $0x40, s15, s19, $0xb8;
	[tilespmem:$0x1E0A0] =	vst v63  }
0x18c: {  	s1 =	simm.s32 $0x1600  }
0x18d: {  	[spmem:s3] =	stream.indirect.scatter.add.f32 [tilespmem:s20], [sflag:$0x5], $0x40, s1, s19, $0xb8;
	[tilespmem:$0x1E0A0] =	vst v63  }
0x18e: {  	_ =	swait.ge [sflag:s25], $0x2000  }
0x18f: {  	[sflag:s25] =	ssyncset.done $0x0  }
0x190: {  	[sflag:s25] =	ssyncadd.s32 $0xFFFFE000  }
0x191: {  	_ =	swait.ge [sflag:s8], $0x2000  }
0x192: {  	[sflag:s8] =	ssyncset.done $0x0  }
0x193: {  	s15 =	simm.s32 $0x380;
	[sflag:s8] =	ssyncadd.s32 $0xFFFFE000  }
0x194: {  	[tilespmem:s28], [sflag:$0x4] =	stream.indirect.gather [spmem:s2], $0x40, s15, s19, $0xb8;
	[tilespmem:$0x1E0A0] =	vst v63  }
0x195: {  	s1 =	simm.s32 $0x1680  }
0x196: {  	[spmem:s3] =	stream.indirect.scatter.add.f32 [tilespmem:s21], [sflag:$0x6], $0x40, s1, s19, $0xb8;
	[tilespmem:$0x1E0A0] =	vst v63  }
0x197: {  	_ =	swait.ge [sflag:s30], $0x2000  }
0x198: {  	[sflag:s30] =	ssyncset.done $0x0  }
0x199: {  	[sflag:s30] =	ssyncadd.s32 $0xFFFFE000  }
0x19a: {  	_ =	swait.ge [sflag:s31], $0x2000  }
0x19b: {  	[sflag:s31] =	ssyncset.done $0x0  }
0x19c: {  	s15 =	simm.s32 $0x400;
	[sflag:s31] =	ssyncadd.s32 $0xFFFFE000  }
0x19d: {  	[tilespmem:s20], [sflag:$0x1] =	stream.indirect.gather [spmem:s2], $0x40, s15, s19, $0xb8;
	[tilespmem:$0x1E0A0] =	vst v63  }
0x19e: {  	s1 =	simm.s32 $0x1700  }
0x19f: {  	[spmem:s3] =	stream.indirect.scatter.add.f32 [tilespmem:s24], [sflag:$0x7], $0x40, s1, s19, $0xb8;
	[tilespmem:$0x1E0A0] =	vst v63  }
0x1a0: {  	_ =	swait.ge [sflag:s9], $0x2000  }
0x1a1: {  	[sflag:s9] =	ssyncset.done $0x0  }
0x1a2: {  	[sflag:s9] =	ssyncadd.s32 $0xFFFFE000  }
0x1a3: {  	_ =	swait.ge [sflag:s12], $0x2000  }
0x1a4: {  	s0 =	simm.s32 $0x800;
	[sflag:s12] =	ssyncset.done $0x0  }
0x1a5: {  	s15 =	simm.s32 $0x480;
	s1 =	simm.s32 $0x1780;
	[sflag:s12] =	ssyncadd.s32 $0xFFFFE000  }
0x1a6: {  	[tilespmem:s21], [sflag:$0x2] =	stream.indirect.gather [spmem:s2], $0x40, s15, s19, $0xb8;
	[tilespmem:$0x1E0A0] =	vst v63  }
.LBB2_6:
0x1a7: {  	[spmem:s3] =	stream.indirect.scatter.add.f32 [tilespmem:s28], [sflag:$0x8], $0x40, s1, s19, $0xb8;
	[tilespmem:$0x1E0A0] =	vst v63  }
0x1a8: {  	s1 =	smov.u32 s0  }
0x1a9: {  	p1 =	sne.s32 s0, $0x3800;
	s0 =	sadd.s32 $0x800, s0;
	_ =	swait.ge [sflag:s22], $0x2000  }
0x1aa: {  	[sflag:s22] =	ssyncset.done $0x0  }
0x1ab: {  	[sflag:s22] =	ssyncadd.s32 $0xFFFFE000  }
0x1ac: {  	_ =	swait.ge [sflag:s4], $0x2000  }
0x1ad: {  	s1 =	sshra.s32 s1, $0x2;
	[sflag:s4] =	ssyncset.done $0x0  }
0x1ae: {  	s15 =	sadd.s32 $0x300, s1;
	[sflag:s4] =	ssyncadd.s32 $0xFFFFE000  }
0x1af: {  	[tilespmem:s24], [sflag:$0x3] =	stream.indirect.gather [spmem:s2], $0x40, s15, s19, $0xb8;
	[tilespmem:$0x1E0A0] =	vst v63  }
0x1b0: {  	s15 =	sadd.s32 $0x1600, s1  }
0x1b1: {  	[spmem:s3] =	stream.indirect.scatter.add.f32 [tilespmem:s20], [sflag:$0x5], $0x40, s15, s19, $0xb8;
	[tilespmem:$0x1E0A0] =	vst v63  }
0x1b2: {  	_ =	swait.ge [sflag:s25], $0x2000  }
0x1b3: {  	[sflag:s25] =	ssyncset.done $0x0  }
0x1b4: {  	[sflag:s25] =	ssyncadd.s32 $0xFFFFE000  }
0x1b5: {  	_ =	swait.ge [sflag:s8], $0x2000  }
0x1b6: {  	[sflag:s8] =	ssyncset.done $0x0  }
0x1b7: {  	s15 =	sadd.s32 $0x380, s1;
	[sflag:s8] =	ssyncadd.s32 $0xFFFFE000  }
0x1b8: {  	[tilespmem:s28], [sflag:$0x4] =	stream.indirect.gather [spmem:s2], $0x40, s15, s19, $0xb8;
	[tilespmem:$0x1E0A0] =	vst v63  }
0x1b9: {  	s15 =	sadd.s32 $0x1680, s1  }
0x1ba: {  	[spmem:s3] =	stream.indirect.scatter.add.f32 [tilespmem:s21], [sflag:$0x6], $0x40, s15, s19, $0xb8;
	[tilespmem:$0x1E0A0] =	vst v63  }
0x1bb: {  	_ =	swait.ge [sflag:s30], $0x2000  }
0x1bc: {  	[sflag:s30] =	ssyncset.done $0x0  }
0x1bd: {  	[sflag:s30] =	ssyncadd.s32 $0xFFFFE000  }
0x1be: {  	_ =	swait.ge [sflag:s31], $0x2000  }
0x1bf: {  	[sflag:s31] =	ssyncset.done $0x0  }
0x1c0: {  	s15 =	sadd.s32 $0x400, s1;
	[sflag:s31] =	ssyncadd.s32 $0xFFFFE000  }
0x1c1: {  	[tilespmem:s20], [sflag:$0x1] =	stream.indirect.gather [spmem:s2], $0x40, s15, s19, $0xb8;
	[tilespmem:$0x1E0A0] =	vst v63  }
0x1c2: {  	s15 =	sadd.s32 $0x1700, s1  }
0x1c3: {  	[spmem:s3] =	stream.indirect.scatter.add.f32 [tilespmem:s24], [sflag:$0x7], $0x40, s15, s19, $0xb8;
	[tilespmem:$0x1E0A0] =	vst v63  }
0x1c4: {  	_ =	swait.ge [sflag:s9], $0x2000  }
0x1c5: {  	[sflag:s9] =	ssyncset.done $0x0  }
0x1c6: {  	[sflag:s9] =	ssyncadd.s32 $0xFFFFE000  }
.Ltmp2:
0x1c7: {  	_ =	swait.ge [sflag:s12], $0x2000;
	(pc) =	sbr.rel @p1 .LBB2_6-.Ltmp2, $4  }
0x1c8: {  	[sflag:s12] =	ssyncset.done $0x0  }
0x1c9: {  	s15 =	sadd.s32 $0x480, s1;
	[sflag:s12] =	ssyncadd.s32 $0xFFFFE000  }
0x1ca: {  	[tilespmem:s21], [sflag:$0x2] =	stream.indirect.gather [spmem:s2], $0x40, s15, s19, $0xb8;
	[tilespmem:$0x1E0A0] =	vst v63  }
0x1cb: {  	s1 =	sadd.s32 $0x1780, s1  }
0x1cc: {  	[spmem:s3] =	stream.indirect.scatter.add.f32 [tilespmem:s28], [sflag:$0x8], $0x40, s1, s19, $0xb8;
	[tilespmem:$0x1E0A0] =	vst v63  }
0x1cd: {  	_ =	swait.ge [sflag:s22], $0x2000  }
0x1ce: {  	[sflag:s22] =	ssyncset.done $0x0  }
0x1cf: {  	[sflag:s22] =	ssyncadd.s32 $0xFFFFE000  }
0x1d0: {  	_ =	swait.ge [sflag:s4], $0x2000  }
0x1d1: {  	[sflag:s4] =	ssyncset.done $0x0  }
0x1d2: {  	s0 =	simm.s32 $0x1300;
	[sflag:s4] =	ssyncadd.s32 $0xFFFFE000  }
0x1d3: {  	[tilespmem:s24], [sflag:$0x3] =	stream.indirect.gather [spmem:s2], $0x40, s0, s19, $0xb8;
	[tilespmem:$0x1E0A0] =	vst v63  }
0x1d4: {  	s15 =	simm.s32 $0x2600  }
0x1d5: {  	[spmem:s3] =	stream.indirect.scatter.add.f32 [tilespmem:s20], [sflag:$0x5], $0x40, s15, s19, $0xb8;
	[tilespmem:$0x1E0A0] =	vst v63  }
0x1d6: {  	_ =	swait.ge [sflag:s25], $0x2000  }
0x1d7: {  	[sflag:s25] =	ssyncset.done $0x0  }
0x1d8: {  	[sflag:s25] =	ssyncadd.s32 $0xFFFFE000  }
0x1d9: {  	_ =	swait.ge [sflag:s8], $0x2000  }
0x1da: {  	[sflag:s8] =	ssyncset.done $0x0  }
0x1db: {  	s1 =	simm.s32 $0x1380;
	[sflag:s8] =	ssyncadd.s32 $0xFFFFE000  }
0x1dc: {  	[tilespmem:s28], [sflag:$0x4] =	stream.indirect.gather [spmem:s2], $0x40, s1, s19, $0xb8;
	[tilespmem:$0x1E0A0] =	vst v63  }
0x1dd: {  	_ = 	snop  }
0x1de: {  	[spmem:s3] =	stream.indirect.scatter.add.f32 [tilespmem:s21], [sflag:$0x6], $0x40, s16, s19, $0xb8;
	[tilespmem:$0x1E0A0] =	vst v63  }
0x1df: {  	_ =	swait.ge [sflag:s30], $0x2000  }
0x1e0: {  	[sflag:s30] =	ssyncset.done $0x0  }
0x1e1: {  	[sflag:s30] =	ssyncadd.s32 $0xFFFFE000  }
0x1e2: {  	_ =	swait.ge [sflag:s31], $0x2000  }
0x1e3: {  	[sflag:s31] =	ssyncset.done $0x0  }
0x1e4: {  	[sflag:s31] =	ssyncadd.s32 $0xFFFFE000  }
0x1e5: {  	[spmem:s3] =	stream.indirect.scatter.add.f32 [tilespmem:s24], [sflag:$0x7], $0x40, s23, s19, $0xb8;
	[tilespmem:$0x1E0A0] =	vst v63  }
0x1e6: {  	_ =	swait.ge [sflag:s9], $0x2000  }
0x1e7: {  	[sflag:s9] =	ssyncset.done $0x0  }
0x1e8: {  	[sflag:s9] =	ssyncadd.s32 $0xFFFFE000  }
0x1e9: {  	_ =	swait.ge [sflag:s12], $0x2000  }
0x1ea: {  	[sflag:s12] =	ssyncset.done $0x0  }
0x1eb: {  	[sflag:s12] =	ssyncadd.s32 $0xFFFFE000  }
0x1ec: {  	[spmem:s3] =	stream.indirect.scatter.add.f32 [tilespmem:s28], [sflag:$0x8], $0x40, s26, s19, $0xb8;
	[tilespmem:$0x1E0A0] =	vst v63  }
0x1ed: {  	_ =	swait.ge [sflag:s4], $0x2000  }
0x1ee: {  	[sflag:s4] =	ssyncset.done $0x0  }
0x1ef: {  	[sflag:s4] =	ssyncadd.s32 $0xFFFFE000  }
0x1f0: {  	_ =	swait.ge [sflag:s8], $0x2000  }
0x1f1: {  	[sflag:s8] =	ssyncset.done $0x0  }
0x1f2: {  	s15 =	sadd.s32 $0x780, s6;
	s1 =	simm.s32 $0x0;
	[sflag:s8] =	ssyncadd.s32 $0xFFFFE000  }
0x1f3: {  	[tilespmem:s1], [sflag:$0x9] =	stream.linear.gather [hbm4b:s15+s1], $0x1400, $0x38;
	[tilespmem:$0x1E0A0] =	vst v63  }
0x1f4: {  	_ =	swait.ge [sflag:s17], $0x1400  }
0x1f5: {  	[sflag:s17] =	ssyncset.done $0x0  }
0x1f6: {  	s15 =	sadd.s32 $0x780, s7;
	[sflag:s17] =	ssyncadd.s32 $0xFFFFEC00  }
0x1f7: {  	[tilespmem:s18], [sflag:$0x9] =	stream.linear.gather [hbm4b:s15+s1], $0x1400, $0x38;
	[tilespmem:$0x1E0A0] =	vst v63  }
0x1f8: {  	_ =	swait.ge [sflag:s17], $0x1400  }
0x1f9: {  	[sflag:s17] =	ssyncset.done $0x0  }
0x1fa: {  	[sflag:s17] =	ssyncadd.s32 $0xFFFFEC00  }
0x1fb: {  	[tilespmem:s20], [sflag:$0x1] =	stream.indirect.gather [spmem:s2], $0x40, s1, s19, $0xb8;
	[tilespmem:$0x1E0A0] =	vst v63  }
0x1fc: {  	_ = 	snop  }
0x1fd: {  	[tilespmem:s21], [sflag:$0x2] =	stream.indirect.gather [spmem:s2], $0x40, s19, s19, $0xb8;
	[tilespmem:$0x1E0A0] =	vst v63  }
0x1fe: {  	_ =	swait.ge [sflag:s22], $0x2000  }
0x1ff: {  	[sflag:s22] =	ssyncset.done $0x0  }
0x200: {  	[sflag:s22] =	ssyncadd.s32 $0xFFFFE000  }
0x201: {  	[tilespmem:s24], [sflag:$0x3] =	stream.indirect.gather [spmem:s2], $0x40, s5, s19, $0xb8;
	[tilespmem:$0x1E0A0] =	vst v63  }
0x202: {  	_ = 	snop  }
0x203: {  	[spmem:s3] =	stream.indirect.scatter.add.f32 [tilespmem:s20], [sflag:$0x5], $0x40, s18, s19, $0xb8;
	[tilespmem:$0x1E0A0] =	vst v63  }
0x204: {  	_ =	swait.ge [sflag:s25], $0x2000  }
0x205: {  	[sflag:s25] =	ssyncset.done $0x0  }
0x206: {  	[sflag:s25] =	ssyncadd.s32 $0xFFFFE000  }
0x207: {  	[tilespmem:s28], [sflag:$0x4] =	stream.indirect.gather [spmem:s2], $0x40, s11, s19, $0xb8;
	[tilespmem:$0x1E0A0] =	vst v63  }
0x208: {  	s1 =	simm.s32 $0x1480  }
0x209: {  	[spmem:s3] =	stream.indirect.scatter.add.f32 [tilespmem:s21], [sflag:$0x6], $0x40, s1, s19, $0xb8;
	[tilespmem:$0x1E0A0] =	vst v63  }
0x20a: {  	_ =	swait.ge [sflag:s30], $0x2000  }
0x20b: {  	[sflag:s30] =	ssyncset.done $0x0  }
0x20c: {  	[sflag:s30] =	ssyncadd.s32 $0xFFFFE000  }
0x20d: {  	_ =	swait.ge [sflag:s31], $0x2000  }
0x20e: {  	[sflag:s31] =	ssyncset.done $0x0  }
0x20f: {  	s5 =	simm.s32 $0x200;
	[sflag:s31] =	ssyncadd.s32 $0xFFFFE000  }
0x210: {  	[tilespmem:s20], [sflag:$0x1] =	stream.indirect.gather [spmem:s2], $0x40, s5, s19, $0xb8;
	[tilespmem:$0x1E0A0] =	vst v63  }
0x211: {  	s11 =	simm.s32 $0x1500  }
0x212: {  	[spmem:s3] =	stream.indirect.scatter.add.f32 [tilespmem:s24], [sflag:$0x7], $0x40, s11, s19, $0xb8;
	[tilespmem:$0x1E0A0] =	vst v63  }
0x213: {  	_ =	swait.ge [sflag:s9], $0x2000  }
0x214: {  	[sflag:s9] =	ssyncset.done $0x0  }
0x215: {  	[sflag:s9] =	ssyncadd.s32 $0xFFFFE000  }
0x216: {  	_ =	swait.ge [sflag:s12], $0x2000  }
0x217: {  	[sflag:s12] =	ssyncset.done $0x0  }
0x218: {  	s15 =	simm.s32 $0x280;
	[sflag:s12] =	ssyncadd.s32 $0xFFFFE000  }
0x219: {  	[tilespmem:s21], [sflag:$0x2] =	stream.indirect.gather [spmem:s2], $0x40, s15, s19, $0xb8;
	[tilespmem:$0x1E0A0] =	vst v63  }
0x21a: {  	s1 =	simm.s32 $0x1580  }
0x21b: {  	[spmem:s3] =	stream.indirect.scatter.add.f32 [tilespmem:s28], [sflag:$0x8], $0x40, s1, s19, $0xb8;
	[tilespmem:$0x1E0A0] =	vst v63  }
0x21c: {  	_ =	swait.ge [sflag:s22], $0x2000  }
0x21d: {  	[sflag:s22] =	ssyncset.done $0x0  }
0x21e: {  	[sflag:s22] =	ssyncadd.s32 $0xFFFFE000  }
0x21f: {  	_ =	swait.ge [sflag:s4], $0x2000  }
0x220: {  	[sflag:s4] =	ssyncset.done $0x0  }
0x221: {  	s5 =	simm.s32 $0x300;
	[sflag:s4] =	ssyncadd.s32 $0xFFFFE000  }
0x222: {  	[tilespmem:s24], [sflag:$0x3] =	stream.indirect.gather [spmem:s2], $0x40, s5, s19, $0xb8;
	[tilespmem:$0x1E0A0] =	vst v63  }
0x223: {  	s11 =	simm.s32 $0x1600  }
0x224: {  	[spmem:s3] =	stream.indirect.scatter.add.f32 [tilespmem:s20], [sflag:$0x5], $0x40, s11, s19, $0xb8;
	[tilespmem:$0x1E0A0] =	vst v63  }
0x225: {  	_ =	swait.ge [sflag:s25], $0x2000  }
0x226: {  	[sflag:s25] =	ssyncset.done $0x0  }
0x227: {  	[sflag:s25] =	ssyncadd.s32 $0xFFFFE000  }
0x228: {  	_ =	swait.ge [sflag:s8], $0x2000  }
0x229: {  	[sflag:s8] =	ssyncset.done $0x0  }
0x22a: {  	s15 =	simm.s32 $0x380;
	[sflag:s8] =	ssyncadd.s32 $0xFFFFE000  }
0x22b: {  	[tilespmem:s28], [sflag:$0x4] =	stream.indirect.gather [spmem:s2], $0x40, s15, s19, $0xb8;
	[tilespmem:$0x1E0A0] =	vst v63  }
0x22c: {  	s1 =	simm.s32 $0x1680  }
0x22d: {  	[spmem:s3] =	stream.indirect.scatter.add.f32 [tilespmem:s21], [sflag:$0x6], $0x40, s1, s19, $0xb8;
	[tilespmem:$0x1E0A0] =	vst v63  }
0x22e: {  	_ =	swait.ge [sflag:s30], $0x2000  }
0x22f: {  	[sflag:s30] =	ssyncset.done $0x0  }
0x230: {  	[sflag:s30] =	ssyncadd.s32 $0xFFFFE000  }
0x231: {  	_ =	swait.ge [sflag:s31], $0x2000  }
0x232: {  	[sflag:s31] =	ssyncset.done $0x0  }
0x233: {  	s5 =	simm.s32 $0x400;
	[sflag:s31] =	ssyncadd.s32 $0xFFFFE000  }
0x234: {  	[tilespmem:s20], [sflag:$0x1] =	stream.indirect.gather [spmem:s2], $0x40, s5, s19, $0xb8;
	[tilespmem:$0x1E0A0] =	vst v63  }
0x235: {  	s11 =	simm.s32 $0x1700  }
0x236: {  	[spmem:s3] =	stream.indirect.scatter.add.f32 [tilespmem:s24], [sflag:$0x7], $0x40, s11, s19, $0xb8;
	[tilespmem:$0x1E0A0] =	vst v63  }
0x237: {  	_ =	swait.ge [sflag:s9], $0x2000  }
0x238: {  	[sflag:s9] =	ssyncset.done $0x0  }
0x239: {  	[sflag:s9] =	ssyncadd.s32 $0xFFFFE000  }
0x23a: {  	_ =	swait.ge [sflag:s12], $0x2000  }
0x23b: {  	s0 =	simm.s32 $0x800;
	[sflag:s12] =	ssyncset.done $0x0  }
0x23c: {  	s15 =	simm.s32 $0x480;
	s1 =	simm.s32 $0x1780;
	[sflag:s12] =	ssyncadd.s32 $0xFFFFE000  }
0x23d: {  	[tilespmem:s21], [sflag:$0x2] =	stream.indirect.gather [spmem:s2], $0x40, s15, s19, $0xb8;
	[tilespmem:$0x1E0A0] =	vst v63  }
.LBB2_8:
0x23e: {  	[spmem:s3] =	stream.indirect.scatter.add.f32 [tilespmem:s28], [sflag:$0x8], $0x40, s1, s19, $0xb8;
	[tilespmem:$0x1E0A0] =	vst v63  }
0x23f: {  	s1 =	smov.u32 s0  }
0x240: {  	p1 =	sne.s32 s0, $0x3800;
	s0 =	sadd.s32 $0x800, s0;
	_ =	swait.ge [sflag:s22], $0x2000  }
0x241: {  	[sflag:s22] =	ssyncset.done $0x0  }
0x242: {  	[sflag:s22] =	ssyncadd.s32 $0xFFFFE000  }
0x243: {  	_ =	swait.ge [sflag:s4], $0x2000  }
0x244: {  	s1 =	sshra.s32 s1, $0x2;
	[sflag:s4] =	ssyncset.done $0x0  }
0x245: {  	s15 =	sadd.s32 $0x300, s1;
	[sflag:s4] =	ssyncadd.s32 $0xFFFFE000  }
0x246: {  	[tilespmem:s24], [sflag:$0x3] =	stream.indirect.gather [spmem:s2], $0x40, s15, s19, $0xb8;
	[tilespmem:$0x1E0A0] =	vst v63  }
0x247: {  	s15 =	sadd.s32 $0x1600, s1  }
0x248: {  	[spmem:s3] =	stream.indirect.scatter.add.f32 [tilespmem:s20], [sflag:$0x5], $0x40, s15, s19, $0xb8;
	[tilespmem:$0x1E0A0] =	vst v63  }
0x249: {  	_ =	swait.ge [sflag:s25], $0x2000  }
0x24a: {  	[sflag:s25] =	ssyncset.done $0x0  }
0x24b: {  	[sflag:s25] =	ssyncadd.s32 $0xFFFFE000  }
0x24c: {  	_ =	swait.ge [sflag:s8], $0x2000  }
0x24d: {  	[sflag:s8] =	ssyncset.done $0x0  }
0x24e: {  	s15 =	sadd.s32 $0x380, s1;
	[sflag:s8] =	ssyncadd.s32 $0xFFFFE000  }
0x24f: {  	[tilespmem:s28], [sflag:$0x4] =	stream.indirect.gather [spmem:s2], $0x40, s15, s19, $0xb8;
	[tilespmem:$0x1E0A0] =	vst v63  }
0x250: {  	s15 =	sadd.s32 $0x1680, s1  }
0x251: {  	[spmem:s3] =	stream.indirect.scatter.add.f32 [tilespmem:s21], [sflag:$0x6], $0x40, s15, s19, $0xb8;
	[tilespmem:$0x1E0A0] =	vst v63  }
0x252: {  	_ =	swait.ge [sflag:s30], $0x2000  }
0x253: {  	[sflag:s30] =	ssyncset.done $0x0  }
0x254: {  	[sflag:s30] =	ssyncadd.s32 $0xFFFFE000  }
0x255: {  	_ =	swait.ge [sflag:s31], $0x2000  }
0x256: {  	[sflag:s31] =	ssyncset.done $0x0  }
0x257: {  	s15 =	sadd.s32 $0x400, s1;
	[sflag:s31] =	ssyncadd.s32 $0xFFFFE000  }
0x258: {  	[tilespmem:s20], [sflag:$0x1] =	stream.indirect.gather [spmem:s2], $0x40, s15, s19, $0xb8;
	[tilespmem:$0x1E0A0] =	vst v63  }
0x259: {  	s15 =	sadd.s32 $0x1700, s1  }
0x25a: {  	[spmem:s3] =	stream.indirect.scatter.add.f32 [tilespmem:s24], [sflag:$0x7], $0x40, s15, s19, $0xb8;
	[tilespmem:$0x1E0A0] =	vst v63  }
0x25b: {  	_ =	swait.ge [sflag:s9], $0x2000  }
0x25c: {  	[sflag:s9] =	ssyncset.done $0x0  }
0x25d: {  	[sflag:s9] =	ssyncadd.s32 $0xFFFFE000  }
.Ltmp3:
0x25e: {  	_ =	swait.ge [sflag:s12], $0x2000;
	(pc) =	sbr.rel @p1 .LBB2_8-.Ltmp3, $4  }
0x25f: {  	[sflag:s12] =	ssyncset.done $0x0  }
0x260: {  	s15 =	sadd.s32 $0x480, s1;
	[sflag:s12] =	ssyncadd.s32 $0xFFFFE000  }
0x261: {  	[tilespmem:s21], [sflag:$0x2] =	stream.indirect.gather [spmem:s2], $0x40, s15, s19, $0xb8;
	[tilespmem:$0x1E0A0] =	vst v63  }
0x262: {  	s1 =	sadd.s32 $0x1780, s1  }
0x263: {  	[spmem:s3] =	stream.indirect.scatter.add.f32 [tilespmem:s28], [sflag:$0x8], $0x40, s1, s19, $0xb8;
	[tilespmem:$0x1E0A0] =	vst v63  }
0x264: {  	_ =	swait.ge [sflag:s22], $0x2000  }
0x265: {  	[sflag:s22] =	ssyncset.done $0x0  }
0x266: {  	[sflag:s22] =	ssyncadd.s32 $0xFFFFE000  }
0x267: {  	_ =	swait.ge [sflag:s4], $0x2000  }
0x268: {  	[sflag:s4] =	ssyncset.done $0x0  }
0x269: {  	s0 =	simm.s32 $0x1300;
	[sflag:s4] =	ssyncadd.s32 $0xFFFFE000  }
0x26a: {  	[tilespmem:s24], [sflag:$0x3] =	stream.indirect.gather [spmem:s2], $0x40, s0, s19, $0xb8;
	[tilespmem:$0x1E0A0] =	vst v63  }
0x26b: {  	s5 =	simm.s32 $0x2600  }
0x26c: {  	[spmem:s3] =	stream.indirect.scatter.add.f32 [tilespmem:s20], [sflag:$0x5], $0x40, s5, s19, $0xb8;
	[tilespmem:$0x1E0A0] =	vst v63  }
0x26d: {  	_ =	swait.ge [sflag:s25], $0x2000  }
0x26e: {  	[sflag:s25] =	ssyncset.done $0x0  }
0x26f: {  	[sflag:s25] =	ssyncadd.s32 $0xFFFFE000  }
0x270: {  	_ =	swait.ge [sflag:s8], $0x2000  }
0x271: {  	[sflag:s8] =	ssyncset.done $0x0  }
0x272: {  	s11 =	simm.s32 $0x1380;
	[sflag:s8] =	ssyncadd.s32 $0xFFFFE000  }
0x273: {  	[tilespmem:s28], [sflag:$0x4] =	stream.indirect.gather [spmem:s2], $0x40, s11, s19, $0xb8;
	[tilespmem:$0x1E0A0] =	vst v63  }
0x274: {  	_ = 	snop  }
0x275: {  	[spmem:s3] =	stream.indirect.scatter.add.f32 [tilespmem:s21], [sflag:$0x6], $0x40, s16, s19, $0xb8;
	[tilespmem:$0x1E0A0] =	vst v63  }
0x276: {  	_ =	swait.ge [sflag:s30], $0x2000  }
0x277: {  	[sflag:s30] =	ssyncset.done $0x0  }
0x278: {  	[sflag:s30] =	ssyncadd.s32 $0xFFFFE000  }
0x279: {  	_ =	swait.ge [sflag:s31], $0x2000  }
0x27a: {  	[sflag:s31] =	ssyncset.done $0x0  }
0x27b: {  	[sflag:s31] =	ssyncadd.s32 $0xFFFFE000  }
0x27c: {  	[spmem:s3] =	stream.indirect.scatter.add.f32 [tilespmem:s24], [sflag:$0x7], $0x40, s23, s19, $0xb8;
	[tilespmem:$0x1E0A0] =	vst v63  }
0x27d: {  	_ =	swait.ge [sflag:s9], $0x2000  }
0x27e: {  	[sflag:s9] =	ssyncset.done $0x0  }
0x27f: {  	[sflag:s9] =	ssyncadd.s32 $0xFFFFE000  }
0x280: {  	_ =	swait.ge [sflag:s12], $0x2000  }
0x281: {  	[sflag:s12] =	ssyncset.done $0x0  }
0x282: {  	[sflag:s12] =	ssyncadd.s32 $0xFFFFE000  }
0x283: {  	[spmem:s3] =	stream.indirect.scatter.add.f32 [tilespmem:s28], [sflag:$0x8], $0x40, s26, s19, $0xb8;
	[tilespmem:$0x1E0A0] =	vst v63  }
0x284: {  	_ =	swait.ge [sflag:s4], $0x2000  }
0x285: {  	[sflag:s4] =	ssyncset.done $0x0  }
0x286: {  	[sflag:s4] =	ssyncadd.s32 $0xFFFFE000  }
0x287: {  	_ =	swait.ge [sflag:s8], $0x2000  }
0x288: {  	[sflag:s8] =	ssyncset.done $0x0  }
0x289: {  	[sflag:s8] =	ssyncadd.s32 $0xFFFFE000  }
0x28a: {  	[bflag:$0x0] =	sbarrier.arrive $0xFFFF  }
0x28b: {  	s15 =	rddreg [dreg:$0x6]  }
0x28c: {  	s1 =	simm.s32 @p0 $0x1FC9;
	s0 =	sadd.s32 @p0 $0x12840, s15  }
0x28d: {  	[hbm:s0], [sflag:s1] =	dma.local @p0 [spmem:s10], $0x1040  }
0x28e: {  	s0 =	simm.s32 @p0 $0x9  }
0x28f: {  	_ =	swait.ge @p0 [sflag:s0], $0x1040  }
0x290: {  	[sflag:s0] =	ssyncset.done @p0 $0x0  }
0x291: {  	[sflag:s0] =	ssyncadd.s32 @p0 $0xFFFFEFC0;
	s0 =	rddreg [dreg:$0x5]  }
0x292: {  	s0 =	sadd.s32 @!p0 s0, s15  }
0x293: {  	[hbm:s0], [sflag:s14] =	dma.local @!p0 [spmem:s13], $0x13C0  }
0x294: {  	s0 =	simm.s32 @!p0 $0x9  }
0x295: {  	_ =	swait.ge @!p0 [sflag:s0], $0x13C0  }
0x296: {  	s29 =	sadd.s32 $0x1, s29;
	s15 =	rddreg [dreg:$0x7]  }
0x297: {  	p1 =	sne.s32 s29, s15  }
.Ltmp4:
0x298: {  	_ = 	snop;
	(pc) =	sbr.rel @p1 .LBB2_1-.Ltmp4, $3  }
0x299: {  	_ =	sdelay $0x1  }
0x29a: {  	[sflag:s0] =	ssyncset.done @!p0 $0x0  }
0x29b: {  	s5 =	smov.u32 s10;
	s11 =	smov.u32 s13;
	[sflag:s0] =	ssyncadd.s32 @!p0 $0xFFFFEC40  }
0x29c: {  	_ =	sfence.sel $0x180000  }
0x29d: {  	[bflag:$0x0] =	sbarrier.arrive $0xFFFF  }
0x29e: {  	_ =	strace $0x9000004A  }
0x29f: {  	s0 =	stileid.u32;
	[bflag:$0x2] =	sbarrier.arrive $0xFFFF  }
0x2a0: {  	p0 =	sne.s32 s0, $0x0;
	s0 =	rddreg [dreg:$0x4]  }
0x2a1: {  	s0 =	sadd.s32 @!p0 $0x100000, s0  }
0x2a2: {  	[sflag:s0] =	ssyncadd.tile.s32 @!p0 $0x1;
	_ =	shalt  }
.Lfunc_end2:
_tile_overlayer_lowered:
.L_overlay_start_2:
0x2a3: {  	(tag) =	ssettag $0x2  }
0x2a4: {  	s0 =	rddreg [dreg:$0x0];
	s2 =	stileid.u32  }
0x2a5: {  	s1 =	rddreg [dreg:$0x1];
	p0 =	sne.s32 s2, $0x0  }
0x2a6: {  	s3 =	rddreg [dreg:$0x2];
	[bflag:$0x3] =	sbarrier.arrive $0xFFFF;
	s2 =	simm.s32 @!p0 $0x1C09  }
0x2a7: {  	[timem:s3], [sflag:s2] =	dma.local @!p0 [hbm:s0], s1  }
0x2a8: {  	s0 =	simm.s32 @!p0 $0x9  }
0x2a9: {  	_ =	swait.ge @!p0 [sflag:s0], s1  }
0x2aa: {  	s1 =	ssub.s32 @!p0 $0x0, s1;
	[sflag:s0] =	ssyncset.done @!p0 $0x0  }
0x2ab: {  	[sflag:s0] =	ssyncadd.s32 @!p0 s1  }
0x2ac: {  	[bflag:$0x3] =	sbarrier.arrive $0xFFFF  }
0x2ad: {  	_ =	shalt  }

// kernel: kernel.7.cloned.1.call-start
scs
__scs_entry_jumppad:
0x0: {  	(pc) =	sbr.rel $0x88, $3  }
0x1: {  	(tag) =	ssettag $0x0;
	lr =	simm.s32 $0x1  }
0x2: {  	[smem:$0x3F9A] =	sst lr;
	_ =	strace $0xD0000000  }
0x3: {  	_ = 	snop  }
0x4: {  	_ = 	snop  }
0x5: {  	_ = 	snop  }
0x6: {  	_ = 	snop  }
0x7: {  	_ = 	snop  }
__scs_overlays_trampoline_lowered:
0x8: {  	[smem:$0x3FA9] =	sst s0  }
0x9: {  	[smem:$0x3FAA] =	sst s1  }
0xa: {  	[smem:$0x3FAB] =	sst s2  }
0xb: {  	[smem:$0x3FAC] =	sst s3  }
0xc: {  	[smem:$0x3FAD] =	sst s4  }
0xd: {  	[smem:$0x3FAE] =	sst s5  }
0xe: {  	[smem:$0x3FAF] =	sst s6  }
0xf: {  	[smem:$0x3FB0] =	sst s7  }
0x10: {  	[smem:$0x3FB1] =	sst s8  }
0x11: {  	[smem:$0x3FB2] =	sst s9;
	s0 =	simm.s32 @!p0 $0x0  }
0x12: {  	s1 =	sld [smem:$0x3F98];
	s0 =	simm.s32 @p0 $0x1  }
0x13: {  	[smem:$0x3FB3] =	sst s0;
	s0 =	simm.s32 @!p1 $0x0  }
0x14: {  	s2 =	sld [smem:$0x3F97];
	s0 =	simm.s32 @p1 $0x1  }
0x15: {  	[smem:$0x3FB4] =	sst s0;
	s0 =	simm.s32 @!p2 $0x0  }
0x16: {  	s3 =	sld [smem:$0x3FDB];
	s0 =	simm.s32 @p2 $0x1  }
0x17: {  	s4 =	simm.s32 $0x1BF5;
	[smem:$0x3FB6] =	sst s0  }
0x18: {  	s0 =	sld [smem:$0x3F99];
	_ =	swait.ge [sflag:s4], $0x0  }
0x19: {  	s7 =	sld [smem:$0x3F9A]  }
0x1a: {  	s8 =	sadd.s32 $0xFFFFE003, lr  }
0x1b: {  	s9 =	sadd.s32 $0xFFFFFEF7, lr;
	s5 =	simm.s32 $0xFFFFFFFF;
	p2 =	slt.u32 s8, $0xFFFFF086  }
0x1c: {  	p1 =	slt.u32 s9, $0xF7A;
	s5 =	simm.s32 @!p2 $0x0  }
0x1d: {  	s5 =	simm.s32 @p1 $0x1;
	p0 =	seq.s32 s7, s2  }
0x1e: {  	s7 =	smul.u32 @!p0 $0xF7A, s2;
	p2 =	seq.s32 @!p0 s5, $0x0  }
0x1f: {  	s9 =	smul.u32 $0xF7A, s1;
	s8 =	simm.s32 @!p0 $0x1BF5;
	p2 =	por !p2, p0  }
0x20: {  	[sflag:s8] =	ssyncset.s32 @!p0 $0xFFFFF086;
	s6 =	sadd.s32 @!p0 s3, s7;
	s7 =	simm.s32 @!p0 $0x108  }
0x21: {  	s3 =	sadd.s32 s3, s9;
	s6 =	sadd.s32 @!p0 $0x88, s6;
	s7 =	simm.s32 @p2 $0x1082  }
0x22: {  	[simem:s7], [sflag:s8] =	dma.local @!p0 [hbm:s6], $0xF7A  }
0x23: {  	s9 =	sor.u32 $0xD0000000, s2;
	s6 =	simm.s32 $0x108;
	_ =	swait.ge @!p0 [sflag:s8], $0x0  }
0x24: {  	s3 =	sadd.s32 $0x88, s3;
	s6 =	simm.s32 @!p1 $0x1082;
	[sflag:s4] =	ssyncset.s32 $0xFFFFF086  }
0x25: {  	[simem:s6], [sflag:s4] =	dma.local [hbm:s3], $0xF7A  }
0x26: {  	[smem:$0x3F9A] =	sst s1;
	(tag) =	ssettag s2;
	_ =	strace s9  }
0x27: {  	s1 =	sld [smem:$0x3FAA]  }
0x28: {  	s2 =	sld [smem:$0x3FAB]  }
0x29: {  	s4 =	sld [smem:$0x3FAD]  }
0x2a: {  	p0 =	seq.s32 s5, $0x0;
	s5 =	sld [smem:$0x3FAE]  }
0x2b: {  	s6 =	sld [smem:$0x3FAF]  }
0x2c: {  	s7 =	sld [smem:$0x3FB0]  }
0x2d: {  	s3 =	simm.s32 $0x108;
	s8 =	sld [smem:$0x3FB1]  }
0x2e: {  	s3 =	simm.s32 @!p0 $0x1082;
	s9 =	sld [smem:$0x3FB2]  }
0x2f: {  	lr =	sadd.s32 s0, s3;
	s0 =	sld [smem:$0x3FA9]  }
0x30: {  	s3 =	sld [smem:$0x3FAC]  }
0x31: {  	[smem:$0x3FB5] =	sst s10  }
0x32: {  	s10 =	sld [smem:$0x3FB3];
	_ =	sdelay $0x3  }
0x33: {  	p0 =	seq.s32 s10, $0x1;
	s10 =	sld [smem:$0x3FB5];
	_ =	sdelay $0x3  }
0x34: {  	[smem:$0x3FB5] =	sst s10  }
0x35: {  	s10 =	sld [smem:$0x3FB4];
	_ =	sdelay $0x3  }
0x36: {  	p1 =	seq.s32 s10, $0x1;
	s10 =	sld [smem:$0x3FB5];
	_ =	sdelay $0x3  }
0x37: {  	[smem:$0x3FB5] =	sst s10  }
0x38: {  	s10 =	sld [smem:$0x3FB6]  }
0x39: {  	_ = 	snop;
	(pc) =	sbr.ind lr, $3  }
0x3a: {  	_ = 	snop  }
0x3b: {  	_ = 	snop  }
0x3c: {  	p2 =	seq.s32 s10, $0x1;
	s10 =	sld [smem:$0x3FB5]  }
0x3d: {  	_ =	shalt  }
0x3e: {  	_ =	shalt  }
0x3f: {  	_ =	shalt  }
0x40: {  	_ =	shalt  }
0x41: {  	_ =	shalt  }
0x42: {  	_ =	shalt  }
0x43: {  	_ =	shalt  }
0x44: {  	_ =	shalt  }
0x45: {  	_ =	shalt  }
0x46: {  	_ =	shalt  }
0x47: {  	_ =	shalt  }
0x48: {  	_ =	shalt  }
0x49: {  	_ =	shalt  }
0x4a: {  	_ =	shalt  }
0x4b: {  	_ =	shalt  }
0x4c: {  	_ =	shalt  }
0x4d: {  	_ =	shalt  }
0x4e: {  	_ =	shalt  }
0x4f: {  	_ =	shalt  }
0x50: {  	_ =	shalt  }
0x51: {  	_ =	shalt  }
0x52: {  	_ =	shalt  }
0x53: {  	_ =	shalt  }
0x54: {  	_ =	shalt  }
0x55: {  	_ =	shalt  }
0x56: {  	_ =	shalt  }
0x57: {  	_ =	shalt  }
0x58: {  	_ =	shalt  }
0x59: {  	_ =	shalt  }
0x5a: {  	_ =	shalt  }
0x5b: {  	_ =	shalt  }
0x5c: {  	_ =	shalt  }
0x5d: {  	_ =	shalt  }
0x5e: {  	_ =	shalt  }
0x5f: {  	_ =	shalt  }
0x60: {  	_ =	shalt  }
0x61: {  	_ =	shalt  }
0x62: {  	_ =	shalt  }
0x63: {  	_ =	shalt  }
0x64: {  	_ =	shalt  }
0x65: {  	_ =	shalt  }
0x66: {  	_ =	shalt  }
0x67: {  	_ =	shalt  }
0x68: {  	_ =	shalt  }
0x69: {  	_ =	shalt  }
0x6a: {  	_ =	shalt  }
0x6b: {  	_ =	shalt  }
0x6c: {  	_ =	shalt  }
0x6d: {  	_ =	shalt  }
0x6e: {  	_ =	shalt  }
0x6f: {  	_ =	shalt  }
0x70: {  	_ =	shalt  }
0x71: {  	_ =	shalt  }
0x72: {  	_ =	shalt  }
0x73: {  	_ =	shalt  }
0x74: {  	_ =	shalt  }
0x75: {  	_ =	shalt  }
0x76: {  	_ =	shalt  }
0x77: {  	_ =	shalt  }
0x78: {  	_ =	shalt  }
0x79: {  	_ =	shalt  }
0x7a: {  	_ =	shalt  }
0x7b: {  	_ =	shalt  }
0x7c: {  	_ =	shalt  }
0x7d: {  	_ =	shalt  }
0x7e: {  	_ =	shalt  }
0x7f: {  	_ =	shalt  }
0x80: {  	_ =	shalt  }
0x81: {  	_ =	shalt  }
0x82: {  	_ =	shalt  }
0x83: {  	_ =	shalt  }
0x84: {  	_ =	shalt  }
0x85: {  	_ =	shalt  }
0x86: {  	_ =	shalt  }
0x87: {  	_ =	shalt  }
.Lfunc_end0:
.L_simem_size_0:
called_computation_lowered:
.L_overlay_start_0:
0x88: {  	s2 =	sld [smem:$0x3FD9]  }
0x89: {  	s3 =	sld [smem:$0x3FFE];
	_ =	sdelay $0x1  }
0x8a: {  	s1 =	srdreg.scid  }
0x8b: {  	s0 =	sand.u32 $0x1, s1  }
0x8c: {  	s17 =	sshll.u32 s0, $0xA;
	s2 =	sadd.s32 s3, s2  }
0x8d: {  	s2 =	sadd.s32 s2, s17  }
0x8e: {  	[smem:$0x3FC1] =	sst s2  }
0x8f: {  	_ = 	snop  }
0x90: {  	s2 =	sld [smem:$0x3FD0];
	(tm) =	ssettm $0x1  }
0x91: {  	s18 =	sld [smem:$0x3FFB];
	_ =	sdelay $0x3  }
0x92: {  	_ =	strace s18  }
0x93: {  	s3 =	sld [smem:$0x3FFC];
	_ =	sdelay $0x3  }
0x94: {  	_ =	strace s3  }
0x95: {  	s3 =	sld [smem:$0x3FFD];
	_ =	sdelay $0x3  }
0x96: {  	_ =	strace s3  }
0x97: {  	_ =	strace $0x8FFFFFFF  }
0x98: {  	s19 =	sld [smem:$0x3FDB];
	_ =	sdelay $0x1  }
0x99: {  	s4 =	simm.s32 $_scs_section_size  }
0x9a: {  	s5 =	simm.s32 $_size__tile_overlayer_lowered;
	s6 =	simm.s32 $_tile_overlayer_lowered  }
0x9b: {  	s22 =	simm.s32 $0x1BFF;
	s21 =	sshll.u32 s6, $0x1;
	s3 =	sadd.s32 s4, s19  }
0x9c: {  	s7 =	simm.s32 $0x0;
	s20 =	sshll.u32 s5, $0x1;
	s5 =	sadd.s32 s21, s3  }
0x9d: {  	[timem:s7], [sflag:s22] =	dma.local [hbm:s5], s20  }
0x9e: {  	_ =	swait.ge [sflag:s22], s20  }
0x9f: {  	s4 =	ssub.s32 $0x0, s20;
	[sflag:s22] =	ssyncset.done $0x0  }
0xa0: {  	[sflag:s22] =	ssyncadd.s32 s4;
	_ =	sdelay $0x1  }
0xa1: {  	s23 =	simm.s32 $0x1B8B  }
0xa2: {  	_ =	swait.ge [sflag:s23], $0x1  }
0xa3: {  	[sflag:s23] =	ssyncset.done $0x0  }
0xa4: {  	s25 =	simm.s32 $0x1B8E;
	s24 =	sld [smem:$0x3FFE];
	[sflag:s23] =	ssyncadd.s32 $0xFFFFFFFF  }
0xa5: {  	s26 =	simm.s32 $execute0_lowered;
	[smem:$0x3FD2] =	sst s25  }
0xa6: {  	s5 =	sshll.u32 s26, $0x1;
	_ =	strace $0x80000046;
	[dreg:$0x1] =	wrdreg $0xFFFFFFFF  }
0xa7: {  	s28 =	simm.s32 $_size_execute0_lowered;
	s3 =	sadd.s32 s3, s5;
	[dreg:$0x0] =	wrdreg $0x0  }
0xa8: {  	s5 =	sshll.u32 s28, $0x1;
	[dreg:$0x2] =	wrdreg s3  }
0xa9: {  	[dreg:$0x3] =	wrdreg s5  }
0xaa: {  	[dreg:$0x4] =	wrdreg $0xC0  }
0xab: {  	_ =	task [dreg:s7], $0x5FFFF  }
0xac: {  	[dreg:$0x1] =	wrdreg $0xFFFFFFFF  }
0xad: {  	[dreg:$0x0] =	wrdreg $0x60  }
0xae: {  	[dreg:$0x2] =	wrdreg s2  }
0xaf: {  	[dreg:$0x3] =	wrdreg s24  }
0xb0: {  	[dreg:$0x4] =	wrdreg $0x43000  }
0xb1: {  	[dreg:$0x5] =	wrdreg $0x9  }
0xb2: {  	_ =	task.clear_ibuf [dreg:s7], $0x6FFFF;
	_ =	strace $0x90000046  }
0xb3: {  	s29 =	simm.s32 $0x9;
	_ =	strace $0x80000048  }
0xb4: {  	_ =	swait.ge [sflag:s29], $0x1  }
0xb5: {  	[sflag:s29] =	ssyncadd.s32 $0xFFFFFFFF  }
0xb6: {  	_ =	strace $0x90000048  }
0xb7: {  	_ =	sfence  }
0xb8: {  	s30 =	sld [smem:$0x0];
	_ =	sdelay $0x2  }
0xb9: {  	s31 =	sshll.u32 s1, $0xD;
	s1 =	sshrl.u32 s1, $0x2  }
0xba: {  	s3 =	sand.u32 $0x4000, s31;
	s1 =	sadd.s32 s1, s30  }
0xbb: {  	s0 =	sor.u32 s3, s0;
	s1 =	sshll.u32 s1, $0x11  }
0xbc: {  	s0 =	sor.u32 s1, s0  }
0xbd: {  	s0 =	sadd.s32 $0x8F2B, s0  }
0xbe: {  	[sflag:s0] =	ssyncadd.remote.s32 $0x1  }
0xbf: {  	_ =	sfence.sel $0xFFFF  }
0xc0: {  	[dreg:$0x0] =	wrdreg $0xFFFFFFFF;
	(pc) =	sbr.abs _section_cstart, $3  }
0xc1: {  	[dreg:$0x1] =	wrdreg $0xFFFFFFFF  }
0xc2: {  	_ =	task.clear_ibuf [dreg:s7], $0x2FFFF;
	_ =	strace $0x9FFFFFFF  }
0xc3: {  	(tm) =	ssettm $0x7FFFFFFF  }
tec
execute0_lowered:
.L_overlay_start_1:
0x0: {  	(tag) =	ssettag $0x1  }
0x1: {  	s4 =	rddreg [dreg:$0x0]  }
0x2: {  	s1 =	srdreg.scid;
	s5 =	rddreg [dreg:$0x1]  }
0x3: {  	s0 =	stileid.u32;
	s2 =	rddreg [dreg:$0x2];
	s3 =	simm.s32 $0x0  }
0x4: {  	s10 =	simm.s32 $0x50;
	s11 =	simm.s32 $0x4000;
	s14 =	simm.s32 $0x0  }
0x5: {  	s6 =	sand.u32 $0x1, s1;
	s7 =	smul.u32 $0x280, s0;
	s1 =	rddreg [dreg:$0x3]  }
0x6: {  	[smem:$0x7FF] =	sst s3;
	s31 =	sshll.u32 s0, $0xC;
	s8 =	smul.u32 $0x2800, s6  }
0x7: {  	s12 =	sshll.u32 s0, $0x6;
	_ =	strace $0x80000047;
	s9 =	ssub.s32 $0x2, s6  }
0x8: {  	s6 =	sshll.u32 s6, $0xB;
	s12 =	sor.u32 $0x1C01, s12;
	s8 =	sadd.s32 s7, s8  }
0x9: {  	s30 =	sshrl.u32 s9, $0x1;
	s4 =	sadd.s32 s4, s6;
	s8 =	sshrl.u32 s8, $0x3  }
0xa: {  	s9 =	ssub.s32 s9, s30;
	s4 =	sadd.s32 s31, s4;
	s8 =	sadd.s32 s8, s5  }
0xb: {  	s5 =	sadd.s32 s7, s2;
	s7 =	smax.u32 s9, $0x1;
	s9 =	simm.s32 $0x4080  }
0xc: {  	v0 =	vimm.f32 $1.000000000e+00;
	v1 =	vimm.f32 $0.0e+00;
	s6 =	sadd.s32 $0x1200, s8;
	s8 =	simm.s32 $0x1;
	s13 =	sshrl.u32 s5, $0x3  }
.LBB2_1:
0xd: {  	[tilespmem:s3], [sflag:$0x1] =	stream.linear.gather [hbm4b:s4+s3], $0x3E80, $0x38;
	[tilespmem:$0x4580] =	vst v63  }
0xe: {  	_ =	swait.ge [sflag:s8], $0x3E80  }
0xf: {  	[sflag:s8] =	ssyncset.done $0x0  }
0x10: {  	[sflag:s8] =	ssyncadd.s32 $0xFFFFC180  }
0x11: {  	[tilespmem:$0x4000] =	vst v0  }
0x12: {  	[tilespmem:$0x4010] =	vst v0  }
0x13: {  	[tilespmem:$0x4020] =	vst v0  }
0x14: {  	[tilespmem:$0x4030] =	vst v0  }
0x15: {  	[tilespmem:$0x4040] =	vst v0  }
0x16: {  	[tilespmem:$0x4080] =	vst v1  }
0x17: {  	[tilespmem:$0x4090] =	vst v1  }
0x18: {  	[tilespmem:$0x40A0] =	vst v1  }
0x19: {  	[tilespmem:$0x40B0] =	vst v1  }
0x1a: {  	[tilespmem:$0x40C0] =	vst v1  }
0x1b: {  	[tilespmem:$0x40D0] =	vst v1  }
0x1c: {  	[tilespmem:$0x40E0] =	vst v1  }
0x1d: {  	[tilespmem:$0x40F0] =	vst v1  }
0x1e: {  	[tilespmem:$0x4100] =	vst v1  }
0x1f: {  	[tilespmem:$0x4110] =	vst v1  }
0x20: {  	[tilespmem:$0x4120] =	vst v1  }
0x21: {  	[tilespmem:$0x4130] =	vst v1  }
0x22: {  	[tilespmem:$0x4140] =	vst v1  }
0x23: {  	[tilespmem:$0x4150] =	vst v1  }
0x24: {  	[tilespmem:$0x4160] =	vst v1  }
0x25: {  	[tilespmem:$0x4170] =	vst v1  }
0x26: {  	[tilespmem:$0x4180] =	vst v1  }
0x27: {  	[tilespmem:$0x4190] =	vst v1  }
0x28: {  	[tilespmem:$0x41A0] =	vst v1  }
0x29: {  	[tilespmem:$0x41B0] =	vst v1  }
0x2a: {  	[tilespmem:$0x41C0] =	vst v1  }
0x2b: {  	[tilespmem:$0x41D0] =	vst v1  }
0x2c: {  	[tilespmem:$0x41E0] =	vst v1  }
0x2d: {  	[tilespmem:$0x41F0] =	vst v1  }
0x2e: {  	[tilespmem:$0x4200] =	vst v1  }
0x2f: {  	[tilespmem:$0x4210] =	vst v1  }
0x30: {  	[tilespmem:$0x4220] =	vst v1  }
0x31: {  	[tilespmem:$0x4230] =	vst v1  }
0x32: {  	[tilespmem:$0x4240] =	vst v1  }
0x33: {  	[tilespmem:$0x4250] =	vst v1  }
0x34: {  	[tilespmem:$0x4260] =	vst v1  }
0x35: {  	[tilespmem:$0x4270] =	vst v1  }
0x36: {  	[tilespmem:$0x4280] =	vst v1  }
0x37: {  	[tilespmem:$0x4290] =	vst v1  }
0x38: {  	[tilespmem:$0x42A0] =	vst v1  }
0x39: {  	[tilespmem:$0x42B0] =	vst v1  }
0x3a: {  	[tilespmem:$0x42C0] =	vst v1  }
0x3b: {  	[tilespmem:$0x42D0] =	vst v1  }
0x3c: {  	[tilespmem:$0x42E0] =	vst v1  }
0x3d: {  	[tilespmem:$0x42F0] =	vst v1  }
0x3e: {  	[spmem:s5] =	stream.linear.scatter [tilespmem:s9], [sflag:$0x1], $0x280, $0x38;
	[tilespmem:$0x4580] =	vst v63  }
0x3f: {  	_ =	swait.ge [sflag:s8], $0x280  }
0x40: {  	[sflag:s8] =	ssyncset.done $0x0  }
0x41: {  	[sflag:s8] =	ssyncadd.s32 $0xFFFFFD80  }
0x42: {  	s15 =	simm.s32 $0x0;
	[bflag:$0x0] =	sbarrier.arrive $0xFFFF  }
0x43: {  	[spmem:s2] =	stream.indirect.scatter.add.f32 [tilespmem:s11], [sflag:$0x1], $0x1, s15, s10, $0xb8;
	[tilespmem:$0x4580] =	vst v63  }
0x44: {  	_ =	swait.ge [sflag:s8], $0x50  }
0x45: {  	s15 =	simm.s32 $0x200;
	[sflag:s8] =	ssyncset.done $0x0  }
.LBB2_2:
0x46: {  	s16 =	sshra.s32 s15, $0x2;
	[sflag:s8] =	ssyncadd.s32 $0xFFFFFFB0;
	p0 =	sne.s32 s15, $0xF800  }
0x47: {  	[spmem:s2] =	stream.indirect.scatter.add.f32 [tilespmem:s11], [sflag:$0x1], $0x1, s16, s10, $0xb8;
	[tilespmem:$0x4580] =	vst v63  }
.Ltmp0:
0x48: {  	_ = 	snop;
	(pc) =	sbr.rel @p0 .LBB2_2-.Ltmp0, $4  }
0x49: {  	_ = 	snop  }
0x4a: {  	s15 =	sadd.s32 $0x200, s15  }
0x4b: {  	_ =	swait.ge [sflag:s8], $0x50  }
0x4c: {  	[sflag:s8] =	ssyncset.done $0x0  }
0x4d: {  	s14 =	sadd.s32 $0x1, s14  }
0x4e: {  	[sflag:s8] =	ssyncadd.s32 $0xFFFFFFB0;
	p0 =	sne.s32 s14, s7  }
.Ltmp1:
0x4f: {  	[bflag:$0x0] =	sbarrier.arrive $0xFFFF;
	(pc) =	sbr.rel @p0 .LBB2_1-.Ltmp1, $4  }
0x50: {  	[hbm:s6], [sflag:s12] =	dma.local [spmem:s13], $0x50  }
0x51: {  	_ =	swait.ge [sflag:s8], $0x50  }
0x52: {  	[sflag:s8] =	ssyncset.done $0x0  }
0x53: {  	[sflag:s8] =	ssyncadd.s32 $0xFFFFFFB0  }
0x54: {  	_ =	sfence.sel $0x180000  }
0x55: {  	[bflag:$0x0] =	sbarrier.arrive $0xFFFF  }
0x56: {  	p0 =	sne.s32 s0, $0x0;
	_ =	strace $0x90000047  }
0x57: {  	s0 =	sadd.s32 @!p0 $0x100000, s1;
	[bflag:$0x2] =	sbarrier.arrive $0xFFFF  }
0x58: {  	[sflag:s0] =	ssyncadd.tile.s32 @!p0 $0x1;
	_ =	shalt  }
.Lfunc_end2:
_tile_overlayer_lowered:
.L_overlay_start_2:
0x59: {  	(tag) =	ssettag $0x2  }
0x5a: {  	s0 =	rddreg [dreg:$0x0];
	s2 =	stileid.u32  }
0x5b: {  	s1 =	rddreg [dreg:$0x1];
	p0 =	sne.s32 s2, $0x0  }
0x5c: {  	s3 =	rddreg [dreg:$0x2];
	[bflag:$0x3] =	sbarrier.arrive $0xFFFF;
	s2 =	simm.s32 @!p0 $0x1C01  }
0x5d: {  	[timem:s3], [sflag:s2] =	dma.local @!p0 [hbm:s0], s1  }
0x5e: {  	s0 =	simm.s32 @!p0 $0x1  }
0x5f: {  	_ =	swait.ge @!p0 [sflag:s0], s1  }
0x60: {  	s1 =	ssub.s32 @!p0 $0x0, s1;
	[sflag:s0] =	ssyncset.done @!p0 $0x0  }
0x61: {  	[sflag:s0] =	ssyncadd.s32 @!p0 s1  }
0x62: {  	[bflag:$0x3] =	sbarrier.arrive $0xFFFF  }
0x63: {  	_ =	shalt  }

</sc_bundles>
